<compile_context>
chip_gen: v7x
topology: tpu7x:2x2x1
jax: 0.10.2.dev20260603
libtpu: 0.0.44.dev20260713+nightly
codegen_flags: <defaults>
</compile_context>

<pallas_src>
import functools

import jax
import jax.numpy as jnp
from jax import lax
from jax.experimental import pallas as pl
from jax.experimental.pallas import tpu as pltpu
from jax.experimental.pallas import tpu_sc as plsc

B = 4
D = 96
NQ = 25
BN_C = float(1.0 / (1.0 + 1e-5) ** 0.5)


def _dot(a, b):
    return jnp.dot(a, b, preferred_element_type=jnp.float32)


def _mlp_attention(Xc, nv, w1, w2, w3, w4, w5, b5):
    np_, _ = Xc.shape
    lrelu = lambda v: jax.nn.leaky_relu(v, 0.01)
    G = 4 if np_ % 32 == 0 else 2
    g = np_ // G

    def chain(p):
        h = lrelu(BN_C * _dot(p, w1))
        h = lrelu(BN_C * _dot(h, w2))
        h = lrelu(BN_C * _dot(h, w3))
        h = lrelu(BN_C * _dot(h, w4))
        return _dot(h, w5) + b5

    blocks = {}
    for ci in range(G):
        xi = Xc[ci * g:(ci + 1) * g]
        for cj in range(ci, G):
            xj = Xc[cj * g:(cj + 1) * g]
            dif = jnp.abs(xi[:, None, :] - xj[None, :, :])
            lg = chain(dif.reshape(g * g, D)).reshape(g, g)
            blocks[(ci, cj)] = lg
    rows = []
    for ci in range(G):
        row = [blocks[(ci, cj)] if ci <= cj else blocks[(cj, ci)].T
               for cj in range(G)]
        rows.append(jnp.concatenate(row, axis=1))
    logits = jnp.concatenate(rows, axis=0)
    if nv < np_:
        jj = jax.lax.broadcasted_iota(jnp.int32, (np_, np_), 1)
        logits = jnp.where(jj < nv, logits, -1e30)
    return jax.nn.softmax(logits, axis=-1)


def _stage(Xc, nv, w1, w2, w3, w4, w5, b5, gw, gb):
    A = _mlp_attention(Xc, nv, w1, w2, w3, w4, w5, b5)
    return _dot(_dot(A, Xc), gw) + gb


def _score_row(Xc, wp, bp):
    return lax.dot_general(
        wp, Xc, (((0,), (1,)), ((), ())),
        preferred_element_type=jnp.float32) + bp



def _tc_a_kernel(x_ref, *refs):
    ws = [r[:] for r in refs[:18]]
    xc_out, z_out = refs[18], refs[19]
    Xc = x_ref[0]
    Xc = _stage(Xc, 128, *ws[0:8])
    Xc = _stage(Xc, 128, *ws[8:16])
    xc_out[0] = jnp.concatenate(
        [Xc, jnp.zeros((Xc.shape[0], 128 - D), jnp.float32)], axis=1)
    z_out[0] = _score_row(Xc, ws[16], ws[17])


def _tc_mid_kernel(np_use, nv, with_score, rows_ref, ssel_ref, *refs):
    nw = 10 if with_score else 8
    ws = [r[:] for r in refs[:nw]]
    Xc = (rows_ref[0] * ssel_ref[0])[:np_use, :D]
    Xc = _stage(Xc, nv, *ws[:8])
    if with_score:
        refs[nw][0] = jnp.concatenate(
            [Xc, jnp.zeros((np_use, 128 - D), jnp.float32)], axis=1)
        z = _score_row(Xc, ws[8], ws[9])
        if np_use < 128:
            z = jnp.concatenate(
                [z, jnp.zeros((1, 128 - np_use), jnp.float32)], axis=1)
        refs[nw + 1][0] = z
    else:
        refs[nw][0] = Xc


def _mlp_args(params, name):
    mp = params[name]
    return [mp['w1'], mp['w2'], mp['w3'], mp['w4'], mp['w5'],
            mp['b5'].reshape(1, 1)]


def _gcn_args(params, name):
    gp = params[name]
    return [gp['w1'], gp['b1'].reshape(1, D)]


def _pool_args(params, name):
    pp = params[name]
    return [pp['wp'], pp['bp'].reshape(1, 1)]


def _wspecs(args):
    return [pl.BlockSpec(a.shape, lambda b, _n=a.ndim: (0,) * _n)
            for a in args]


def _tc_a(X, params):
    args = (_mlp_args(params, 'start_mlp') + _gcn_args(params, 'start_gcn')
            + _mlp_args(params, 'down_mlp_0') + _gcn_args(params, 'down_gcn_0')
            + _pool_args(params, 'pool_0'))
    return pl.pallas_call(
        _tc_a_kernel,
        grid=(B,),
        in_specs=[pl.BlockSpec((1, 128, D), lambda b: (b, 0, 0))]
        + _wspecs(args),
        out_specs=[pl.BlockSpec((1, 128, 128), lambda b: (b, 0, 0)),
                   pl.BlockSpec((1, 1, 128), lambda b: (b, 0, 0))],
        out_shape=[jax.ShapeDtypeStruct((B, 128, 128), jnp.float32),
                   jax.ShapeDtypeStruct((B, 1, 128), jnp.float32)],
    )(X, *args)


def _tc_mid(rows, ssel, params, npad, np_use, nv, mlp, gcn, pool):
    args = _mlp_args(params, mlp) + _gcn_args(params, gcn)
    if pool is not None:
        args += _pool_args(params, pool)
    oc = 128 if pool is not None else D
    out_specs = [pl.BlockSpec((1, np_use, oc), lambda b: (b, 0, 0))]
    out_shape = [jax.ShapeDtypeStruct((B, np_use, oc), jnp.float32)]
    if pool is not None:
        out_specs.append(pl.BlockSpec((1, 1, 128), lambda b: (b, 0, 0)))
        out_shape.append(jax.ShapeDtypeStruct((B, 1, 128), jnp.float32))
    res = pl.pallas_call(
        functools.partial(_tc_mid_kernel, np_use, nv, pool is not None),
        grid=(B,),
        in_specs=[pl.BlockSpec((1, npad, 128), lambda b: (b, 0, 0)),
                  pl.BlockSpec((1, npad, 1), lambda b: (b, 0, 0))]
        + _wspecs(args),
        out_specs=out_specs,
        out_shape=out_shape,
    )(rows, ssel.reshape(B, npad, 1), *args)
    return res if pool is not None else res[0]



def _sc_pool_call(x_flat, z, np_in, nv, np_out):
    ns = nv - NQ
    kk = int(0.7 * ns)
    nnew = kk + NQ
    niv = (ns + 15) // 16

    mesh = plsc.VectorSubcoreMesh(core_axis_name="c", subcore_axis_name="s",
                                  num_cores=2, num_subcores=16)

    @functools.partial(
        pl.kernel,
        out_type=(jax.ShapeDtypeStruct((B * 128, 128), jnp.float32),
                  jax.ShapeDtypeStruct((B, 128), jnp.float32)),
        mesh=mesh,
        compiler_params=pltpu.CompilerParams(needs_layout_passes=False),
        scratch_types=[
            pltpu.VMEM((128,), jnp.float32),
            pltpu.VMEM((128,), jnp.int32),
            pltpu.VMEM((128,), jnp.float32),
            pltpu.VMEM((128, 128), jnp.float32),
            pltpu.SemaphoreType.DMA,
        ],
    )
    def sc_pool(x_hbm, z_hbm, rows_hbm, ssel_hbm, s_v, idx_v, ssel_v,
                rows_v, sem):
        cid = lax.axis_index("c")
        sid = lax.axis_index("s")
        wid = sid * 2 + cid

        @pl.when(wid < B)
        def _body():
            b = wid
            base = b * np_in
            pltpu.sync_copy(z_hbm.at[b], s_v)
            iota = lax.iota(jnp.int32, 16)
            for v in range(8):
                zz = s_v[pl.ds(16 * v, 16)]
                s_v[pl.ds(16 * v, 16)] = 1.0 / (1.0 + jnp.exp(-zz * 0.01))
            for v in range(8):
                idx_v[pl.ds(16 * v, 16)] = jnp.zeros((16,), jnp.int32) + base
                ssel_v[pl.ds(16 * v, 16)] = jnp.zeros((16,), jnp.float32)
            sis = [s_v[pl.ds(16 * v, 16)] for v in range(niv)]
            iis = [iota + 16 * v for v in range(niv)]

            def jbody(j, ranks):
                sj = plsc.load_gather(s_v, [jnp.zeros((16,), jnp.int32) + j])
                out = []
                for v in range(niv):
                    cond = ((sj > sis[v])
                            | ((sj == sis[v]) & (j < iis[v])))
                    out.append(ranks[v] + cond.astype(jnp.int32))
                return tuple(out)

            ranks = lax.fori_loop(
                0, ns, jbody,
                tuple(jnp.zeros((16,), jnp.int32) for _ in range(niv)))
            for v in range(niv):
                m = (ranks[v] < kk) & (iis[v] < ns)
                plsc.store_scatter(idx_v, [ranks[v]], iis[v] + base, mask=m)
                plsc.store_scatter(ssel_v, [ranks[v]], sis[v], mask=m)
            for u in range((NQ + 15) // 16):
                pos = iota + (kk + 16 * u)
                val = iota + (ns + 16 * u)
                m = pos < nnew
                vc = jnp.minimum(val, np_in - 1)
                sq = plsc.load_gather(s_v, [vc], mask=m)
                plsc.store_scatter(idx_v, [pos], val + base, mask=m)
                plsc.store_scatter(ssel_v, [pos], sq, mask=m)
            pltpu.async_copy(x_hbm.at[idx_v], rows_v, sem).wait()
            pltpu.sync_copy(rows_v, rows_hbm.at[pl.ds(b * 128, 128)])
            pltpu.sync_copy(ssel_v, ssel_hbm.at[b])

    return sc_pool(x_flat, z)


def kernel(X, params):
    Xc, z0 = _tc_a(X, params)
    rows0, ssel0 = _sc_pool_call(Xc.reshape(B * 128, 128),
                                 z0.reshape(B, 128), 128, 128, 104)
    Xc2, z1 = _tc_mid(rows0.reshape(B, 128, 128), ssel0, params,
                      128, 104, 97, 'down_mlp_1', 'down_gcn_1', 'pool_1')
    rows1, ssel1 = _sc_pool_call(Xc2.reshape(B * 104, 128),
                                 z1.reshape(B, 128), 104, 97, 80)
    out = _tc_mid(rows1.reshape(B, 128, 128), ssel1, params,
                  128, 80, 75, 'bottom_mlp', 'bottom_gcn', None)
    return out[:, :75, :]

# --- scband reference (transcript-rebuilt; emitter-appended) ---
"""Pipeline reference for scband-unet2-68289980006753 (READ-ONLY COPY).

The authoritative reference and input builder live on the scoring server;
editing this copy changes nothing except your own understanding.
"""

import jax, jax.numpy as jnp
import numpy as np

B = 4
N = 128
IN_DIM = 96
HIDDEN = 96
RATIO = [2, 2, 1, 1]
NUM_CLASSES = 5
NUM_QUERIES = 25
KS = [0.7, 0.7]
BN_EPS = 1e-5


def _mlp_params(key):
    chans = [IN_DIM, HIDDEN * RATIO[0], HIDDEN * RATIO[1], HIDDEN * RATIO[2], HIDDEN * RATIO[3]]
    ks = jax.random.split(key, 5)
    p = {}
    for i in range(4):
        p['w%d' % (i + 1)] = (jax.random.normal(ks[i], (chans[i], chans[i + 1]), jnp.float32) / np.sqrt(chans[i])).astype(jnp.float32)
    p['w5'] = (jax.random.normal(ks[4], (chans[3], 1), jnp.float32) / np.sqrt(chans[3])).astype(jnp.float32)
    p['b5'] = jnp.zeros((1,), jnp.float32)
    return p


def _gcn_params(key, in_dim, out_dim, out_dim2=None):
    k1, k2 = jax.random.split(key)
    p = {'w1': (jax.random.normal(k1, (in_dim, out_dim), jnp.float32) / np.sqrt(in_dim)).astype(jnp.float32),
         'b1': jnp.zeros((out_dim,), jnp.float32)}
    if out_dim2 is not None:
        p['w2'] = (jax.random.normal(k2, (out_dim, out_dim2), jnp.float32) / np.sqrt(out_dim)).astype(jnp.float32)
        p['b2'] = jnp.zeros((out_dim2,), jnp.float32)
    return p


def _pool_params(key):
    return {'wp': (jax.random.normal(key, (IN_DIM, 1), jnp.float32) / np.sqrt(IN_DIM)).astype(jnp.float32),
            'bp': jnp.zeros((1,), jnp.float32)}


def _bn(x):
    # eval-mode BatchNorm2d: running_mean=0, running_var=1, gamma=1, beta=0
    return x / np.float32(np.sqrt(1.0 + BN_EPS))


def _mlp_forward(X, p):
    # x_ij[b,i,j,:] = |x_i - x_j| ; 1x1 convs over channel dim == matmul on last axis
    x_ij = jnp.abs(X[:, :, None, :] - X[:, None, :, :])
    h = jax.nn.leaky_relu(_bn(x_ij @ p['w1']), 0.01)
    h = jax.nn.leaky_relu(_bn(h @ p['w2']), 0.01)
    h = jax.nn.leaky_relu(_bn(h @ p['w3']), 0.01)
    h = jax.nn.leaky_relu(_bn(h @ p['w4']), 0.01)
    A = (h @ p['w5'] + p['b5'])[..., 0]
    return jax.nn.softmax(A, axis=-1)


def _gcn_forward(A, X, p):
    X = jnp.matmul(A, X)
    X = X @ p['w1'] + p['b1']
    if 'w2' in p:
        return X, X @ p['w2'] + p['b2']
    return X


def _pool_forward(A, X, p, k, num_queries):
    # pool_mode == 'support'
    Bc, Nc, _ = X.shape
    scores = jax.nn.sigmoid((X @ p['wp'] + p['bp'])[..., 0] / 100.0)
    num_supports = Nc - num_queries
    kk = int(k * num_supports)
    sup_vals, sup_idx = jax.lax.top_k(scores[:, :num_supports], kk)
    q_idx = jnp.broadcast_to(jnp.arange(num_supports, Nc, dtype=jnp.int32)[None, :], (Bc, num_queries))
    idx = jnp.concatenate([sup_idx.astype(jnp.int32), q_idx], axis=1)
    values = jnp.concatenate([sup_vals, scores[:, num_supports:]], axis=1)
    new_X = jnp.take_along_axis(X, idx[:, :, None], axis=1) * values[:, :, None]
    new_A = jnp.take_along_axis(A, idx[:, :, None], axis=1)
    new_A = jnp.take_along_axis(new_A, idx[:, None, :], axis=2)
    return new_A, new_X, idx


def _unet2_forward(X, params):
    A = _mlp_forward(X, params['start_mlp'])
    Xc = _gcn_forward(A, X, params['start_gcn'])
    for l in range(2):
        A = _mlp_forward(Xc, params['down_mlp_%d' % l])
        Xc, _X_out = _gcn_forward(A, Xc, params['down_gcn_%d' % l])
        A, Xc, _idx = _pool_forward(A, Xc, params['pool_%d' % l], KS[l], NUM_QUERIES)
    A = _mlp_forward(Xc, params['bottom_mlp'])
    Xc = _gcn_forward(A, Xc, params['bottom_gcn'])
    return Xc


def setup_inputs(seed: int = 0):
    key = jax.random.key(seed)
    keys = jax.random.split(key, 12)
    X = jax.random.normal(keys[0], (B, N, IN_DIM), jnp.float32)
    params = {
        'start_mlp': _mlp_params(keys[1]),
        'start_gcn': _gcn_params(keys[2], IN_DIM, IN_DIM),
        'down_mlp_0': _mlp_params(keys[3]),
        'down_gcn_0': _gcn_params(keys[4], IN_DIM, IN_DIM, NUM_CLASSES),
        'pool_0': _pool_params(keys[5]),
        'down_mlp_1': _mlp_params(keys[6]),
        'down_gcn_1': _gcn_params(keys[7], IN_DIM, IN_DIM, NUM_CLASSES),
        'pool_1': _pool_params(keys[8]),
        'bottom_mlp': _mlp_params(keys[9]),
        'bottom_gcn': _gcn_params(keys[10], IN_DIM, IN_DIM),
    }
    return {'X': X, 'params': params}


def reference(X, params):
    return _unet2_forward(X, params)

if __name__ == "__main__":
    import jax
    _d = setup_inputs()
    print(jax.jit(kernel)(*tuple(_d.values())))

</pallas_src>

<mosaic_0001>
#map = affine_map<(d0, d1) -> (0, 0)>
module attributes {stable_mosaic.version = 14 : i64} {
  func.func @sc_pool(%arg0: i32, %arg1: i32, %arg2: memref<512x128xf32, #tpu.memory_space<hbm>>, %arg3: memref<4x128xf32, #tpu.memory_space<hbm>>, %arg4: memref<512x128xf32, #tpu.memory_space<hbm>>, %arg5: memref<4x128xf32, #tpu.memory_space<hbm>>, %arg6: memref<128xf32, #tpu.memory_space<vmem>>, %arg7: memref<128xi32, #tpu.memory_space<vmem>>, %arg8: memref<128xf32, #tpu.memory_space<vmem>>, %arg9: memref<128x128xf32, #tpu.memory_space<vmem>>, %arg10: memref<!tpu.dma_semaphore, #tpu.memory_space<semaphore_mem>>) attributes {dimension_semantics = [#tpu.dimension_semantics<core_parallel>, #tpu.dimension_semantics<subcore_parallel>], iteration_bounds = array<i64: 2, 16>, scalar_prefetch = 0 : i64, scratch_operands = 5 : i64, tpu.core_type = #tpu.core_type<sc_vector_subcore>, window_params = [{transform_indices = #map}, {transform_indices = #map}, {transform_indices = #map}, {transform_indices = #map}]} {
    %mul3A = arith.constant 2 : i32
    %mul3A_0 = arith.muli %arg1, %mul3A : i32
    %add3A = arith.addi %mul3A_0, %arg0 : i32
    %lt3A = arith.constant 4 : i32
    %lt3A_1 = arith.cmpi slt, %add3A, %lt3A : i32
    %convert_element_type3A = arith.extui %lt3A_1 : i1 to i32
    %cond3A = arith.constant 0 : i32
    %cond3A_2 = arith.cmpi ne, %convert_element_type3A, %cond3A : i32
    scf.if %cond3A_2 {
      %mul3A_3 = arith.constant 128 : i32
      %mul3A_4 = arith.muli %add3A, %mul3A_3 : i32
      "tpu.region"() ({
        %run_scoped3A = tpu.sem_alloc : memref<!tpu.dma_semaphore, #tpu.memory_space<semaphore_mem>>
        %dma_start3A_365 = arith.constant 0 : i32
        %dma_start3A_366 = tpu.memref_slice %arg3[%add3A, %dma_start3A_365] : memref<4x128xf32, #tpu.memory_space<hbm>> -> memref<1x128xf32, #tpu.memory_space<hbm>>
        %dma_start3A_367 = tpu.memref_squeeze %dma_start3A_366 : memref<1x128xf32, #tpu.memory_space<hbm>> -> memref<128xf32, #tpu.memory_space<hbm>>
        %dma_start3A_368 = arith.constant 0 : i32
        %dma_start3A_369 = tpu.memref_slice %arg3[%add3A, %dma_start3A_368] : memref<4x128xf32, #tpu.memory_space<hbm>> -> memref<1x128xf32, #tpu.memory_space<hbm>>
        %dma_start3A_370 = tpu.memref_squeeze %dma_start3A_369 : memref<1x128xf32, #tpu.memory_space<hbm>> -> memref<128xf32, #tpu.memory_space<hbm>>
        tpu.enqueue_dma source(%dma_start3A_370 : memref<128xf32, #tpu.memory_space<hbm>>) target(%arg6 : memref<128xf32, #tpu.memory_space<vmem>>) target_semaphore(%run_scoped3A : memref<!tpu.dma_semaphore, #tpu.memory_space<semaphore_mem>>)
        %dma_wait3A_371 = arith.constant 0 : i32
        %dma_wait3A_372 = tpu.memref_slice %arg3[%add3A, %dma_wait3A_371] : memref<4x128xf32, #tpu.memory_space<hbm>> -> memref<1x128xf32, #tpu.memory_space<hbm>>
        %dma_wait3A_373 = tpu.memref_squeeze %dma_wait3A_372 : memref<1x128xf32, #tpu.memory_space<hbm>> -> memref<128xf32, #tpu.memory_space<hbm>>
        %dma_wait3A_374 = arith.constant 0 : i32
        %dma_wait3A_375 = tpu.memref_slice %arg3[%add3A, %dma_wait3A_374] : memref<4x128xf32, #tpu.memory_space<hbm>> -> memref<1x128xf32, #tpu.memory_space<hbm>>
        %dma_wait3A_376 = tpu.memref_squeeze %dma_wait3A_375 : memref<1x128xf32, #tpu.memory_space<hbm>> -> memref<128xf32, #tpu.memory_space<hbm>>
        tpu.wait_dma2 semaphore(%run_scoped3A : memref<!tpu.dma_semaphore, #tpu.memory_space<semaphore_mem>>) src(%dma_wait3A_376 : memref<128xf32, #tpu.memory_space<hbm>>) dst(%arg6 : memref<128xf32, #tpu.memory_space<vmem>>)
        tpu.yield
      }) : () -> ()
      %iota3A = tpu.iota {dimensions = array<i32: 0>} : vector<16xi32>
      %get3A = arith.constant 0 : index
      %get3A_5 = tpu.vector_load %arg6[%get3A] {strides = array<i32>} : memref<128xf32, #tpu.memory_space<vmem>>, vector<16xf32>,
      %neg3A = arith.constant 0.000000e+00 : f32
      %neg3A_6 = vector.broadcast %neg3A : f32 to vector<16xf32>
      %neg3A_7 = arith.subf %neg3A_6, %get3A_5 : vector<16xf32>
      %mul3A_8 = arith.constant 0.00999999977 : f32
      %mul3A_9 = vector.broadcast %mul3A_8 : f32 to vector<16xf32>
      %mul3A_10 = arith.mulf %neg3A_7, %mul3A_9 : vector<16xf32>
      %exp3A = math.exp %mul3A_10 : vector<16xf32>
      %add3A_11 = arith.constant 1.000000e+00 : f32
      %add3A_12 = vector.broadcast %add3A_11 : f32 to vector<16xf32>
      %add3A_13 = arith.addf %add3A_12, %exp3A : vector<16xf32>
      %div3A = arith.constant 1.000000e+00 : f32
      %div3A_14 = vector.broadcast %div3A : f32 to vector<16xf32>
      %div3A_15 = arith.divf %div3A_14, %add3A_13 : vector<16xf32>
      %swap3A = arith.constant 0 : index
      %swap3A_16 = tpu.vector_load %arg6[%swap3A] {strides = array<i32>} : memref<128xf32, #tpu.memory_space<vmem>>, vector<16xf32>,
      tpu.vector_store %arg6[%swap3A], %div3A_15 {strides = array<i32>} : memref<128xf32, #tpu.memory_space<vmem>>, vector<16xf32>,
      %get3A_17 = arith.constant 16 : index
      %get3A_18 = tpu.vector_load %arg6[%get3A_17] {strides = array<i32>} : memref<128xf32, #tpu.memory_space<vmem>>, vector<16xf32>,
      %neg3A_19 = arith.constant 0.000000e+00 : f32
      %neg3A_20 = vector.broadcast %neg3A_19 : f32 to vector<16xf32>
      %neg3A_21 = arith.subf %neg3A_20, %get3A_18 : vector<16xf32>
      %mul3A_22 = arith.constant 0.00999999977 : f32
      %mul3A_23 = vector.broadcast %mul3A_22 : f32 to vector<16xf32>
      %mul3A_24 = arith.mulf %neg3A_21, %mul3A_23 : vector<16xf32>
      %exp3A_25 = math.exp %mul3A_24 : vector<16xf32>
      %add3A_26 = arith.constant 1.000000e+00 : f32
      %add3A_27 = vector.broadcast %add3A_26 : f32 to vector<16xf32>
      %add3A_28 = arith.addf %add3A_27, %exp3A_25 : vector<16xf32>
      %div3A_29 = arith.constant 1.000000e+00 : f32
      %div3A_30 = vector.broadcast %div3A_29 : f32 to vector<16xf32>
      %div3A_31 = arith.divf %div3A_30, %add3A_28 : vector<16xf32>
      %swap3A_32 = arith.constant 16 : index
      %swap3A_33 = tpu.vector_load %arg6[%swap3A_32] {strides = array<i32>} : memref<128xf32, #tpu.memory_space<vmem>>, vector<16xf32>,
      tpu.vector_store %arg6[%swap3A_32], %div3A_31 {strides = array<i32>} : memref<128xf32, #tpu.memory_space<vmem>>, vector<16xf32>,
      %get3A_34 = arith.constant 32 : index
      %get3A_35 = tpu.vector_load %arg6[%get3A_34] {strides = array<i32>} : memref<128xf32, #tpu.memory_space<vmem>>, vector<16xf32>,
      %neg3A_36 = arith.constant 0.000000e+00 : f32
      %neg3A_37 = vector.broadcast %neg3A_36 : f32 to vector<16xf32>
      %neg3A_38 = arith.subf %neg3A_37, %get3A_35 : vector<16xf32>
      %mul3A_39 = arith.constant 0.00999999977 : f32
      %mul3A_40 = vector.broadcast %mul3A_39 : f32 to vector<16xf32>
      %mul3A_41 = arith.mulf %neg3A_38, %mul3A_40 : vector<16xf32>
      %exp3A_42 = math.exp %mul3A_41 : vector<16xf32>
      %add3A_43 = arith.constant 1.000000e+00 : f32
      %add3A_44 = vector.broadcast %add3A_43 : f32 to vector<16xf32>
      %add3A_45 = arith.addf %add3A_44, %exp3A_42 : vector<16xf32>
      %div3A_46 = arith.constant 1.000000e+00 : f32
      %div3A_47 = vector.broadcast %div3A_46 : f32 to vector<16xf32>
      %div3A_48 = arith.divf %div3A_47, %add3A_45 : vector<16xf32>
      %swap3A_49 = arith.constant 32 : index
      %swap3A_50 = tpu.vector_load %arg6[%swap3A_49] {strides = array<i32>} : memref<128xf32, #tpu.memory_space<vmem>>, vector<16xf32>,
      tpu.vector_store %arg6[%swap3A_49], %div3A_48 {strides = array<i32>} : memref<128xf32, #tpu.memory_space<vmem>>, vector<16xf32>,
      %get3A_51 = arith.constant 48 : index
      %get3A_52 = tpu.vector_load %arg6[%get3A_51] {strides = array<i32>} : memref<128xf32, #tpu.memory_space<vmem>>, vector<16xf32>,
      %neg3A_53 = arith.constant 0.000000e+00 : f32
      %neg3A_54 = vector.broadcast %neg3A_53 : f32 to vector<16xf32>
      %neg3A_55 = arith.subf %neg3A_54, %get3A_52 : vector<16xf32>
      %mul3A_56 = arith.constant 0.00999999977 : f32
      %mul3A_57 = vector.broadcast %mul3A_56 : f32 to vector<16xf32>
      %mul3A_58 = arith.mulf %neg3A_55, %mul3A_57 : vector<16xf32>
      %exp3A_59 = math.exp %mul3A_58 : vector<16xf32>
      %add3A_60 = arith.constant 1.000000e+00 : f32
      %add3A_61 = vector.broadcast %add3A_60 : f32 to vector<16xf32>
      %add3A_62 = arith.addf %add3A_61, %exp3A_59 : vector<16xf32>
      %div3A_63 = arith.constant 1.000000e+00 : f32
      %div3A_64 = vector.broadcast %div3A_63 : f32 to vector<16xf32>
      %div3A_65 = arith.divf %div3A_64, %add3A_62 : vector<16xf32>
      %swap3A_66 = arith.constant 48 : index
      %swap3A_67 = tpu.vector_load %arg6[%swap3A_66] {strides = array<i32>} : memref<128xf32, #tpu.memory_space<vmem>>, vector<16xf32>,
      tpu.vector_store %arg6[%swap3A_66], %div3A_65 {strides = array<i32>} : memref<128xf32, #tpu.memory_space<vmem>>, vector<16xf32>,
      %get3A_68 = arith.constant 64 : index
      %get3A_69 = tpu.vector_load %arg6[%get3A_68] {strides = array<i32>} : memref<128xf32, #tpu.memory_space<vmem>>, vector<16xf32>,
      %neg3A_70 = arith.constant 0.000000e+00 : f32
      %neg3A_71 = vector.broadcast %neg3A_70 : f32 to vector<16xf32>
      %neg3A_72 = arith.subf %neg3A_71, %get3A_69 : vector<16xf32>
      %mul3A_73 = arith.constant 0.00999999977 : f32
      %mul3A_74 = vector.broadcast %mul3A_73 : f32 to vector<16xf32>
      %mul3A_75 = arith.mulf %neg3A_72, %mul3A_74 : vector<16xf32>
      %exp3A_76 = math.exp %mul3A_75 : vector<16xf32>
      %add3A_77 = arith.constant 1.000000e+00 : f32
      %add3A_78 = vector.broadcast %add3A_77 : f32 to vector<16xf32>
      %add3A_79 = arith.addf %add3A_78, %exp3A_76 : vector<16xf32>
      %div3A_80 = arith.constant 1.000000e+00 : f32
      %div3A_81 = vector.broadcast %div3A_80 : f32 to vector<16xf32>
      %div3A_82 = arith.divf %div3A_81, %add3A_79 : vector<16xf32>
      %swap3A_83 = arith.constant 64 : index
      %swap3A_84 = tpu.vector_load %arg6[%swap3A_83] {strides = array<i32>} : memref<128xf32, #tpu.memory_space<vmem>>, vector<16xf32>,
      tpu.vector_store %arg6[%swap3A_83], %div3A_82 {strides = array<i32>} : memref<128xf32, #tpu.memory_space<vmem>>, vector<16xf32>,
      %get3A_85 = arith.constant 80 : index
      %get3A_86 = tpu.vector_load %arg6[%get3A_85] {strides = array<i32>} : memref<128xf32, #tpu.memory_space<vmem>>, vector<16xf32>,
      %neg3A_87 = arith.constant 0.000000e+00 : f32
      %neg3A_88 = vector.broadcast %neg3A_87 : f32 to vector<16xf32>
      %neg3A_89 = arith.subf %neg3A_88, %get3A_86 : vector<16xf32>
      %mul3A_90 = arith.constant 0.00999999977 : f32
      %mul3A_91 = vector.broadcast %mul3A_90 : f32 to vector<16xf32>
      %mul3A_92 = arith.mulf %neg3A_89, %mul3A_91 : vector<16xf32>
      %exp3A_93 = math.exp %mul3A_92 : vector<16xf32>
      %add3A_94 = arith.constant 1.000000e+00 : f32
      %add3A_95 = vector.broadcast %add3A_94 : f32 to vector<16xf32>
      %add3A_96 = arith.addf %add3A_95, %exp3A_93 : vector<16xf32>
      %div3A_97 = arith.constant 1.000000e+00 : f32
      %div3A_98 = vector.broadcast %div3A_97 : f32 to vector<16xf32>
      %div3A_99 = arith.divf %div3A_98, %add3A_96 : vector<16xf32>
      %swap3A_100 = arith.constant 80 : index
      %swap3A_101 = tpu.vector_load %arg6[%swap3A_100] {strides = array<i32>} : memref<128xf32, #tpu.memory_space<vmem>>, vector<16xf32>,
      tpu.vector_store %arg6[%swap3A_100], %div3A_99 {strides = array<i32>} : memref<128xf32, #tpu.memory_space<vmem>>, vector<16xf32>,
      %get3A_102 = arith.constant 96 : index
      %get3A_103 = tpu.vector_load %arg6[%get3A_102] {strides = array<i32>} : memref<128xf32, #tpu.memory_space<vmem>>, vector<16xf32>,
      %neg3A_104 = arith.constant 0.000000e+00 : f32
      %neg3A_105 = vector.broadcast %neg3A_104 : f32 to vector<16xf32>
      %neg3A_106 = arith.subf %neg3A_105, %get3A_103 : vector<16xf32>
      %mul3A_107 = arith.constant 0.00999999977 : f32
      %mul3A_108 = vector.broadcast %mul3A_107 : f32 to vector<16xf32>
      %mul3A_109 = arith.mulf %neg3A_106, %mul3A_108 : vector<16xf32>
      %exp3A_110 = math.exp %mul3A_109 : vector<16xf32>
      %add3A_111 = arith.constant 1.000000e+00 : f32
      %add3A_112 = vector.broadcast %add3A_111 : f32 to vector<16xf32>
      %add3A_113 = arith.addf %add3A_112, %exp3A_110 : vector<16xf32>
      %div3A_114 = arith.constant 1.000000e+00 : f32
      %div3A_115 = vector.broadcast %div3A_114 : f32 to vector<16xf32>
      %div3A_116 = arith.divf %div3A_115, %add3A_113 : vector<16xf32>
      %swap3A_117 = arith.constant 96 : index
      %swap3A_118 = tpu.vector_load %arg6[%swap3A_117] {strides = array<i32>} : memref<128xf32, #tpu.memory_space<vmem>>, vector<16xf32>,
      tpu.vector_store %arg6[%swap3A_117], %div3A_116 {strides = array<i32>} : memref<128xf32, #tpu.memory_space<vmem>>, vector<16xf32>,
      %get3A_119 = arith.constant 112 : index
      %get3A_120 = tpu.vector_load %arg6[%get3A_119] {strides = array<i32>} : memref<128xf32, #tpu.memory_space<vmem>>, vector<16xf32>,
      %neg3A_121 = arith.constant 0.000000e+00 : f32
      %neg3A_122 = vector.broadcast %neg3A_121 : f32 to vector<16xf32>
      %neg3A_123 = arith.subf %neg3A_122, %get3A_120 : vector<16xf32>
      %mul3A_124 = arith.constant 0.00999999977 : f32
      %mul3A_125 = vector.broadcast %mul3A_124 : f32 to vector<16xf32>
      %mul3A_126 = arith.mulf %neg3A_123, %mul3A_125 : vector<16xf32>
      %exp3A_127 = math.exp %mul3A_126 : vector<16xf32>
      %add3A_128 = arith.constant 1.000000e+00 : f32
      %add3A_129 = vector.broadcast %add3A_128 : f32 to vector<16xf32>
      %add3A_130 = arith.addf %add3A_129, %exp3A_127 : vector<16xf32>
      %div3A_131 = arith.constant 1.000000e+00 : f32
      %div3A_132 = vector.broadcast %div3A_131 : f32 to vector<16xf32>
      %div3A_133 = arith.divf %div3A_132, %add3A_130 : vector<16xf32>
      %swap3A_134 = arith.constant 112 : index
      %swap3A_135 = tpu.vector_load %arg6[%swap3A_134] {strides = array<i32>} : memref<128xf32, #tpu.memory_space<vmem>>, vector<16xf32>,
      tpu.vector_store %arg6[%swap3A_134], %div3A_133 {strides = array<i32>} : memref<128xf32, #tpu.memory_space<vmem>>, vector<16xf32>,
      %broadcast_in_dim3A = arith.constant 0 : i32
      %broadcast_in_dim3A_136 = vector.broadcast %broadcast_in_dim3A : i32 to vector<16xi32>
      %add3A_137 = vector.broadcast %mul3A_4 : i32 to vector<16xi32>
      %add3A_138 = arith.addi %broadcast_in_dim3A_136, %add3A_137 : vector<16xi32>
      %swap3A_139 = arith.constant 0 : index
      %swap3A_140 = tpu.vector_load %arg7[%swap3A_139] {strides = array<i32>} : memref<128xi32, #tpu.memory_space<vmem>>, vector<16xi32>,
      tpu.vector_store %arg7[%swap3A_139], %add3A_138 {strides = array<i32>} : memref<128xi32, #tpu.memory_space<vmem>>, vector<16xi32>,
      %broadcast_in_dim3A_141 = arith.constant 0.000000e+00 : f32
      %broadcast_in_dim3A_142 = vector.broadcast %broadcast_in_dim3A_141 : f32 to vector<16xf32>
      %swap3A_143 = arith.constant 0 : index
      %swap3A_144 = tpu.vector_load %arg8[%swap3A_143] {strides = array<i32>} : memref<128xf32, #tpu.memory_space<vmem>>, vector<16xf32>,
      tpu.vector_store %arg8[%swap3A_143], %broadcast_in_dim3A_142 {strides = array<i32>} : memref<128xf32, #tpu.memory_space<vmem>>, vector<16xf32>,
      %broadcast_in_dim3A_145 = arith.constant 0 : i32
      %broadcast_in_dim3A_146 = vector.broadcast %broadcast_in_dim3A_145 : i32 to vector<16xi32>
      %add3A_147 = vector.broadcast %mul3A_4 : i32 to vector<16xi32>
      %add3A_148 = arith.addi %broadcast_in_dim3A_146, %add3A_147 : vector<16xi32>
      %swap3A_149 = arith.constant 16 : index
      %swap3A_150 = tpu.vector_load %arg7[%swap3A_149] {strides = array<i32>} : memref<128xi32, #tpu.memory_space<vmem>>, vector<16xi32>,
      tpu.vector_store %arg7[%swap3A_149], %add3A_148 {strides = array<i32>} : memref<128xi32, #tpu.memory_space<vmem>>, vector<16xi32>,
      %broadcast_in_dim3A_151 = arith.constant 0.000000e+00 : f32
      %broadcast_in_dim3A_152 = vector.broadcast %broadcast_in_dim3A_151 : f32 to vector<16xf32>
      %swap3A_153 = arith.constant 16 : index
      %swap3A_154 = tpu.vector_load %arg8[%swap3A_153] {strides = array<i32>} : memref<128xf32, #tpu.memory_space<vmem>>, vector<16xf32>,
      tpu.vector_store %arg8[%swap3A_153], %broadcast_in_dim3A_152 {strides = array<i32>} : memref<128xf32, #tpu.memory_space<vmem>>, vector<16xf32>,
      %broadcast_in_dim3A_155 = arith.constant 0 : i32
      %broadcast_in_dim3A_156 = vector.broadcast %broadcast_in_dim3A_155 : i32 to vector<16xi32>
      %add3A_157 = vector.broadcast %mul3A_4 : i32 to vector<16xi32>
      %add3A_158 = arith.addi %broadcast_in_dim3A_156, %add3A_157 : vector<16xi32>
      %swap3A_159 = arith.constant 32 : index
      %swap3A_160 = tpu.vector_load %arg7[%swap3A_159] {strides = array<i32>} : memref<128xi32, #tpu.memory_space<vmem>>, vector<16xi32>,
      tpu.vector_store %arg7[%swap3A_159], %add3A_158 {strides = array<i32>} : memref<128xi32, #tpu.memory_space<vmem>>, vector<16xi32>,
      %broadcast_in_dim3A_161 = arith.constant 0.000000e+00 : f32
      %broadcast_in_dim3A_162 = vector.broadcast %broadcast_in_dim3A_161 : f32 to vector<16xf32>
      %swap3A_163 = arith.constant 32 : index
      %swap3A_164 = tpu.vector_load %arg8[%swap3A_163] {strides = array<i32>} : memref<128xf32, #tpu.memory_space<vmem>>, vector<16xf32>,
      tpu.vector_store %arg8[%swap3A_163], %broadcast_in_dim3A_162 {strides = array<i32>} : memref<128xf32, #tpu.memory_space<vmem>>, vector<16xf32>,
      %broadcast_in_dim3A_165 = arith.constant 0 : i32
      %broadcast_in_dim3A_166 = vector.broadcast %broadcast_in_dim3A_165 : i32 to vector<16xi32>
      %add3A_167 = vector.broadcast %mul3A_4 : i32 to vector<16xi32>
      %add3A_168 = arith.addi %broadcast_in_dim3A_166, %add3A_167 : vector<16xi32>
      %swap3A_169 = arith.constant 48 : index
      %swap3A_170 = tpu.vector_load %arg7[%swap3A_169] {strides = array<i32>} : memref<128xi32, #tpu.memory_space<vmem>>, vector<16xi32>,
      tpu.vector_store %arg7[%swap3A_169], %add3A_168 {strides = array<i32>} : memref<128xi32, #tpu.memory_space<vmem>>, vector<16xi32>,
      %broadcast_in_dim3A_171 = arith.constant 0.000000e+00 : f32
      %broadcast_in_dim3A_172 = vector.broadcast %broadcast_in_dim3A_171 : f32 to vector<16xf32>
      %swap3A_173 = arith.constant 48 : index
      %swap3A_174 = tpu.vector_load %arg8[%swap3A_173] {strides = array<i32>} : memref<128xf32, #tpu.memory_space<vmem>>, vector<16xf32>,
      tpu.vector_store %arg8[%swap3A_173], %broadcast_in_dim3A_172 {strides = array<i32>} : memref<128xf32, #tpu.memory_space<vmem>>, vector<16xf32>,
      %broadcast_in_dim3A_175 = arith.constant 0 : i32
      %broadcast_in_dim3A_176 = vector.broadcast %broadcast_in_dim3A_175 : i32 to vector<16xi32>
      %add3A_177 = vector.broadcast %mul3A_4 : i32 to vector<16xi32>
      %add3A_178 = arith.addi %broadcast_in_dim3A_176, %add3A_177 : vector<16xi32>
      %swap3A_179 = arith.constant 64 : index
      %swap3A_180 = tpu.vector_load %arg7[%swap3A_179] {strides = array<i32>} : memref<128xi32, #tpu.memory_space<vmem>>, vector<16xi32>,
      tpu.vector_store %arg7[%swap3A_179], %add3A_178 {strides = array<i32>} : memref<128xi32, #tpu.memory_space<vmem>>, vector<16xi32>,
      %broadcast_in_dim3A_181 = arith.constant 0.000000e+00 : f32
      %broadcast_in_dim3A_182 = vector.broadcast %broadcast_in_dim3A_181 : f32 to vector<16xf32>
      %swap3A_183 = arith.constant 64 : index
      %swap3A_184 = tpu.vector_load %arg8[%swap3A_183] {strides = array<i32>} : memref<128xf32, #tpu.memory_space<vmem>>, vector<16xf32>,
      tpu.vector_store %arg8[%swap3A_183], %broadcast_in_dim3A_182 {strides = array<i32>} : memref<128xf32, #tpu.memory_space<vmem>>, vector<16xf32>,
      %broadcast_in_dim3A_185 = arith.constant 0 : i32
      %broadcast_in_dim3A_186 = vector.broadcast %broadcast_in_dim3A_185 : i32 to vector<16xi32>
      %add3A_187 = vector.broadcast %mul3A_4 : i32 to vector<16xi32>
      %add3A_188 = arith.addi %broadcast_in_dim3A_186, %add3A_187 : vector<16xi32>
      %swap3A_189 = arith.constant 80 : index
      %swap3A_190 = tpu.vector_load %arg7[%swap3A_189] {strides = array<i32>} : memref<128xi32, #tpu.memory_space<vmem>>, vector<16xi32>,
      tpu.vector_store %arg7[%swap3A_189], %add3A_188 {strides = array<i32>} : memref<128xi32, #tpu.memory_space<vmem>>, vector<16xi32>,
      %broadcast_in_dim3A_191 = arith.constant 0.000000e+00 : f32
      %broadcast_in_dim3A_192 = vector.broadcast %broadcast_in_dim3A_191 : f32 to vector<16xf32>
      %swap3A_193 = arith.constant 80 : index
      %swap3A_194 = tpu.vector_load %arg8[%swap3A_193] {strides = array<i32>} : memref<128xf32, #tpu.memory_space<vmem>>, vector<16xf32>,
      tpu.vector_store %arg8[%swap3A_193], %broadcast_in_dim3A_192 {strides = array<i32>} : memref<128xf32, #tpu.memory_space<vmem>>, vector<16xf32>,
      %broadcast_in_dim3A_195 = arith.constant 0 : i32
      %broadcast_in_dim3A_196 = vector.broadcast %broadcast_in_dim3A_195 : i32 to vector<16xi32>
      %add3A_197 = vector.broadcast %mul3A_4 : i32 to vector<16xi32>
      %add3A_198 = arith.addi %broadcast_in_dim3A_196, %add3A_197 : vector<16xi32>
      %swap3A_199 = arith.constant 96 : index
      %swap3A_200 = tpu.vector_load %arg7[%swap3A_199] {strides = array<i32>} : memref<128xi32, #tpu.memory_space<vmem>>, vector<16xi32>,
      tpu.vector_store %arg7[%swap3A_199], %add3A_198 {strides = array<i32>} : memref<128xi32, #tpu.memory_space<vmem>>, vector<16xi32>,
      %broadcast_in_dim3A_201 = arith.constant 0.000000e+00 : f32
      %broadcast_in_dim3A_202 = vector.broadcast %broadcast_in_dim3A_201 : f32 to vector<16xf32>
      %swap3A_203 = arith.constant 96 : index
      %swap3A_204 = tpu.vector_load %arg8[%swap3A_203] {strides = array<i32>} : memref<128xf32, #tpu.memory_space<vmem>>, vector<16xf32>,
      tpu.vector_store %arg8[%swap3A_203], %broadcast_in_dim3A_202 {strides = array<i32>} : memref<128xf32, #tpu.memory_space<vmem>>, vector<16xf32>,
      %broadcast_in_dim3A_205 = arith.constant 0 : i32
      %broadcast_in_dim3A_206 = vector.broadcast %broadcast_in_dim3A_205 : i32 to vector<16xi32>
      %add3A_207 = vector.broadcast %mul3A_4 : i32 to vector<16xi32>
      %add3A_208 = arith.addi %broadcast_in_dim3A_206, %add3A_207 : vector<16xi32>
      %swap3A_209 = arith.constant 112 : index
      %swap3A_210 = tpu.vector_load %arg7[%swap3A_209] {strides = array<i32>} : memref<128xi32, #tpu.memory_space<vmem>>, vector<16xi32>,
      tpu.vector_store %arg7[%swap3A_209], %add3A_208 {strides = array<i32>} : memref<128xi32, #tpu.memory_space<vmem>>, vector<16xi32>,
      %broadcast_in_dim3A_211 = arith.constant 0.000000e+00 : f32
      %broadcast_in_dim3A_212 = vector.broadcast %broadcast_in_dim3A_211 : f32 to vector<16xf32>
      %swap3A_213 = arith.constant 112 : index
      %swap3A_214 = tpu.vector_load %arg8[%swap3A_213] {strides = array<i32>} : memref<128xf32, #tpu.memory_space<vmem>>, vector<16xf32>,
      tpu.vector_store %arg8[%swap3A_213], %broadcast_in_dim3A_212 {strides = array<i32>} : memref<128xf32, #tpu.memory_space<vmem>>, vector<16xf32>,
      %get3A_215 = arith.constant 0 : index
      %get3A_216 = tpu.vector_load %arg6[%get3A_215] {strides = array<i32>} : memref<128xf32, #tpu.memory_space<vmem>>, vector<16xf32>,
      %get3A_217 = arith.constant 16 : index
      %get3A_218 = tpu.vector_load %arg6[%get3A_217] {strides = array<i32>} : memref<128xf32, #tpu.memory_space<vmem>>, vector<16xf32>,
      %get3A_219 = arith.constant 32 : index
      %get3A_220 = tpu.vector_load %arg6[%get3A_219] {strides = array<i32>} : memref<128xf32, #tpu.memory_space<vmem>>, vector<16xf32>,
      %get3A_221 = arith.constant 48 : index
      %get3A_222 = tpu.vector_load %arg6[%get3A_221] {strides = array<i32>} : memref<128xf32, #tpu.memory_space<vmem>>, vector<16xf32>,
      %get3A_223 = arith.constant 64 : index
      %get3A_224 = tpu.vector_load %arg6[%get3A_223] {strides = array<i32>} : memref<128xf32, #tpu.memory_space<vmem>>, vector<16xf32>,
      %get3A_225 = arith.constant 80 : index
      %get3A_226 = tpu.vector_load %arg6[%get3A_225] {strides = array<i32>} : memref<128xf32, #tpu.memory_space<vmem>>, vector<16xf32>,
      %get3A_227 = arith.constant 96 : index
      %get3A_228 = tpu.vector_load %arg6[%get3A_227] {strides = array<i32>} : memref<128xf32, #tpu.memory_space<vmem>>, vector<16xf32>,
      %add3A_229 = arith.constant 0 : i32
      %add3A_230 = vector.broadcast %add3A_229 : i32 to vector<16xi32>
      %add3A_231 = arith.addi %iota3A, %add3A_230 : vector<16xi32>
      %add3A_232 = arith.constant 16 : i32
      %add3A_233 = vector.broadcast %add3A_232 : i32 to vector<16xi32>
      %add3A_234 = arith.addi %iota3A, %add3A_233 : vector<16xi32>
      %add3A_235 = arith.constant 32 : i32
      %add3A_236 = vector.broadcast %add3A_235 : i32 to vector<16xi32>
      %add3A_237 = arith.addi %iota3A, %add3A_236 : vector<16xi32>
      %add3A_238 = arith.constant 48 : i32
      %add3A_239 = vector.broadcast %add3A_238 : i32 to vector<16xi32>
      %add3A_240 = arith.addi %iota3A, %add3A_239 : vector<16xi32>
      %add3A_241 = arith.constant 64 : i32
      %add3A_242 = vector.broadcast %add3A_241 : i32 to vector<16xi32>
      %add3A_243 = arith.addi %iota3A, %add3A_242 : vector<16xi32>
      %add3A_244 = arith.constant 80 : i32
      %add3A_245 = vector.broadcast %add3A_244 : i32 to vector<16xi32>
      %add3A_246 = arith.addi %iota3A, %add3A_245 : vector<16xi32>
      %add3A_247 = arith.constant 96 : i32
      %add3A_248 = vector.broadcast %add3A_247 : i32 to vector<16xi32>
      %add3A_249 = arith.addi %iota3A, %add3A_248 : vector<16xi32>
      %broadcast_in_dim3A_250 = arith.constant 0 : i32
      %broadcast_in_dim3A_251 = vector.broadcast %broadcast_in_dim3A_250 : i32 to vector<16xi32>
      %broadcast_in_dim3A_252 = arith.constant 0 : i32
      %broadcast_in_dim3A_253 = vector.broadcast %broadcast_in_dim3A_252 : i32 to vector<16xi32>
      %broadcast_in_dim3A_254 = arith.constant 0 : i32
      %broadcast_in_dim3A_255 = vector.broadcast %broadcast_in_dim3A_254 : i32 to vector<16xi32>
      %broadcast_in_dim3A_256 = arith.constant 0 : i32
      %broadcast_in_dim3A_257 = vector.broadcast %broadcast_in_dim3A_256 : i32 to vector<16xi32>
      %broadcast_in_dim3A_258 = arith.constant 0 : i32
      %broadcast_in_dim3A_259 = vector.broadcast %broadcast_in_dim3A_258 : i32 to vector<16xi32>
      %broadcast_in_dim3A_260 = arith.constant 0 : i32
      %broadcast_in_dim3A_261 = vector.broadcast %broadcast_in_dim3A_260 : i32 to vector<16xi32>
      %broadcast_in_dim3A_262 = arith.constant 0 : i32
      %broadcast_in_dim3A_263 = vector.broadcast %broadcast_in_dim3A_262 : i32 to vector<16xi32>
      %scan3A = arith.constant 0 : i32
      %scan3A_264 = arith.constant 103 : i32
      %scan3A_265 = arith.addi %scan3A, %scan3A_264 : i32
      %scan3A_266 = arith.constant 1 : i32
      %scan3A_267:7 = scf.for %scan3A_365 = %scan3A to %scan3A_265 step %scan3A_266 iter_args(%scan3A_366 = %broadcast_in_dim3A_251, %scan3A_367 = %broadcast_in_dim3A_253, %scan3A_368 = %broadcast_in_dim3A_255, %scan3A_369 = %broadcast_in_dim3A_257, %scan3A_370 = %broadcast_in_dim3A_259, %scan3A_371 = %broadcast_in_dim3A_261, %scan3A_372 = %broadcast_in_dim3A_263) -> (vector<16xi32>, vector<16xi32>, vector<16xi32>, vector<16xi32>, vector<16xi32>, vector<16xi32>, vector<16xi32>)  : i32 {
        %broadcast_in_dim3A_373 = arith.constant 0 : i32
        %broadcast_in_dim3A_374 = vector.broadcast %broadcast_in_dim3A_373 : i32 to vector<16xi32>
        %add3A_375 = vector.broadcast %scan3A_365 : i32 to vector<16xi32>
        %add3A_376 = arith.addi %broadcast_in_dim3A_374, %add3A_375 : vector<16xi32>
        %gather3A_377 = tpu.vector_load_idx %arg6[%add3A_376] : memref<128xf32, #tpu.memory_space<vmem>>[vector<16xi32>], vector<16xf32>,
        %gt3A = arith.cmpf ogt, %gather3A_377, %get3A_216 : vector<16xf32>
        %eq3A = arith.cmpf oeq, %gather3A_377, %get3A_216 : vector<16xf32>
        %lt3A_378 = vector.broadcast %scan3A_365 : i32 to vector<16xi32>
        %lt3A_379 = arith.cmpi slt, %lt3A_378, %add3A_231 : vector<16xi32>
        %and3A_380 = arith.andi %eq3A, %lt3A_379 : vector<16xi1>
        %or3A = arith.ori %gt3A, %and3A_380 : vector<16xi1>
        %convert_element_type3A_381 = arith.extui %or3A : vector<16xi1> to vector<16xi32>
        %add3A_382 = arith.addi %scan3A_366, %convert_element_type3A_381 : vector<16xi32>
        %gt3A_383 = arith.cmpf ogt, %gather3A_377, %get3A_218 : vector<16xf32>
        %eq3A_384 = arith.cmpf oeq, %gather3A_377, %get3A_218 : vector<16xf32>
        %lt3A_385 = vector.broadcast %scan3A_365 : i32 to vector<16xi32>
        %lt3A_386 = arith.cmpi slt, %lt3A_385, %add3A_234 : vector<16xi32>
        %and3A_387 = arith.andi %eq3A_384, %lt3A_386 : vector<16xi1>
        %or3A_388 = arith.ori %gt3A_383, %and3A_387 : vector<16xi1>
        %convert_element_type3A_389 = arith.extui %or3A_388 : vector<16xi1> to vector<16xi32>
        %add3A_390 = arith.addi %scan3A_367, %convert_element_type3A_389 : vector<16xi32>
        %gt3A_391 = arith.cmpf ogt, %gather3A_377, %get3A_220 : vector<16xf32>
        %eq3A_392 = arith.cmpf oeq, %gather3A_377, %get3A_220 : vector<16xf32>
        %lt3A_393 = vector.broadcast %scan3A_365 : i32 to vector<16xi32>
        %lt3A_394 = arith.cmpi slt, %lt3A_393, %add3A_237 : vector<16xi32>
        %and3A_395 = arith.andi %eq3A_392, %lt3A_394 : vector<16xi1>
        %or3A_396 = arith.ori %gt3A_391, %and3A_395 : vector<16xi1>
        %convert_element_type3A_397 = arith.extui %or3A_396 : vector<16xi1> to vector<16xi32>
        %add3A_398 = arith.addi %scan3A_368, %convert_element_type3A_397 : vector<16xi32>
        %gt3A_399 = arith.cmpf ogt, %gather3A_377, %get3A_222 : vector<16xf32>
        %eq3A_400 = arith.cmpf oeq, %gather3A_377, %get3A_222 : vector<16xf32>
        %lt3A_401 = vector.broadcast %scan3A_365 : i32 to vector<16xi32>
        %lt3A_402 = arith.cmpi slt, %lt3A_401, %add3A_240 : vector<16xi32>
        %and3A_403 = arith.andi %eq3A_400, %lt3A_402 : vector<16xi1>
        %or3A_404 = arith.ori %gt3A_399, %and3A_403 : vector<16xi1>
        %convert_element_type3A_405 = arith.extui %or3A_404 : vector<16xi1> to vector<16xi32>
        %add3A_406 = arith.addi %scan3A_369, %convert_element_type3A_405 : vector<16xi32>
        %gt3A_407 = arith.cmpf ogt, %gather3A_377, %get3A_224 : vector<16xf32>
        %eq3A_408 = arith.cmpf oeq, %gather3A_377, %get3A_224 : vector<16xf32>
        %lt3A_409 = vector.broadcast %scan3A_365 : i32 to vector<16xi32>
        %lt3A_410 = arith.cmpi slt, %lt3A_409, %add3A_243 : vector<16xi32>
        %and3A_411 = arith.andi %eq3A_408, %lt3A_410 : vector<16xi1>
        %or3A_412 = arith.ori %gt3A_407, %and3A_411 : vector<16xi1>
        %convert_element_type3A_413 = arith.extui %or3A_412 : vector<16xi1> to vector<16xi32>
        %add3A_414 = arith.addi %scan3A_370, %convert_element_type3A_413 : vector<16xi32>
        %gt3A_415 = arith.cmpf ogt, %gather3A_377, %get3A_226 : vector<16xf32>
        %eq3A_416 = arith.cmpf oeq, %gather3A_377, %get3A_226 : vector<16xf32>
        %lt3A_417 = vector.broadcast %scan3A_365 : i32 to vector<16xi32>
        %lt3A_418 = arith.cmpi slt, %lt3A_417, %add3A_246 : vector<16xi32>
        %and3A_419 = arith.andi %eq3A_416, %lt3A_418 : vector<16xi1>
        %or3A_420 = arith.ori %gt3A_415, %and3A_419 : vector<16xi1>
        %convert_element_type3A_421 = arith.extui %or3A_420 : vector<16xi1> to vector<16xi32>
        %add3A_422 = arith.addi %scan3A_371, %convert_element_type3A_421 : vector<16xi32>
        %gt3A_423 = arith.cmpf ogt, %gather3A_377, %get3A_228 : vector<16xf32>
        %eq3A_424 = arith.cmpf oeq, %gather3A_377, %get3A_228 : vector<16xf32>
        %lt3A_425 = vector.broadcast %scan3A_365 : i32 to vector<16xi32>
        %lt3A_426 = arith.cmpi slt, %lt3A_425, %add3A_249 : vector<16xi32>
        %and3A_427 = arith.andi %eq3A_424, %lt3A_426 : vector<16xi1>
        %or3A_428 = arith.ori %gt3A_423, %and3A_427 : vector<16xi1>
        %convert_element_type3A_429 = arith.extui %or3A_428 : vector<16xi1> to vector<16xi32>
        %add3A_430 = arith.addi %scan3A_372, %convert_element_type3A_429 : vector<16xi32>
        scf.yield %add3A_382, %add3A_390, %add3A_398, %add3A_406, %add3A_414, %add3A_422, %add3A_430 : vector<16xi32>, vector<16xi32>, vector<16xi32>, vector<16xi32>, vector<16xi32>, vector<16xi32>, vector<16xi32>
      }
      %scan3A_268 = arith.constant 103 : i32
      %lt3A_269 = arith.constant 72 : i32
      %lt3A_270 = vector.broadcast %lt3A_269 : i32 to vector<16xi32>
      %lt3A_271 = arith.cmpi slt, %scan3A_267#0, %lt3A_270 : vector<16xi32>
      %lt3A_272 = arith.constant 103 : i32
      %lt3A_273 = vector.broadcast %lt3A_272 : i32 to vector<16xi32>
      %lt3A_274 = arith.cmpi slt, %add3A_231, %lt3A_273 : vector<16xi32>
      %and3A = arith.andi %lt3A_271, %lt3A_274 : vector<16xi1>
      %add3A_275 = vector.broadcast %mul3A_4 : i32 to vector<16xi32>
      %add3A_276 = arith.addi %add3A_231, %add3A_275 : vector<16xi32>
      tpu.vector_store_idx %arg7[%scan3A_267#0], %add3A_276 masked %and3A : memref<128xi32, #tpu.memory_space<vmem>>[vector<16xi32>], vector<16xi32>, vector<16xi1>
      tpu.vector_store_idx %arg8[%scan3A_267#0], %get3A_216 masked %and3A : memref<128xf32, #tpu.memory_space<vmem>>[vector<16xi32>], vector<16xf32>, vector<16xi1>
      %lt3A_277 = arith.constant 72 : i32
      %lt3A_278 = vector.broadcast %lt3A_277 : i32 to vector<16xi32>
      %lt3A_279 = arith.cmpi slt, %scan3A_267#1, %lt3A_278 : vector<16xi32>
      %lt3A_280 = arith.constant 103 : i32
      %lt3A_281 = vector.broadcast %lt3A_280 : i32 to vector<16xi32>
      %lt3A_282 = arith.cmpi slt, %add3A_234, %lt3A_281 : vector<16xi32>
      %and3A_283 = arith.andi %lt3A_279, %lt3A_282 : vector<16xi1>
      %add3A_284 = vector.broadcast %mul3A_4 : i32 to vector<16xi32>
      %add3A_285 = arith.addi %add3A_234, %add3A_284 : vector<16xi32>
      tpu.vector_store_idx %arg7[%scan3A_267#1], %add3A_285 masked %and3A_283 : memref<128xi32, #tpu.memory_space<vmem>>[vector<16xi32>], vector<16xi32>, vector<16xi1>
      tpu.vector_store_idx %arg8[%scan3A_267#1], %get3A_218 masked %and3A_283 : memref<128xf32, #tpu.memory_space<vmem>>[vector<16xi32>], vector<16xf32>, vector<16xi1>
      %lt3A_286 = arith.constant 72 : i32
      %lt3A_287 = vector.broadcast %lt3A_286 : i32 to vector<16xi32>
      %lt3A_288 = arith.cmpi slt, %scan3A_267#2, %lt3A_287 : vector<16xi32>
      %lt3A_289 = arith.constant 103 : i32
      %lt3A_290 = vector.broadcast %lt3A_289 : i32 to vector<16xi32>
      %lt3A_291 = arith.cmpi slt, %add3A_237, %lt3A_290 : vector<16xi32>
      %and3A_292 = arith.andi %lt3A_288, %lt3A_291 : vector<16xi1>
      %add3A_293 = vector.broadcast %mul3A_4 : i32 to vector<16xi32>
      %add3A_294 = arith.addi %add3A_237, %add3A_293 : vector<16xi32>
      tpu.vector_store_idx %arg7[%scan3A_267#2], %add3A_294 masked %and3A_292 : memref<128xi32, #tpu.memory_space<vmem>>[vector<16xi32>], vector<16xi32>, vector<16xi1>
      tpu.vector_store_idx %arg8[%scan3A_267#2], %get3A_220 masked %and3A_292 : memref<128xf32, #tpu.memory_space<vmem>>[vector<16xi32>], vector<16xf32>, vector<16xi1>
      %lt3A_295 = arith.constant 72 : i32
      %lt3A_296 = vector.broadcast %lt3A_295 : i32 to vector<16xi32>
      %lt3A_297 = arith.cmpi slt, %scan3A_267#3, %lt3A_296 : vector<16xi32>
      %lt3A_298 = arith.constant 103 : i32
      %lt3A_299 = vector.broadcast %lt3A_298 : i32 to vector<16xi32>
      %lt3A_300 = arith.cmpi slt, %add3A_240, %lt3A_299 : vector<16xi32>
      %and3A_301 = arith.andi %lt3A_297, %lt3A_300 : vector<16xi1>
      %add3A_302 = vector.broadcast %mul3A_4 : i32 to vector<16xi32>
      %add3A_303 = arith.addi %add3A_240, %add3A_302 : vector<16xi32>
      tpu.vector_store_idx %arg7[%scan3A_267#3], %add3A_303 masked %and3A_301 : memref<128xi32, #tpu.memory_space<vmem>>[vector<16xi32>], vector<16xi32>, vector<16xi1>
      tpu.vector_store_idx %arg8[%scan3A_267#3], %get3A_222 masked %and3A_301 : memref<128xf32, #tpu.memory_space<vmem>>[vector<16xi32>], vector<16xf32>, vector<16xi1>
      %lt3A_304 = arith.constant 72 : i32
      %lt3A_305 = vector.broadcast %lt3A_304 : i32 to vector<16xi32>
      %lt3A_306 = arith.cmpi slt, %scan3A_267#4, %lt3A_305 : vector<16xi32>
      %lt3A_307 = arith.constant 103 : i32
      %lt3A_308 = vector.broadcast %lt3A_307 : i32 to vector<16xi32>
      %lt3A_309 = arith.cmpi slt, %add3A_243, %lt3A_308 : vector<16xi32>
      %and3A_310 = arith.andi %lt3A_306, %lt3A_309 : vector<16xi1>
      %add3A_311 = vector.broadcast %mul3A_4 : i32 to vector<16xi32>
      %add3A_312 = arith.addi %add3A_243, %add3A_311 : vector<16xi32>
      tpu.vector_store_idx %arg7[%scan3A_267#4], %add3A_312 masked %and3A_310 : memref<128xi32, #tpu.memory_space<vmem>>[vector<16xi32>], vector<16xi32>, vector<16xi1>
      tpu.vector_store_idx %arg8[%scan3A_267#4], %get3A_224 masked %and3A_310 : memref<128xf32, #tpu.memory_space<vmem>>[vector<16xi32>], vector<16xf32>, vector<16xi1>
      %lt3A_313 = arith.constant 72 : i32
      %lt3A_314 = vector.broadcast %lt3A_313 : i32 to vector<16xi32>
      %lt3A_315 = arith.cmpi slt, %scan3A_267#5, %lt3A_314 : vector<16xi32>
      %lt3A_316 = arith.constant 103 : i32
      %lt3A_317 = vector.broadcast %lt3A_316 : i32 to vector<16xi32>
      %lt3A_318 = arith.cmpi slt, %add3A_246, %lt3A_317 : vector<16xi32>
      %and3A_319 = arith.andi %lt3A_315, %lt3A_318 : vector<16xi1>
      %add3A_320 = vector.broadcast %mul3A_4 : i32 to vector<16xi32>
      %add3A_321 = arith.addi %add3A_246, %add3A_320 : vector<16xi32>
      tpu.vector_store_idx %arg7[%scan3A_267#5], %add3A_321 masked %and3A_319 : memref<128xi32, #tpu.memory_space<vmem>>[vector<16xi32>], vector<16xi32>, vector<16xi1>
      tpu.vector_store_idx %arg8[%scan3A_267#5], %get3A_226 masked %and3A_319 : memref<128xf32, #tpu.memory_space<vmem>>[vector<16xi32>], vector<16xf32>, vector<16xi1>
      %lt3A_322 = arith.constant 72 : i32
      %lt3A_323 = vector.broadcast %lt3A_322 : i32 to vector<16xi32>
      %lt3A_324 = arith.cmpi slt, %scan3A_267#6, %lt3A_323 : vector<16xi32>
      %lt3A_325 = arith.constant 103 : i32
      %lt3A_326 = vector.broadcast %lt3A_325 : i32 to vector<16xi32>
      %lt3A_327 = arith.cmpi slt, %add3A_249, %lt3A_326 : vector<16xi32>
      %and3A_328 = arith.andi %lt3A_324, %lt3A_327 : vector<16xi1>
      %add3A_329 = vector.broadcast %mul3A_4 : i32 to vector<16xi32>
      %add3A_330 = arith.addi %add3A_249, %add3A_329 : vector<16xi32>
      tpu.vector_store_idx %arg7[%scan3A_267#6], %add3A_330 masked %and3A_328 : memref<128xi32, #tpu.memory_space<vmem>>[vector<16xi32>], vector<16xi32>, vector<16xi1>
      tpu.vector_store_idx %arg8[%scan3A_267#6], %get3A_228 masked %and3A_328 : memref<128xf32, #tpu.memory_space<vmem>>[vector<16xi32>], vector<16xf32>, vector<16xi1>
      %add3A_331 = arith.constant 72 : i32
      %add3A_332 = vector.broadcast %add3A_331 : i32 to vector<16xi32>
      %add3A_333 = arith.addi %iota3A, %add3A_332 : vector<16xi32>
      %add3A_334 = arith.constant 103 : i32
      %add3A_335 = vector.broadcast %add3A_334 : i32 to vector<16xi32>
      %add3A_336 = arith.addi %iota3A, %add3A_335 : vector<16xi32>
      %lt3A_337 = arith.constant 97 : i32
      %lt3A_338 = vector.broadcast %lt3A_337 : i32 to vector<16xi32>
      %lt3A_339 = arith.cmpi slt, %add3A_333, %lt3A_338 : vector<16xi32>
      %min3A = arith.constant 127 : i32
      %min3A_340 = vector.broadcast %min3A : i32 to vector<16xi32>
      %min3A_341 = arith.minsi %add3A_336, %min3A_340 : vector<16xi32>
      %gather3A = tpu.vector_load_idx %arg6[%min3A_341] masked %lt3A_339 : memref<128xf32, #tpu.memory_space<vmem>>[vector<16xi32>], vector<16xf32>, vector<16xi1>
      %add3A_342 = vector.broadcast %mul3A_4 : i32 to vector<16xi32>
      %add3A_343 = arith.addi %add3A_336, %add3A_342 : vector<16xi32>
      tpu.vector_store_idx %arg7[%add3A_333], %add3A_343 masked %lt3A_339 : memref<128xi32, #tpu.memory_space<vmem>>[vector<16xi32>], vector<16xi32>, vector<16xi1>
      tpu.vector_store_idx %arg8[%add3A_333], %gather3A masked %lt3A_339 : memref<128xf32, #tpu.memory_space<vmem>>[vector<16xi32>], vector<16xf32>, vector<16xi1>
      %add3A_344 = arith.constant 88 : i32
      %add3A_345 = vector.broadcast %add3A_344 : i32 to vector<16xi32>
      %add3A_346 = arith.addi %iota3A, %add3A_345 : vector<16xi32>
      %add3A_347 = arith.constant 119 : i32
      %add3A_348 = vector.broadcast %add3A_347 : i32 to vector<16xi32>
      %add3A_349 = arith.addi %iota3A, %add3A_348 : vector<16xi32>
      %lt3A_350 = arith.constant 97 : i32
      %lt3A_351 = vector.broadcast %lt3A_350 : i32 to vector<16xi32>
      %lt3A_352 = arith.cmpi slt, %add3A_346, %lt3A_351 : vector<16xi32>
      %min3A_353 = arith.constant 127 : i32
      %min3A_354 = vector.broadcast %min3A_353 : i32 to vector<16xi32>
      %min3A_355 = arith.minsi %add3A_349, %min3A_354 : vector<16xi32>
      %gather3A_356 = tpu.vector_load_idx %arg6[%min3A_355] masked %lt3A_352 : memref<128xf32, #tpu.memory_space<vmem>>[vector<16xi32>], vector<16xf32>, vector<16xi1>
      %add3A_357 = vector.broadcast %mul3A_4 : i32 to vector<16xi32>
      %add3A_358 = arith.addi %add3A_349, %add3A_357 : vector<16xi32>
      tpu.vector_store_idx %arg7[%add3A_346], %add3A_358 masked %lt3A_352 : memref<128xi32, #tpu.memory_space<vmem>>[vector<16xi32>], vector<16xi32>, vector<16xi1>
      tpu.vector_store_idx %arg8[%add3A_346], %gather3A_356 masked %lt3A_352 : memref<128xf32, #tpu.memory_space<vmem>>[vector<16xi32>], vector<16xf32>, vector<16xi1>
      %dma_start3A = arith.constant 0 : i32
      %dma_start3A_359 = arith.constant 0 : i32
      %dma_start3A_360 = tpu.memref_slice %arg2[%dma_start3A, %dma_start3A_359] : memref<512x128xf32, #tpu.memory_space<hbm>> -> memref<512x128xf32, #tpu.memory_space<hbm>>
      tpu.enqueue_indirect_dma source(%dma_start3A_360 : memref<512x128xf32, #tpu.memory_space<hbm>>) target(%arg9 : memref<128x128xf32, #tpu.memory_space<vmem>>) offsets(%arg7 : memref<128xi32, #tpu.memory_space<vmem>>) semaphore(%arg10 : memref<!tpu.dma_semaphore, #tpu.memory_space<semaphore_mem>>)
      %dma_wait3A = arith.constant 0 : i32
      %dma_wait3A_361 = arith.constant 0 : i32
      %dma_wait3A_362 = tpu.memref_slice %arg2[%dma_wait3A, %dma_wait3A_361] : memref<512x128xf32, #tpu.memory_space<hbm>> -> memref<512x128xf32, #tpu.memory_space<hbm>>
      tpu.wait_indirect_dma semaphore(%arg10 : memref<!tpu.dma_semaphore, #tpu.memory_space<semaphore_mem>>) src(%dma_wait3A_362 : memref<512x128xf32, #tpu.memory_space<hbm>>) dst(%arg9 : memref<128x128xf32, #tpu.memory_space<vmem>>)
      %mul3A_363 = arith.constant 128 : i32
      %mul3A_364 = arith.muli %add3A, %mul3A_363 : i32
      "tpu.region"() ({
        %run_scoped3A = tpu.sem_alloc : memref<!tpu.dma_semaphore, #tpu.memory_space<semaphore_mem>>
        %dma_start3A_365 = arith.constant 0 : i32
        %dma_start3A_366 = tpu.memref_slice %arg4[%mul3A_364, %dma_start3A_365] : memref<512x128xf32, #tpu.memory_space<hbm>> -> memref<128x128xf32, #tpu.memory_space<hbm>>
        %dma_start3A_367 = arith.constant 0 : i32
        %dma_start3A_368 = tpu.memref_slice %arg4[%mul3A_364, %dma_start3A_367] : memref<512x128xf32, #tpu.memory_space<hbm>> -> memref<128x128xf32, #tpu.memory_space<hbm>>
        tpu.enqueue_dma source(%arg9 : memref<128x128xf32, #tpu.memory_space<vmem>>) target(%dma_start3A_368 : memref<128x128xf32, #tpu.memory_space<hbm>>) target_semaphore(%run_scoped3A : memref<!tpu.dma_semaphore, #tpu.memory_space<semaphore_mem>>)
        %dma_wait3A_369 = arith.constant 0 : i32
        %dma_wait3A_370 = tpu.memref_slice %arg4[%mul3A_364, %dma_wait3A_369] : memref<512x128xf32, #tpu.memory_space<hbm>> -> memref<128x128xf32, #tpu.memory_space<hbm>>
        %dma_wait3A_371 = arith.constant 0 : i32
        %dma_wait3A_372 = tpu.memref_slice %arg4[%mul3A_364, %dma_wait3A_371] : memref<512x128xf32, #tpu.memory_space<hbm>> -> memref<128x128xf32, #tpu.memory_space<hbm>>
        tpu.wait_dma2 semaphore(%run_scoped3A : memref<!tpu.dma_semaphore, #tpu.memory_space<semaphore_mem>>) src(%arg9 : memref<128x128xf32, #tpu.memory_space<vmem>>) dst(%dma_wait3A_372 : memref<128x128xf32, #tpu.memory_space<hbm>>)
        tpu.yield
      }) : () -> ()
      "tpu.region"() ({
        %run_scoped3A = tpu.sem_alloc : memref<!tpu.dma_semaphore, #tpu.memory_space<semaphore_mem>>
        %dma_start3A_365 = arith.constant 0 : i32
        %dma_start3A_366 = tpu.memref_slice %arg5[%add3A, %dma_start3A_365] : memref<4x128xf32, #tpu.memory_space<hbm>> -> memref<1x128xf32, #tpu.memory_space<hbm>>
        %dma_start3A_367 = tpu.memref_squeeze %dma_start3A_366 : memref<1x128xf32, #tpu.memory_space<hbm>> -> memref<128xf32, #tpu.memory_space<hbm>>
        %dma_start3A_368 = arith.constant 0 : i32
        %dma_start3A_369 = tpu.memref_slice %arg5[%add3A, %dma_start3A_368] : memref<4x128xf32, #tpu.memory_space<hbm>> -> memref<1x128xf32, #tpu.memory_space<hbm>>
        %dma_start3A_370 = tpu.memref_squeeze %dma_start3A_369 : memref<1x128xf32, #tpu.memory_space<hbm>> -> memref<128xf32, #tpu.memory_space<hbm>>
        tpu.enqueue_dma source(%arg8 : memref<128xf32, #tpu.memory_space<vmem>>) target(%dma_start3A_370 : memref<128xf32, #tpu.memory_space<hbm>>) target_semaphore(%run_scoped3A : memref<!tpu.dma_semaphore, #tpu.memory_space<semaphore_mem>>)
        %dma_wait3A_371 = arith.constant 0 : i32
        %dma_wait3A_372 = tpu.memref_slice %arg5[%add3A, %dma_wait3A_371] : memref<4x128xf32, #tpu.memory_space<hbm>> -> memref<1x128xf32, #tpu.memory_space<hbm>>
        %dma_wait3A_373 = tpu.memref_squeeze %dma_wait3A_372 : memref<1x128xf32, #tpu.memory_space<hbm>> -> memref<128xf32, #tpu.memory_space<hbm>>
        %dma_wait3A_374 = arith.constant 0 : i32
        %dma_wait3A_375 = tpu.memref_slice %arg5[%add3A, %dma_wait3A_374] : memref<4x128xf32, #tpu.memory_space<hbm>> -> memref<1x128xf32, #tpu.memory_space<hbm>>
        %dma_wait3A_376 = tpu.memref_squeeze %dma_wait3A_375 : memref<1x128xf32, #tpu.memory_space<hbm>> -> memref<128xf32, #tpu.memory_space<hbm>>
        tpu.wait_dma2 semaphore(%run_scoped3A : memref<!tpu.dma_semaphore, #tpu.memory_space<semaphore_mem>>) src(%arg8 : memref<128xf32, #tpu.memory_space<vmem>>) dst(%dma_wait3A_376 : memref<128xf32, #tpu.memory_space<hbm>>)
        tpu.yield
      }) : () -> ()
    } else {
    }
    return
  }
}

#map = affine_map<(d0, d1) -> (0, 0)>
module attributes {stable_mosaic.version = 14 : i64} {
  func.func @sc_pool(%arg0: i32, %arg1: i32, %arg2: memref<416x128xf32, #tpu.memory_space<hbm>>, %arg3: memref<4x128xf32, #tpu.memory_space<hbm>>, %arg4: memref<512x128xf32, #tpu.memory_space<hbm>>, %arg5: memref<4x128xf32, #tpu.memory_space<hbm>>, %arg6: memref<128xf32, #tpu.memory_space<vmem>>, %arg7: memref<128xi32, #tpu.memory_space<vmem>>, %arg8: memref<128xf32, #tpu.memory_space<vmem>>, %arg9: memref<128x128xf32, #tpu.memory_space<vmem>>, %arg10: memref<!tpu.dma_semaphore, #tpu.memory_space<semaphore_mem>>) attributes {dimension_semantics = [#tpu.dimension_semantics<core_parallel>, #tpu.dimension_semantics<subcore_parallel>], iteration_bounds = array<i64: 2, 16>, scalar_prefetch = 0 : i64, scratch_operands = 5 : i64, tpu.core_type = #tpu.core_type<sc_vector_subcore>, window_params = [{transform_indices = #map}, {transform_indices = #map}, {transform_indices = #map}, {transform_indices = #map}]} {
    %mul3A = arith.constant 2 : i32
    %mul3A_0 = arith.muli %arg1, %mul3A : i32
    %add3A = arith.addi %mul3A_0, %arg0 : i32
    %lt3A = arith.constant 4 : i32
    %lt3A_1 = arith.cmpi slt, %add3A, %lt3A : i32
    %convert_element_type3A = arith.extui %lt3A_1 : i1 to i32
    %cond3A = arith.constant 0 : i32
    %cond3A_2 = arith.cmpi ne, %convert_element_type3A, %cond3A : i32
    scf.if %cond3A_2 {
      %mul3A_3 = arith.constant 104 : i32
      %mul3A_4 = arith.muli %add3A, %mul3A_3 : i32
      "tpu.region"() ({
        %run_scoped3A = tpu.sem_alloc : memref<!tpu.dma_semaphore, #tpu.memory_space<semaphore_mem>>
        %dma_start3A_333 = arith.constant 0 : i32
        %dma_start3A_334 = tpu.memref_slice %arg3[%add3A, %dma_start3A_333] : memref<4x128xf32, #tpu.memory_space<hbm>> -> memref<1x128xf32, #tpu.memory_space<hbm>>
        %dma_start3A_335 = tpu.memref_squeeze %dma_start3A_334 : memref<1x128xf32, #tpu.memory_space<hbm>> -> memref<128xf32, #tpu.memory_space<hbm>>
        %dma_start3A_336 = arith.constant 0 : i32
        %dma_start3A_337 = tpu.memref_slice %arg3[%add3A, %dma_start3A_336] : memref<4x128xf32, #tpu.memory_space<hbm>> -> memref<1x128xf32, #tpu.memory_space<hbm>>
        %dma_start3A_338 = tpu.memref_squeeze %dma_start3A_337 : memref<1x128xf32, #tpu.memory_space<hbm>> -> memref<128xf32, #tpu.memory_space<hbm>>
        tpu.enqueue_dma source(%dma_start3A_338 : memref<128xf32, #tpu.memory_space<hbm>>) target(%arg6 : memref<128xf32, #tpu.memory_space<vmem>>) target_semaphore(%run_scoped3A : memref<!tpu.dma_semaphore, #tpu.memory_space<semaphore_mem>>)
        %dma_wait3A_339 = arith.constant 0 : i32
        %dma_wait3A_340 = tpu.memref_slice %arg3[%add3A, %dma_wait3A_339] : memref<4x128xf32, #tpu.memory_space<hbm>> -> memref<1x128xf32, #tpu.memory_space<hbm>>
        %dma_wait3A_341 = tpu.memref_squeeze %dma_wait3A_340 : memref<1x128xf32, #tpu.memory_space<hbm>> -> memref<128xf32, #tpu.memory_space<hbm>>
        %dma_wait3A_342 = arith.constant 0 : i32
        %dma_wait3A_343 = tpu.memref_slice %arg3[%add3A, %dma_wait3A_342] : memref<4x128xf32, #tpu.memory_space<hbm>> -> memref<1x128xf32, #tpu.memory_space<hbm>>
        %dma_wait3A_344 = tpu.memref_squeeze %dma_wait3A_343 : memref<1x128xf32, #tpu.memory_space<hbm>> -> memref<128xf32, #tpu.memory_space<hbm>>
        tpu.wait_dma2 semaphore(%run_scoped3A : memref<!tpu.dma_semaphore, #tpu.memory_space<semaphore_mem>>) src(%dma_wait3A_344 : memref<128xf32, #tpu.memory_space<hbm>>) dst(%arg6 : memref<128xf32, #tpu.memory_space<vmem>>)
        tpu.yield
      }) : () -> ()
      %iota3A = tpu.iota {dimensions = array<i32: 0>} : vector<16xi32>
      %get3A = arith.constant 0 : index
      %get3A_5 = tpu.vector_load %arg6[%get3A] {strides = array<i32>} : memref<128xf32, #tpu.memory_space<vmem>>, vector<16xf32>,
      %neg3A = arith.constant 0.000000e+00 : f32
      %neg3A_6 = vector.broadcast %neg3A : f32 to vector<16xf32>
      %neg3A_7 = arith.subf %neg3A_6, %get3A_5 : vector<16xf32>
      %mul3A_8 = arith.constant 0.00999999977 : f32
      %mul3A_9 = vector.broadcast %mul3A_8 : f32 to vector<16xf32>
      %mul3A_10 = arith.mulf %neg3A_7, %mul3A_9 : vector<16xf32>
      %exp3A = math.exp %mul3A_10 : vector<16xf32>
      %add3A_11 = arith.constant 1.000000e+00 : f32
      %add3A_12 = vector.broadcast %add3A_11 : f32 to vector<16xf32>
      %add3A_13 = arith.addf %add3A_12, %exp3A : vector<16xf32>
      %div3A = arith.constant 1.000000e+00 : f32
      %div3A_14 = vector.broadcast %div3A : f32 to vector<16xf32>
      %div3A_15 = arith.divf %div3A_14, %add3A_13 : vector<16xf32>
      %swap3A = arith.constant 0 : index
      %swap3A_16 = tpu.vector_load %arg6[%swap3A] {strides = array<i32>} : memref<128xf32, #tpu.memory_space<vmem>>, vector<16xf32>,
      tpu.vector_store %arg6[%swap3A], %div3A_15 {strides = array<i32>} : memref<128xf32, #tpu.memory_space<vmem>>, vector<16xf32>,
      %get3A_17 = arith.constant 16 : index
      %get3A_18 = tpu.vector_load %arg6[%get3A_17] {strides = array<i32>} : memref<128xf32, #tpu.memory_space<vmem>>, vector<16xf32>,
      %neg3A_19 = arith.constant 0.000000e+00 : f32
      %neg3A_20 = vector.broadcast %neg3A_19 : f32 to vector<16xf32>
      %neg3A_21 = arith.subf %neg3A_20, %get3A_18 : vector<16xf32>
      %mul3A_22 = arith.constant 0.00999999977 : f32
      %mul3A_23 = vector.broadcast %mul3A_22 : f32 to vector<16xf32>
      %mul3A_24 = arith.mulf %neg3A_21, %mul3A_23 : vector<16xf32>
      %exp3A_25 = math.exp %mul3A_24 : vector<16xf32>
      %add3A_26 = arith.constant 1.000000e+00 : f32
      %add3A_27 = vector.broadcast %add3A_26 : f32 to vector<16xf32>
      %add3A_28 = arith.addf %add3A_27, %exp3A_25 : vector<16xf32>
      %div3A_29 = arith.constant 1.000000e+00 : f32
      %div3A_30 = vector.broadcast %div3A_29 : f32 to vector<16xf32>
      %div3A_31 = arith.divf %div3A_30, %add3A_28 : vector<16xf32>
      %swap3A_32 = arith.constant 16 : index
      %swap3A_33 = tpu.vector_load %arg6[%swap3A_32] {strides = array<i32>} : memref<128xf32, #tpu.memory_space<vmem>>, vector<16xf32>,
      tpu.vector_store %arg6[%swap3A_32], %div3A_31 {strides = array<i32>} : memref<128xf32, #tpu.memory_space<vmem>>, vector<16xf32>,
      %get3A_34 = arith.constant 32 : index
      %get3A_35 = tpu.vector_load %arg6[%get3A_34] {strides = array<i32>} : memref<128xf32, #tpu.memory_space<vmem>>, vector<16xf32>,
      %neg3A_36 = arith.constant 0.000000e+00 : f32
      %neg3A_37 = vector.broadcast %neg3A_36 : f32 to vector<16xf32>
      %neg3A_38 = arith.subf %neg3A_37, %get3A_35 : vector<16xf32>
      %mul3A_39 = arith.constant 0.00999999977 : f32
      %mul3A_40 = vector.broadcast %mul3A_39 : f32 to vector<16xf32>
      %mul3A_41 = arith.mulf %neg3A_38, %mul3A_40 : vector<16xf32>
      %exp3A_42 = math.exp %mul3A_41 : vector<16xf32>
      %add3A_43 = arith.constant 1.000000e+00 : f32
      %add3A_44 = vector.broadcast %add3A_43 : f32 to vector<16xf32>
      %add3A_45 = arith.addf %add3A_44, %exp3A_42 : vector<16xf32>
      %div3A_46 = arith.constant 1.000000e+00 : f32
      %div3A_47 = vector.broadcast %div3A_46 : f32 to vector<16xf32>
      %div3A_48 = arith.divf %div3A_47, %add3A_45 : vector<16xf32>
      %swap3A_49 = arith.constant 32 : index
      %swap3A_50 = tpu.vector_load %arg6[%swap3A_49] {strides = array<i32>} : memref<128xf32, #tpu.memory_space<vmem>>, vector<16xf32>,
      tpu.vector_store %arg6[%swap3A_49], %div3A_48 {strides = array<i32>} : memref<128xf32, #tpu.memory_space<vmem>>, vector<16xf32>,
      %get3A_51 = arith.constant 48 : index
      %get3A_52 = tpu.vector_load %arg6[%get3A_51] {strides = array<i32>} : memref<128xf32, #tpu.memory_space<vmem>>, vector<16xf32>,
      %neg3A_53 = arith.constant 0.000000e+00 : f32
      %neg3A_54 = vector.broadcast %neg3A_53 : f32 to vector<16xf32>
      %neg3A_55 = arith.subf %neg3A_54, %get3A_52 : vector<16xf32>
      %mul3A_56 = arith.constant 0.00999999977 : f32
      %mul3A_57 = vector.broadcast %mul3A_56 : f32 to vector<16xf32>
      %mul3A_58 = arith.mulf %neg3A_55, %mul3A_57 : vector<16xf32>
      %exp3A_59 = math.exp %mul3A_58 : vector<16xf32>
      %add3A_60 = arith.constant 1.000000e+00 : f32
      %add3A_61 = vector.broadcast %add3A_60 : f32 to vector<16xf32>
      %add3A_62 = arith.addf %add3A_61, %exp3A_59 : vector<16xf32>
      %div3A_63 = arith.constant 1.000000e+00 : f32
      %div3A_64 = vector.broadcast %div3A_63 : f32 to vector<16xf32>
      %div3A_65 = arith.divf %div3A_64, %add3A_62 : vector<16xf32>
      %swap3A_66 = arith.constant 48 : index
      %swap3A_67 = tpu.vector_load %arg6[%swap3A_66] {strides = array<i32>} : memref<128xf32, #tpu.memory_space<vmem>>, vector<16xf32>,
      tpu.vector_store %arg6[%swap3A_66], %div3A_65 {strides = array<i32>} : memref<128xf32, #tpu.memory_space<vmem>>, vector<16xf32>,
      %get3A_68 = arith.constant 64 : index
      %get3A_69 = tpu.vector_load %arg6[%get3A_68] {strides = array<i32>} : memref<128xf32, #tpu.memory_space<vmem>>, vector<16xf32>,
      %neg3A_70 = arith.constant 0.000000e+00 : f32
      %neg3A_71 = vector.broadcast %neg3A_70 : f32 to vector<16xf32>
      %neg3A_72 = arith.subf %neg3A_71, %get3A_69 : vector<16xf32>
      %mul3A_73 = arith.constant 0.00999999977 : f32
      %mul3A_74 = vector.broadcast %mul3A_73 : f32 to vector<16xf32>
      %mul3A_75 = arith.mulf %neg3A_72, %mul3A_74 : vector<16xf32>
      %exp3A_76 = math.exp %mul3A_75 : vector<16xf32>
      %add3A_77 = arith.constant 1.000000e+00 : f32
      %add3A_78 = vector.broadcast %add3A_77 : f32 to vector<16xf32>
      %add3A_79 = arith.addf %add3A_78, %exp3A_76 : vector<16xf32>
      %div3A_80 = arith.constant 1.000000e+00 : f32
      %div3A_81 = vector.broadcast %div3A_80 : f32 to vector<16xf32>
      %div3A_82 = arith.divf %div3A_81, %add3A_79 : vector<16xf32>
      %swap3A_83 = arith.constant 64 : index
      %swap3A_84 = tpu.vector_load %arg6[%swap3A_83] {strides = array<i32>} : memref<128xf32, #tpu.memory_space<vmem>>, vector<16xf32>,
      tpu.vector_store %arg6[%swap3A_83], %div3A_82 {strides = array<i32>} : memref<128xf32, #tpu.memory_space<vmem>>, vector<16xf32>,
      %get3A_85 = arith.constant 80 : index
      %get3A_86 = tpu.vector_load %arg6[%get3A_85] {strides = array<i32>} : memref<128xf32, #tpu.memory_space<vmem>>, vector<16xf32>,
      %neg3A_87 = arith.constant 0.000000e+00 : f32
      %neg3A_88 = vector.broadcast %neg3A_87 : f32 to vector<16xf32>
      %neg3A_89 = arith.subf %neg3A_88, %get3A_86 : vector<16xf32>
      %mul3A_90 = arith.constant 0.00999999977 : f32
      %mul3A_91 = vector.broadcast %mul3A_90 : f32 to vector<16xf32>
      %mul3A_92 = arith.mulf %neg3A_89, %mul3A_91 : vector<16xf32>
      %exp3A_93 = math.exp %mul3A_92 : vector<16xf32>
      %add3A_94 = arith.constant 1.000000e+00 : f32
      %add3A_95 = vector.broadcast %add3A_94 : f32 to vector<16xf32>
      %add3A_96 = arith.addf %add3A_95, %exp3A_93 : vector<16xf32>
      %div3A_97 = arith.constant 1.000000e+00 : f32
      %div3A_98 = vector.broadcast %div3A_97 : f32 to vector<16xf32>
      %div3A_99 = arith.divf %div3A_98, %add3A_96 : vector<16xf32>
      %swap3A_100 = arith.constant 80 : index
      %swap3A_101 = tpu.vector_load %arg6[%swap3A_100] {strides = array<i32>} : memref<128xf32, #tpu.memory_space<vmem>>, vector<16xf32>,
      tpu.vector_store %arg6[%swap3A_100], %div3A_99 {strides = array<i32>} : memref<128xf32, #tpu.memory_space<vmem>>, vector<16xf32>,
      %get3A_102 = arith.constant 96 : index
      %get3A_103 = tpu.vector_load %arg6[%get3A_102] {strides = array<i32>} : memref<128xf32, #tpu.memory_space<vmem>>, vector<16xf32>,
      %neg3A_104 = arith.constant 0.000000e+00 : f32
      %neg3A_105 = vector.broadcast %neg3A_104 : f32 to vector<16xf32>
      %neg3A_106 = arith.subf %neg3A_105, %get3A_103 : vector<16xf32>
      %mul3A_107 = arith.constant 0.00999999977 : f32
      %mul3A_108 = vector.broadcast %mul3A_107 : f32 to vector<16xf32>
      %mul3A_109 = arith.mulf %neg3A_106, %mul3A_108 : vector<16xf32>
      %exp3A_110 = math.exp %mul3A_109 : vector<16xf32>
      %add3A_111 = arith.constant 1.000000e+00 : f32
      %add3A_112 = vector.broadcast %add3A_111 : f32 to vector<16xf32>
      %add3A_113 = arith.addf %add3A_112, %exp3A_110 : vector<16xf32>
      %div3A_114 = arith.constant 1.000000e+00 : f32
      %div3A_115 = vector.broadcast %div3A_114 : f32 to vector<16xf32>
      %div3A_116 = arith.divf %div3A_115, %add3A_113 : vector<16xf32>
      %swap3A_117 = arith.constant 96 : index
      %swap3A_118 = tpu.vector_load %arg6[%swap3A_117] {strides = array<i32>} : memref<128xf32, #tpu.memory_space<vmem>>, vector<16xf32>,
      tpu.vector_store %arg6[%swap3A_117], %div3A_116 {strides = array<i32>} : memref<128xf32, #tpu.memory_space<vmem>>, vector<16xf32>,
      %get3A_119 = arith.constant 112 : index
      %get3A_120 = tpu.vector_load %arg6[%get3A_119] {strides = array<i32>} : memref<128xf32, #tpu.memory_space<vmem>>, vector<16xf32>,
      %neg3A_121 = arith.constant 0.000000e+00 : f32
      %neg3A_122 = vector.broadcast %neg3A_121 : f32 to vector<16xf32>
      %neg3A_123 = arith.subf %neg3A_122, %get3A_120 : vector<16xf32>
      %mul3A_124 = arith.constant 0.00999999977 : f32
      %mul3A_125 = vector.broadcast %mul3A_124 : f32 to vector<16xf32>
      %mul3A_126 = arith.mulf %neg3A_123, %mul3A_125 : vector<16xf32>
      %exp3A_127 = math.exp %mul3A_126 : vector<16xf32>
      %add3A_128 = arith.constant 1.000000e+00 : f32
      %add3A_129 = vector.broadcast %add3A_128 : f32 to vector<16xf32>
      %add3A_130 = arith.addf %add3A_129, %exp3A_127 : vector<16xf32>
      %div3A_131 = arith.constant 1.000000e+00 : f32
      %div3A_132 = vector.broadcast %div3A_131 : f32 to vector<16xf32>
      %div3A_133 = arith.divf %div3A_132, %add3A_130 : vector<16xf32>
      %swap3A_134 = arith.constant 112 : index
      %swap3A_135 = tpu.vector_load %arg6[%swap3A_134] {strides = array<i32>} : memref<128xf32, #tpu.memory_space<vmem>>, vector<16xf32>,
      tpu.vector_store %arg6[%swap3A_134], %div3A_133 {strides = array<i32>} : memref<128xf32, #tpu.memory_space<vmem>>, vector<16xf32>,
      %broadcast_in_dim3A = arith.constant 0 : i32
      %broadcast_in_dim3A_136 = vector.broadcast %broadcast_in_dim3A : i32 to vector<16xi32>
      %add3A_137 = vector.broadcast %mul3A_4 : i32 to vector<16xi32>
      %add3A_138 = arith.addi %broadcast_in_dim3A_136, %add3A_137 : vector<16xi32>
      %swap3A_139 = arith.constant 0 : index
      %swap3A_140 = tpu.vector_load %arg7[%swap3A_139] {strides = array<i32>} : memref<128xi32, #tpu.memory_space<vmem>>, vector<16xi32>,
      tpu.vector_store %arg7[%swap3A_139], %add3A_138 {strides = array<i32>} : memref<128xi32, #tpu.memory_space<vmem>>, vector<16xi32>,
      %broadcast_in_dim3A_141 = arith.constant 0.000000e+00 : f32
      %broadcast_in_dim3A_142 = vector.broadcast %broadcast_in_dim3A_141 : f32 to vector<16xf32>
      %swap3A_143 = arith.constant 0 : index
      %swap3A_144 = tpu.vector_load %arg8[%swap3A_143] {strides = array<i32>} : memref<128xf32, #tpu.memory_space<vmem>>, vector<16xf32>,
      tpu.vector_store %arg8[%swap3A_143], %broadcast_in_dim3A_142 {strides = array<i32>} : memref<128xf32, #tpu.memory_space<vmem>>, vector<16xf32>,
      %broadcast_in_dim3A_145 = arith.constant 0 : i32
      %broadcast_in_dim3A_146 = vector.broadcast %broadcast_in_dim3A_145 : i32 to vector<16xi32>
      %add3A_147 = vector.broadcast %mul3A_4 : i32 to vector<16xi32>
      %add3A_148 = arith.addi %broadcast_in_dim3A_146, %add3A_147 : vector<16xi32>
      %swap3A_149 = arith.constant 16 : index
      %swap3A_150 = tpu.vector_load %arg7[%swap3A_149] {strides = array<i32>} : memref<128xi32, #tpu.memory_space<vmem>>, vector<16xi32>,
      tpu.vector_store %arg7[%swap3A_149], %add3A_148 {strides = array<i32>} : memref<128xi32, #tpu.memory_space<vmem>>, vector<16xi32>,
      %broadcast_in_dim3A_151 = arith.constant 0.000000e+00 : f32
      %broadcast_in_dim3A_152 = vector.broadcast %broadcast_in_dim3A_151 : f32 to vector<16xf32>
      %swap3A_153 = arith.constant 16 : index
      %swap3A_154 = tpu.vector_load %arg8[%swap3A_153] {strides = array<i32>} : memref<128xf32, #tpu.memory_space<vmem>>, vector<16xf32>,
      tpu.vector_store %arg8[%swap3A_153], %broadcast_in_dim3A_152 {strides = array<i32>} : memref<128xf32, #tpu.memory_space<vmem>>, vector<16xf32>,
      %broadcast_in_dim3A_155 = arith.constant 0 : i32
      %broadcast_in_dim3A_156 = vector.broadcast %broadcast_in_dim3A_155 : i32 to vector<16xi32>
      %add3A_157 = vector.broadcast %mul3A_4 : i32 to vector<16xi32>
      %add3A_158 = arith.addi %broadcast_in_dim3A_156, %add3A_157 : vector<16xi32>
      %swap3A_159 = arith.constant 32 : index
      %swap3A_160 = tpu.vector_load %arg7[%swap3A_159] {strides = array<i32>} : memref<128xi32, #tpu.memory_space<vmem>>, vector<16xi32>,
      tpu.vector_store %arg7[%swap3A_159], %add3A_158 {strides = array<i32>} : memref<128xi32, #tpu.memory_space<vmem>>, vector<16xi32>,
      %broadcast_in_dim3A_161 = arith.constant 0.000000e+00 : f32
      %broadcast_in_dim3A_162 = vector.broadcast %broadcast_in_dim3A_161 : f32 to vector<16xf32>
      %swap3A_163 = arith.constant 32 : index
      %swap3A_164 = tpu.vector_load %arg8[%swap3A_163] {strides = array<i32>} : memref<128xf32, #tpu.memory_space<vmem>>, vector<16xf32>,
      tpu.vector_store %arg8[%swap3A_163], %broadcast_in_dim3A_162 {strides = array<i32>} : memref<128xf32, #tpu.memory_space<vmem>>, vector<16xf32>,
      %broadcast_in_dim3A_165 = arith.constant 0 : i32
      %broadcast_in_dim3A_166 = vector.broadcast %broadcast_in_dim3A_165 : i32 to vector<16xi32>
      %add3A_167 = vector.broadcast %mul3A_4 : i32 to vector<16xi32>
      %add3A_168 = arith.addi %broadcast_in_dim3A_166, %add3A_167 : vector<16xi32>
      %swap3A_169 = arith.constant 48 : index
      %swap3A_170 = tpu.vector_load %arg7[%swap3A_169] {strides = array<i32>} : memref<128xi32, #tpu.memory_space<vmem>>, vector<16xi32>,
      tpu.vector_store %arg7[%swap3A_169], %add3A_168 {strides = array<i32>} : memref<128xi32, #tpu.memory_space<vmem>>, vector<16xi32>,
      %broadcast_in_dim3A_171 = arith.constant 0.000000e+00 : f32
      %broadcast_in_dim3A_172 = vector.broadcast %broadcast_in_dim3A_171 : f32 to vector<16xf32>
      %swap3A_173 = arith.constant 48 : index
      %swap3A_174 = tpu.vector_load %arg8[%swap3A_173] {strides = array<i32>} : memref<128xf32, #tpu.memory_space<vmem>>, vector<16xf32>,
      tpu.vector_store %arg8[%swap3A_173], %broadcast_in_dim3A_172 {strides = array<i32>} : memref<128xf32, #tpu.memory_space<vmem>>, vector<16xf32>,
      %broadcast_in_dim3A_175 = arith.constant 0 : i32
      %broadcast_in_dim3A_176 = vector.broadcast %broadcast_in_dim3A_175 : i32 to vector<16xi32>
      %add3A_177 = vector.broadcast %mul3A_4 : i32 to vector<16xi32>
      %add3A_178 = arith.addi %broadcast_in_dim3A_176, %add3A_177 : vector<16xi32>
      %swap3A_179 = arith.constant 64 : index
      %swap3A_180 = tpu.vector_load %arg7[%swap3A_179] {strides = array<i32>} : memref<128xi32, #tpu.memory_space<vmem>>, vector<16xi32>,
      tpu.vector_store %arg7[%swap3A_179], %add3A_178 {strides = array<i32>} : memref<128xi32, #tpu.memory_space<vmem>>, vector<16xi32>,
      %broadcast_in_dim3A_181 = arith.constant 0.000000e+00 : f32
      %broadcast_in_dim3A_182 = vector.broadcast %broadcast_in_dim3A_181 : f32 to vector<16xf32>
      %swap3A_183 = arith.constant 64 : index
      %swap3A_184 = tpu.vector_load %arg8[%swap3A_183] {strides = array<i32>} : memref<128xf32, #tpu.memory_space<vmem>>, vector<16xf32>,
      tpu.vector_store %arg8[%swap3A_183], %broadcast_in_dim3A_182 {strides = array<i32>} : memref<128xf32, #tpu.memory_space<vmem>>, vector<16xf32>,
      %broadcast_in_dim3A_185 = arith.constant 0 : i32
      %broadcast_in_dim3A_186 = vector.broadcast %broadcast_in_dim3A_185 : i32 to vector<16xi32>
      %add3A_187 = vector.broadcast %mul3A_4 : i32 to vector<16xi32>
      %add3A_188 = arith.addi %broadcast_in_dim3A_186, %add3A_187 : vector<16xi32>
      %swap3A_189 = arith.constant 80 : index
      %swap3A_190 = tpu.vector_load %arg7[%swap3A_189] {strides = array<i32>} : memref<128xi32, #tpu.memory_space<vmem>>, vector<16xi32>,
      tpu.vector_store %arg7[%swap3A_189], %add3A_188 {strides = array<i32>} : memref<128xi32, #tpu.memory_space<vmem>>, vector<16xi32>,
      %broadcast_in_dim3A_191 = arith.constant 0.000000e+00 : f32
      %broadcast_in_dim3A_192 = vector.broadcast %broadcast_in_dim3A_191 : f32 to vector<16xf32>
      %swap3A_193 = arith.constant 80 : index
      %swap3A_194 = tpu.vector_load %arg8[%swap3A_193] {strides = array<i32>} : memref<128xf32, #tpu.memory_space<vmem>>, vector<16xf32>,
      tpu.vector_store %arg8[%swap3A_193], %broadcast_in_dim3A_192 {strides = array<i32>} : memref<128xf32, #tpu.memory_space<vmem>>, vector<16xf32>,
      %broadcast_in_dim3A_195 = arith.constant 0 : i32
      %broadcast_in_dim3A_196 = vector.broadcast %broadcast_in_dim3A_195 : i32 to vector<16xi32>
      %add3A_197 = vector.broadcast %mul3A_4 : i32 to vector<16xi32>
      %add3A_198 = arith.addi %broadcast_in_dim3A_196, %add3A_197 : vector<16xi32>
      %swap3A_199 = arith.constant 96 : index
      %swap3A_200 = tpu.vector_load %arg7[%swap3A_199] {strides = array<i32>} : memref<128xi32, #tpu.memory_space<vmem>>, vector<16xi32>,
      tpu.vector_store %arg7[%swap3A_199], %add3A_198 {strides = array<i32>} : memref<128xi32, #tpu.memory_space<vmem>>, vector<16xi32>,
      %broadcast_in_dim3A_201 = arith.constant 0.000000e+00 : f32
      %broadcast_in_dim3A_202 = vector.broadcast %broadcast_in_dim3A_201 : f32 to vector<16xf32>
      %swap3A_203 = arith.constant 96 : index
      %swap3A_204 = tpu.vector_load %arg8[%swap3A_203] {strides = array<i32>} : memref<128xf32, #tpu.memory_space<vmem>>, vector<16xf32>,
      tpu.vector_store %arg8[%swap3A_203], %broadcast_in_dim3A_202 {strides = array<i32>} : memref<128xf32, #tpu.memory_space<vmem>>, vector<16xf32>,
      %broadcast_in_dim3A_205 = arith.constant 0 : i32
      %broadcast_in_dim3A_206 = vector.broadcast %broadcast_in_dim3A_205 : i32 to vector<16xi32>
      %add3A_207 = vector.broadcast %mul3A_4 : i32 to vector<16xi32>
      %add3A_208 = arith.addi %broadcast_in_dim3A_206, %add3A_207 : vector<16xi32>
      %swap3A_209 = arith.constant 112 : index
      %swap3A_210 = tpu.vector_load %arg7[%swap3A_209] {strides = array<i32>} : memref<128xi32, #tpu.memory_space<vmem>>, vector<16xi32>,
      tpu.vector_store %arg7[%swap3A_209], %add3A_208 {strides = array<i32>} : memref<128xi32, #tpu.memory_space<vmem>>, vector<16xi32>,
      %broadcast_in_dim3A_211 = arith.constant 0.000000e+00 : f32
      %broadcast_in_dim3A_212 = vector.broadcast %broadcast_in_dim3A_211 : f32 to vector<16xf32>
      %swap3A_213 = arith.constant 112 : index
      %swap3A_214 = tpu.vector_load %arg8[%swap3A_213] {strides = array<i32>} : memref<128xf32, #tpu.memory_space<vmem>>, vector<16xf32>,
      tpu.vector_store %arg8[%swap3A_213], %broadcast_in_dim3A_212 {strides = array<i32>} : memref<128xf32, #tpu.memory_space<vmem>>, vector<16xf32>,
      %get3A_215 = arith.constant 0 : index
      %get3A_216 = tpu.vector_load %arg6[%get3A_215] {strides = array<i32>} : memref<128xf32, #tpu.memory_space<vmem>>, vector<16xf32>,
      %get3A_217 = arith.constant 16 : index
      %get3A_218 = tpu.vector_load %arg6[%get3A_217] {strides = array<i32>} : memref<128xf32, #tpu.memory_space<vmem>>, vector<16xf32>,
      %get3A_219 = arith.constant 32 : index
      %get3A_220 = tpu.vector_load %arg6[%get3A_219] {strides = array<i32>} : memref<128xf32, #tpu.memory_space<vmem>>, vector<16xf32>,
      %get3A_221 = arith.constant 48 : index
      %get3A_222 = tpu.vector_load %arg6[%get3A_221] {strides = array<i32>} : memref<128xf32, #tpu.memory_space<vmem>>, vector<16xf32>,
      %get3A_223 = arith.constant 64 : index
      %get3A_224 = tpu.vector_load %arg6[%get3A_223] {strides = array<i32>} : memref<128xf32, #tpu.memory_space<vmem>>, vector<16xf32>,
      %add3A_225 = arith.constant 0 : i32
      %add3A_226 = vector.broadcast %add3A_225 : i32 to vector<16xi32>
      %add3A_227 = arith.addi %iota3A, %add3A_226 : vector<16xi32>
      %add3A_228 = arith.constant 16 : i32
      %add3A_229 = vector.broadcast %add3A_228 : i32 to vector<16xi32>
      %add3A_230 = arith.addi %iota3A, %add3A_229 : vector<16xi32>
      %add3A_231 = arith.constant 32 : i32
      %add3A_232 = vector.broadcast %add3A_231 : i32 to vector<16xi32>
      %add3A_233 = arith.addi %iota3A, %add3A_232 : vector<16xi32>
      %add3A_234 = arith.constant 48 : i32
      %add3A_235 = vector.broadcast %add3A_234 : i32 to vector<16xi32>
      %add3A_236 = arith.addi %iota3A, %add3A_235 : vector<16xi32>
      %add3A_237 = arith.constant 64 : i32
      %add3A_238 = vector.broadcast %add3A_237 : i32 to vector<16xi32>
      %add3A_239 = arith.addi %iota3A, %add3A_238 : vector<16xi32>
      %broadcast_in_dim3A_240 = arith.constant 0 : i32
      %broadcast_in_dim3A_241 = vector.broadcast %broadcast_in_dim3A_240 : i32 to vector<16xi32>
      %broadcast_in_dim3A_242 = arith.constant 0 : i32
      %broadcast_in_dim3A_243 = vector.broadcast %broadcast_in_dim3A_242 : i32 to vector<16xi32>
      %broadcast_in_dim3A_244 = arith.constant 0 : i32
      %broadcast_in_dim3A_245 = vector.broadcast %broadcast_in_dim3A_244 : i32 to vector<16xi32>
      %broadcast_in_dim3A_246 = arith.constant 0 : i32
      %broadcast_in_dim3A_247 = vector.broadcast %broadcast_in_dim3A_246 : i32 to vector<16xi32>
      %broadcast_in_dim3A_248 = arith.constant 0 : i32
      %broadcast_in_dim3A_249 = vector.broadcast %broadcast_in_dim3A_248 : i32 to vector<16xi32>
      %scan3A = arith.constant 0 : i32
      %scan3A_250 = arith.constant 72 : i32
      %scan3A_251 = arith.addi %scan3A, %scan3A_250 : i32
      %scan3A_252 = arith.constant 1 : i32
      %scan3A_253:5 = scf.for %scan3A_333 = %scan3A to %scan3A_251 step %scan3A_252 iter_args(%scan3A_334 = %broadcast_in_dim3A_241, %scan3A_335 = %broadcast_in_dim3A_243, %scan3A_336 = %broadcast_in_dim3A_245, %scan3A_337 = %broadcast_in_dim3A_247, %scan3A_338 = %broadcast_in_dim3A_249) -> (vector<16xi32>, vector<16xi32>, vector<16xi32>, vector<16xi32>, vector<16xi32>)  : i32 {
        %broadcast_in_dim3A_339 = arith.constant 0 : i32
        %broadcast_in_dim3A_340 = vector.broadcast %broadcast_in_dim3A_339 : i32 to vector<16xi32>
        %add3A_341 = vector.broadcast %scan3A_333 : i32 to vector<16xi32>
        %add3A_342 = arith.addi %broadcast_in_dim3A_340, %add3A_341 : vector<16xi32>
        %gather3A_343 = tpu.vector_load_idx %arg6[%add3A_342] : memref<128xf32, #tpu.memory_space<vmem>>[vector<16xi32>], vector<16xf32>,
        %gt3A = arith.cmpf ogt, %gather3A_343, %get3A_216 : vector<16xf32>
        %eq3A = arith.cmpf oeq, %gather3A_343, %get3A_216 : vector<16xf32>
        %lt3A_344 = vector.broadcast %scan3A_333 : i32 to vector<16xi32>
        %lt3A_345 = arith.cmpi slt, %lt3A_344, %add3A_227 : vector<16xi32>
        %and3A_346 = arith.andi %eq3A, %lt3A_345 : vector<16xi1>
        %or3A = arith.ori %gt3A, %and3A_346 : vector<16xi1>
        %convert_element_type3A_347 = arith.extui %or3A : vector<16xi1> to vector<16xi32>
        %add3A_348 = arith.addi %scan3A_334, %convert_element_type3A_347 : vector<16xi32>
        %gt3A_349 = arith.cmpf ogt, %gather3A_343, %get3A_218 : vector<16xf32>
        %eq3A_350 = arith.cmpf oeq, %gather3A_343, %get3A_218 : vector<16xf32>
        %lt3A_351 = vector.broadcast %scan3A_333 : i32 to vector<16xi32>
        %lt3A_352 = arith.cmpi slt, %lt3A_351, %add3A_230 : vector<16xi32>
        %and3A_353 = arith.andi %eq3A_350, %lt3A_352 : vector<16xi1>
        %or3A_354 = arith.ori %gt3A_349, %and3A_353 : vector<16xi1>
        %convert_element_type3A_355 = arith.extui %or3A_354 : vector<16xi1> to vector<16xi32>
        %add3A_356 = arith.addi %scan3A_335, %convert_element_type3A_355 : vector<16xi32>
        %gt3A_357 = arith.cmpf ogt, %gather3A_343, %get3A_220 : vector<16xf32>
        %eq3A_358 = arith.cmpf oeq, %gather3A_343, %get3A_220 : vector<16xf32>
        %lt3A_359 = vector.broadcast %scan3A_333 : i32 to vector<16xi32>
        %lt3A_360 = arith.cmpi slt, %lt3A_359, %add3A_233 : vector<16xi32>
        %and3A_361 = arith.andi %eq3A_358, %lt3A_360 : vector<16xi1>
        %or3A_362 = arith.ori %gt3A_357, %and3A_361 : vector<16xi1>
        %convert_element_type3A_363 = arith.extui %or3A_362 : vector<16xi1> to vector<16xi32>
        %add3A_364 = arith.addi %scan3A_336, %convert_element_type3A_363 : vector<16xi32>
        %gt3A_365 = arith.cmpf ogt, %gather3A_343, %get3A_222 : vector<16xf32>
        %eq3A_366 = arith.cmpf oeq, %gather3A_343, %get3A_222 : vector<16xf32>
        %lt3A_367 = vector.broadcast %scan3A_333 : i32 to vector<16xi32>
        %lt3A_368 = arith.cmpi slt, %lt3A_367, %add3A_236 : vector<16xi32>
        %and3A_369 = arith.andi %eq3A_366, %lt3A_368 : vector<16xi1>
        %or3A_370 = arith.ori %gt3A_365, %and3A_369 : vector<16xi1>
        %convert_element_type3A_371 = arith.extui %or3A_370 : vector<16xi1> to vector<16xi32>
        %add3A_372 = arith.addi %scan3A_337, %convert_element_type3A_371 : vector<16xi32>
        %gt3A_373 = arith.cmpf ogt, %gather3A_343, %get3A_224 : vector<16xf32>
        %eq3A_374 = arith.cmpf oeq, %gather3A_343, %get3A_224 : vector<16xf32>
        %lt3A_375 = vector.broadcast %scan3A_333 : i32 to vector<16xi32>
        %lt3A_376 = arith.cmpi slt, %lt3A_375, %add3A_239 : vector<16xi32>
        %and3A_377 = arith.andi %eq3A_374, %lt3A_376 : vector<16xi1>
        %or3A_378 = arith.ori %gt3A_373, %and3A_377 : vector<16xi1>
        %convert_element_type3A_379 = arith.extui %or3A_378 : vector<16xi1> to vector<16xi32>
        %add3A_380 = arith.addi %scan3A_338, %convert_element_type3A_379 : vector<16xi32>
        scf.yield %add3A_348, %add3A_356, %add3A_364, %add3A_372, %add3A_380 : vector<16xi32>, vector<16xi32>, vector<16xi32>, vector<16xi32>, vector<16xi32>
      }
      %scan3A_254 = arith.constant 72 : i32
      %lt3A_255 = arith.constant 50 : i32
      %lt3A_256 = vector.broadcast %lt3A_255 : i32 to vector<16xi32>
      %lt3A_257 = arith.cmpi slt, %scan3A_253#0, %lt3A_256 : vector<16xi32>
      %lt3A_258 = arith.constant 72 : i32
      %lt3A_259 = vector.broadcast %lt3A_258 : i32 to vector<16xi32>
      %lt3A_260 = arith.cmpi slt, %add3A_227, %lt3A_259 : vector<16xi32>
      %and3A = arith.andi %lt3A_257, %lt3A_260 : vector<16xi1>
      %add3A_261 = vector.broadcast %mul3A_4 : i32 to vector<16xi32>
      %add3A_262 = arith.addi %add3A_227, %add3A_261 : vector<16xi32>
      tpu.vector_store_idx %arg7[%scan3A_253#0], %add3A_262 masked %and3A : memref<128xi32, #tpu.memory_space<vmem>>[vector<16xi32>], vector<16xi32>, vector<16xi1>
      tpu.vector_store_idx %arg8[%scan3A_253#0], %get3A_216 masked %and3A : memref<128xf32, #tpu.memory_space<vmem>>[vector<16xi32>], vector<16xf32>, vector<16xi1>
      %lt3A_263 = arith.constant 50 : i32
      %lt3A_264 = vector.broadcast %lt3A_263 : i32 to vector<16xi32>
      %lt3A_265 = arith.cmpi slt, %scan3A_253#1, %lt3A_264 : vector<16xi32>
      %lt3A_266 = arith.constant 72 : i32
      %lt3A_267 = vector.broadcast %lt3A_266 : i32 to vector<16xi32>
      %lt3A_268 = arith.cmpi slt, %add3A_230, %lt3A_267 : vector<16xi32>
      %and3A_269 = arith.andi %lt3A_265, %lt3A_268 : vector<16xi1>
      %add3A_270 = vector.broadcast %mul3A_4 : i32 to vector<16xi32>
      %add3A_271 = arith.addi %add3A_230, %add3A_270 : vector<16xi32>
      tpu.vector_store_idx %arg7[%scan3A_253#1], %add3A_271 masked %and3A_269 : memref<128xi32, #tpu.memory_space<vmem>>[vector<16xi32>], vector<16xi32>, vector<16xi1>
      tpu.vector_store_idx %arg8[%scan3A_253#1], %get3A_218 masked %and3A_269 : memref<128xf32, #tpu.memory_space<vmem>>[vector<16xi32>], vector<16xf32>, vector<16xi1>
      %lt3A_272 = arith.constant 50 : i32
      %lt3A_273 = vector.broadcast %lt3A_272 : i32 to vector<16xi32>
      %lt3A_274 = arith.cmpi slt, %scan3A_253#2, %lt3A_273 : vector<16xi32>
      %lt3A_275 = arith.constant 72 : i32
      %lt3A_276 = vector.broadcast %lt3A_275 : i32 to vector<16xi32>
      %lt3A_277 = arith.cmpi slt, %add3A_233, %lt3A_276 : vector<16xi32>
      %and3A_278 = arith.andi %lt3A_274, %lt3A_277 : vector<16xi1>
      %add3A_279 = vector.broadcast %mul3A_4 : i32 to vector<16xi32>
      %add3A_280 = arith.addi %add3A_233, %add3A_279 : vector<16xi32>
      tpu.vector_store_idx %arg7[%scan3A_253#2], %add3A_280 masked %and3A_278 : memref<128xi32, #tpu.memory_space<vmem>>[vector<16xi32>], vector<16xi32>, vector<16xi1>
      tpu.vector_store_idx %arg8[%scan3A_253#2], %get3A_220 masked %and3A_278 : memref<128xf32, #tpu.memory_space<vmem>>[vector<16xi32>], vector<16xf32>, vector<16xi1>
      %lt3A_281 = arith.constant 50 : i32
      %lt3A_282 = vector.broadcast %lt3A_281 : i32 to vector<16xi32>
      %lt3A_283 = arith.cmpi slt, %scan3A_253#3, %lt3A_282 : vector<16xi32>
      %lt3A_284 = arith.constant 72 : i32
      %lt3A_285 = vector.broadcast %lt3A_284 : i32 to vector<16xi32>
      %lt3A_286 = arith.cmpi slt, %add3A_236, %lt3A_285 : vector<16xi32>
      %and3A_287 = arith.andi %lt3A_283, %lt3A_286 : vector<16xi1>
      %add3A_288 = vector.broadcast %mul3A_4 : i32 to vector<16xi32>
      %add3A_289 = arith.addi %add3A_236, %add3A_288 : vector<16xi32>
      tpu.vector_store_idx %arg7[%scan3A_253#3], %add3A_289 masked %and3A_287 : memref<128xi32, #tpu.memory_space<vmem>>[vector<16xi32>], vector<16xi32>, vector<16xi1>
      tpu.vector_store_idx %arg8[%scan3A_253#3], %get3A_222 masked %and3A_287 : memref<128xf32, #tpu.memory_space<vmem>>[vector<16xi32>], vector<16xf32>, vector<16xi1>
      %lt3A_290 = arith.constant 50 : i32
      %lt3A_291 = vector.broadcast %lt3A_290 : i32 to vector<16xi32>
      %lt3A_292 = arith.cmpi slt, %scan3A_253#4, %lt3A_291 : vector<16xi32>
      %lt3A_293 = arith.constant 72 : i32
      %lt3A_294 = vector.broadcast %lt3A_293 : i32 to vector<16xi32>
      %lt3A_295 = arith.cmpi slt, %add3A_239, %lt3A_294 : vector<16xi32>
      %and3A_296 = arith.andi %lt3A_292, %lt3A_295 : vector<16xi1>
      %add3A_297 = vector.broadcast %mul3A_4 : i32 to vector<16xi32>
      %add3A_298 = arith.addi %add3A_239, %add3A_297 : vector<16xi32>
      tpu.vector_store_idx %arg7[%scan3A_253#4], %add3A_298 masked %and3A_296 : memref<128xi32, #tpu.memory_space<vmem>>[vector<16xi32>], vector<16xi32>, vector<16xi1>
      tpu.vector_store_idx %arg8[%scan3A_253#4], %get3A_224 masked %and3A_296 : memref<128xf32, #tpu.memory_space<vmem>>[vector<16xi32>], vector<16xf32>, vector<16xi1>
      %add3A_299 = arith.constant 50 : i32
      %add3A_300 = vector.broadcast %add3A_299 : i32 to vector<16xi32>
      %add3A_301 = arith.addi %iota3A, %add3A_300 : vector<16xi32>
      %add3A_302 = arith.constant 72 : i32
      %add3A_303 = vector.broadcast %add3A_302 : i32 to vector<16xi32>
      %add3A_304 = arith.addi %iota3A, %add3A_303 : vector<16xi32>
      %lt3A_305 = arith.constant 75 : i32
      %lt3A_306 = vector.broadcast %lt3A_305 : i32 to vector<16xi32>
      %lt3A_307 = arith.cmpi slt, %add3A_301, %lt3A_306 : vector<16xi32>
      %min3A = arith.constant 103 : i32
      %min3A_308 = vector.broadcast %min3A : i32 to vector<16xi32>
      %min3A_309 = arith.minsi %add3A_304, %min3A_308 : vector<16xi32>
      %gather3A = tpu.vector_load_idx %arg6[%min3A_309] masked %lt3A_307 : memref<128xf32, #tpu.memory_space<vmem>>[vector<16xi32>], vector<16xf32>, vector<16xi1>
      %add3A_310 = vector.broadcast %mul3A_4 : i32 to vector<16xi32>
      %add3A_311 = arith.addi %add3A_304, %add3A_310 : vector<16xi32>
      tpu.vector_store_idx %arg7[%add3A_301], %add3A_311 masked %lt3A_307 : memref<128xi32, #tpu.memory_space<vmem>>[vector<16xi32>], vector<16xi32>, vector<16xi1>
      tpu.vector_store_idx %arg8[%add3A_301], %gather3A masked %lt3A_307 : memref<128xf32, #tpu.memory_space<vmem>>[vector<16xi32>], vector<16xf32>, vector<16xi1>
      %add3A_312 = arith.constant 66 : i32
      %add3A_313 = vector.broadcast %add3A_312 : i32 to vector<16xi32>
      %add3A_314 = arith.addi %iota3A, %add3A_313 : vector<16xi32>
      %add3A_315 = arith.constant 88 : i32
      %add3A_316 = vector.broadcast %add3A_315 : i32 to vector<16xi32>
      %add3A_317 = arith.addi %iota3A, %add3A_316 : vector<16xi32>
      %lt3A_318 = arith.constant 75 : i32
      %lt3A_319 = vector.broadcast %lt3A_318 : i32 to vector<16xi32>
      %lt3A_320 = arith.cmpi slt, %add3A_314, %lt3A_319 : vector<16xi32>
      %min3A_321 = arith.constant 103 : i32
      %min3A_322 = vector.broadcast %min3A_321 : i32 to vector<16xi32>
      %min3A_323 = arith.minsi %add3A_317, %min3A_322 : vector<16xi32>
      %gather3A_324 = tpu.vector_load_idx %arg6[%min3A_323] masked %lt3A_320 : memref<128xf32, #tpu.memory_space<vmem>>[vector<16xi32>], vector<16xf32>, vector<16xi1>
      %add3A_325 = vector.broadcast %mul3A_4 : i32 to vector<16xi32>
      %add3A_326 = arith.addi %add3A_317, %add3A_325 : vector<16xi32>
      tpu.vector_store_idx %arg7[%add3A_314], %add3A_326 masked %lt3A_320 : memref<128xi32, #tpu.memory_space<vmem>>[vector<16xi32>], vector<16xi32>, vector<16xi1>
      tpu.vector_store_idx %arg8[%add3A_314], %gather3A_324 masked %lt3A_320 : memref<128xf32, #tpu.memory_space<vmem>>[vector<16xi32>], vector<16xf32>, vector<16xi1>
      %dma_start3A = arith.constant 0 : i32
      %dma_start3A_327 = arith.constant 0 : i32
      %dma_start3A_328 = tpu.memref_slice %arg2[%dma_start3A, %dma_start3A_327] : memref<416x128xf32, #tpu.memory_space<hbm>> -> memref<416x128xf32, #tpu.memory_space<hbm>>
      tpu.enqueue_indirect_dma source(%dma_start3A_328 : memref<416x128xf32, #tpu.memory_space<hbm>>) target(%arg9 : memref<128x128xf32, #tpu.memory_space<vmem>>) offsets(%arg7 : memref<128xi32, #tpu.memory_space<vmem>>) semaphore(%arg10 : memref<!tpu.dma_semaphore, #tpu.memory_space<semaphore_mem>>)
      %dma_wait3A = arith.constant 0 : i32
      %dma_wait3A_329 = arith.constant 0 : i32
      %dma_wait3A_330 = tpu.memref_slice %arg2[%dma_wait3A, %dma_wait3A_329] : memref<416x128xf32, #tpu.memory_space<hbm>> -> memref<416x128xf32, #tpu.memory_space<hbm>>
      tpu.wait_indirect_dma semaphore(%arg10 : memref<!tpu.dma_semaphore, #tpu.memory_space<semaphore_mem>>) src(%dma_wait3A_330 : memref<416x128xf32, #tpu.memory_space<hbm>>) dst(%arg9 : memref<128x128xf32, #tpu.memory_space<vmem>>)
      %mul3A_331 = arith.constant 128 : i32
      %mul3A_332 = arith.muli %add3A, %mul3A_331 : i32
      "tpu.region"() ({
        %run_scoped3A = tpu.sem_alloc : memref<!tpu.dma_semaphore, #tpu.memory_space<semaphore_mem>>
        %dma_start3A_333 = arith.constant 0 : i32
        %dma_start3A_334 = tpu.memref_slice %arg4[%mul3A_332, %dma_start3A_333] : memref<512x128xf32, #tpu.memory_space<hbm>> -> memref<128x128xf32, #tpu.memory_space<hbm>>
        %dma_start3A_335 = arith.constant 0 : i32
        %dma_start3A_336 = tpu.memref_slice %arg4[%mul3A_332, %dma_start3A_335] : memref<512x128xf32, #tpu.memory_space<hbm>> -> memref<128x128xf32, #tpu.memory_space<hbm>>
        tpu.enqueue_dma source(%arg9 : memref<128x128xf32, #tpu.memory_space<vmem>>) target(%dma_start3A_336 : memref<128x128xf32, #tpu.memory_space<hbm>>) target_semaphore(%run_scoped3A : memref<!tpu.dma_semaphore, #tpu.memory_space<semaphore_mem>>)
        %dma_wait3A_337 = arith.constant 0 : i32
        %dma_wait3A_338 = tpu.memref_slice %arg4[%mul3A_332, %dma_wait3A_337] : memref<512x128xf32, #tpu.memory_space<hbm>> -> memref<128x128xf32, #tpu.memory_space<hbm>>
        %dma_wait3A_339 = arith.constant 0 : i32
        %dma_wait3A_340 = tpu.memref_slice %arg4[%mul3A_332, %dma_wait3A_339] : memref<512x128xf32, #tpu.memory_space<hbm>> -> memref<128x128xf32, #tpu.memory_space<hbm>>
        tpu.wait_dma2 semaphore(%run_scoped3A : memref<!tpu.dma_semaphore, #tpu.memory_space<semaphore_mem>>) src(%arg9 : memref<128x128xf32, #tpu.memory_space<vmem>>) dst(%dma_wait3A_340 : memref<128x128xf32, #tpu.memory_space<hbm>>)
        tpu.yield
      }) : () -> ()
      "tpu.region"() ({
        %run_scoped3A = tpu.sem_alloc : memref<!tpu.dma_semaphore, #tpu.memory_space<semaphore_mem>>
        %dma_start3A_333 = arith.constant 0 : i32
        %dma_start3A_334 = tpu.memref_slice %arg5[%add3A, %dma_start3A_333] : memref<4x128xf32, #tpu.memory_space<hbm>> -> memref<1x128xf32, #tpu.memory_space<hbm>>
        %dma_start3A_335 = tpu.memref_squeeze %dma_start3A_334 : memref<1x128xf32, #tpu.memory_space<hbm>> -> memref<128xf32, #tpu.memory_space<hbm>>
        %dma_start3A_336 = arith.constant 0 : i32
        %dma_start3A_337 = tpu.memref_slice %arg5[%add3A, %dma_start3A_336] : memref<4x128xf32, #tpu.memory_space<hbm>> -> memref<1x128xf32, #tpu.memory_space<hbm>>
        %dma_start3A_338 = tpu.memref_squeeze %dma_start3A_337 : memref<1x128xf32, #tpu.memory_space<hbm>> -> memref<128xf32, #tpu.memory_space<hbm>>
        tpu.enqueue_dma source(%arg8 : memref<128xf32, #tpu.memory_space<vmem>>) target(%dma_start3A_338 : memref<128xf32, #tpu.memory_space<hbm>>) target_semaphore(%run_scoped3A : memref<!tpu.dma_semaphore, #tpu.memory_space<semaphore_mem>>)
        %dma_wait3A_339 = arith.constant 0 : i32
        %dma_wait3A_340 = tpu.memref_slice %arg5[%add3A, %dma_wait3A_339] : memref<4x128xf32, #tpu.memory_space<hbm>> -> memref<1x128xf32, #tpu.memory_space<hbm>>
        %dma_wait3A_341 = tpu.memref_squeeze %dma_wait3A_340 : memref<1x128xf32, #tpu.memory_space<hbm>> -> memref<128xf32, #tpu.memory_space<hbm>>
        %dma_wait3A_342 = arith.constant 0 : i32
        %dma_wait3A_343 = tpu.memref_slice %arg5[%add3A, %dma_wait3A_342] : memref<4x128xf32, #tpu.memory_space<hbm>> -> memref<1x128xf32, #tpu.memory_space<hbm>>
        %dma_wait3A_344 = tpu.memref_squeeze %dma_wait3A_343 : memref<1x128xf32, #tpu.memory_space<hbm>> -> memref<128xf32, #tpu.memory_space<hbm>>
        tpu.wait_dma2 semaphore(%run_scoped3A : memref<!tpu.dma_semaphore, #tpu.memory_space<semaphore_mem>>) src(%arg8 : memref<128xf32, #tpu.memory_space<vmem>>) dst(%dma_wait3A_344 : memref<128xf32, #tpu.memory_space<hbm>>)
        tpu.yield
      }) : () -> ()
    } else {
    }
    return
  }
}

module attributes {stable_mosaic.version = 14 : i64} {
  func.func @_tc_mid_kernel(%arg0: i32, %arg1: memref<1x128x128xf32, #tpu.memory_space<vmem>>, %arg2: memref<1x128x1xf32, #tpu.memory_space<vmem>>, %arg3: memref<96x192xf32, #tpu.memory_space<vmem>>, %arg4: memref<192x192xf32, #tpu.memory_space<vmem>>, %arg5: memref<192x96xf32, #tpu.memory_space<vmem>>, %arg6: memref<96x96xf32, #tpu.memory_space<vmem>>, %arg7: memref<96x1xf32, #tpu.memory_space<vmem>>, %arg8: memref<1x1xf32, #tpu.memory_space<vmem>>, %arg9: memref<96x96xf32, #tpu.memory_space<vmem>>, %arg10: memref<1x96xf32, #tpu.memory_space<vmem>>, %arg11: memref<1x80x96xf32, #tpu.memory_space<vmem>>) attributes {dimension_semantics = [#tpu.dimension_semantics<arbitrary>], iteration_bounds = array<i64: 4>, scalar_prefetch = 0 : i64, scratch_operands = 0 : i64, tpu.core_type = #tpu.core_type<tc>, window_params = [{transform_indices = @transform_0, window_bounds = array<i64: 1, 128, 128>}, {transform_indices = @transform_1, window_bounds = array<i64: 1, 128, 1>}, {pipeline_mode = #tpu.pipeline_mode<synchronous>, transform_indices = @transform_2, window_bounds = array<i64: 96, 192>}, {pipeline_mode = #tpu.pipeline_mode<synchronous>, transform_indices = @transform_3, window_bounds = array<i64: 192, 192>}, {pipeline_mode = #tpu.pipeline_mode<synchronous>, transform_indices = @transform_4, window_bounds = array<i64: 192, 96>}, {pipeline_mode = #tpu.pipeline_mode<synchronous>, transform_indices = @transform_5, window_bounds = array<i64: 96, 96>}, {pipeline_mode = #tpu.pipeline_mode<synchronous>, transform_indices = @transform_6, window_bounds = array<i64: 96, 1>}, {pipeline_mode = #tpu.pipeline_mode<synchronous>, transform_indices = @transform_7, window_bounds = array<i64: 1, 1>}, {pipeline_mode = #tpu.pipeline_mode<synchronous>, transform_indices = @transform_8, window_bounds = array<i64: 96, 96>}, {pipeline_mode = #tpu.pipeline_mode<synchronous>, transform_indices = @transform_9, window_bounds = array<i64: 1, 96>}, {transform_indices = @transform_10, window_bounds = array<i64: 1, 80, 96>}]} {
    %get3A = arith.constant 0 : index
    %get3A_0 = arith.constant 0 : index
    %get3A_1 = vector.load %arg3[%get3A, %get3A_0] : memref<96x192xf32, #tpu.memory_space<vmem>>, vector<96x192xf32>
    %get3A_2 = arith.constant 0 : index
    %get3A_3 = arith.constant 0 : index
    %get3A_4 = vector.load %arg4[%get3A_2, %get3A_3] : memref<192x192xf32, #tpu.memory_space<vmem>>, vector<192x192xf32>
    %get3A_5 = arith.constant 0 : index
    %get3A_6 = arith.constant 0 : index
    %get3A_7 = vector.load %arg5[%get3A_5, %get3A_6] : memref<192x96xf32, #tpu.memory_space<vmem>>, vector<192x96xf32>
    %get3A_8 = arith.constant 0 : index
    %get3A_9 = arith.constant 0 : index
    %get3A_10 = vector.load %arg6[%get3A_8, %get3A_9] : memref<96x96xf32, #tpu.memory_space<vmem>>, vector<96x96xf32>
    %get3A_11 = arith.constant 0 : index
    %get3A_12 = arith.constant 0 : index
    %get3A_13 = vector.load %arg7[%get3A_11, %get3A_12] : memref<96x1xf32, #tpu.memory_space<vmem>>, vector<96x1xf32>
    %get3A_14 = arith.constant 0 : index
    %get3A_15 = arith.constant 0 : index
    %get3A_16 = vector.load %arg8[%get3A_14, %get3A_15] : memref<1x1xf32, #tpu.memory_space<vmem>>, vector<1x1xf32>
    %get3A_17 = arith.constant 0 : index
    %get3A_18 = arith.constant 0 : index
    %get3A_19 = vector.load %arg9[%get3A_17, %get3A_18] : memref<96x96xf32, #tpu.memory_space<vmem>>, vector<96x96xf32>
    %get3A_20 = arith.constant 0 : index
    %get3A_21 = arith.constant 0 : index
    %get3A_22 = vector.load %arg10[%get3A_20, %get3A_21] : memref<1x96xf32, #tpu.memory_space<vmem>>, vector<1x96xf32>
    %get3A_23 = arith.constant 0 : index
    %get3A_24 = arith.constant 0 : index
    %get3A_25 = arith.constant 0 : index
    %get3A_26 = vector.load %arg1[%get3A_23, %get3A_24, %get3A_25] : memref<1x128x128xf32, #tpu.memory_space<vmem>>, vector<1x128x128xf32>
    %get3A_27 = vector.shape_cast %get3A_26 : vector<1x128x128xf32> to vector<128x128xf32>
    %get3A_28 = arith.constant 0 : index
    %get3A_29 = arith.constant 0 : index
    %get3A_30 = arith.constant 0 : index
    %get3A_31 = vector.load %arg2[%get3A_28, %get3A_29, %get3A_30] : memref<1x128x1xf32, #tpu.memory_space<vmem>>, vector<1x128x1xf32>
    %get3A_32 = vector.shape_cast %get3A_31 : vector<1x128x1xf32> to vector<128x1xf32>
    %mul3A = vector.broadcast %get3A_32 : vector<128x1xf32> to vector<128x128xf32>
    %mul3A_33 = arith.mulf %get3A_27, %mul3A : vector<128x128xf32>
    %slice3A = vector.extract_strided_slice %mul3A_33 {offsets = [0, 0], sizes = [80, 96], strides = [1, 1]} : vector<128x128xf32> to vector<80x96xf32>
    %slice3A_34 = vector.extract_strided_slice %slice3A {offsets = [0, 0], sizes = [40, 96], strides = [1, 1]} : vector<80x96xf32> to vector<40x96xf32>
    %slice3A_35 = vector.extract_strided_slice %slice3A {offsets = [0, 0], sizes = [40, 96], strides = [1, 1]} : vector<80x96xf32> to vector<40x96xf32>
    %broadcast_in_dim3A = vector.shape_cast %slice3A_34 : vector<40x96xf32> to vector<40x1x96xf32>
    %broadcast_in_dim3A_36 = vector.shape_cast %slice3A_35 : vector<40x96xf32> to vector<1x40x96xf32>
    %sub3A = vector.broadcast %broadcast_in_dim3A : vector<40x1x96xf32> to vector<40x40x96xf32>
    %sub3A_37 = vector.broadcast %broadcast_in_dim3A_36 : vector<1x40x96xf32> to vector<40x40x96xf32>
    %sub3A_38 = arith.subf %sub3A, %sub3A_37 : vector<40x40x96xf32>
    %abs3A = math.absf %sub3A_38 : vector<40x40x96xf32>
    %reshape3A = vector.shape_cast %abs3A : vector<40x40x96xf32> to vector<1600x96xf32>
    %dot_general3A = arith.constant dense<0.000000e+00> : vector<1600x192xf32>
    %dot_general3A_39 = tpu.matmul %reshape3A, %get3A_1, %dot_general3A {dimension_numbers = #tpu.dot_dimension_numbers<[1], [0], [0], [1], [0, 0, 1, 1], [], []>, transpose_lhs_hint = false} : vector<1600x96xf32>, vector<96x192xf32>, vector<1600x192xf32> -> vector<1600x192xf32>
    %mul3A_40 = arith.constant 0.999994993 : f32
    %mul3A_41 = vector.broadcast %mul3A_40 : f32 to vector<1600x192xf32>
    %mul3A_42 = arith.mulf %mul3A_41, %dot_general3A_39 : vector<1600x192xf32>
    %jit3A = arith.constant 0.00999999977 : f32
    %ge3A = arith.constant 0.000000e+00 : f32
    %ge3A_43 = vector.broadcast %ge3A : f32 to vector<1600x192xf32>
    %ge3A_44 = arith.cmpf oge, %mul3A_42, %ge3A_43 : vector<1600x192xf32>
    %mul3A_45 = vector.broadcast %jit3A : f32 to vector<1600x192xf32>
    %mul3A_46 = arith.mulf %mul3A_45, %mul3A_42 : vector<1600x192xf32>
    %select_n3A = arith.select %ge3A_44, %mul3A_42, %mul3A_46 : vector<1600x192xi1>, vector<1600x192xf32>
    %dot_general3A_47 = arith.constant dense<0.000000e+00> : vector<1600x192xf32>
    %dot_general3A_48 = tpu.matmul %select_n3A, %get3A_4, %dot_general3A_47 {dimension_numbers = #tpu.dot_dimension_numbers<[1], [0], [0], [1], [0, 0, 1, 1], [], []>, transpose_lhs_hint = false} : vector<1600x192xf32>, vector<192x192xf32>, vector<1600x192xf32> -> vector<1600x192xf32>
    %mul3A_49 = arith.constant 0.999994993 : f32
    %mul3A_50 = vector.broadcast %mul3A_49 : f32 to vector<1600x192xf32>
    %mul3A_51 = arith.mulf %mul3A_50, %dot_general3A_48 : vector<1600x192xf32>
    %jit3A_52 = arith.constant 0.00999999977 : f32
    %ge3A_53 = arith.constant 0.000000e+00 : f32
    %ge3A_54 = vector.broadcast %ge3A_53 : f32 to vector<1600x192xf32>
    %ge3A_55 = arith.cmpf oge, %mul3A_51, %ge3A_54 : vector<1600x192xf32>
    %mul3A_56 = vector.broadcast %jit3A_52 : f32 to vector<1600x192xf32>
    %mul3A_57 = arith.mulf %mul3A_56, %mul3A_51 : vector<1600x192xf32>
    %select_n3A_58 = arith.select %ge3A_55, %mul3A_51, %mul3A_57 : vector<1600x192xi1>, vector<1600x192xf32>
    %dot_general3A_59 = arith.constant dense<0.000000e+00> : vector<1600x96xf32>
    %dot_general3A_60 = tpu.matmul %select_n3A_58, %get3A_7, %dot_general3A_59 {dimension_numbers = #tpu.dot_dimension_numbers<[1], [0], [0], [1], [0, 0, 1, 1], [], []>, transpose_lhs_hint = false} : vector<1600x192xf32>, vector<192x96xf32>, vector<1600x96xf32> -> vector<1600x96xf32>
    %mul3A_61 = arith.constant 0.999994993 : f32
    %mul3A_62 = vector.broadcast %mul3A_61 : f32 to vector<1600x96xf32>
    %mul3A_63 = arith.mulf %mul3A_62, %dot_general3A_60 : vector<1600x96xf32>
    %jit3A_64 = arith.constant 0.00999999977 : f32
    %ge3A_65 = arith.constant 0.000000e+00 : f32
    %ge3A_66 = vector.broadcast %ge3A_65 : f32 to vector<1600x96xf32>
    %ge3A_67 = arith.cmpf oge, %mul3A_63, %ge3A_66 : vector<1600x96xf32>
    %mul3A_68 = vector.broadcast %jit3A_64 : f32 to vector<1600x96xf32>
    %mul3A_69 = arith.mulf %mul3A_68, %mul3A_63 : vector<1600x96xf32>
    %select_n3A_70 = arith.select %ge3A_67, %mul3A_63, %mul3A_69 : vector<1600x96xi1>, vector<1600x96xf32>
    %dot_general3A_71 = arith.constant dense<0.000000e+00> : vector<1600x96xf32>
    %dot_general3A_72 = tpu.matmul %select_n3A_70, %get3A_10, %dot_general3A_71 {dimension_numbers = #tpu.dot_dimension_numbers<[1], [0], [0], [1], [0, 0, 1, 1], [], []>, transpose_lhs_hint = false} : vector<1600x96xf32>, vector<96x96xf32>, vector<1600x96xf32> -> vector<1600x96xf32>
    %mul3A_73 = arith.constant 0.999994993 : f32
    %mul3A_74 = vector.broadcast %mul3A_73 : f32 to vector<1600x96xf32>
    %mul3A_75 = arith.mulf %mul3A_74, %dot_general3A_72 : vector<1600x96xf32>
    %jit3A_76 = arith.constant 0.00999999977 : f32
    %ge3A_77 = arith.constant 0.000000e+00 : f32
    %ge3A_78 = vector.broadcast %ge3A_77 : f32 to vector<1600x96xf32>
    %ge3A_79 = arith.cmpf oge, %mul3A_75, %ge3A_78 : vector<1600x96xf32>
    %mul3A_80 = vector.broadcast %jit3A_76 : f32 to vector<1600x96xf32>
    %mul3A_81 = arith.mulf %mul3A_80, %mul3A_75 : vector<1600x96xf32>
    %select_n3A_82 = arith.select %ge3A_79, %mul3A_75, %mul3A_81 : vector<1600x96xi1>, vector<1600x96xf32>
    %dot_general3A_83 = arith.constant dense<0.000000e+00> : vector<1600x1xf32>
    %dot_general3A_84 = tpu.matmul %select_n3A_82, %get3A_13, %dot_general3A_83 {dimension_numbers = #tpu.dot_dimension_numbers<[1], [0], [0], [1], [0, 0, 1, 1], [], []>, transpose_lhs_hint = false} : vector<1600x96xf32>, vector<96x1xf32>, vector<1600x1xf32> -> vector<1600x1xf32>
    %add3A = vector.broadcast %get3A_16 : vector<1x1xf32> to vector<1600x1xf32>
    %add3A_85 = arith.addf %dot_general3A_84, %add3A : vector<1600x1xf32>
    %reshape3A_86 = vector.shape_cast %add3A_85 : vector<1600x1xf32> to vector<40x40xf32>
    %slice3A_87 = vector.extract_strided_slice %slice3A {offsets = [40, 0], sizes = [40, 96], strides = [1, 1]} : vector<80x96xf32> to vector<40x96xf32>
    %broadcast_in_dim3A_88 = vector.shape_cast %slice3A_34 : vector<40x96xf32> to vector<40x1x96xf32>
    %broadcast_in_dim3A_89 = vector.shape_cast %slice3A_87 : vector<40x96xf32> to vector<1x40x96xf32>
    %sub3A_90 = vector.broadcast %broadcast_in_dim3A_88 : vector<40x1x96xf32> to vector<40x40x96xf32>
    %sub3A_91 = vector.broadcast %broadcast_in_dim3A_89 : vector<1x40x96xf32> to vector<40x40x96xf32>
    %sub3A_92 = arith.subf %sub3A_90, %sub3A_91 : vector<40x40x96xf32>
    %abs3A_93 = math.absf %sub3A_92 : vector<40x40x96xf32>
    %reshape3A_94 = vector.shape_cast %abs3A_93 : vector<40x40x96xf32> to vector<1600x96xf32>
    %dot_general3A_95 = arith.constant dense<0.000000e+00> : vector<1600x192xf32>
    %dot_general3A_96 = tpu.matmul %reshape3A_94, %get3A_1, %dot_general3A_95 {dimension_numbers = #tpu.dot_dimension_numbers<[1], [0], [0], [1], [0, 0, 1, 1], [], []>, transpose_lhs_hint = false} : vector<1600x96xf32>, vector<96x192xf32>, vector<1600x192xf32> -> vector<1600x192xf32>
    %mul3A_97 = arith.constant 0.999994993 : f32
    %mul3A_98 = vector.broadcast %mul3A_97 : f32 to vector<1600x192xf32>
    %mul3A_99 = arith.mulf %mul3A_98, %dot_general3A_96 : vector<1600x192xf32>
    %jit3A_100 = arith.constant 0.00999999977 : f32
    %ge3A_101 = arith.constant 0.000000e+00 : f32
    %ge3A_102 = vector.broadcast %ge3A_101 : f32 to vector<1600x192xf32>
    %ge3A_103 = arith.cmpf oge, %mul3A_99, %ge3A_102 : vector<1600x192xf32>
    %mul3A_104 = vector.broadcast %jit3A_100 : f32 to vector<1600x192xf32>
    %mul3A_105 = arith.mulf %mul3A_104, %mul3A_99 : vector<1600x192xf32>
    %select_n3A_106 = arith.select %ge3A_103, %mul3A_99, %mul3A_105 : vector<1600x192xi1>, vector<1600x192xf32>
    %dot_general3A_107 = arith.constant dense<0.000000e+00> : vector<1600x192xf32>
    %dot_general3A_108 = tpu.matmul %select_n3A_106, %get3A_4, %dot_general3A_107 {dimension_numbers = #tpu.dot_dimension_numbers<[1], [0], [0], [1], [0, 0, 1, 1], [], []>, transpose_lhs_hint = false} : vector<1600x192xf32>, vector<192x192xf32>, vector<1600x192xf32> -> vector<1600x192xf32>
    %mul3A_109 = arith.constant 0.999994993 : f32
    %mul3A_110 = vector.broadcast %mul3A_109 : f32 to vector<1600x192xf32>
    %mul3A_111 = arith.mulf %mul3A_110, %dot_general3A_108 : vector<1600x192xf32>
    %jit3A_112 = arith.constant 0.00999999977 : f32
    %ge3A_113 = arith.constant 0.000000e+00 : f32
    %ge3A_114 = vector.broadcast %ge3A_113 : f32 to vector<1600x192xf32>
    %ge3A_115 = arith.cmpf oge, %mul3A_111, %ge3A_114 : vector<1600x192xf32>
    %mul3A_116 = vector.broadcast %jit3A_112 : f32 to vector<1600x192xf32>
    %mul3A_117 = arith.mulf %mul3A_116, %mul3A_111 : vector<1600x192xf32>
    %select_n3A_118 = arith.select %ge3A_115, %mul3A_111, %mul3A_117 : vector<1600x192xi1>, vector<1600x192xf32>
    %dot_general3A_119 = arith.constant dense<0.000000e+00> : vector<1600x96xf32>
    %dot_general3A_120 = tpu.matmul %select_n3A_118, %get3A_7, %dot_general3A_119 {dimension_numbers = #tpu.dot_dimension_numbers<[1], [0], [0], [1], [0, 0, 1, 1], [], []>, transpose_lhs_hint = false} : vector<1600x192xf32>, vector<192x96xf32>, vector<1600x96xf32> -> vector<1600x96xf32>
    %mul3A_121 = arith.constant 0.999994993 : f32
    %mul3A_122 = vector.broadcast %mul3A_121 : f32 to vector<1600x96xf32>
    %mul3A_123 = arith.mulf %mul3A_122, %dot_general3A_120 : vector<1600x96xf32>
    %jit3A_124 = arith.constant 0.00999999977 : f32
    %ge3A_125 = arith.constant 0.000000e+00 : f32
    %ge3A_126 = vector.broadcast %ge3A_125 : f32 to vector<1600x96xf32>
    %ge3A_127 = arith.cmpf oge, %mul3A_123, %ge3A_126 : vector<1600x96xf32>
    %mul3A_128 = vector.broadcast %jit3A_124 : f32 to vector<1600x96xf32>
    %mul3A_129 = arith.mulf %mul3A_128, %mul3A_123 : vector<1600x96xf32>
    %select_n3A_130 = arith.select %ge3A_127, %mul3A_123, %mul3A_129 : vector<1600x96xi1>, vector<1600x96xf32>
    %dot_general3A_131 = arith.constant dense<0.000000e+00> : vector<1600x96xf32>
    %dot_general3A_132 = tpu.matmul %select_n3A_130, %get3A_10, %dot_general3A_131 {dimension_numbers = #tpu.dot_dimension_numbers<[1], [0], [0], [1], [0, 0, 1, 1], [], []>, transpose_lhs_hint = false} : vector<1600x96xf32>, vector<96x96xf32>, vector<1600x96xf32> -> vector<1600x96xf32>
    %mul3A_133 = arith.constant 0.999994993 : f32
    %mul3A_134 = vector.broadcast %mul3A_133 : f32 to vector<1600x96xf32>
    %mul3A_135 = arith.mulf %mul3A_134, %dot_general3A_132 : vector<1600x96xf32>
    %jit3A_136 = arith.constant 0.00999999977 : f32
    %ge3A_137 = arith.constant 0.000000e+00 : f32
    %ge3A_138 = vector.broadcast %ge3A_137 : f32 to vector<1600x96xf32>
    %ge3A_139 = arith.cmpf oge, %mul3A_135, %ge3A_138 : vector<1600x96xf32>
    %mul3A_140 = vector.broadcast %jit3A_136 : f32 to vector<1600x96xf32>
    %mul3A_141 = arith.mulf %mul3A_140, %mul3A_135 : vector<1600x96xf32>
    %select_n3A_142 = arith.select %ge3A_139, %mul3A_135, %mul3A_141 : vector<1600x96xi1>, vector<1600x96xf32>
    %dot_general3A_143 = arith.constant dense<0.000000e+00> : vector<1600x1xf32>
    %dot_general3A_144 = tpu.matmul %select_n3A_142, %get3A_13, %dot_general3A_143 {dimension_numbers = #tpu.dot_dimension_numbers<[1], [0], [0], [1], [0, 0, 1, 1], [], []>, transpose_lhs_hint = false} : vector<1600x96xf32>, vector<96x1xf32>, vector<1600x1xf32> -> vector<1600x1xf32>
    %add3A_145 = vector.broadcast %get3A_16 : vector<1x1xf32> to vector<1600x1xf32>
    %add3A_146 = arith.addf %dot_general3A_144, %add3A_145 : vector<1600x1xf32>
    %reshape3A_147 = vector.shape_cast %add3A_146 : vector<1600x1xf32> to vector<40x40xf32>
    %slice3A_148 = vector.extract_strided_slice %slice3A {offsets = [40, 0], sizes = [40, 96], strides = [1, 1]} : vector<80x96xf32> to vector<40x96xf32>
    %slice3A_149 = vector.extract_strided_slice %slice3A {offsets = [40, 0], sizes = [40, 96], strides = [1, 1]} : vector<80x96xf32> to vector<40x96xf32>
    %broadcast_in_dim3A_150 = vector.shape_cast %slice3A_148 : vector<40x96xf32> to vector<40x1x96xf32>
    %broadcast_in_dim3A_151 = vector.shape_cast %slice3A_149 : vector<40x96xf32> to vector<1x40x96xf32>
    %sub3A_152 = vector.broadcast %broadcast_in_dim3A_150 : vector<40x1x96xf32> to vector<40x40x96xf32>
    %sub3A_153 = vector.broadcast %broadcast_in_dim3A_151 : vector<1x40x96xf32> to vector<40x40x96xf32>
    %sub3A_154 = arith.subf %sub3A_152, %sub3A_153 : vector<40x40x96xf32>
    %abs3A_155 = math.absf %sub3A_154 : vector<40x40x96xf32>
    %reshape3A_156 = vector.shape_cast %abs3A_155 : vector<40x40x96xf32> to vector<1600x96xf32>
    %dot_general3A_157 = arith.constant dense<0.000000e+00> : vector<1600x192xf32>
    %dot_general3A_158 = tpu.matmul %reshape3A_156, %get3A_1, %dot_general3A_157 {dimension_numbers = #tpu.dot_dimension_numbers<[1], [0], [0], [1], [0, 0, 1, 1], [], []>, transpose_lhs_hint = false} : vector<1600x96xf32>, vector<96x192xf32>, vector<1600x192xf32> -> vector<1600x192xf32>
    %mul3A_159 = arith.constant 0.999994993 : f32
    %mul3A_160 = vector.broadcast %mul3A_159 : f32 to vector<1600x192xf32>
    %mul3A_161 = arith.mulf %mul3A_160, %dot_general3A_158 : vector<1600x192xf32>
    %jit3A_162 = arith.constant 0.00999999977 : f32
    %ge3A_163 = arith.constant 0.000000e+00 : f32
    %ge3A_164 = vector.broadcast %ge3A_163 : f32 to vector<1600x192xf32>
    %ge3A_165 = arith.cmpf oge, %mul3A_161, %ge3A_164 : vector<1600x192xf32>
    %mul3A_166 = vector.broadcast %jit3A_162 : f32 to vector<1600x192xf32>
    %mul3A_167 = arith.mulf %mul3A_166, %mul3A_161 : vector<1600x192xf32>
    %select_n3A_168 = arith.select %ge3A_165, %mul3A_161, %mul3A_167 : vector<1600x192xi1>, vector<1600x192xf32>
    %dot_general3A_169 = arith.constant dense<0.000000e+00> : vector<1600x192xf32>
    %dot_general3A_170 = tpu.matmul %select_n3A_168, %get3A_4, %dot_general3A_169 {dimension_numbers = #tpu.dot_dimension_numbers<[1], [0], [0], [1], [0, 0, 1, 1], [], []>, transpose_lhs_hint = false} : vector<1600x192xf32>, vector<192x192xf32>, vector<1600x192xf32> -> vector<1600x192xf32>
    %mul3A_171 = arith.constant 0.999994993 : f32
    %mul3A_172 = vector.broadcast %mul3A_171 : f32 to vector<1600x192xf32>
    %mul3A_173 = arith.mulf %mul3A_172, %dot_general3A_170 : vector<1600x192xf32>
    %jit3A_174 = arith.constant 0.00999999977 : f32
    %ge3A_175 = arith.constant 0.000000e+00 : f32
    %ge3A_176 = vector.broadcast %ge3A_175 : f32 to vector<1600x192xf32>
    %ge3A_177 = arith.cmpf oge, %mul3A_173, %ge3A_176 : vector<1600x192xf32>
    %mul3A_178 = vector.broadcast %jit3A_174 : f32 to vector<1600x192xf32>
    %mul3A_179 = arith.mulf %mul3A_178, %mul3A_173 : vector<1600x192xf32>
    %select_n3A_180 = arith.select %ge3A_177, %mul3A_173, %mul3A_179 : vector<1600x192xi1>, vector<1600x192xf32>
    %dot_general3A_181 = arith.constant dense<0.000000e+00> : vector<1600x96xf32>
    %dot_general3A_182 = tpu.matmul %select_n3A_180, %get3A_7, %dot_general3A_181 {dimension_numbers = #tpu.dot_dimension_numbers<[1], [0], [0], [1], [0, 0, 1, 1], [], []>, transpose_lhs_hint = false} : vector<1600x192xf32>, vector<192x96xf32>, vector<1600x96xf32> -> vector<1600x96xf32>
    %mul3A_183 = arith.constant 0.999994993 : f32
    %mul3A_184 = vector.broadcast %mul3A_183 : f32 to vector<1600x96xf32>
    %mul3A_185 = arith.mulf %mul3A_184, %dot_general3A_182 : vector<1600x96xf32>
    %jit3A_186 = arith.constant 0.00999999977 : f32
    %ge3A_187 = arith.constant 0.000000e+00 : f32
    %ge3A_188 = vector.broadcast %ge3A_187 : f32 to vector<1600x96xf32>
    %ge3A_189 = arith.cmpf oge, %mul3A_185, %ge3A_188 : vector<1600x96xf32>
    %mul3A_190 = vector.broadcast %jit3A_186 : f32 to vector<1600x96xf32>
    %mul3A_191 = arith.mulf %mul3A_190, %mul3A_185 : vector<1600x96xf32>
    %select_n3A_192 = arith.select %ge3A_189, %mul3A_185, %mul3A_191 : vector<1600x96xi1>, vector<1600x96xf32>
    %dot_general3A_193 = arith.constant dense<0.000000e+00> : vector<1600x96xf32>
    %dot_general3A_194 = tpu.matmul %select_n3A_192, %get3A_10, %dot_general3A_193 {dimension_numbers = #tpu.dot_dimension_numbers<[1], [0], [0], [1], [0, 0, 1, 1], [], []>, transpose_lhs_hint = false} : vector<1600x96xf32>, vector<96x96xf32>, vector<1600x96xf32> -> vector<1600x96xf32>
    %mul3A_195 = arith.constant 0.999994993 : f32
    %mul3A_196 = vector.broadcast %mul3A_195 : f32 to vector<1600x96xf32>
    %mul3A_197 = arith.mulf %mul3A_196, %dot_general3A_194 : vector<1600x96xf32>
    %jit3A_198 = arith.constant 0.00999999977 : f32
    %ge3A_199 = arith.constant 0.000000e+00 : f32
    %ge3A_200 = vector.broadcast %ge3A_199 : f32 to vector<1600x96xf32>
    %ge3A_201 = arith.cmpf oge, %mul3A_197, %ge3A_200 : vector<1600x96xf32>
    %mul3A_202 = vector.broadcast %jit3A_198 : f32 to vector<1600x96xf32>
    %mul3A_203 = arith.mulf %mul3A_202, %mul3A_197 : vector<1600x96xf32>
    %select_n3A_204 = arith.select %ge3A_201, %mul3A_197, %mul3A_203 : vector<1600x96xi1>, vector<1600x96xf32>
    %dot_general3A_205 = arith.constant dense<0.000000e+00> : vector<1600x1xf32>
    %dot_general3A_206 = tpu.matmul %select_n3A_204, %get3A_13, %dot_general3A_205 {dimension_numbers = #tpu.dot_dimension_numbers<[1], [0], [0], [1], [0, 0, 1, 1], [], []>, transpose_lhs_hint = false} : vector<1600x96xf32>, vector<96x1xf32>, vector<1600x1xf32> -> vector<1600x1xf32>
    %add3A_207 = vector.broadcast %get3A_16 : vector<1x1xf32> to vector<1600x1xf32>
    %add3A_208 = arith.addf %dot_general3A_206, %add3A_207 : vector<1600x1xf32>
    %reshape3A_209 = vector.shape_cast %add3A_208 : vector<1600x1xf32> to vector<40x40xf32>
    %concatenate3A = tpu.concatenate %reshape3A_86, %reshape3A_147 in 1 : vector<40x40xf32>, vector<40x40xf32> -> vector<40x80xf32>
    %transpose3A = tpu.transpose %reshape3A_147, [1, 0] : vector<40x40xf32> -> vector<40x40xf32>
    %concatenate3A_210 = tpu.concatenate %transpose3A, %reshape3A_209 in 1 : vector<40x40xf32>, vector<40x40xf32> -> vector<40x80xf32>
    %concatenate3A_211 = tpu.concatenate %concatenate3A, %concatenate3A_210 in 0 : vector<40x80xf32>, vector<40x80xf32> -> vector<80x80xf32>
    %iota3A = tpu.iota {dimensions = array<i32: 1>} : vector<80x80xi32>
    %lt3A = arith.constant 75 : i32
    %lt3A_212 = vector.broadcast %lt3A : i32 to vector<80x80xi32>
    %lt3A_213 = arith.cmpi slt, %iota3A, %lt3A_212 : vector<80x80xi32>
    %jit3A_214 = arith.constant -1.000000e+30 : f32
    %broadcast_in_dim3A_215 = vector.broadcast %jit3A_214 : f32 to vector<80x80xf32>
    %select_n3A_216 = arith.select %lt3A_213, %concatenate3A_211, %broadcast_in_dim3A_215 : vector<80x80xi1>, vector<80x80xf32>
    %reduce_max3A = arith.constant dense<0xFF800000> : vector<80xf32>
    %reduce_max3A_217 = vector.multi_reduction <maximumf>, %select_n3A_216, %reduce_max3A [1] : vector<80x80xf32> to vector<80xf32>
    %max3A = arith.constant 0xFF800000 : f32
    %max3A_218 = vector.broadcast %max3A : f32 to vector<80xf32>
    %max3A_219 = arith.maximumf %max3A_218, %reduce_max3A_217 : vector<80xf32>
    %broadcast_in_dim3A_220 = vector.shape_cast %max3A_219 : vector<80xf32> to vector<80x1xf32>
    %sub3A_221 = vector.broadcast %broadcast_in_dim3A_220 : vector<80x1xf32> to vector<80x80xf32>
    %sub3A_222 = arith.subf %select_n3A_216, %sub3A_221 : vector<80x80xf32>
    %exp3A = math.exp %sub3A_222 : vector<80x80xf32>
    %reduce_sum3A = arith.constant dense<0.000000e+00> : vector<80xf32>
    %reduce_sum3A_223 = vector.multi_reduction <add>, %exp3A, %reduce_sum3A [1] : vector<80x80xf32> to vector<80xf32>
    %broadcast_in_dim3A_224 = vector.shape_cast %reduce_sum3A_223 : vector<80xf32> to vector<80x1xf32>
    %div3A = vector.broadcast %broadcast_in_dim3A_224 : vector<80x1xf32> to vector<80x80xf32>
    %div3A_225 = arith.divf %exp3A, %div3A : vector<80x80xf32>
    %dot_general3A_226 = arith.constant dense<0.000000e+00> : vector<80x96xf32>
    %dot_general3A_227 = tpu.matmul %div3A_225, %slice3A, %dot_general3A_226 {dimension_numbers = #tpu.dot_dimension_numbers<[1], [0], [0], [1], [0, 0, 1, 1], [], []>, transpose_lhs_hint = false} : vector<80x80xf32>, vector<80x96xf32>, vector<80x96xf32> -> vector<80x96xf32>
    %dot_general3A_228 = arith.constant dense<0.000000e+00> : vector<80x96xf32>
    %dot_general3A_229 = tpu.matmul %dot_general3A_227, %get3A_19, %dot_general3A_228 {dimension_numbers = #tpu.dot_dimension_numbers<[1], [0], [0], [1], [0, 0, 1, 1], [], []>, transpose_lhs_hint = false} : vector<80x96xf32>, vector<96x96xf32>, vector<80x96xf32> -> vector<80x96xf32>
    %add3A_230 = vector.broadcast %get3A_22 : vector<1x96xf32> to vector<80x96xf32>
    %add3A_231 = arith.addf %dot_general3A_229, %add3A_230 : vector<80x96xf32>
    %swap3A = arith.constant 0 : index
    %swap3A_232 = arith.constant 0 : index
    %swap3A_233 = arith.constant 0 : index
    %swap3A_234 = vector.load %arg11[%swap3A, %swap3A_232, %swap3A_233] : memref<1x80x96xf32, #tpu.memory_space<vmem>>, vector<1x80x96xf32>
    %swap3A_235 = vector.shape_cast %swap3A_234 : vector<1x80x96xf32> to vector<80x96xf32>
    %swap3A_236 = vector.shape_cast %add3A_231 : vector<80x96xf32> to vector<1x80x96xf32>
    tpu.vector_store %arg11[%swap3A, %swap3A_232, %swap3A_233], %swap3A_236 {strides = array<i32>} : memref<1x80x96xf32, #tpu.memory_space<vmem>>, vector<1x80x96xf32>,
    return
  }
  func.func @transform_0(%arg0: i32) -> (i32, i32, i32) {
    %c0_i32 = arith.constant 0 : i32
    %c0_i32_0 = arith.constant 0 : i32
    %c0_i32_1 = arith.constant 0 : i32
    return %arg0, %c0_i32, %c0_i32_0 : i32, i32, i32
  }
  func.func @transform_1(%arg0: i32) -> (i32, i32, i32) {
    %c0_i32 = arith.constant 0 : i32
    %c0_i32_0 = arith.constant 0 : i32
    %c0_i32_1 = arith.constant 0 : i32
    return %arg0, %c0_i32, %c0_i32_0 : i32, i32, i32
  }
  func.func @transform_2(%arg0: i32) -> (i32, i32) {
    %c0_i32 = arith.constant 0 : i32
    %c0_i32_0 = arith.constant 0 : i32
    %c0_i32_1 = arith.constant 0 : i32
    return %c0_i32, %c0_i32_0 : i32, i32
  }
  func.func @transform_3(%arg0: i32) -> (i32, i32) {
    %c0_i32 = arith.constant 0 : i32
    %c0_i32_0 = arith.constant 0 : i32
    %c0_i32_1 = arith.constant 0 : i32
    return %c0_i32, %c0_i32_0 : i32, i32
  }
  func.func @transform_4(%arg0: i32) -> (i32, i32) {
    %c0_i32 = arith.constant 0 : i32
    %c0_i32_0 = arith.constant 0 : i32
    %c0_i32_1 = arith.constant 0 : i32
    return %c0_i32, %c0_i32_0 : i32, i32
  }
  func.func @transform_5(%arg0: i32) -> (i32, i32) {
    %c0_i32 = arith.constant 0 : i32
    %c0_i32_0 = arith.constant 0 : i32
    %c0_i32_1 = arith.constant 0 : i32
    return %c0_i32, %c0_i32_0 : i32, i32
  }
  func.func @transform_6(%arg0: i32) -> (i32, i32) {
    %c0_i32 = arith.constant 0 : i32
    %c0_i32_0 = arith.constant 0 : i32
    %c0_i32_1 = arith.constant 0 : i32
    return %c0_i32, %c0_i32_0 : i32, i32
  }
  func.func @transform_7(%arg0: i32) -> (i32, i32) {
    %c0_i32 = arith.constant 0 : i32
    %c0_i32_0 = arith.constant 0 : i32
    %c0_i32_1 = arith.constant 0 : i32
    return %c0_i32, %c0_i32_0 : i32, i32
  }
  func.func @transform_8(%arg0: i32) -> (i32, i32) {
    %c0_i32 = arith.constant 0 : i32
    %c0_i32_0 = arith.constant 0 : i32
    %c0_i32_1 = arith.constant 0 : i32
    return %c0_i32, %c0_i32_0 : i32, i32
  }
  func.func @transform_9(%arg0: i32) -> (i32, i32) {
    %c0_i32 = arith.constant 0 : i32
    %c0_i32_0 = arith.constant 0 : i32
    %c0_i32_1 = arith.constant 0 : i32
    return %c0_i32, %c0_i32_0 : i32, i32
  }
  func.func @transform_10(%arg0: i32) -> (i32, i32, i32) {
    %c0_i32 = arith.constant 0 : i32
    %c0_i32_0 = arith.constant 0 : i32
    %c0_i32_1 = arith.constant 0 : i32
    return %arg0, %c0_i32, %c0_i32_0 : i32, i32, i32
  }
}

module attributes {stable_mosaic.version = 14 : i64} {
  func.func @_tc_mid_kernel(%arg0: i32, %arg1: memref<1x128x128xf32, #tpu.memory_space<vmem>>, %arg2: memref<1x128x1xf32, #tpu.memory_space<vmem>>, %arg3: memref<96x192xf32, #tpu.memory_space<vmem>>, %arg4: memref<192x192xf32, #tpu.memory_space<vmem>>, %arg5: memref<192x96xf32, #tpu.memory_space<vmem>>, %arg6: memref<96x96xf32, #tpu.memory_space<vmem>>, %arg7: memref<96x1xf32, #tpu.memory_space<vmem>>, %arg8: memref<1x1xf32, #tpu.memory_space<vmem>>, %arg9: memref<96x96xf32, #tpu.memory_space<vmem>>, %arg10: memref<1x96xf32, #tpu.memory_space<vmem>>, %arg11: memref<96x1xf32, #tpu.memory_space<vmem>>, %arg12: memref<1x1xf32, #tpu.memory_space<vmem>>, %arg13: memref<1x104x128xf32, #tpu.memory_space<vmem>>, %arg14: memref<1x1x128xf32, #tpu.memory_space<vmem>>) attributes {dimension_semantics = [#tpu.dimension_semantics<arbitrary>], iteration_bounds = array<i64: 4>, scalar_prefetch = 0 : i64, scratch_operands = 0 : i64, tpu.core_type = #tpu.core_type<tc>, window_params = [{transform_indices = @transform_0, window_bounds = array<i64: 1, 128, 128>}, {transform_indices = @transform_1, window_bounds = array<i64: 1, 128, 1>}, {pipeline_mode = #tpu.pipeline_mode<synchronous>, transform_indices = @transform_2, window_bounds = array<i64: 96, 192>}, {pipeline_mode = #tpu.pipeline_mode<synchronous>, transform_indices = @transform_3, window_bounds = array<i64: 192, 192>}, {pipeline_mode = #tpu.pipeline_mode<synchronous>, transform_indices = @transform_4, window_bounds = array<i64: 192, 96>}, {pipeline_mode = #tpu.pipeline_mode<synchronous>, transform_indices = @transform_5, window_bounds = array<i64: 96, 96>}, {pipeline_mode = #tpu.pipeline_mode<synchronous>, transform_indices = @transform_6, window_bounds = array<i64: 96, 1>}, {pipeline_mode = #tpu.pipeline_mode<synchronous>, transform_indices = @transform_7, window_bounds = array<i64: 1, 1>}, {pipeline_mode = #tpu.pipeline_mode<synchronous>, transform_indices = @transform_8, window_bounds = array<i64: 96, 96>}, {pipeline_mode = #tpu.pipeline_mode<synchronous>, transform_indices = @transform_9, window_bounds = array<i64: 1, 96>}, {pipeline_mode = #tpu.pipeline_mode<synchronous>, transform_indices = @transform_10, window_bounds = array<i64: 96, 1>}, {pipeline_mode = #tpu.pipeline_mode<synchronous>, transform_indices = @transform_11, window_bounds = array<i64: 1, 1>}, {transform_indices = @transform_12, window_bounds = array<i64: 1, 104, 128>}, {transform_indices = @transform_13, window_bounds = array<i64: 1, 1, 128>}]} {
    %get3A = arith.constant 0 : index
    %get3A_0 = arith.constant 0 : index
    %get3A_1 = vector.load %arg3[%get3A, %get3A_0] : memref<96x192xf32, #tpu.memory_space<vmem>>, vector<96x192xf32>
    %get3A_2 = arith.constant 0 : index
    %get3A_3 = arith.constant 0 : index
    %get3A_4 = vector.load %arg4[%get3A_2, %get3A_3] : memref<192x192xf32, #tpu.memory_space<vmem>>, vector<192x192xf32>
    %get3A_5 = arith.constant 0 : index
    %get3A_6 = arith.constant 0 : index
    %get3A_7 = vector.load %arg5[%get3A_5, %get3A_6] : memref<192x96xf32, #tpu.memory_space<vmem>>, vector<192x96xf32>
    %get3A_8 = arith.constant 0 : index
    %get3A_9 = arith.constant 0 : index
    %get3A_10 = vector.load %arg6[%get3A_8, %get3A_9] : memref<96x96xf32, #tpu.memory_space<vmem>>, vector<96x96xf32>
    %get3A_11 = arith.constant 0 : index
    %get3A_12 = arith.constant 0 : index
    %get3A_13 = vector.load %arg7[%get3A_11, %get3A_12] : memref<96x1xf32, #tpu.memory_space<vmem>>, vector<96x1xf32>
    %get3A_14 = arith.constant 0 : index
    %get3A_15 = arith.constant 0 : index
    %get3A_16 = vector.load %arg8[%get3A_14, %get3A_15] : memref<1x1xf32, #tpu.memory_space<vmem>>, vector<1x1xf32>
    %get3A_17 = arith.constant 0 : index
    %get3A_18 = arith.constant 0 : index
    %get3A_19 = vector.load %arg9[%get3A_17, %get3A_18] : memref<96x96xf32, #tpu.memory_space<vmem>>, vector<96x96xf32>
    %get3A_20 = arith.constant 0 : index
    %get3A_21 = arith.constant 0 : index
    %get3A_22 = vector.load %arg10[%get3A_20, %get3A_21] : memref<1x96xf32, #tpu.memory_space<vmem>>, vector<1x96xf32>
    %get3A_23 = arith.constant 0 : index
    %get3A_24 = arith.constant 0 : index
    %get3A_25 = vector.load %arg11[%get3A_23, %get3A_24] : memref<96x1xf32, #tpu.memory_space<vmem>>, vector<96x1xf32>
    %get3A_26 = arith.constant 0 : index
    %get3A_27 = arith.constant 0 : index
    %get3A_28 = vector.load %arg12[%get3A_26, %get3A_27] : memref<1x1xf32, #tpu.memory_space<vmem>>, vector<1x1xf32>
    %get3A_29 = arith.constant 0 : index
    %get3A_30 = arith.constant 0 : index
    %get3A_31 = arith.constant 0 : index
    %get3A_32 = vector.load %arg1[%get3A_29, %get3A_30, %get3A_31] : memref<1x128x128xf32, #tpu.memory_space<vmem>>, vector<1x128x128xf32>
    %get3A_33 = vector.shape_cast %get3A_32 : vector<1x128x128xf32> to vector<128x128xf32>
    %get3A_34 = arith.constant 0 : index
    %get3A_35 = arith.constant 0 : index
    %get3A_36 = arith.constant 0 : index
    %get3A_37 = vector.load %arg2[%get3A_34, %get3A_35, %get3A_36] : memref<1x128x1xf32, #tpu.memory_space<vmem>>, vector<1x128x1xf32>
    %get3A_38 = vector.shape_cast %get3A_37 : vector<1x128x1xf32> to vector<128x1xf32>
    %mul3A = vector.broadcast %get3A_38 : vector<128x1xf32> to vector<128x128xf32>
    %mul3A_39 = arith.mulf %get3A_33, %mul3A : vector<128x128xf32>
    %slice3A = vector.extract_strided_slice %mul3A_39 {offsets = [0, 0], sizes = [104, 96], strides = [1, 1]} : vector<128x128xf32> to vector<104x96xf32>
    %slice3A_40 = vector.extract_strided_slice %slice3A {offsets = [0, 0], sizes = [52, 96], strides = [1, 1]} : vector<104x96xf32> to vector<52x96xf32>
    %slice3A_41 = vector.extract_strided_slice %slice3A {offsets = [0, 0], sizes = [52, 96], strides = [1, 1]} : vector<104x96xf32> to vector<52x96xf32>
    %broadcast_in_dim3A = vector.shape_cast %slice3A_40 : vector<52x96xf32> to vector<52x1x96xf32>
    %broadcast_in_dim3A_42 = vector.shape_cast %slice3A_41 : vector<52x96xf32> to vector<1x52x96xf32>
    %sub3A = vector.broadcast %broadcast_in_dim3A : vector<52x1x96xf32> to vector<52x52x96xf32>
    %sub3A_43 = vector.broadcast %broadcast_in_dim3A_42 : vector<1x52x96xf32> to vector<52x52x96xf32>
    %sub3A_44 = arith.subf %sub3A, %sub3A_43 : vector<52x52x96xf32>
    %abs3A = math.absf %sub3A_44 : vector<52x52x96xf32>
    %reshape3A = vector.shape_cast %abs3A : vector<52x52x96xf32> to vector<2704x96xf32>
    %dot_general3A = arith.constant dense<0.000000e+00> : vector<2704x192xf32>
    %dot_general3A_45 = tpu.matmul %reshape3A, %get3A_1, %dot_general3A {dimension_numbers = #tpu.dot_dimension_numbers<[1], [0], [0], [1], [0, 0, 1, 1], [], []>, transpose_lhs_hint = false} : vector<2704x96xf32>, vector<96x192xf32>, vector<2704x192xf32> -> vector<2704x192xf32>
    %mul3A_46 = arith.constant 0.999994993 : f32
    %mul3A_47 = vector.broadcast %mul3A_46 : f32 to vector<2704x192xf32>
    %mul3A_48 = arith.mulf %mul3A_47, %dot_general3A_45 : vector<2704x192xf32>
    %jit3A = arith.constant 0.00999999977 : f32
    %ge3A = arith.constant 0.000000e+00 : f32
    %ge3A_49 = vector.broadcast %ge3A : f32 to vector<2704x192xf32>
    %ge3A_50 = arith.cmpf oge, %mul3A_48, %ge3A_49 : vector<2704x192xf32>
    %mul3A_51 = vector.broadcast %jit3A : f32 to vector<2704x192xf32>
    %mul3A_52 = arith.mulf %mul3A_51, %mul3A_48 : vector<2704x192xf32>
    %select_n3A = arith.select %ge3A_50, %mul3A_48, %mul3A_52 : vector<2704x192xi1>, vector<2704x192xf32>
    %dot_general3A_53 = arith.constant dense<0.000000e+00> : vector<2704x192xf32>
    %dot_general3A_54 = tpu.matmul %select_n3A, %get3A_4, %dot_general3A_53 {dimension_numbers = #tpu.dot_dimension_numbers<[1], [0], [0], [1], [0, 0, 1, 1], [], []>, transpose_lhs_hint = false} : vector<2704x192xf32>, vector<192x192xf32>, vector<2704x192xf32> -> vector<2704x192xf32>
    %mul3A_55 = arith.constant 0.999994993 : f32
    %mul3A_56 = vector.broadcast %mul3A_55 : f32 to vector<2704x192xf32>
    %mul3A_57 = arith.mulf %mul3A_56, %dot_general3A_54 : vector<2704x192xf32>
    %jit3A_58 = arith.constant 0.00999999977 : f32
    %ge3A_59 = arith.constant 0.000000e+00 : f32
    %ge3A_60 = vector.broadcast %ge3A_59 : f32 to vector<2704x192xf32>
    %ge3A_61 = arith.cmpf oge, %mul3A_57, %ge3A_60 : vector<2704x192xf32>
    %mul3A_62 = vector.broadcast %jit3A_58 : f32 to vector<2704x192xf32>
    %mul3A_63 = arith.mulf %mul3A_62, %mul3A_57 : vector<2704x192xf32>
    %select_n3A_64 = arith.select %ge3A_61, %mul3A_57, %mul3A_63 : vector<2704x192xi1>, vector<2704x192xf32>
    %dot_general3A_65 = arith.constant dense<0.000000e+00> : vector<2704x96xf32>
    %dot_general3A_66 = tpu.matmul %select_n3A_64, %get3A_7, %dot_general3A_65 {dimension_numbers = #tpu.dot_dimension_numbers<[1], [0], [0], [1], [0, 0, 1, 1], [], []>, transpose_lhs_hint = false} : vector<2704x192xf32>, vector<192x96xf32>, vector<2704x96xf32> -> vector<2704x96xf32>
    %mul3A_67 = arith.constant 0.999994993 : f32
    %mul3A_68 = vector.broadcast %mul3A_67 : f32 to vector<2704x96xf32>
    %mul3A_69 = arith.mulf %mul3A_68, %dot_general3A_66 : vector<2704x96xf32>
    %jit3A_70 = arith.constant 0.00999999977 : f32
    %ge3A_71 = arith.constant 0.000000e+00 : f32
    %ge3A_72 = vector.broadcast %ge3A_71 : f32 to vector<2704x96xf32>
    %ge3A_73 = arith.cmpf oge, %mul3A_69, %ge3A_72 : vector<2704x96xf32>
    %mul3A_74 = vector.broadcast %jit3A_70 : f32 to vector<2704x96xf32>
    %mul3A_75 = arith.mulf %mul3A_74, %mul3A_69 : vector<2704x96xf32>
    %select_n3A_76 = arith.select %ge3A_73, %mul3A_69, %mul3A_75 : vector<2704x96xi1>, vector<2704x96xf32>
    %dot_general3A_77 = arith.constant dense<0.000000e+00> : vector<2704x96xf32>
    %dot_general3A_78 = tpu.matmul %select_n3A_76, %get3A_10, %dot_general3A_77 {dimension_numbers = #tpu.dot_dimension_numbers<[1], [0], [0], [1], [0, 0, 1, 1], [], []>, transpose_lhs_hint = false} : vector<2704x96xf32>, vector<96x96xf32>, vector<2704x96xf32> -> vector<2704x96xf32>
    %mul3A_79 = arith.constant 0.999994993 : f32
    %mul3A_80 = vector.broadcast %mul3A_79 : f32 to vector<2704x96xf32>
    %mul3A_81 = arith.mulf %mul3A_80, %dot_general3A_78 : vector<2704x96xf32>
    %jit3A_82 = arith.constant 0.00999999977 : f32
    %ge3A_83 = arith.constant 0.000000e+00 : f32
    %ge3A_84 = vector.broadcast %ge3A_83 : f32 to vector<2704x96xf32>
    %ge3A_85 = arith.cmpf oge, %mul3A_81, %ge3A_84 : vector<2704x96xf32>
    %mul3A_86 = vector.broadcast %jit3A_82 : f32 to vector<2704x96xf32>
    %mul3A_87 = arith.mulf %mul3A_86, %mul3A_81 : vector<2704x96xf32>
    %select_n3A_88 = arith.select %ge3A_85, %mul3A_81, %mul3A_87 : vector<2704x96xi1>, vector<2704x96xf32>
    %dot_general3A_89 = arith.constant dense<0.000000e+00> : vector<2704x1xf32>
    %dot_general3A_90 = tpu.matmul %select_n3A_88, %get3A_13, %dot_general3A_89 {dimension_numbers = #tpu.dot_dimension_numbers<[1], [0], [0], [1], [0, 0, 1, 1], [], []>, transpose_lhs_hint = false} : vector<2704x96xf32>, vector<96x1xf32>, vector<2704x1xf32> -> vector<2704x1xf32>
    %add3A = vector.broadcast %get3A_16 : vector<1x1xf32> to vector<2704x1xf32>
    %add3A_91 = arith.addf %dot_general3A_90, %add3A : vector<2704x1xf32>
    %reshape3A_92 = vector.shape_cast %add3A_91 : vector<2704x1xf32> to vector<52x52xf32>
    %slice3A_93 = vector.extract_strided_slice %slice3A {offsets = [52, 0], sizes = [52, 96], strides = [1, 1]} : vector<104x96xf32> to vector<52x96xf32>
    %broadcast_in_dim3A_94 = vector.shape_cast %slice3A_40 : vector<52x96xf32> to vector<52x1x96xf32>
    %broadcast_in_dim3A_95 = vector.shape_cast %slice3A_93 : vector<52x96xf32> to vector<1x52x96xf32>
    %sub3A_96 = vector.broadcast %broadcast_in_dim3A_94 : vector<52x1x96xf32> to vector<52x52x96xf32>
    %sub3A_97 = vector.broadcast %broadcast_in_dim3A_95 : vector<1x52x96xf32> to vector<52x52x96xf32>
    %sub3A_98 = arith.subf %sub3A_96, %sub3A_97 : vector<52x52x96xf32>
    %abs3A_99 = math.absf %sub3A_98 : vector<52x52x96xf32>
    %reshape3A_100 = vector.shape_cast %abs3A_99 : vector<52x52x96xf32> to vector<2704x96xf32>
    %dot_general3A_101 = arith.constant dense<0.000000e+00> : vector<2704x192xf32>
    %dot_general3A_102 = tpu.matmul %reshape3A_100, %get3A_1, %dot_general3A_101 {dimension_numbers = #tpu.dot_dimension_numbers<[1], [0], [0], [1], [0, 0, 1, 1], [], []>, transpose_lhs_hint = false} : vector<2704x96xf32>, vector<96x192xf32>, vector<2704x192xf32> -> vector<2704x192xf32>
    %mul3A_103 = arith.constant 0.999994993 : f32
    %mul3A_104 = vector.broadcast %mul3A_103 : f32 to vector<2704x192xf32>
    %mul3A_105 = arith.mulf %mul3A_104, %dot_general3A_102 : vector<2704x192xf32>
    %jit3A_106 = arith.constant 0.00999999977 : f32
    %ge3A_107 = arith.constant 0.000000e+00 : f32
    %ge3A_108 = vector.broadcast %ge3A_107 : f32 to vector<2704x192xf32>
    %ge3A_109 = arith.cmpf oge, %mul3A_105, %ge3A_108 : vector<2704x192xf32>
    %mul3A_110 = vector.broadcast %jit3A_106 : f32 to vector<2704x192xf32>
    %mul3A_111 = arith.mulf %mul3A_110, %mul3A_105 : vector<2704x192xf32>
    %select_n3A_112 = arith.select %ge3A_109, %mul3A_105, %mul3A_111 : vector<2704x192xi1>, vector<2704x192xf32>
    %dot_general3A_113 = arith.constant dense<0.000000e+00> : vector<2704x192xf32>
    %dot_general3A_114 = tpu.matmul %select_n3A_112, %get3A_4, %dot_general3A_113 {dimension_numbers = #tpu.dot_dimension_numbers<[1], [0], [0], [1], [0, 0, 1, 1], [], []>, transpose_lhs_hint = false} : vector<2704x192xf32>, vector<192x192xf32>, vector<2704x192xf32> -> vector<2704x192xf32>
    %mul3A_115 = arith.constant 0.999994993 : f32
    %mul3A_116 = vector.broadcast %mul3A_115 : f32 to vector<2704x192xf32>
    %mul3A_117 = arith.mulf %mul3A_116, %dot_general3A_114 : vector<2704x192xf32>
    %jit3A_118 = arith.constant 0.00999999977 : f32
    %ge3A_119 = arith.constant 0.000000e+00 : f32
    %ge3A_120 = vector.broadcast %ge3A_119 : f32 to vector<2704x192xf32>
    %ge3A_121 = arith.cmpf oge, %mul3A_117, %ge3A_120 : vector<2704x192xf32>
    %mul3A_122 = vector.broadcast %jit3A_118 : f32 to vector<2704x192xf32>
    %mul3A_123 = arith.mulf %mul3A_122, %mul3A_117 : vector<2704x192xf32>
    %select_n3A_124 = arith.select %ge3A_121, %mul3A_117, %mul3A_123 : vector<2704x192xi1>, vector<2704x192xf32>
    %dot_general3A_125 = arith.constant dense<0.000000e+00> : vector<2704x96xf32>
    %dot_general3A_126 = tpu.matmul %select_n3A_124, %get3A_7, %dot_general3A_125 {dimension_numbers = #tpu.dot_dimension_numbers<[1], [0], [0], [1], [0, 0, 1, 1], [], []>, transpose_lhs_hint = false} : vector<2704x192xf32>, vector<192x96xf32>, vector<2704x96xf32> -> vector<2704x96xf32>
    %mul3A_127 = arith.constant 0.999994993 : f32
    %mul3A_128 = vector.broadcast %mul3A_127 : f32 to vector<2704x96xf32>
    %mul3A_129 = arith.mulf %mul3A_128, %dot_general3A_126 : vector<2704x96xf32>
    %jit3A_130 = arith.constant 0.00999999977 : f32
    %ge3A_131 = arith.constant 0.000000e+00 : f32
    %ge3A_132 = vector.broadcast %ge3A_131 : f32 to vector<2704x96xf32>
    %ge3A_133 = arith.cmpf oge, %mul3A_129, %ge3A_132 : vector<2704x96xf32>
    %mul3A_134 = vector.broadcast %jit3A_130 : f32 to vector<2704x96xf32>
    %mul3A_135 = arith.mulf %mul3A_134, %mul3A_129 : vector<2704x96xf32>
    %select_n3A_136 = arith.select %ge3A_133, %mul3A_129, %mul3A_135 : vector<2704x96xi1>, vector<2704x96xf32>
    %dot_general3A_137 = arith.constant dense<0.000000e+00> : vector<2704x96xf32>
    %dot_general3A_138 = tpu.matmul %select_n3A_136, %get3A_10, %dot_general3A_137 {dimension_numbers = #tpu.dot_dimension_numbers<[1], [0], [0], [1], [0, 0, 1, 1], [], []>, transpose_lhs_hint = false} : vector<2704x96xf32>, vector<96x96xf32>, vector<2704x96xf32> -> vector<2704x96xf32>
    %mul3A_139 = arith.constant 0.999994993 : f32
    %mul3A_140 = vector.broadcast %mul3A_139 : f32 to vector<2704x96xf32>
    %mul3A_141 = arith.mulf %mul3A_140, %dot_general3A_138 : vector<2704x96xf32>
    %jit3A_142 = arith.constant 0.00999999977 : f32
    %ge3A_143 = arith.constant 0.000000e+00 : f32
    %ge3A_144 = vector.broadcast %ge3A_143 : f32 to vector<2704x96xf32>
    %ge3A_145 = arith.cmpf oge, %mul3A_141, %ge3A_144 : vector<2704x96xf32>
    %mul3A_146 = vector.broadcast %jit3A_142 : f32 to vector<2704x96xf32>
    %mul3A_147 = arith.mulf %mul3A_146, %mul3A_141 : vector<2704x96xf32>
    %select_n3A_148 = arith.select %ge3A_145, %mul3A_141, %mul3A_147 : vector<2704x96xi1>, vector<2704x96xf32>
    %dot_general3A_149 = arith.constant dense<0.000000e+00> : vector<2704x1xf32>
    %dot_general3A_150 = tpu.matmul %select_n3A_148, %get3A_13, %dot_general3A_149 {dimension_numbers = #tpu.dot_dimension_numbers<[1], [0], [0], [1], [0, 0, 1, 1], [], []>, transpose_lhs_hint = false} : vector<2704x96xf32>, vector<96x1xf32>, vector<2704x1xf32> -> vector<2704x1xf32>
    %add3A_151 = vector.broadcast %get3A_16 : vector<1x1xf32> to vector<2704x1xf32>
    %add3A_152 = arith.addf %dot_general3A_150, %add3A_151 : vector<2704x1xf32>
    %reshape3A_153 = vector.shape_cast %add3A_152 : vector<2704x1xf32> to vector<52x52xf32>
    %slice3A_154 = vector.extract_strided_slice %slice3A {offsets = [52, 0], sizes = [52, 96], strides = [1, 1]} : vector<104x96xf32> to vector<52x96xf32>
    %slice3A_155 = vector.extract_strided_slice %slice3A {offsets = [52, 0], sizes = [52, 96], strides = [1, 1]} : vector<104x96xf32> to vector<52x96xf32>
    %broadcast_in_dim3A_156 = vector.shape_cast %slice3A_154 : vector<52x96xf32> to vector<52x1x96xf32>
    %broadcast_in_dim3A_157 = vector.shape_cast %slice3A_155 : vector<52x96xf32> to vector<1x52x96xf32>
    %sub3A_158 = vector.broadcast %broadcast_in_dim3A_156 : vector<52x1x96xf32> to vector<52x52x96xf32>
    %sub3A_159 = vector.broadcast %broadcast_in_dim3A_157 : vector<1x52x96xf32> to vector<52x52x96xf32>
    %sub3A_160 = arith.subf %sub3A_158, %sub3A_159 : vector<52x52x96xf32>
    %abs3A_161 = math.absf %sub3A_160 : vector<52x52x96xf32>
    %reshape3A_162 = vector.shape_cast %abs3A_161 : vector<52x52x96xf32> to vector<2704x96xf32>
    %dot_general3A_163 = arith.constant dense<0.000000e+00> : vector<2704x192xf32>
    %dot_general3A_164 = tpu.matmul %reshape3A_162, %get3A_1, %dot_general3A_163 {dimension_numbers = #tpu.dot_dimension_numbers<[1], [0], [0], [1], [0, 0, 1, 1], [], []>, transpose_lhs_hint = false} : vector<2704x96xf32>, vector<96x192xf32>, vector<2704x192xf32> -> vector<2704x192xf32>
    %mul3A_165 = arith.constant 0.999994993 : f32
    %mul3A_166 = vector.broadcast %mul3A_165 : f32 to vector<2704x192xf32>
    %mul3A_167 = arith.mulf %mul3A_166, %dot_general3A_164 : vector<2704x192xf32>
    %jit3A_168 = arith.constant 0.00999999977 : f32
    %ge3A_169 = arith.constant 0.000000e+00 : f32
    %ge3A_170 = vector.broadcast %ge3A_169 : f32 to vector<2704x192xf32>
    %ge3A_171 = arith.cmpf oge, %mul3A_167, %ge3A_170 : vector<2704x192xf32>
    %mul3A_172 = vector.broadcast %jit3A_168 : f32 to vector<2704x192xf32>
    %mul3A_173 = arith.mulf %mul3A_172, %mul3A_167 : vector<2704x192xf32>
    %select_n3A_174 = arith.select %ge3A_171, %mul3A_167, %mul3A_173 : vector<2704x192xi1>, vector<2704x192xf32>
    %dot_general3A_175 = arith.constant dense<0.000000e+00> : vector<2704x192xf32>
    %dot_general3A_176 = tpu.matmul %select_n3A_174, %get3A_4, %dot_general3A_175 {dimension_numbers = #tpu.dot_dimension_numbers<[1], [0], [0], [1], [0, 0, 1, 1], [], []>, transpose_lhs_hint = false} : vector<2704x192xf32>, vector<192x192xf32>, vector<2704x192xf32> -> vector<2704x192xf32>
    %mul3A_177 = arith.constant 0.999994993 : f32
    %mul3A_178 = vector.broadcast %mul3A_177 : f32 to vector<2704x192xf32>
    %mul3A_179 = arith.mulf %mul3A_178, %dot_general3A_176 : vector<2704x192xf32>
    %jit3A_180 = arith.constant 0.00999999977 : f32
    %ge3A_181 = arith.constant 0.000000e+00 : f32
    %ge3A_182 = vector.broadcast %ge3A_181 : f32 to vector<2704x192xf32>
    %ge3A_183 = arith.cmpf oge, %mul3A_179, %ge3A_182 : vector<2704x192xf32>
    %mul3A_184 = vector.broadcast %jit3A_180 : f32 to vector<2704x192xf32>
    %mul3A_185 = arith.mulf %mul3A_184, %mul3A_179 : vector<2704x192xf32>
    %select_n3A_186 = arith.select %ge3A_183, %mul3A_179, %mul3A_185 : vector<2704x192xi1>, vector<2704x192xf32>
    %dot_general3A_187 = arith.constant dense<0.000000e+00> : vector<2704x96xf32>
    %dot_general3A_188 = tpu.matmul %select_n3A_186, %get3A_7, %dot_general3A_187 {dimension_numbers = #tpu.dot_dimension_numbers<[1], [0], [0], [1], [0, 0, 1, 1], [], []>, transpose_lhs_hint = false} : vector<2704x192xf32>, vector<192x96xf32>, vector<2704x96xf32> -> vector<2704x96xf32>
    %mul3A_189 = arith.constant 0.999994993 : f32
    %mul3A_190 = vector.broadcast %mul3A_189 : f32 to vector<2704x96xf32>
    %mul3A_191 = arith.mulf %mul3A_190, %dot_general3A_188 : vector<2704x96xf32>
    %jit3A_192 = arith.constant 0.00999999977 : f32
    %ge3A_193 = arith.constant 0.000000e+00 : f32
    %ge3A_194 = vector.broadcast %ge3A_193 : f32 to vector<2704x96xf32>
    %ge3A_195 = arith.cmpf oge, %mul3A_191, %ge3A_194 : vector<2704x96xf32>
    %mul3A_196 = vector.broadcast %jit3A_192 : f32 to vector<2704x96xf32>
    %mul3A_197 = arith.mulf %mul3A_196, %mul3A_191 : vector<2704x96xf32>
    %select_n3A_198 = arith.select %ge3A_195, %mul3A_191, %mul3A_197 : vector<2704x96xi1>, vector<2704x96xf32>
    %dot_general3A_199 = arith.constant dense<0.000000e+00> : vector<2704x96xf32>
    %dot_general3A_200 = tpu.matmul %select_n3A_198, %get3A_10, %dot_general3A_199 {dimension_numbers = #tpu.dot_dimension_numbers<[1], [0], [0], [1], [0, 0, 1, 1], [], []>, transpose_lhs_hint = false} : vector<2704x96xf32>, vector<96x96xf32>, vector<2704x96xf32> -> vector<2704x96xf32>
    %mul3A_201 = arith.constant 0.999994993 : f32
    %mul3A_202 = vector.broadcast %mul3A_201 : f32 to vector<2704x96xf32>
    %mul3A_203 = arith.mulf %mul3A_202, %dot_general3A_200 : vector<2704x96xf32>
    %jit3A_204 = arith.constant 0.00999999977 : f32
    %ge3A_205 = arith.constant 0.000000e+00 : f32
    %ge3A_206 = vector.broadcast %ge3A_205 : f32 to vector<2704x96xf32>
    %ge3A_207 = arith.cmpf oge, %mul3A_203, %ge3A_206 : vector<2704x96xf32>
    %mul3A_208 = vector.broadcast %jit3A_204 : f32 to vector<2704x96xf32>
    %mul3A_209 = arith.mulf %mul3A_208, %mul3A_203 : vector<2704x96xf32>
    %select_n3A_210 = arith.select %ge3A_207, %mul3A_203, %mul3A_209 : vector<2704x96xi1>, vector<2704x96xf32>
    %dot_general3A_211 = arith.constant dense<0.000000e+00> : vector<2704x1xf32>
    %dot_general3A_212 = tpu.matmul %select_n3A_210, %get3A_13, %dot_general3A_211 {dimension_numbers = #tpu.dot_dimension_numbers<[1], [0], [0], [1], [0, 0, 1, 1], [], []>, transpose_lhs_hint = false} : vector<2704x96xf32>, vector<96x1xf32>, vector<2704x1xf32> -> vector<2704x1xf32>
    %add3A_213 = vector.broadcast %get3A_16 : vector<1x1xf32> to vector<2704x1xf32>
    %add3A_214 = arith.addf %dot_general3A_212, %add3A_213 : vector<2704x1xf32>
    %reshape3A_215 = vector.shape_cast %add3A_214 : vector<2704x1xf32> to vector<52x52xf32>
    %concatenate3A = tpu.concatenate %reshape3A_92, %reshape3A_153 in 1 : vector<52x52xf32>, vector<52x52xf32> -> vector<52x104xf32>
    %transpose3A = tpu.transpose %reshape3A_153, [1, 0] : vector<52x52xf32> -> vector<52x52xf32>
    %concatenate3A_216 = tpu.concatenate %transpose3A, %reshape3A_215 in 1 : vector<52x52xf32>, vector<52x52xf32> -> vector<52x104xf32>
    %concatenate3A_217 = tpu.concatenate %concatenate3A, %concatenate3A_216 in 0 : vector<52x104xf32>, vector<52x104xf32> -> vector<104x104xf32>
    %iota3A = tpu.iota {dimensions = array<i32: 1>} : vector<104x104xi32>
    %lt3A = arith.constant 97 : i32
    %lt3A_218 = vector.broadcast %lt3A : i32 to vector<104x104xi32>
    %lt3A_219 = arith.cmpi slt, %iota3A, %lt3A_218 : vector<104x104xi32>
    %jit3A_220 = arith.constant -1.000000e+30 : f32
    %broadcast_in_dim3A_221 = vector.broadcast %jit3A_220 : f32 to vector<104x104xf32>
    %select_n3A_222 = arith.select %lt3A_219, %concatenate3A_217, %broadcast_in_dim3A_221 : vector<104x104xi1>, vector<104x104xf32>
    %reduce_max3A = arith.constant dense<0xFF800000> : vector<104xf32>
    %reduce_max3A_223 = vector.multi_reduction <maximumf>, %select_n3A_222, %reduce_max3A [1] : vector<104x104xf32> to vector<104xf32>
    %max3A = arith.constant 0xFF800000 : f32
    %max3A_224 = vector.broadcast %max3A : f32 to vector<104xf32>
    %max3A_225 = arith.maximumf %max3A_224, %reduce_max3A_223 : vector<104xf32>
    %broadcast_in_dim3A_226 = vector.shape_cast %max3A_225 : vector<104xf32> to vector<104x1xf32>
    %sub3A_227 = vector.broadcast %broadcast_in_dim3A_226 : vector<104x1xf32> to vector<104x104xf32>
    %sub3A_228 = arith.subf %select_n3A_222, %sub3A_227 : vector<104x104xf32>
    %exp3A = math.exp %sub3A_228 : vector<104x104xf32>
    %reduce_sum3A = arith.constant dense<0.000000e+00> : vector<104xf32>
    %reduce_sum3A_229 = vector.multi_reduction <add>, %exp3A, %reduce_sum3A [1] : vector<104x104xf32> to vector<104xf32>
    %broadcast_in_dim3A_230 = vector.shape_cast %reduce_sum3A_229 : vector<104xf32> to vector<104x1xf32>
    %div3A = vector.broadcast %broadcast_in_dim3A_230 : vector<104x1xf32> to vector<104x104xf32>
    %div3A_231 = arith.divf %exp3A, %div3A : vector<104x104xf32>
    %dot_general3A_232 = arith.constant dense<0.000000e+00> : vector<104x96xf32>
    %dot_general3A_233 = tpu.matmul %div3A_231, %slice3A, %dot_general3A_232 {dimension_numbers = #tpu.dot_dimension_numbers<[1], [0], [0], [1], [0, 0, 1, 1], [], []>, transpose_lhs_hint = false} : vector<104x104xf32>, vector<104x96xf32>, vector<104x96xf32> -> vector<104x96xf32>
    %dot_general3A_234 = arith.constant dense<0.000000e+00> : vector<104x96xf32>
    %dot_general3A_235 = tpu.matmul %dot_general3A_233, %get3A_19, %dot_general3A_234 {dimension_numbers = #tpu.dot_dimension_numbers<[1], [0], [0], [1], [0, 0, 1, 1], [], []>, transpose_lhs_hint = false} : vector<104x96xf32>, vector<96x96xf32>, vector<104x96xf32> -> vector<104x96xf32>
    %add3A_236 = vector.broadcast %get3A_22 : vector<1x96xf32> to vector<104x96xf32>
    %add3A_237 = arith.addf %dot_general3A_235, %add3A_236 : vector<104x96xf32>
    %broadcast_in_dim3A_238 = arith.constant 0.000000e+00 : f32
    %broadcast_in_dim3A_239 = vector.broadcast %broadcast_in_dim3A_238 : f32 to vector<104x32xf32>
    %concatenate3A_240 = tpu.concatenate %add3A_237, %broadcast_in_dim3A_239 in 1 : vector<104x96xf32>, vector<104x32xf32> -> vector<104x128xf32>
    %swap3A = arith.constant 0 : index
    %swap3A_241 = arith.constant 0 : index
    %swap3A_242 = arith.constant 0 : index
    %swap3A_243 = vector.load %arg13[%swap3A, %swap3A_241, %swap3A_242] : memref<1x104x128xf32, #tpu.memory_space<vmem>>, vector<1x104x128xf32>
    %swap3A_244 = vector.shape_cast %swap3A_243 : vector<1x104x128xf32> to vector<104x128xf32>
    %swap3A_245 = vector.shape_cast %concatenate3A_240 : vector<104x128xf32> to vector<1x104x128xf32>
    tpu.vector_store %arg13[%swap3A, %swap3A_241, %swap3A_242], %swap3A_245 {strides = array<i32>} : memref<1x104x128xf32, #tpu.memory_space<vmem>>, vector<1x104x128xf32>,
    %dot_general3A_246 = arith.constant dense<0.000000e+00> : vector<1x104xf32>
    %dot_general3A_247 = tpu.matmul %get3A_25, %add3A_237, %dot_general3A_246 {dimension_numbers = #tpu.dot_dimension_numbers<[0], [1], [1], [0], [0, 1, 1, 0], [], []>, transpose_lhs_hint = false} : vector<96x1xf32>, vector<104x96xf32>, vector<1x104xf32> -> vector<1x104xf32>
    %add3A_248 = vector.broadcast %get3A_28 : vector<1x1xf32> to vector<1x104xf32>
    %add3A_249 = arith.addf %dot_general3A_247, %add3A_248 : vector<1x104xf32>
    %broadcast_in_dim3A_250 = arith.constant 0.000000e+00 : f32
    %broadcast_in_dim3A_251 = vector.broadcast %broadcast_in_dim3A_250 : f32 to vector<1x24xf32>
    %concatenate3A_252 = tpu.concatenate %add3A_249, %broadcast_in_dim3A_251 in 1 : vector<1x104xf32>, vector<1x24xf32> -> vector<1x128xf32>
    %swap3A_253 = arith.constant 0 : index
    %swap3A_254 = arith.constant 0 : index
    %swap3A_255 = arith.constant 0 : index
    %swap3A_256 = vector.load %arg14[%swap3A_253, %swap3A_254, %swap3A_255] : memref<1x1x128xf32, #tpu.memory_space<vmem>>, vector<1x1x128xf32>
    %swap3A_257 = vector.shape_cast %swap3A_256 : vector<1x1x128xf32> to vector<1x128xf32>
    %swap3A_258 = vector.shape_cast %concatenate3A_252 : vector<1x128xf32> to vector<1x1x128xf32>
    tpu.vector_store %arg14[%swap3A_253, %swap3A_254, %swap3A_255], %swap3A_258 {strides = array<i32>} : memref<1x1x128xf32, #tpu.memory_space<vmem>>, vector<1x1x128xf32>,
    return
  }
  func.func @transform_0(%arg0: i32) -> (i32, i32, i32) {
    %c0_i32 = arith.constant 0 : i32
    %c0_i32_0 = arith.constant 0 : i32
    %c0_i32_1 = arith.constant 0 : i32
    return %arg0, %c0_i32, %c0_i32_0 : i32, i32, i32
  }
  func.func @transform_1(%arg0: i32) -> (i32, i32, i32) {
    %c0_i32 = arith.constant 0 : i32
    %c0_i32_0 = arith.constant 0 : i32
    %c0_i32_1 = arith.constant 0 : i32
    return %arg0, %c0_i32, %c0_i32_0 : i32, i32, i32
  }
  func.func @transform_2(%arg0: i32) -> (i32, i32) {
    %c0_i32 = arith.constant 0 : i32
    %c0_i32_0 = arith.constant 0 : i32
    %c0_i32_1 = arith.constant 0 : i32
    return %c0_i32, %c0_i32_0 : i32, i32
  }
  func.func @transform_3(%arg0: i32) -> (i32, i32) {
    %c0_i32 = arith.constant 0 : i32
    %c0_i32_0 = arith.constant 0 : i32
    %c0_i32_1 = arith.constant 0 : i32
    return %c0_i32, %c0_i32_0 : i32, i32
  }
  func.func @transform_4(%arg0: i32) -> (i32, i32) {
    %c0_i32 = arith.constant 0 : i32
    %c0_i32_0 = arith.constant 0 : i32
    %c0_i32_1 = arith.constant 0 : i32
    return %c0_i32, %c0_i32_0 : i32, i32
  }
  func.func @transform_5(%arg0: i32) -> (i32, i32) {
    %c0_i32 = arith.constant 0 : i32
    %c0_i32_0 = arith.constant 0 : i32
    %c0_i32_1 = arith.constant 0 : i32
    return %c0_i32, %c0_i32_0 : i32, i32
  }
  func.func @transform_6(%arg0: i32) -> (i32, i32) {
    %c0_i32 = arith.constant 0 : i32
    %c0_i32_0 = arith.constant 0 : i32
    %c0_i32_1 = arith.constant 0 : i32
    return %c0_i32, %c0_i32_0 : i32, i32
  }
  func.func @transform_7(%arg0: i32) -> (i32, i32) {
    %c0_i32 = arith.constant 0 : i32
    %c0_i32_0 = arith.constant 0 : i32
    %c0_i32_1 = arith.constant 0 : i32
    return %c0_i32, %c0_i32_0 : i32, i32
  }
  func.func @transform_8(%arg0: i32) -> (i32, i32) {
    %c0_i32 = arith.constant 0 : i32
    %c0_i32_0 = arith.constant 0 : i32
    %c0_i32_1 = arith.constant 0 : i32
    return %c0_i32, %c0_i32_0 : i32, i32
  }
  func.func @transform_9(%arg0: i32) -> (i32, i32) {
    %c0_i32 = arith.constant 0 : i32
    %c0_i32_0 = arith.constant 0 : i32
    %c0_i32_1 = arith.constant 0 : i32
    return %c0_i32, %c0_i32_0 : i32, i32
  }
  func.func @transform_10(%arg0: i32) -> (i32, i32) {
    %c0_i32 = arith.constant 0 : i32
    %c0_i32_0 = arith.constant 0 : i32
    %c0_i32_1 = arith.constant 0 : i32
    return %c0_i32, %c0_i32_0 : i32, i32
  }
  func.func @transform_11(%arg0: i32) -> (i32, i32) {
    %c0_i32 = arith.constant 0 : i32
    %c0_i32_0 = arith.constant 0 : i32
    %c0_i32_1 = arith.constant 0 : i32
    return %c0_i32, %c0_i32_0 : i32, i32
  }
  func.func @transform_12(%arg0: i32) -> (i32, i32, i32) {
    %c0_i32 = arith.constant 0 : i32
    %c0_i32_0 = arith.constant 0 : i32
    %c0_i32_1 = arith.constant 0 : i32
    return %arg0, %c0_i32, %c0_i32_0 : i32, i32, i32
  }
  func.func @transform_13(%arg0: i32) -> (i32, i32, i32) {
    %c0_i32 = arith.constant 0 : i32
    %c0_i32_0 = arith.constant 0 : i32
    %c0_i32_1 = arith.constant 0 : i32
    return %arg0, %c0_i32, %c0_i32_0 : i32, i32, i32
  }
}

module attributes {stable_mosaic.version = 14 : i64} {
  func.func @_tc_a_kernel(%arg0: i32, %arg1: memref<1x128x96xf32, #tpu.memory_space<vmem>>, %arg2: memref<96x192xf32, #tpu.memory_space<vmem>>, %arg3: memref<192x192xf32, #tpu.memory_space<vmem>>, %arg4: memref<192x96xf32, #tpu.memory_space<vmem>>, %arg5: memref<96x96xf32, #tpu.memory_space<vmem>>, %arg6: memref<96x1xf32, #tpu.memory_space<vmem>>, %arg7: memref<1x1xf32, #tpu.memory_space<vmem>>, %arg8: memref<96x96xf32, #tpu.memory_space<vmem>>, %arg9: memref<1x96xf32, #tpu.memory_space<vmem>>, %arg10: memref<96x192xf32, #tpu.memory_space<vmem>>, %arg11: memref<192x192xf32, #tpu.memory_space<vmem>>, %arg12: memref<192x96xf32, #tpu.memory_space<vmem>>, %arg13: memref<96x96xf32, #tpu.memory_space<vmem>>, %arg14: memref<96x1xf32, #tpu.memory_space<vmem>>, %arg15: memref<1x1xf32, #tpu.memory_space<vmem>>, %arg16: memref<96x96xf32, #tpu.memory_space<vmem>>, %arg17: memref<1x96xf32, #tpu.memory_space<vmem>>, %arg18: memref<96x1xf32, #tpu.memory_space<vmem>>, %arg19: memref<1x1xf32, #tpu.memory_space<vmem>>, %arg20: memref<1x128x128xf32, #tpu.memory_space<vmem>>, %arg21: memref<1x1x128xf32, #tpu.memory_space<vmem>>) attributes {dimension_semantics = [#tpu.dimension_semantics<arbitrary>], iteration_bounds = array<i64: 4>, scalar_prefetch = 0 : i64, scratch_operands = 0 : i64, tpu.core_type = #tpu.core_type<tc>, window_params = [{transform_indices = @transform_0, window_bounds = array<i64: 1, 128, 96>}, {pipeline_mode = #tpu.pipeline_mode<synchronous>, transform_indices = @transform_1, window_bounds = array<i64: 96, 192>}, {pipeline_mode = #tpu.pipeline_mode<synchronous>, transform_indices = @transform_2, window_bounds = array<i64: 192, 192>}, {pipeline_mode = #tpu.pipeline_mode<synchronous>, transform_indices = @transform_3, window_bounds = array<i64: 192, 96>}, {pipeline_mode = #tpu.pipeline_mode<synchronous>, transform_indices = @transform_4, window_bounds = array<i64: 96, 96>}, {pipeline_mode = #tpu.pipeline_mode<synchronous>, transform_indices = @transform_5, window_bounds = array<i64: 96, 1>}, {pipeline_mode = #tpu.pipeline_mode<synchronous>, transform_indices = @transform_6, window_bounds = array<i64: 1, 1>}, {pipeline_mode = #tpu.pipeline_mode<synchronous>, transform_indices = @transform_7, window_bounds = array<i64: 96, 96>}, {pipeline_mode = #tpu.pipeline_mode<synchronous>, transform_indices = @transform_8, window_bounds = array<i64: 1, 96>}, {pipeline_mode = #tpu.pipeline_mode<synchronous>, transform_indices = @transform_9, window_bounds = array<i64: 96, 192>}, {pipeline_mode = #tpu.pipeline_mode<synchronous>, transform_indices = @transform_10, window_bounds = array<i64: 192, 192>}, {pipeline_mode = #tpu.pipeline_mode<synchronous>, transform_indices = @transform_11, window_bounds = array<i64: 192, 96>}, {pipeline_mode = #tpu.pipeline_mode<synchronous>, transform_indices = @transform_12, window_bounds = array<i64: 96, 96>}, {pipeline_mode = #tpu.pipeline_mode<synchronous>, transform_indices = @transform_13, window_bounds = array<i64: 96, 1>}, {pipeline_mode = #tpu.pipeline_mode<synchronous>, transform_indices = @transform_14, window_bounds = array<i64: 1, 1>}, {pipeline_mode = #tpu.pipeline_mode<synchronous>, transform_indices = @transform_15, window_bounds = array<i64: 96, 96>}, {pipeline_mode = #tpu.pipeline_mode<synchronous>, transform_indices = @transform_16, window_bounds = array<i64: 1, 96>}, {pipeline_mode = #tpu.pipeline_mode<synchronous>, transform_indices = @transform_17, window_bounds = array<i64: 96, 1>}, {pipeline_mode = #tpu.pipeline_mode<synchronous>, transform_indices = @transform_18, window_bounds = array<i64: 1, 1>}, {transform_indices = @transform_19, window_bounds = array<i64: 1, 128, 128>}, {transform_indices = @transform_20, window_bounds = array<i64: 1, 1, 128>}]} {
    %get3A = arith.constant 0 : index
    %get3A_0 = arith.constant 0 : index
    %get3A_1 = vector.load %arg2[%get3A, %get3A_0] : memref<96x192xf32, #tpu.memory_space<vmem>>, vector<96x192xf32>
    %get3A_2 = arith.constant 0 : index
    %get3A_3 = arith.constant 0 : index
    %get3A_4 = vector.load %arg3[%get3A_2, %get3A_3] : memref<192x192xf32, #tpu.memory_space<vmem>>, vector<192x192xf32>
    %get3A_5 = arith.constant 0 : index
    %get3A_6 = arith.constant 0 : index
    %get3A_7 = vector.load %arg4[%get3A_5, %get3A_6] : memref<192x96xf32, #tpu.memory_space<vmem>>, vector<192x96xf32>
    %get3A_8 = arith.constant 0 : index
    %get3A_9 = arith.constant 0 : index
    %get3A_10 = vector.load %arg5[%get3A_8, %get3A_9] : memref<96x96xf32, #tpu.memory_space<vmem>>, vector<96x96xf32>
    %get3A_11 = arith.constant 0 : index
    %get3A_12 = arith.constant 0 : index
    %get3A_13 = vector.load %arg6[%get3A_11, %get3A_12] : memref<96x1xf32, #tpu.memory_space<vmem>>, vector<96x1xf32>
    %get3A_14 = arith.constant 0 : index
    %get3A_15 = arith.constant 0 : index
    %get3A_16 = vector.load %arg7[%get3A_14, %get3A_15] : memref<1x1xf32, #tpu.memory_space<vmem>>, vector<1x1xf32>
    %get3A_17 = arith.constant 0 : index
    %get3A_18 = arith.constant 0 : index
    %get3A_19 = vector.load %arg8[%get3A_17, %get3A_18] : memref<96x96xf32, #tpu.memory_space<vmem>>, vector<96x96xf32>
    %get3A_20 = arith.constant 0 : index
    %get3A_21 = arith.constant 0 : index
    %get3A_22 = vector.load %arg9[%get3A_20, %get3A_21] : memref<1x96xf32, #tpu.memory_space<vmem>>, vector<1x96xf32>
    %get3A_23 = arith.constant 0 : index
    %get3A_24 = arith.constant 0 : index
    %get3A_25 = vector.load %arg10[%get3A_23, %get3A_24] : memref<96x192xf32, #tpu.memory_space<vmem>>, vector<96x192xf32>
    %get3A_26 = arith.constant 0 : index
    %get3A_27 = arith.constant 0 : index
    %get3A_28 = vector.load %arg11[%get3A_26, %get3A_27] : memref<192x192xf32, #tpu.memory_space<vmem>>, vector<192x192xf32>
    %get3A_29 = arith.constant 0 : index
    %get3A_30 = arith.constant 0 : index
    %get3A_31 = vector.load %arg12[%get3A_29, %get3A_30] : memref<192x96xf32, #tpu.memory_space<vmem>>, vector<192x96xf32>
    %get3A_32 = arith.constant 0 : index
    %get3A_33 = arith.constant 0 : index
    %get3A_34 = vector.load %arg13[%get3A_32, %get3A_33] : memref<96x96xf32, #tpu.memory_space<vmem>>, vector<96x96xf32>
    %get3A_35 = arith.constant 0 : index
    %get3A_36 = arith.constant 0 : index
    %get3A_37 = vector.load %arg14[%get3A_35, %get3A_36] : memref<96x1xf32, #tpu.memory_space<vmem>>, vector<96x1xf32>
    %get3A_38 = arith.constant 0 : index
    %get3A_39 = arith.constant 0 : index
    %get3A_40 = vector.load %arg15[%get3A_38, %get3A_39] : memref<1x1xf32, #tpu.memory_space<vmem>>, vector<1x1xf32>
    %get3A_41 = arith.constant 0 : index
    %get3A_42 = arith.constant 0 : index
    %get3A_43 = vector.load %arg16[%get3A_41, %get3A_42] : memref<96x96xf32, #tpu.memory_space<vmem>>, vector<96x96xf32>
    %get3A_44 = arith.constant 0 : index
    %get3A_45 = arith.constant 0 : index
    %get3A_46 = vector.load %arg17[%get3A_44, %get3A_45] : memref<1x96xf32, #tpu.memory_space<vmem>>, vector<1x96xf32>
    %get3A_47 = arith.constant 0 : index
    %get3A_48 = arith.constant 0 : index
    %get3A_49 = vector.load %arg18[%get3A_47, %get3A_48] : memref<96x1xf32, #tpu.memory_space<vmem>>, vector<96x1xf32>
    %get3A_50 = arith.constant 0 : index
    %get3A_51 = arith.constant 0 : index
    %get3A_52 = vector.load %arg19[%get3A_50, %get3A_51] : memref<1x1xf32, #tpu.memory_space<vmem>>, vector<1x1xf32>
    %get3A_53 = arith.constant 0 : index
    %get3A_54 = arith.constant 0 : index
    %get3A_55 = arith.constant 0 : index
    %get3A_56 = vector.load %arg1[%get3A_53, %get3A_54, %get3A_55] : memref<1x128x96xf32, #tpu.memory_space<vmem>>, vector<1x128x96xf32>
    %get3A_57 = vector.shape_cast %get3A_56 : vector<1x128x96xf32> to vector<128x96xf32>
    %slice3A = vector.extract_strided_slice %get3A_57 {offsets = [0, 0], sizes = [32, 96], strides = [1, 1]} : vector<128x96xf32> to vector<32x96xf32>
    %slice3A_58 = vector.extract_strided_slice %get3A_57 {offsets = [0, 0], sizes = [32, 96], strides = [1, 1]} : vector<128x96xf32> to vector<32x96xf32>
    %broadcast_in_dim3A = vector.shape_cast %slice3A : vector<32x96xf32> to vector<32x1x96xf32>
    %broadcast_in_dim3A_59 = vector.shape_cast %slice3A_58 : vector<32x96xf32> to vector<1x32x96xf32>
    %sub3A = vector.broadcast %broadcast_in_dim3A : vector<32x1x96xf32> to vector<32x32x96xf32>
    %sub3A_60 = vector.broadcast %broadcast_in_dim3A_59 : vector<1x32x96xf32> to vector<32x32x96xf32>
    %sub3A_61 = arith.subf %sub3A, %sub3A_60 : vector<32x32x96xf32>
    %abs3A = math.absf %sub3A_61 : vector<32x32x96xf32>
    %reshape3A = vector.shape_cast %abs3A : vector<32x32x96xf32> to vector<1024x96xf32>
    %dot_general3A = arith.constant dense<0.000000e+00> : vector<1024x192xf32>
    %dot_general3A_62 = tpu.matmul %reshape3A, %get3A_1, %dot_general3A {dimension_numbers = #tpu.dot_dimension_numbers<[1], [0], [0], [1], [0, 0, 1, 1], [], []>, transpose_lhs_hint = false} : vector<1024x96xf32>, vector<96x192xf32>, vector<1024x192xf32> -> vector<1024x192xf32>
    %mul3A = arith.constant 0.999994993 : f32
    %mul3A_63 = vector.broadcast %mul3A : f32 to vector<1024x192xf32>
    %mul3A_64 = arith.mulf %mul3A_63, %dot_general3A_62 : vector<1024x192xf32>
    %jit3A = arith.constant 0.00999999977 : f32
    %ge3A = arith.constant 0.000000e+00 : f32
    %ge3A_65 = vector.broadcast %ge3A : f32 to vector<1024x192xf32>
    %ge3A_66 = arith.cmpf oge, %mul3A_64, %ge3A_65 : vector<1024x192xf32>
    %mul3A_67 = vector.broadcast %jit3A : f32 to vector<1024x192xf32>
    %mul3A_68 = arith.mulf %mul3A_67, %mul3A_64 : vector<1024x192xf32>
    %select_n3A = arith.select %ge3A_66, %mul3A_64, %mul3A_68 : vector<1024x192xi1>, vector<1024x192xf32>
    %dot_general3A_69 = arith.constant dense<0.000000e+00> : vector<1024x192xf32>
    %dot_general3A_70 = tpu.matmul %select_n3A, %get3A_4, %dot_general3A_69 {dimension_numbers = #tpu.dot_dimension_numbers<[1], [0], [0], [1], [0, 0, 1, 1], [], []>, transpose_lhs_hint = false} : vector<1024x192xf32>, vector<192x192xf32>, vector<1024x192xf32> -> vector<1024x192xf32>
    %mul3A_71 = arith.constant 0.999994993 : f32
    %mul3A_72 = vector.broadcast %mul3A_71 : f32 to vector<1024x192xf32>
    %mul3A_73 = arith.mulf %mul3A_72, %dot_general3A_70 : vector<1024x192xf32>
    %jit3A_74 = arith.constant 0.00999999977 : f32
    %ge3A_75 = arith.constant 0.000000e+00 : f32
    %ge3A_76 = vector.broadcast %ge3A_75 : f32 to vector<1024x192xf32>
    %ge3A_77 = arith.cmpf oge, %mul3A_73, %ge3A_76 : vector<1024x192xf32>
    %mul3A_78 = vector.broadcast %jit3A_74 : f32 to vector<1024x192xf32>
    %mul3A_79 = arith.mulf %mul3A_78, %mul3A_73 : vector<1024x192xf32>
    %select_n3A_80 = arith.select %ge3A_77, %mul3A_73, %mul3A_79 : vector<1024x192xi1>, vector<1024x192xf32>
    %dot_general3A_81 = arith.constant dense<0.000000e+00> : vector<1024x96xf32>
    %dot_general3A_82 = tpu.matmul %select_n3A_80, %get3A_7, %dot_general3A_81 {dimension_numbers = #tpu.dot_dimension_numbers<[1], [0], [0], [1], [0, 0, 1, 1], [], []>, transpose_lhs_hint = false} : vector<1024x192xf32>, vector<192x96xf32>, vector<1024x96xf32> -> vector<1024x96xf32>
    %mul3A_83 = arith.constant 0.999994993 : f32
    %mul3A_84 = vector.broadcast %mul3A_83 : f32 to vector<1024x96xf32>
    %mul3A_85 = arith.mulf %mul3A_84, %dot_general3A_82 : vector<1024x96xf32>
    %jit3A_86 = arith.constant 0.00999999977 : f32
    %ge3A_87 = arith.constant 0.000000e+00 : f32
    %ge3A_88 = vector.broadcast %ge3A_87 : f32 to vector<1024x96xf32>
    %ge3A_89 = arith.cmpf oge, %mul3A_85, %ge3A_88 : vector<1024x96xf32>
    %mul3A_90 = vector.broadcast %jit3A_86 : f32 to vector<1024x96xf32>
    %mul3A_91 = arith.mulf %mul3A_90, %mul3A_85 : vector<1024x96xf32>
    %select_n3A_92 = arith.select %ge3A_89, %mul3A_85, %mul3A_91 : vector<1024x96xi1>, vector<1024x96xf32>
    %dot_general3A_93 = arith.constant dense<0.000000e+00> : vector<1024x96xf32>
    %dot_general3A_94 = tpu.matmul %select_n3A_92, %get3A_10, %dot_general3A_93 {dimension_numbers = #tpu.dot_dimension_numbers<[1], [0], [0], [1], [0, 0, 1, 1], [], []>, transpose_lhs_hint = false} : vector<1024x96xf32>, vector<96x96xf32>, vector<1024x96xf32> -> vector<1024x96xf32>
    %mul3A_95 = arith.constant 0.999994993 : f32
    %mul3A_96 = vector.broadcast %mul3A_95 : f32 to vector<1024x96xf32>
    %mul3A_97 = arith.mulf %mul3A_96, %dot_general3A_94 : vector<1024x96xf32>
    %jit3A_98 = arith.constant 0.00999999977 : f32
    %ge3A_99 = arith.constant 0.000000e+00 : f32
    %ge3A_100 = vector.broadcast %ge3A_99 : f32 to vector<1024x96xf32>
    %ge3A_101 = arith.cmpf oge, %mul3A_97, %ge3A_100 : vector<1024x96xf32>
    %mul3A_102 = vector.broadcast %jit3A_98 : f32 to vector<1024x96xf32>
    %mul3A_103 = arith.mulf %mul3A_102, %mul3A_97 : vector<1024x96xf32>
    %select_n3A_104 = arith.select %ge3A_101, %mul3A_97, %mul3A_103 : vector<1024x96xi1>, vector<1024x96xf32>
    %dot_general3A_105 = arith.constant dense<0.000000e+00> : vector<1024x1xf32>
    %dot_general3A_106 = tpu.matmul %select_n3A_104, %get3A_13, %dot_general3A_105 {dimension_numbers = #tpu.dot_dimension_numbers<[1], [0], [0], [1], [0, 0, 1, 1], [], []>, transpose_lhs_hint = false} : vector<1024x96xf32>, vector<96x1xf32>, vector<1024x1xf32> -> vector<1024x1xf32>
    %add3A = vector.broadcast %get3A_16 : vector<1x1xf32> to vector<1024x1xf32>
    %add3A_107 = arith.addf %dot_general3A_106, %add3A : vector<1024x1xf32>
    %reshape3A_108 = vector.shape_cast %add3A_107 : vector<1024x1xf32> to vector<32x32xf32>
    %slice3A_109 = vector.extract_strided_slice %get3A_57 {offsets = [32, 0], sizes = [32, 96], strides = [1, 1]} : vector<128x96xf32> to vector<32x96xf32>
    %broadcast_in_dim3A_110 = vector.shape_cast %slice3A : vector<32x96xf32> to vector<32x1x96xf32>
    %broadcast_in_dim3A_111 = vector.shape_cast %slice3A_109 : vector<32x96xf32> to vector<1x32x96xf32>
    %sub3A_112 = vector.broadcast %broadcast_in_dim3A_110 : vector<32x1x96xf32> to vector<32x32x96xf32>
    %sub3A_113 = vector.broadcast %broadcast_in_dim3A_111 : vector<1x32x96xf32> to vector<32x32x96xf32>
    %sub3A_114 = arith.subf %sub3A_112, %sub3A_113 : vector<32x32x96xf32>
    %abs3A_115 = math.absf %sub3A_114 : vector<32x32x96xf32>
    %reshape3A_116 = vector.shape_cast %abs3A_115 : vector<32x32x96xf32> to vector<1024x96xf32>
    %dot_general3A_117 = arith.constant dense<0.000000e+00> : vector<1024x192xf32>
    %dot_general3A_118 = tpu.matmul %reshape3A_116, %get3A_1, %dot_general3A_117 {dimension_numbers = #tpu.dot_dimension_numbers<[1], [0], [0], [1], [0, 0, 1, 1], [], []>, transpose_lhs_hint = false} : vector<1024x96xf32>, vector<96x192xf32>, vector<1024x192xf32> -> vector<1024x192xf32>
    %mul3A_119 = arith.constant 0.999994993 : f32
    %mul3A_120 = vector.broadcast %mul3A_119 : f32 to vector<1024x192xf32>
    %mul3A_121 = arith.mulf %mul3A_120, %dot_general3A_118 : vector<1024x192xf32>
    %jit3A_122 = arith.constant 0.00999999977 : f32
    %ge3A_123 = arith.constant 0.000000e+00 : f32
    %ge3A_124 = vector.broadcast %ge3A_123 : f32 to vector<1024x192xf32>
    %ge3A_125 = arith.cmpf oge, %mul3A_121, %ge3A_124 : vector<1024x192xf32>
    %mul3A_126 = vector.broadcast %jit3A_122 : f32 to vector<1024x192xf32>
    %mul3A_127 = arith.mulf %mul3A_126, %mul3A_121 : vector<1024x192xf32>
    %select_n3A_128 = arith.select %ge3A_125, %mul3A_121, %mul3A_127 : vector<1024x192xi1>, vector<1024x192xf32>
    %dot_general3A_129 = arith.constant dense<0.000000e+00> : vector<1024x192xf32>
    %dot_general3A_130 = tpu.matmul %select_n3A_128, %get3A_4, %dot_general3A_129 {dimension_numbers = #tpu.dot_dimension_numbers<[1], [0], [0], [1], [0, 0, 1, 1], [], []>, transpose_lhs_hint = false} : vector<1024x192xf32>, vector<192x192xf32>, vector<1024x192xf32> -> vector<1024x192xf32>
    %mul3A_131 = arith.constant 0.999994993 : f32
    %mul3A_132 = vector.broadcast %mul3A_131 : f32 to vector<1024x192xf32>
    %mul3A_133 = arith.mulf %mul3A_132, %dot_general3A_130 : vector<1024x192xf32>
    %jit3A_134 = arith.constant 0.00999999977 : f32
    %ge3A_135 = arith.constant 0.000000e+00 : f32
    %ge3A_136 = vector.broadcast %ge3A_135 : f32 to vector<1024x192xf32>
    %ge3A_137 = arith.cmpf oge, %mul3A_133, %ge3A_136 : vector<1024x192xf32>
    %mul3A_138 = vector.broadcast %jit3A_134 : f32 to vector<1024x192xf32>
    %mul3A_139 = arith.mulf %mul3A_138, %mul3A_133 : vector<1024x192xf32>
    %select_n3A_140 = arith.select %ge3A_137, %mul3A_133, %mul3A_139 : vector<1024x192xi1>, vector<1024x192xf32>
    %dot_general3A_141 = arith.constant dense<0.000000e+00> : vector<1024x96xf32>
    %dot_general3A_142 = tpu.matmul %select_n3A_140, %get3A_7, %dot_general3A_141 {dimension_numbers = #tpu.dot_dimension_numbers<[1], [0], [0], [1], [0, 0, 1, 1], [], []>, transpose_lhs_hint = false} : vector<1024x192xf32>, vector<192x96xf32>, vector<1024x96xf32> -> vector<1024x96xf32>
    %mul3A_143 = arith.constant 0.999994993 : f32
    %mul3A_144 = vector.broadcast %mul3A_143 : f32 to vector<1024x96xf32>
    %mul3A_145 = arith.mulf %mul3A_144, %dot_general3A_142 : vector<1024x96xf32>
    %jit3A_146 = arith.constant 0.00999999977 : f32
    %ge3A_147 = arith.constant 0.000000e+00 : f32
    %ge3A_148 = vector.broadcast %ge3A_147 : f32 to vector<1024x96xf32>
    %ge3A_149 = arith.cmpf oge, %mul3A_145, %ge3A_148 : vector<1024x96xf32>
    %mul3A_150 = vector.broadcast %jit3A_146 : f32 to vector<1024x96xf32>
    %mul3A_151 = arith.mulf %mul3A_150, %mul3A_145 : vector<1024x96xf32>
    %select_n3A_152 = arith.select %ge3A_149, %mul3A_145, %mul3A_151 : vector<1024x96xi1>, vector<1024x96xf32>
    %dot_general3A_153 = arith.constant dense<0.000000e+00> : vector<1024x96xf32>
    %dot_general3A_154 = tpu.matmul %select_n3A_152, %get3A_10, %dot_general3A_153 {dimension_numbers = #tpu.dot_dimension_numbers<[1], [0], [0], [1], [0, 0, 1, 1], [], []>, transpose_lhs_hint = false} : vector<1024x96xf32>, vector<96x96xf32>, vector<1024x96xf32> -> vector<1024x96xf32>
    %mul3A_155 = arith.constant 0.999994993 : f32
    %mul3A_156 = vector.broadcast %mul3A_155 : f32 to vector<1024x96xf32>
    %mul3A_157 = arith.mulf %mul3A_156, %dot_general3A_154 : vector<1024x96xf32>
    %jit3A_158 = arith.constant 0.00999999977 : f32
    %ge3A_159 = arith.constant 0.000000e+00 : f32
    %ge3A_160 = vector.broadcast %ge3A_159 : f32 to vector<1024x96xf32>
    %ge3A_161 = arith.cmpf oge, %mul3A_157, %ge3A_160 : vector<1024x96xf32>
    %mul3A_162 = vector.broadcast %jit3A_158 : f32 to vector<1024x96xf32>
    %mul3A_163 = arith.mulf %mul3A_162, %mul3A_157 : vector<1024x96xf32>
    %select_n3A_164 = arith.select %ge3A_161, %mul3A_157, %mul3A_163 : vector<1024x96xi1>, vector<1024x96xf32>
    %dot_general3A_165 = arith.constant dense<0.000000e+00> : vector<1024x1xf32>
    %dot_general3A_166 = tpu.matmul %select_n3A_164, %get3A_13, %dot_general3A_165 {dimension_numbers = #tpu.dot_dimension_numbers<[1], [0], [0], [1], [0, 0, 1, 1], [], []>, transpose_lhs_hint = false} : vector<1024x96xf32>, vector<96x1xf32>, vector<1024x1xf32> -> vector<1024x1xf32>
    %add3A_167 = vector.broadcast %get3A_16 : vector<1x1xf32> to vector<1024x1xf32>
    %add3A_168 = arith.addf %dot_general3A_166, %add3A_167 : vector<1024x1xf32>
    %reshape3A_169 = vector.shape_cast %add3A_168 : vector<1024x1xf32> to vector<32x32xf32>
    %slice3A_170 = vector.extract_strided_slice %get3A_57 {offsets = [64, 0], sizes = [32, 96], strides = [1, 1]} : vector<128x96xf32> to vector<32x96xf32>
    %broadcast_in_dim3A_171 = vector.shape_cast %slice3A : vector<32x96xf32> to vector<32x1x96xf32>
    %broadcast_in_dim3A_172 = vector.shape_cast %slice3A_170 : vector<32x96xf32> to vector<1x32x96xf32>
    %sub3A_173 = vector.broadcast %broadcast_in_dim3A_171 : vector<32x1x96xf32> to vector<32x32x96xf32>
    %sub3A_174 = vector.broadcast %broadcast_in_dim3A_172 : vector<1x32x96xf32> to vector<32x32x96xf32>
    %sub3A_175 = arith.subf %sub3A_173, %sub3A_174 : vector<32x32x96xf32>
    %abs3A_176 = math.absf %sub3A_175 : vector<32x32x96xf32>
    %reshape3A_177 = vector.shape_cast %abs3A_176 : vector<32x32x96xf32> to vector<1024x96xf32>
    %dot_general3A_178 = arith.constant dense<0.000000e+00> : vector<1024x192xf32>
    %dot_general3A_179 = tpu.matmul %reshape3A_177, %get3A_1, %dot_general3A_178 {dimension_numbers = #tpu.dot_dimension_numbers<[1], [0], [0], [1], [0, 0, 1, 1], [], []>, transpose_lhs_hint = false} : vector<1024x96xf32>, vector<96x192xf32>, vector<1024x192xf32> -> vector<1024x192xf32>
    %mul3A_180 = arith.constant 0.999994993 : f32
    %mul3A_181 = vector.broadcast %mul3A_180 : f32 to vector<1024x192xf32>
    %mul3A_182 = arith.mulf %mul3A_181, %dot_general3A_179 : vector<1024x192xf32>
    %jit3A_183 = arith.constant 0.00999999977 : f32
    %ge3A_184 = arith.constant 0.000000e+00 : f32
    %ge3A_185 = vector.broadcast %ge3A_184 : f32 to vector<1024x192xf32>
    %ge3A_186 = arith.cmpf oge, %mul3A_182, %ge3A_185 : vector<1024x192xf32>
    %mul3A_187 = vector.broadcast %jit3A_183 : f32 to vector<1024x192xf32>
    %mul3A_188 = arith.mulf %mul3A_187, %mul3A_182 : vector<1024x192xf32>
    %select_n3A_189 = arith.select %ge3A_186, %mul3A_182, %mul3A_188 : vector<1024x192xi1>, vector<1024x192xf32>
    %dot_general3A_190 = arith.constant dense<0.000000e+00> : vector<1024x192xf32>
    %dot_general3A_191 = tpu.matmul %select_n3A_189, %get3A_4, %dot_general3A_190 {dimension_numbers = #tpu.dot_dimension_numbers<[1], [0], [0], [1], [0, 0, 1, 1], [], []>, transpose_lhs_hint = false} : vector<1024x192xf32>, vector<192x192xf32>, vector<1024x192xf32> -> vector<1024x192xf32>
    %mul3A_192 = arith.constant 0.999994993 : f32
    %mul3A_193 = vector.broadcast %mul3A_192 : f32 to vector<1024x192xf32>
    %mul3A_194 = arith.mulf %mul3A_193, %dot_general3A_191 : vector<1024x192xf32>
    %jit3A_195 = arith.constant 0.00999999977 : f32
    %ge3A_196 = arith.constant 0.000000e+00 : f32
    %ge3A_197 = vector.broadcast %ge3A_196 : f32 to vector<1024x192xf32>
    %ge3A_198 = arith.cmpf oge, %mul3A_194, %ge3A_197 : vector<1024x192xf32>
    %mul3A_199 = vector.broadcast %jit3A_195 : f32 to vector<1024x192xf32>
    %mul3A_200 = arith.mulf %mul3A_199, %mul3A_194 : vector<1024x192xf32>
    %select_n3A_201 = arith.select %ge3A_198, %mul3A_194, %mul3A_200 : vector<1024x192xi1>, vector<1024x192xf32>
    %dot_general3A_202 = arith.constant dense<0.000000e+00> : vector<1024x96xf32>
    %dot_general3A_203 = tpu.matmul %select_n3A_201, %get3A_7, %dot_general3A_202 {dimension_numbers = #tpu.dot_dimension_numbers<[1], [0], [0], [1], [0, 0, 1, 1], [], []>, transpose_lhs_hint = false} : vector<1024x192xf32>, vector<192x96xf32>, vector<1024x96xf32> -> vector<1024x96xf32>
    %mul3A_204 = arith.constant 0.999994993 : f32
    %mul3A_205 = vector.broadcast %mul3A_204 : f32 to vector<1024x96xf32>
    %mul3A_206 = arith.mulf %mul3A_205, %dot_general3A_203 : vector<1024x96xf32>
    %jit3A_207 = arith.constant 0.00999999977 : f32
    %ge3A_208 = arith.constant 0.000000e+00 : f32
    %ge3A_209 = vector.broadcast %ge3A_208 : f32 to vector<1024x96xf32>
    %ge3A_210 = arith.cmpf oge, %mul3A_206, %ge3A_209 : vector<1024x96xf32>
    %mul3A_211 = vector.broadcast %jit3A_207 : f32 to vector<1024x96xf32>
    %mul3A_212 = arith.mulf %mul3A_211, %mul3A_206 : vector<1024x96xf32>
    %select_n3A_213 = arith.select %ge3A_210, %mul3A_206, %mul3A_212 : vector<1024x96xi1>, vector<1024x96xf32>
    %dot_general3A_214 = arith.constant dense<0.000000e+00> : vector<1024x96xf32>
    %dot_general3A_215 = tpu.matmul %select_n3A_213, %get3A_10, %dot_general3A_214 {dimension_numbers = #tpu.dot_dimension_numbers<[1], [0], [0], [1], [0, 0, 1, 1], [], []>, transpose_lhs_hint = false} : vector<1024x96xf32>, vector<96x96xf32>, vector<1024x96xf32> -> vector<1024x96xf32>
    %mul3A_216 = arith.constant 0.999994993 : f32
    %mul3A_217 = vector.broadcast %mul3A_216 : f32 to vector<1024x96xf32>
    %mul3A_218 = arith.mulf %mul3A_217, %dot_general3A_215 : vector<1024x96xf32>
    %jit3A_219 = arith.constant 0.00999999977 : f32
    %ge3A_220 = arith.constant 0.000000e+00 : f32
    %ge3A_221 = vector.broadcast %ge3A_220 : f32 to vector<1024x96xf32>
    %ge3A_222 = arith.cmpf oge, %mul3A_218, %ge3A_221 : vector<1024x96xf32>
    %mul3A_223 = vector.broadcast %jit3A_219 : f32 to vector<1024x96xf32>
    %mul3A_224 = arith.mulf %mul3A_223, %mul3A_218 : vector<1024x96xf32>
    %select_n3A_225 = arith.select %ge3A_222, %mul3A_218, %mul3A_224 : vector<1024x96xi1>, vector<1024x96xf32>
    %dot_general3A_226 = arith.constant dense<0.000000e+00> : vector<1024x1xf32>
    %dot_general3A_227 = tpu.matmul %select_n3A_225, %get3A_13, %dot_general3A_226 {dimension_numbers = #tpu.dot_dimension_numbers<[1], [0], [0], [1], [0, 0, 1, 1], [], []>, transpose_lhs_hint = false} : vector<1024x96xf32>, vector<96x1xf32>, vector<1024x1xf32> -> vector<1024x1xf32>
    %add3A_228 = vector.broadcast %get3A_16 : vector<1x1xf32> to vector<1024x1xf32>
    %add3A_229 = arith.addf %dot_general3A_227, %add3A_228 : vector<1024x1xf32>
    %reshape3A_230 = vector.shape_cast %add3A_229 : vector<1024x1xf32> to vector<32x32xf32>
    %slice3A_231 = vector.extract_strided_slice %get3A_57 {offsets = [96, 0], sizes = [32, 96], strides = [1, 1]} : vector<128x96xf32> to vector<32x96xf32>
    %broadcast_in_dim3A_232 = vector.shape_cast %slice3A : vector<32x96xf32> to vector<32x1x96xf32>
    %broadcast_in_dim3A_233 = vector.shape_cast %slice3A_231 : vector<32x96xf32> to vector<1x32x96xf32>
    %sub3A_234 = vector.broadcast %broadcast_in_dim3A_232 : vector<32x1x96xf32> to vector<32x32x96xf32>
    %sub3A_235 = vector.broadcast %broadcast_in_dim3A_233 : vector<1x32x96xf32> to vector<32x32x96xf32>
    %sub3A_236 = arith.subf %sub3A_234, %sub3A_235 : vector<32x32x96xf32>
    %abs3A_237 = math.absf %sub3A_236 : vector<32x32x96xf32>
    %reshape3A_238 = vector.shape_cast %abs3A_237 : vector<32x32x96xf32> to vector<1024x96xf32>
    %dot_general3A_239 = arith.constant dense<0.000000e+00> : vector<1024x192xf32>
    %dot_general3A_240 = tpu.matmul %reshape3A_238, %get3A_1, %dot_general3A_239 {dimension_numbers = #tpu.dot_dimension_numbers<[1], [0], [0], [1], [0, 0, 1, 1], [], []>, transpose_lhs_hint = false} : vector<1024x96xf32>, vector<96x192xf32>, vector<1024x192xf32> -> vector<1024x192xf32>
    %mul3A_241 = arith.constant 0.999994993 : f32
    %mul3A_242 = vector.broadcast %mul3A_241 : f32 to vector<1024x192xf32>
    %mul3A_243 = arith.mulf %mul3A_242, %dot_general3A_240 : vector<1024x192xf32>
    %jit3A_244 = arith.constant 0.00999999977 : f32
    %ge3A_245 = arith.constant 0.000000e+00 : f32
    %ge3A_246 = vector.broadcast %ge3A_245 : f32 to vector<1024x192xf32>
    %ge3A_247 = arith.cmpf oge, %mul3A_243, %ge3A_246 : vector<1024x192xf32>
    %mul3A_248 = vector.broadcast %jit3A_244 : f32 to vector<1024x192xf32>
    %mul3A_249 = arith.mulf %mul3A_248, %mul3A_243 : vector<1024x192xf32>
    %select_n3A_250 = arith.select %ge3A_247, %mul3A_243, %mul3A_249 : vector<1024x192xi1>, vector<1024x192xf32>
    %dot_general3A_251 = arith.constant dense<0.000000e+00> : vector<1024x192xf32>
    %dot_general3A_252 = tpu.matmul %select_n3A_250, %get3A_4, %dot_general3A_251 {dimension_numbers = #tpu.dot_dimension_numbers<[1], [0], [0], [1], [0, 0, 1, 1], [], []>, transpose_lhs_hint = false} : vector<1024x192xf32>, vector<192x192xf32>, vector<1024x192xf32> -> vector<1024x192xf32>
    %mul3A_253 = arith.constant 0.999994993 : f32
    %mul3A_254 = vector.broadcast %mul3A_253 : f32 to vector<1024x192xf32>
    %mul3A_255 = arith.mulf %mul3A_254, %dot_general3A_252 : vector<1024x192xf32>
    %jit3A_256 = arith.constant 0.00999999977 : f32
    %ge3A_257 = arith.constant 0.000000e+00 : f32
    %ge3A_258 = vector.broadcast %ge3A_257 : f32 to vector<1024x192xf32>
    %ge3A_259 = arith.cmpf oge, %mul3A_255, %ge3A_258 : vector<1024x192xf32>
    %mul3A_260 = vector.broadcast %jit3A_256 : f32 to vector<1024x192xf32>
    %mul3A_261 = arith.mulf %mul3A_260, %mul3A_255 : vector<1024x192xf32>
    %select_n3A_262 = arith.select %ge3A_259, %mul3A_255, %mul3A_261 : vector<1024x192xi1>, vector<1024x192xf32>
    %dot_general3A_263 = arith.constant dense<0.000000e+00> : vector<1024x96xf32>
    %dot_general3A_264 = tpu.matmul %select_n3A_262, %get3A_7, %dot_general3A_263 {dimension_numbers = #tpu.dot_dimension_numbers<[1], [0], [0], [1], [0, 0, 1, 1], [], []>, transpose_lhs_hint = false} : vector<1024x192xf32>, vector<192x96xf32>, vector<1024x96xf32> -> vector<1024x96xf32>
    %mul3A_265 = arith.constant 0.999994993 : f32
    %mul3A_266 = vector.broadcast %mul3A_265 : f32 to vector<1024x96xf32>
    %mul3A_267 = arith.mulf %mul3A_266, %dot_general3A_264 : vector<1024x96xf32>
    %jit3A_268 = arith.constant 0.00999999977 : f32
    %ge3A_269 = arith.constant 0.000000e+00 : f32
    %ge3A_270 = vector.broadcast %ge3A_269 : f32 to vector<1024x96xf32>
    %ge3A_271 = arith.cmpf oge, %mul3A_267, %ge3A_270 : vector<1024x96xf32>
    %mul3A_272 = vector.broadcast %jit3A_268 : f32 to vector<1024x96xf32>
    %mul3A_273 = arith.mulf %mul3A_272, %mul3A_267 : vector<1024x96xf32>
    %select_n3A_274 = arith.select %ge3A_271, %mul3A_267, %mul3A_273 : vector<1024x96xi1>, vector<1024x96xf32>
    %dot_general3A_275 = arith.constant dense<0.000000e+00> : vector<1024x96xf32>
    %dot_general3A_276 = tpu.matmul %select_n3A_274, %get3A_10, %dot_general3A_275 {dimension_numbers = #tpu.dot_dimension_numbers<[1], [0], [0], [1], [0, 0, 1, 1], [], []>, transpose_lhs_hint = false} : vector<1024x96xf32>, vector<96x96xf32>, vector<1024x96xf32> -> vector<1024x96xf32>
    %mul3A_277 = arith.constant 0.999994993 : f32
    %mul3A_278 = vector.broadcast %mul3A_277 : f32 to vector<1024x96xf32>
    %mul3A_279 = arith.mulf %mul3A_278, %dot_general3A_276 : vector<1024x96xf32>
    %jit3A_280 = arith.constant 0.00999999977 : f32
    %ge3A_281 = arith.constant 0.000000e+00 : f32
    %ge3A_282 = vector.broadcast %ge3A_281 : f32 to vector<1024x96xf32>
    %ge3A_283 = arith.cmpf oge, %mul3A_279, %ge3A_282 : vector<1024x96xf32>
    %mul3A_284 = vector.broadcast %jit3A_280 : f32 to vector<1024x96xf32>
    %mul3A_285 = arith.mulf %mul3A_284, %mul3A_279 : vector<1024x96xf32>
    %select_n3A_286 = arith.select %ge3A_283, %mul3A_279, %mul3A_285 : vector<1024x96xi1>, vector<1024x96xf32>
    %dot_general3A_287 = arith.constant dense<0.000000e+00> : vector<1024x1xf32>
    %dot_general3A_288 = tpu.matmul %select_n3A_286, %get3A_13, %dot_general3A_287 {dimension_numbers = #tpu.dot_dimension_numbers<[1], [0], [0], [1], [0, 0, 1, 1], [], []>, transpose_lhs_hint = false} : vector<1024x96xf32>, vector<96x1xf32>, vector<1024x1xf32> -> vector<1024x1xf32>
    %add3A_289 = vector.broadcast %get3A_16 : vector<1x1xf32> to vector<1024x1xf32>
    %add3A_290 = arith.addf %dot_general3A_288, %add3A_289 : vector<1024x1xf32>
    %reshape3A_291 = vector.shape_cast %add3A_290 : vector<1024x1xf32> to vector<32x32xf32>
    %slice3A_292 = vector.extract_strided_slice %get3A_57 {offsets = [32, 0], sizes = [32, 96], strides = [1, 1]} : vector<128x96xf32> to vector<32x96xf32>
    %slice3A_293 = vector.extract_strided_slice %get3A_57 {offsets = [32, 0], sizes = [32, 96], strides = [1, 1]} : vector<128x96xf32> to vector<32x96xf32>
    %broadcast_in_dim3A_294 = vector.shape_cast %slice3A_292 : vector<32x96xf32> to vector<32x1x96xf32>
    %broadcast_in_dim3A_295 = vector.shape_cast %slice3A_293 : vector<32x96xf32> to vector<1x32x96xf32>
    %sub3A_296 = vector.broadcast %broadcast_in_dim3A_294 : vector<32x1x96xf32> to vector<32x32x96xf32>
    %sub3A_297 = vector.broadcast %broadcast_in_dim3A_295 : vector<1x32x96xf32> to vector<32x32x96xf32>
    %sub3A_298 = arith.subf %sub3A_296, %sub3A_297 : vector<32x32x96xf32>
    %abs3A_299 = math.absf %sub3A_298 : vector<32x32x96xf32>
    %reshape3A_300 = vector.shape_cast %abs3A_299 : vector<32x32x96xf32> to vector<1024x96xf32>
    %dot_general3A_301 = arith.constant dense<0.000000e+00> : vector<1024x192xf32>
    %dot_general3A_302 = tpu.matmul %reshape3A_300, %get3A_1, %dot_general3A_301 {dimension_numbers = #tpu.dot_dimension_numbers<[1], [0], [0], [1], [0, 0, 1, 1], [], []>, transpose_lhs_hint = false} : vector<1024x96xf32>, vector<96x192xf32>, vector<1024x192xf32> -> vector<1024x192xf32>
    %mul3A_303 = arith.constant 0.999994993 : f32
    %mul3A_304 = vector.broadcast %mul3A_303 : f32 to vector<1024x192xf32>
    %mul3A_305 = arith.mulf %mul3A_304, %dot_general3A_302 : vector<1024x192xf32>
    %jit3A_306 = arith.constant 0.00999999977 : f32
    %ge3A_307 = arith.constant 0.000000e+00 : f32
    %ge3A_308 = vector.broadcast %ge3A_307 : f32 to vector<1024x192xf32>
    %ge3A_309 = arith.cmpf oge, %mul3A_305, %ge3A_308 : vector<1024x192xf32>
    %mul3A_310 = vector.broadcast %jit3A_306 : f32 to vector<1024x192xf32>
    %mul3A_311 = arith.mulf %mul3A_310, %mul3A_305 : vector<1024x192xf32>
    %select_n3A_312 = arith.select %ge3A_309, %mul3A_305, %mul3A_311 : vector<1024x192xi1>, vector<1024x192xf32>
    %dot_general3A_313 = arith.constant dense<0.000000e+00> : vector<1024x192xf32>
    %dot_general3A_314 = tpu.matmul %select_n3A_312, %get3A_4, %dot_general3A_313 {dimension_numbers = #tpu.dot_dimension_numbers<[1], [0], [0], [1], [0, 0, 1, 1], [], []>, transpose_lhs_hint = false} : vector<1024x192xf32>, vector<192x192xf32>, vector<1024x192xf32> -> vector<1024x192xf32>
    %mul3A_315 = arith.constant 0.999994993 : f32
    %mul3A_316 = vector.broadcast %mul3A_315 : f32 to vector<1024x192xf32>
    %mul3A_317 = arith.mulf %mul3A_316, %dot_general3A_314 : vector<1024x192xf32>
    %jit3A_318 = arith.constant 0.00999999977 : f32
    %ge3A_319 = arith.constant 0.000000e+00 : f32
    %ge3A_320 = vector.broadcast %ge3A_319 : f32 to vector<1024x192xf32>
    %ge3A_321 = arith.cmpf oge, %mul3A_317, %ge3A_320 : vector<1024x192xf32>
    %mul3A_322 = vector.broadcast %jit3A_318 : f32 to vector<1024x192xf32>
    %mul3A_323 = arith.mulf %mul3A_322, %mul3A_317 : vector<1024x192xf32>
    %select_n3A_324 = arith.select %ge3A_321, %mul3A_317, %mul3A_323 : vector<1024x192xi1>, vector<1024x192xf32>
    %dot_general3A_325 = arith.constant dense<0.000000e+00> : vector<1024x96xf32>
    %dot_general3A_326 = tpu.matmul %select_n3A_324, %get3A_7, %dot_general3A_325 {dimension_numbers = #tpu.dot_dimension_numbers<[1], [0], [0], [1], [0, 0, 1, 1], [], []>, transpose_lhs_hint = false} : vector<1024x192xf32>, vector<192x96xf32>, vector<1024x96xf32> -> vector<1024x96xf32>
    %mul3A_327 = arith.constant 0.999994993 : f32
    %mul3A_328 = vector.broadcast %mul3A_327 : f32 to vector<1024x96xf32>
    %mul3A_329 = arith.mulf %mul3A_328, %dot_general3A_326 : vector<1024x96xf32>
    %jit3A_330 = arith.constant 0.00999999977 : f32
    %ge3A_331 = arith.constant 0.000000e+00 : f32
    %ge3A_332 = vector.broadcast %ge3A_331 : f32 to vector<1024x96xf32>
    %ge3A_333 = arith.cmpf oge, %mul3A_329, %ge3A_332 : vector<1024x96xf32>
    %mul3A_334 = vector.broadcast %jit3A_330 : f32 to vector<1024x96xf32>
    %mul3A_335 = arith.mulf %mul3A_334, %mul3A_329 : vector<1024x96xf32>
    %select_n3A_336 = arith.select %ge3A_333, %mul3A_329, %mul3A_335 : vector<1024x96xi1>, vector<1024x96xf32>
    %dot_general3A_337 = arith.constant dense<0.000000e+00> : vector<1024x96xf32>
    %dot_general3A_338 = tpu.matmul %select_n3A_336, %get3A_10, %dot_general3A_337 {dimension_numbers = #tpu.dot_dimension_numbers<[1], [0], [0], [1], [0, 0, 1, 1], [], []>, transpose_lhs_hint = false} : vector<1024x96xf32>, vector<96x96xf32>, vector<1024x96xf32> -> vector<1024x96xf32>
    %mul3A_339 = arith.constant 0.999994993 : f32
    %mul3A_340 = vector.broadcast %mul3A_339 : f32 to vector<1024x96xf32>
    %mul3A_341 = arith.mulf %mul3A_340, %dot_general3A_338 : vector<1024x96xf32>
    %jit3A_342 = arith.constant 0.00999999977 : f32
    %ge3A_343 = arith.constant 0.000000e+00 : f32
    %ge3A_344 = vector.broadcast %ge3A_343 : f32 to vector<1024x96xf32>
    %ge3A_345 = arith.cmpf oge, %mul3A_341, %ge3A_344 : vector<1024x96xf32>
    %mul3A_346 = vector.broadcast %jit3A_342 : f32 to vector<1024x96xf32>
    %mul3A_347 = arith.mulf %mul3A_346, %mul3A_341 : vector<1024x96xf32>
    %select_n3A_348 = arith.select %ge3A_345, %mul3A_341, %mul3A_347 : vector<1024x96xi1>, vector<1024x96xf32>
    %dot_general3A_349 = arith.constant dense<0.000000e+00> : vector<1024x1xf32>
    %dot_general3A_350 = tpu.matmul %select_n3A_348, %get3A_13, %dot_general3A_349 {dimension_numbers = #tpu.dot_dimension_numbers<[1], [0], [0], [1], [0, 0, 1, 1], [], []>, transpose_lhs_hint = false} : vector<1024x96xf32>, vector<96x1xf32>, vector<1024x1xf32> -> vector<1024x1xf32>
    %add3A_351 = vector.broadcast %get3A_16 : vector<1x1xf32> to vector<1024x1xf32>
    %add3A_352 = arith.addf %dot_general3A_350, %add3A_351 : vector<1024x1xf32>
    %reshape3A_353 = vector.shape_cast %add3A_352 : vector<1024x1xf32> to vector<32x32xf32>
    %slice3A_354 = vector.extract_strided_slice %get3A_57 {offsets = [64, 0], sizes = [32, 96], strides = [1, 1]} : vector<128x96xf32> to vector<32x96xf32>
    %broadcast_in_dim3A_355 = vector.shape_cast %slice3A_292 : vector<32x96xf32> to vector<32x1x96xf32>
    %broadcast_in_dim3A_356 = vector.shape_cast %slice3A_354 : vector<32x96xf32> to vector<1x32x96xf32>
    %sub3A_357 = vector.broadcast %broadcast_in_dim3A_355 : vector<32x1x96xf32> to vector<32x32x96xf32>
    %sub3A_358 = vector.broadcast %broadcast_in_dim3A_356 : vector<1x32x96xf32> to vector<32x32x96xf32>
    %sub3A_359 = arith.subf %sub3A_357, %sub3A_358 : vector<32x32x96xf32>
    %abs3A_360 = math.absf %sub3A_359 : vector<32x32x96xf32>
    %reshape3A_361 = vector.shape_cast %abs3A_360 : vector<32x32x96xf32> to vector<1024x96xf32>
    %dot_general3A_362 = arith.constant dense<0.000000e+00> : vector<1024x192xf32>
    %dot_general3A_363 = tpu.matmul %reshape3A_361, %get3A_1, %dot_general3A_362 {dimension_numbers = #tpu.dot_dimension_numbers<[1], [0], [0], [1], [0, 0, 1, 1], [], []>, transpose_lhs_hint = false} : vector<1024x96xf32>, vector<96x192xf32>, vector<1024x192xf32> -> vector<1024x192xf32>
    %mul3A_364 = arith.constant 0.999994993 : f32
    %mul3A_365 = vector.broadcast %mul3A_364 : f32 to vector<1024x192xf32>
    %mul3A_366 = arith.mulf %mul3A_365, %dot_general3A_363 : vector<1024x192xf32>
    %jit3A_367 = arith.constant 0.00999999977 : f32
    %ge3A_368 = arith.constant 0.000000e+00 : f32
    %ge3A_369 = vector.broadcast %ge3A_368 : f32 to vector<1024x192xf32>
    %ge3A_370 = arith.cmpf oge, %mul3A_366, %ge3A_369 : vector<1024x192xf32>
    %mul3A_371 = vector.broadcast %jit3A_367 : f32 to vector<1024x192xf32>
    %mul3A_372 = arith.mulf %mul3A_371, %mul3A_366 : vector<1024x192xf32>
    %select_n3A_373 = arith.select %ge3A_370, %mul3A_366, %mul3A_372 : vector<1024x192xi1>, vector<1024x192xf32>
    %dot_general3A_374 = arith.constant dense<0.000000e+00> : vector<1024x192xf32>
    %dot_general3A_375 = tpu.matmul %select_n3A_373, %get3A_4, %dot_general3A_374 {dimension_numbers = #tpu.dot_dimension_numbers<[1], [0], [0], [1], [0, 0, 1, 1], [], []>, transpose_lhs_hint = false} : vector<1024x192xf32>, vector<192x192xf32>, vector<1024x192xf32> -> vector<1024x192xf32>
    %mul3A_376 = arith.constant 0.999994993 : f32
    %mul3A_377 = vector.broadcast %mul3A_376 : f32 to vector<1024x192xf32>
    %mul3A_378 = arith.mulf %mul3A_377, %dot_general3A_375 : vector<1024x192xf32>
    %jit3A_379 = arith.constant 0.00999999977 : f32
    %ge3A_380 = arith.constant 0.000000e+00 : f32
    %ge3A_381 = vector.broadcast %ge3A_380 : f32 to vector<1024x192xf32>
    %ge3A_382 = arith.cmpf oge, %mul3A_378, %ge3A_381 : vector<1024x192xf32>
    %mul3A_383 = vector.broadcast %jit3A_379 : f32 to vector<1024x192xf32>
    %mul3A_384 = arith.mulf %mul3A_383, %mul3A_378 : vector<1024x192xf32>
    %select_n3A_385 = arith.select %ge3A_382, %mul3A_378, %mul3A_384 : vector<1024x192xi1>, vector<1024x192xf32>
    %dot_general3A_386 = arith.constant dense<0.000000e+00> : vector<1024x96xf32>
    %dot_general3A_387 = tpu.matmul %select_n3A_385, %get3A_7, %dot_general3A_386 {dimension_numbers = #tpu.dot_dimension_numbers<[1], [0], [0], [1], [0, 0, 1, 1], [], []>, transpose_lhs_hint = false} : vector<1024x192xf32>, vector<192x96xf32>, vector<1024x96xf32> -> vector<1024x96xf32>
    %mul3A_388 = arith.constant 0.999994993 : f32
    %mul3A_389 = vector.broadcast %mul3A_388 : f32 to vector<1024x96xf32>
    %mul3A_390 = arith.mulf %mul3A_389, %dot_general3A_387 : vector<1024x96xf32>
    %jit3A_391 = arith.constant 0.00999999977 : f32
    %ge3A_392 = arith.constant 0.000000e+00 : f32
    %ge3A_393 = vector.broadcast %ge3A_392 : f32 to vector<1024x96xf32>
    %ge3A_394 = arith.cmpf oge, %mul3A_390, %ge3A_393 : vector<1024x96xf32>
    %mul3A_395 = vector.broadcast %jit3A_391 : f32 to vector<1024x96xf32>
    %mul3A_396 = arith.mulf %mul3A_395, %mul3A_390 : vector<1024x96xf32>
    %select_n3A_397 = arith.select %ge3A_394, %mul3A_390, %mul3A_396 : vector<1024x96xi1>, vector<1024x96xf32>
    %dot_general3A_398 = arith.constant dense<0.000000e+00> : vector<1024x96xf32>
    %dot_general3A_399 = tpu.matmul %select_n3A_397, %get3A_10, %dot_general3A_398 {dimension_numbers = #tpu.dot_dimension_numbers<[1], [0], [0], [1], [0, 0, 1, 1], [], []>, transpose_lhs_hint = false} : vector<1024x96xf32>, vector<96x96xf32>, vector<1024x96xf32> -> vector<1024x96xf32>
    %mul3A_400 = arith.constant 0.999994993 : f32
    %mul3A_401 = vector.broadcast %mul3A_400 : f32 to vector<1024x96xf32>
    %mul3A_402 = arith.mulf %mul3A_401, %dot_general3A_399 : vector<1024x96xf32>
    %jit3A_403 = arith.constant 0.00999999977 : f32
    %ge3A_404 = arith.constant 0.000000e+00 : f32
    %ge3A_405 = vector.broadcast %ge3A_404 : f32 to vector<1024x96xf32>
    %ge3A_406 = arith.cmpf oge, %mul3A_402, %ge3A_405 : vector<1024x96xf32>
    %mul3A_407 = vector.broadcast %jit3A_403 : f32 to vector<1024x96xf32>
    %mul3A_408 = arith.mulf %mul3A_407, %mul3A_402 : vector<1024x96xf32>
    %select_n3A_409 = arith.select %ge3A_406, %mul3A_402, %mul3A_408 : vector<1024x96xi1>, vector<1024x96xf32>
    %dot_general3A_410 = arith.constant dense<0.000000e+00> : vector<1024x1xf32>
    %dot_general3A_411 = tpu.matmul %select_n3A_409, %get3A_13, %dot_general3A_410 {dimension_numbers = #tpu.dot_dimension_numbers<[1], [0], [0], [1], [0, 0, 1, 1], [], []>, transpose_lhs_hint = false} : vector<1024x96xf32>, vector<96x1xf32>, vector<1024x1xf32> -> vector<1024x1xf32>
    %add3A_412 = vector.broadcast %get3A_16 : vector<1x1xf32> to vector<1024x1xf32>
    %add3A_413 = arith.addf %dot_general3A_411, %add3A_412 : vector<1024x1xf32>
    %reshape3A_414 = vector.shape_cast %add3A_413 : vector<1024x1xf32> to vector<32x32xf32>
    %slice3A_415 = vector.extract_strided_slice %get3A_57 {offsets = [96, 0], sizes = [32, 96], strides = [1, 1]} : vector<128x96xf32> to vector<32x96xf32>
    %broadcast_in_dim3A_416 = vector.shape_cast %slice3A_292 : vector<32x96xf32> to vector<32x1x96xf32>
    %broadcast_in_dim3A_417 = vector.shape_cast %slice3A_415 : vector<32x96xf32> to vector<1x32x96xf32>
    %sub3A_418 = vector.broadcast %broadcast_in_dim3A_416 : vector<32x1x96xf32> to vector<32x32x96xf32>
    %sub3A_419 = vector.broadcast %broadcast_in_dim3A_417 : vector<1x32x96xf32> to vector<32x32x96xf32>
    %sub3A_420 = arith.subf %sub3A_418, %sub3A_419 : vector<32x32x96xf32>
    %abs3A_421 = math.absf %sub3A_420 : vector<32x32x96xf32>
    %reshape3A_422 = vector.shape_cast %abs3A_421 : vector<32x32x96xf32> to vector<1024x96xf32>
    %dot_general3A_423 = arith.constant dense<0.000000e+00> : vector<1024x192xf32>
    %dot_general3A_424 = tpu.matmul %reshape3A_422, %get3A_1, %dot_general3A_423 {dimension_numbers = #tpu.dot_dimension_numbers<[1], [0], [0], [1], [0, 0, 1, 1], [], []>, transpose_lhs_hint = false} : vector<1024x96xf32>, vector<96x192xf32>, vector<1024x192xf32> -> vector<1024x192xf32>
    %mul3A_425 = arith.constant 0.999994993 : f32
    %mul3A_426 = vector.broadcast %mul3A_425 : f32 to vector<1024x192xf32>
    %mul3A_427 = arith.mulf %mul3A_426, %dot_general3A_424 : vector<1024x192xf32>
    %jit3A_428 = arith.constant 0.00999999977 : f32
    %ge3A_429 = arith.constant 0.000000e+00 : f32
    %ge3A_430 = vector.broadcast %ge3A_429 : f32 to vector<1024x192xf32>
    %ge3A_431 = arith.cmpf oge, %mul3A_427, %ge3A_430 : vector<1024x192xf32>
    %mul3A_432 = vector.broadcast %jit3A_428 : f32 to vector<1024x192xf32>
    %mul3A_433 = arith.mulf %mul3A_432, %mul3A_427 : vector<1024x192xf32>
    %select_n3A_434 = arith.select %ge3A_431, %mul3A_427, %mul3A_433 : vector<1024x192xi1>, vector<1024x192xf32>
    %dot_general3A_435 = arith.constant dense<0.000000e+00> : vector<1024x192xf32>
    %dot_general3A_436 = tpu.matmul %select_n3A_434, %get3A_4, %dot_general3A_435 {dimension_numbers = #tpu.dot_dimension_numbers<[1], [0], [0], [1], [0, 0, 1, 1], [], []>, transpose_lhs_hint = false} : vector<1024x192xf32>, vector<192x192xf32>, vector<1024x192xf32> -> vector<1024x192xf32>
    %mul3A_437 = arith.constant 0.999994993 : f32
    %mul3A_438 = vector.broadcast %mul3A_437 : f32 to vector<1024x192xf32>
    %mul3A_439 = arith.mulf %mul3A_438, %dot_general3A_436 : vector<1024x192xf32>
    %jit3A_440 = arith.constant 0.00999999977 : f32
    %ge3A_441 = arith.constant 0.000000e+00 : f32
    %ge3A_442 = vector.broadcast %ge3A_441 : f32 to vector<1024x192xf32>
    %ge3A_443 = arith.cmpf oge, %mul3A_439, %ge3A_442 : vector<1024x192xf32>
    %mul3A_444 = vector.broadcast %jit3A_440 : f32 to vector<1024x192xf32>
    %mul3A_445 = arith.mulf %mul3A_444, %mul3A_439 : vector<1024x192xf32>
    %select_n3A_446 = arith.select %ge3A_443, %mul3A_439, %mul3A_445 : vector<1024x192xi1>, vector<1024x192xf32>
    %dot_general3A_447 = arith.constant dense<0.000000e+00> : vector<1024x96xf32>
    %dot_general3A_448 = tpu.matmul %select_n3A_446, %get3A_7, %dot_general3A_447 {dimension_numbers = #tpu.dot_dimension_numbers<[1], [0], [0], [1], [0, 0, 1, 1], [], []>, transpose_lhs_hint = false} : vector<1024x192xf32>, vector<192x96xf32>, vector<1024x96xf32> -> vector<1024x96xf32>
    %mul3A_449 = arith.constant 0.999994993 : f32
    %mul3A_450 = vector.broadcast %mul3A_449 : f32 to vector<1024x96xf32>
    %mul3A_451 = arith.mulf %mul3A_450, %dot_general3A_448 : vector<1024x96xf32>
    %jit3A_452 = arith.constant 0.00999999977 : f32
    %ge3A_453 = arith.constant 0.000000e+00 : f32
    %ge3A_454 = vector.broadcast %ge3A_453 : f32 to vector<1024x96xf32>
    %ge3A_455 = arith.cmpf oge, %mul3A_451, %ge3A_454 : vector<1024x96xf32>
    %mul3A_456 = vector.broadcast %jit3A_452 : f32 to vector<1024x96xf32>
    %mul3A_457 = arith.mulf %mul3A_456, %mul3A_451 : vector<1024x96xf32>
    %select_n3A_458 = arith.select %ge3A_455, %mul3A_451, %mul3A_457 : vector<1024x96xi1>, vector<1024x96xf32>
    %dot_general3A_459 = arith.constant dense<0.000000e+00> : vector<1024x96xf32>
    %dot_general3A_460 = tpu.matmul %select_n3A_458, %get3A_10, %dot_general3A_459 {dimension_numbers = #tpu.dot_dimension_numbers<[1], [0], [0], [1], [0, 0, 1, 1], [], []>, transpose_lhs_hint = false} : vector<1024x96xf32>, vector<96x96xf32>, vector<1024x96xf32> -> vector<1024x96xf32>
    %mul3A_461 = arith.constant 0.999994993 : f32
    %mul3A_462 = vector.broadcast %mul3A_461 : f32 to vector<1024x96xf32>
    %mul3A_463 = arith.mulf %mul3A_462, %dot_general3A_460 : vector<1024x96xf32>
    %jit3A_464 = arith.constant 0.00999999977 : f32
    %ge3A_465 = arith.constant 0.000000e+00 : f32
    %ge3A_466 = vector.broadcast %ge3A_465 : f32 to vector<1024x96xf32>
    %ge3A_467 = arith.cmpf oge, %mul3A_463, %ge3A_466 : vector<1024x96xf32>
    %mul3A_468 = vector.broadcast %jit3A_464 : f32 to vector<1024x96xf32>
    %mul3A_469 = arith.mulf %mul3A_468, %mul3A_463 : vector<1024x96xf32>
    %select_n3A_470 = arith.select %ge3A_467, %mul3A_463, %mul3A_469 : vector<1024x96xi1>, vector<1024x96xf32>
    %dot_general3A_471 = arith.constant dense<0.000000e+00> : vector<1024x1xf32>
    %dot_general3A_472 = tpu.matmul %select_n3A_470, %get3A_13, %dot_general3A_471 {dimension_numbers = #tpu.dot_dimension_numbers<[1], [0], [0], [1], [0, 0, 1, 1], [], []>, transpose_lhs_hint = false} : vector<1024x96xf32>, vector<96x1xf32>, vector<1024x1xf32> -> vector<1024x1xf32>
    %add3A_473 = vector.broadcast %get3A_16 : vector<1x1xf32> to vector<1024x1xf32>
    %add3A_474 = arith.addf %dot_general3A_472, %add3A_473 : vector<1024x1xf32>
    %reshape3A_475 = vector.shape_cast %add3A_474 : vector<1024x1xf32> to vector<32x32xf32>
    %slice3A_476 = vector.extract_strided_slice %get3A_57 {offsets = [64, 0], sizes = [32, 96], strides = [1, 1]} : vector<128x96xf32> to vector<32x96xf32>
    %slice3A_477 = vector.extract_strided_slice %get3A_57 {offsets = [64, 0], sizes = [32, 96], strides = [1, 1]} : vector<128x96xf32> to vector<32x96xf32>
    %broadcast_in_dim3A_478 = vector.shape_cast %slice3A_476 : vector<32x96xf32> to vector<32x1x96xf32>
    %broadcast_in_dim3A_479 = vector.shape_cast %slice3A_477 : vector<32x96xf32> to vector<1x32x96xf32>
    %sub3A_480 = vector.broadcast %broadcast_in_dim3A_478 : vector<32x1x96xf32> to vector<32x32x96xf32>
    %sub3A_481 = vector.broadcast %broadcast_in_dim3A_479 : vector<1x32x96xf32> to vector<32x32x96xf32>
    %sub3A_482 = arith.subf %sub3A_480, %sub3A_481 : vector<32x32x96xf32>
    %abs3A_483 = math.absf %sub3A_482 : vector<32x32x96xf32>
    %reshape3A_484 = vector.shape_cast %abs3A_483 : vector<32x32x96xf32> to vector<1024x96xf32>
    %dot_general3A_485 = arith.constant dense<0.000000e+00> : vector<1024x192xf32>
    %dot_general3A_486 = tpu.matmul %reshape3A_484, %get3A_1, %dot_general3A_485 {dimension_numbers = #tpu.dot_dimension_numbers<[1], [0], [0], [1], [0, 0, 1, 1], [], []>, transpose_lhs_hint = false} : vector<1024x96xf32>, vector<96x192xf32>, vector<1024x192xf32> -> vector<1024x192xf32>
    %mul3A_487 = arith.constant 0.999994993 : f32
    %mul3A_488 = vector.broadcast %mul3A_487 : f32 to vector<1024x192xf32>
    %mul3A_489 = arith.mulf %mul3A_488, %dot_general3A_486 : vector<1024x192xf32>
    %jit3A_490 = arith.constant 0.00999999977 : f32
    %ge3A_491 = arith.constant 0.000000e+00 : f32
    %ge3A_492 = vector.broadcast %ge3A_491 : f32 to vector<1024x192xf32>
    %ge3A_493 = arith.cmpf oge, %mul3A_489, %ge3A_492 : vector<1024x192xf32>
    %mul3A_494 = vector.broadcast %jit3A_490 : f32 to vector<1024x192xf32>
    %mul3A_495 = arith.mulf %mul3A_494, %mul3A_489 : vector<1024x192xf32>
    %select_n3A_496 = arith.select %ge3A_493, %mul3A_489, %mul3A_495 : vector<1024x192xi1>, vector<1024x192xf32>
    %dot_general3A_497 = arith.constant dense<0.000000e+00> : vector<1024x192xf32>
    %dot_general3A_498 = tpu.matmul %select_n3A_496, %get3A_4, %dot_general3A_497 {dimension_numbers = #tpu.dot_dimension_numbers<[1], [0], [0], [1], [0, 0, 1, 1], [], []>, transpose_lhs_hint = false} : vector<1024x192xf32>, vector<192x192xf32>, vector<1024x192xf32> -> vector<1024x192xf32>
    %mul3A_499 = arith.constant 0.999994993 : f32
    %mul3A_500 = vector.broadcast %mul3A_499 : f32 to vector<1024x192xf32>
    %mul3A_501 = arith.mulf %mul3A_500, %dot_general3A_498 : vector<1024x192xf32>
    %jit3A_502 = arith.constant 0.00999999977 : f32
    %ge3A_503 = arith.constant 0.000000e+00 : f32
    %ge3A_504 = vector.broadcast %ge3A_503 : f32 to vector<1024x192xf32>
    %ge3A_505 = arith.cmpf oge, %mul3A_501, %ge3A_504 : vector<1024x192xf32>
    %mul3A_506 = vector.broadcast %jit3A_502 : f32 to vector<1024x192xf32>
    %mul3A_507 = arith.mulf %mul3A_506, %mul3A_501 : vector<1024x192xf32>
    %select_n3A_508 = arith.select %ge3A_505, %mul3A_501, %mul3A_507 : vector<1024x192xi1>, vector<1024x192xf32>
    %dot_general3A_509 = arith.constant dense<0.000000e+00> : vector<1024x96xf32>
    %dot_general3A_510 = tpu.matmul %select_n3A_508, %get3A_7, %dot_general3A_509 {dimension_numbers = #tpu.dot_dimension_numbers<[1], [0], [0], [1], [0, 0, 1, 1], [], []>, transpose_lhs_hint = false} : vector<1024x192xf32>, vector<192x96xf32>, vector<1024x96xf32> -> vector<1024x96xf32>
    %mul3A_511 = arith.constant 0.999994993 : f32
    %mul3A_512 = vector.broadcast %mul3A_511 : f32 to vector<1024x96xf32>
    %mul3A_513 = arith.mulf %mul3A_512, %dot_general3A_510 : vector<1024x96xf32>
    %jit3A_514 = arith.constant 0.00999999977 : f32
    %ge3A_515 = arith.constant 0.000000e+00 : f32
    %ge3A_516 = vector.broadcast %ge3A_515 : f32 to vector<1024x96xf32>
    %ge3A_517 = arith.cmpf oge, %mul3A_513, %ge3A_516 : vector<1024x96xf32>
    %mul3A_518 = vector.broadcast %jit3A_514 : f32 to vector<1024x96xf32>
    %mul3A_519 = arith.mulf %mul3A_518, %mul3A_513 : vector<1024x96xf32>
    %select_n3A_520 = arith.select %ge3A_517, %mul3A_513, %mul3A_519 : vector<1024x96xi1>, vector<1024x96xf32>
    %dot_general3A_521 = arith.constant dense<0.000000e+00> : vector<1024x96xf32>
    %dot_general3A_522 = tpu.matmul %select_n3A_520, %get3A_10, %dot_general3A_521 {dimension_numbers = #tpu.dot_dimension_numbers<[1], [0], [0], [1], [0, 0, 1, 1], [], []>, transpose_lhs_hint = false} : vector<1024x96xf32>, vector<96x96xf32>, vector<1024x96xf32> -> vector<1024x96xf32>
    %mul3A_523 = arith.constant 0.999994993 : f32
    %mul3A_524 = vector.broadcast %mul3A_523 : f32 to vector<1024x96xf32>
    %mul3A_525 = arith.mulf %mul3A_524, %dot_general3A_522 : vector<1024x96xf32>
    %jit3A_526 = arith.constant 0.00999999977 : f32
    %ge3A_527 = arith.constant 0.000000e+00 : f32
    %ge3A_528 = vector.broadcast %ge3A_527 : f32 to vector<1024x96xf32>
    %ge3A_529 = arith.cmpf oge, %mul3A_525, %ge3A_528 : vector<1024x96xf32>
    %mul3A_530 = vector.broadcast %jit3A_526 : f32 to vector<1024x96xf32>
    %mul3A_531 = arith.mulf %mul3A_530, %mul3A_525 : vector<1024x96xf32>
    %select_n3A_532 = arith.select %ge3A_529, %mul3A_525, %mul3A_531 : vector<1024x96xi1>, vector<1024x96xf32>
    %dot_general3A_533 = arith.constant dense<0.000000e+00> : vector<1024x1xf32>
    %dot_general3A_534 = tpu.matmul %select_n3A_532, %get3A_13, %dot_general3A_533 {dimension_numbers = #tpu.dot_dimension_numbers<[1], [0], [0], [1], [0, 0, 1, 1], [], []>, transpose_lhs_hint = false} : vector<1024x96xf32>, vector<96x1xf32>, vector<1024x1xf32> -> vector<1024x1xf32>
    %add3A_535 = vector.broadcast %get3A_16 : vector<1x1xf32> to vector<1024x1xf32>
    %add3A_536 = arith.addf %dot_general3A_534, %add3A_535 : vector<1024x1xf32>
    %reshape3A_537 = vector.shape_cast %add3A_536 : vector<1024x1xf32> to vector<32x32xf32>
    %slice3A_538 = vector.extract_strided_slice %get3A_57 {offsets = [96, 0], sizes = [32, 96], strides = [1, 1]} : vector<128x96xf32> to vector<32x96xf32>
    %broadcast_in_dim3A_539 = vector.shape_cast %slice3A_476 : vector<32x96xf32> to vector<32x1x96xf32>
    %broadcast_in_dim3A_540 = vector.shape_cast %slice3A_538 : vector<32x96xf32> to vector<1x32x96xf32>
    %sub3A_541 = vector.broadcast %broadcast_in_dim3A_539 : vector<32x1x96xf32> to vector<32x32x96xf32>
    %sub3A_542 = vector.broadcast %broadcast_in_dim3A_540 : vector<1x32x96xf32> to vector<32x32x96xf32>
    %sub3A_543 = arith.subf %sub3A_541, %sub3A_542 : vector<32x32x96xf32>
    %abs3A_544 = math.absf %sub3A_543 : vector<32x32x96xf32>
    %reshape3A_545 = vector.shape_cast %abs3A_544 : vector<32x32x96xf32> to vector<1024x96xf32>
    %dot_general3A_546 = arith.constant dense<0.000000e+00> : vector<1024x192xf32>
    %dot_general3A_547 = tpu.matmul %reshape3A_545, %get3A_1, %dot_general3A_546 {dimension_numbers = #tpu.dot_dimension_numbers<[1], [0], [0], [1], [0, 0, 1, 1], [], []>, transpose_lhs_hint = false} : vector<1024x96xf32>, vector<96x192xf32>, vector<1024x192xf32> -> vector<1024x192xf32>
    %mul3A_548 = arith.constant 0.999994993 : f32
    %mul3A_549 = vector.broadcast %mul3A_548 : f32 to vector<1024x192xf32>
    %mul3A_550 = arith.mulf %mul3A_549, %dot_general3A_547 : vector<1024x192xf32>
    %jit3A_551 = arith.constant 0.00999999977 : f32
    %ge3A_552 = arith.constant 0.000000e+00 : f32
    %ge3A_553 = vector.broadcast %ge3A_552 : f32 to vector<1024x192xf32>
    %ge3A_554 = arith.cmpf oge, %mul3A_550, %ge3A_553 : vector<1024x192xf32>
    %mul3A_555 = vector.broadcast %jit3A_551 : f32 to vector<1024x192xf32>
    %mul3A_556 = arith.mulf %mul3A_555, %mul3A_550 : vector<1024x192xf32>
    %select_n3A_557 = arith.select %ge3A_554, %mul3A_550, %mul3A_556 : vector<1024x192xi1>, vector<1024x192xf32>
    %dot_general3A_558 = arith.constant dense<0.000000e+00> : vector<1024x192xf32>
    %dot_general3A_559 = tpu.matmul %select_n3A_557, %get3A_4, %dot_general3A_558 {dimension_numbers = #tpu.dot_dimension_numbers<[1], [0], [0], [1], [0, 0, 1, 1], [], []>, transpose_lhs_hint = false} : vector<1024x192xf32>, vector<192x192xf32>, vector<1024x192xf32> -> vector<1024x192xf32>
    %mul3A_560 = arith.constant 0.999994993 : f32
    %mul3A_561 = vector.broadcast %mul3A_560 : f32 to vector<1024x192xf32>
    %mul3A_562 = arith.mulf %mul3A_561, %dot_general3A_559 : vector<1024x192xf32>
    %jit3A_563 = arith.constant 0.00999999977 : f32
    %ge3A_564 = arith.constant 0.000000e+00 : f32
    %ge3A_565 = vector.broadcast %ge3A_564 : f32 to vector<1024x192xf32>
    %ge3A_566 = arith.cmpf oge, %mul3A_562, %ge3A_565 : vector<1024x192xf32>
    %mul3A_567 = vector.broadcast %jit3A_563 : f32 to vector<1024x192xf32>
    %mul3A_568 = arith.mulf %mul3A_567, %mul3A_562 : vector<1024x192xf32>
    %select_n3A_569 = arith.select %ge3A_566, %mul3A_562, %mul3A_568 : vector<1024x192xi1>, vector<1024x192xf32>
    %dot_general3A_570 = arith.constant dense<0.000000e+00> : vector<1024x96xf32>
    %dot_general3A_571 = tpu.matmul %select_n3A_569, %get3A_7, %dot_general3A_570 {dimension_numbers = #tpu.dot_dimension_numbers<[1], [0], [0], [1], [0, 0, 1, 1], [], []>, transpose_lhs_hint = false} : vector<1024x192xf32>, vector<192x96xf32>, vector<1024x96xf32> -> vector<1024x96xf32>
    %mul3A_572 = arith.constant 0.999994993 : f32
    %mul3A_573 = vector.broadcast %mul3A_572 : f32 to vector<1024x96xf32>
    %mul3A_574 = arith.mulf %mul3A_573, %dot_general3A_571 : vector<1024x96xf32>
    %jit3A_575 = arith.constant 0.00999999977 : f32
    %ge3A_576 = arith.constant 0.000000e+00 : f32
    %ge3A_577 = vector.broadcast %ge3A_576 : f32 to vector<1024x96xf32>
    %ge3A_578 = arith.cmpf oge, %mul3A_574, %ge3A_577 : vector<1024x96xf32>
    %mul3A_579 = vector.broadcast %jit3A_575 : f32 to vector<1024x96xf32>
    %mul3A_580 = arith.mulf %mul3A_579, %mul3A_574 : vector<1024x96xf32>
    %select_n3A_581 = arith.select %ge3A_578, %mul3A_574, %mul3A_580 : vector<1024x96xi1>, vector<1024x96xf32>
    %dot_general3A_582 = arith.constant dense<0.000000e+00> : vector<1024x96xf32>
    %dot_general3A_583 = tpu.matmul %select_n3A_581, %get3A_10, %dot_general3A_582 {dimension_numbers = #tpu.dot_dimension_numbers<[1], [0], [0], [1], [0, 0, 1, 1], [], []>, transpose_lhs_hint = false} : vector<1024x96xf32>, vector<96x96xf32>, vector<1024x96xf32> -> vector<1024x96xf32>
    %mul3A_584 = arith.constant 0.999994993 : f32
    %mul3A_585 = vector.broadcast %mul3A_584 : f32 to vector<1024x96xf32>
    %mul3A_586 = arith.mulf %mul3A_585, %dot_general3A_583 : vector<1024x96xf32>
    %jit3A_587 = arith.constant 0.00999999977 : f32
    %ge3A_588 = arith.constant 0.000000e+00 : f32
    %ge3A_589 = vector.broadcast %ge3A_588 : f32 to vector<1024x96xf32>
    %ge3A_590 = arith.cmpf oge, %mul3A_586, %ge3A_589 : vector<1024x96xf32>
    %mul3A_591 = vector.broadcast %jit3A_587 : f32 to vector<1024x96xf32>
    %mul3A_592 = arith.mulf %mul3A_591, %mul3A_586 : vector<1024x96xf32>
    %select_n3A_593 = arith.select %ge3A_590, %mul3A_586, %mul3A_592 : vector<1024x96xi1>, vector<1024x96xf32>
    %dot_general3A_594 = arith.constant dense<0.000000e+00> : vector<1024x1xf32>
    %dot_general3A_595 = tpu.matmul %select_n3A_593, %get3A_13, %dot_general3A_594 {dimension_numbers = #tpu.dot_dimension_numbers<[1], [0], [0], [1], [0, 0, 1, 1], [], []>, transpose_lhs_hint = false} : vector<1024x96xf32>, vector<96x1xf32>, vector<1024x1xf32> -> vector<1024x1xf32>
    %add3A_596 = vector.broadcast %get3A_16 : vector<1x1xf32> to vector<1024x1xf32>
    %add3A_597 = arith.addf %dot_general3A_595, %add3A_596 : vector<1024x1xf32>
    %reshape3A_598 = vector.shape_cast %add3A_597 : vector<1024x1xf32> to vector<32x32xf32>
    %slice3A_599 = vector.extract_strided_slice %get3A_57 {offsets = [96, 0], sizes = [32, 96], strides = [1, 1]} : vector<128x96xf32> to vector<32x96xf32>
    %slice3A_600 = vector.extract_strided_slice %get3A_57 {offsets = [96, 0], sizes = [32, 96], strides = [1, 1]} : vector<128x96xf32> to vector<32x96xf32>
    %broadcast_in_dim3A_601 = vector.shape_cast %slice3A_599 : vector<32x96xf32> to vector<32x1x96xf32>
    %broadcast_in_dim3A_602 = vector.shape_cast %slice3A_600 : vector<32x96xf32> to vector<1x32x96xf32>
    %sub3A_603 = vector.broadcast %broadcast_in_dim3A_601 : vector<32x1x96xf32> to vector<32x32x96xf32>
    %sub3A_604 = vector.broadcast %broadcast_in_dim3A_602 : vector<1x32x96xf32> to vector<32x32x96xf32>
    %sub3A_605 = arith.subf %sub3A_603, %sub3A_604 : vector<32x32x96xf32>
    %abs3A_606 = math.absf %sub3A_605 : vector<32x32x96xf32>
    %reshape3A_607 = vector.shape_cast %abs3A_606 : vector<32x32x96xf32> to vector<1024x96xf32>
    %dot_general3A_608 = arith.constant dense<0.000000e+00> : vector<1024x192xf32>
    %dot_general3A_609 = tpu.matmul %reshape3A_607, %get3A_1, %dot_general3A_608 {dimension_numbers = #tpu.dot_dimension_numbers<[1], [0], [0], [1], [0, 0, 1, 1], [], []>, transpose_lhs_hint = false} : vector<1024x96xf32>, vector<96x192xf32>, vector<1024x192xf32> -> vector<1024x192xf32>
    %mul3A_610 = arith.constant 0.999994993 : f32
    %mul3A_611 = vector.broadcast %mul3A_610 : f32 to vector<1024x192xf32>
    %mul3A_612 = arith.mulf %mul3A_611, %dot_general3A_609 : vector<1024x192xf32>
    %jit3A_613 = arith.constant 0.00999999977 : f32
    %ge3A_614 = arith.constant 0.000000e+00 : f32
    %ge3A_615 = vector.broadcast %ge3A_614 : f32 to vector<1024x192xf32>
    %ge3A_616 = arith.cmpf oge, %mul3A_612, %ge3A_615 : vector<1024x192xf32>
    %mul3A_617 = vector.broadcast %jit3A_613 : f32 to vector<1024x192xf32>
    %mul3A_618 = arith.mulf %mul3A_617, %mul3A_612 : vector<1024x192xf32>
    %select_n3A_619 = arith.select %ge3A_616, %mul3A_612, %mul3A_618 : vector<1024x192xi1>, vector<1024x192xf32>
    %dot_general3A_620 = arith.constant dense<0.000000e+00> : vector<1024x192xf32>
    %dot_general3A_621 = tpu.matmul %select_n3A_619, %get3A_4, %dot_general3A_620 {dimension_numbers = #tpu.dot_dimension_numbers<[1], [0], [0], [1], [0, 0, 1, 1], [], []>, transpose_lhs_hint = false} : vector<1024x192xf32>, vector<192x192xf32>, vector<1024x192xf32> -> vector<1024x192xf32>
    %mul3A_622 = arith.constant 0.999994993 : f32
    %mul3A_623 = vector.broadcast %mul3A_622 : f32 to vector<1024x192xf32>
    %mul3A_624 = arith.mulf %mul3A_623, %dot_general3A_621 : vector<1024x192xf32>
    %jit3A_625 = arith.constant 0.00999999977 : f32
    %ge3A_626 = arith.constant 0.000000e+00 : f32
    %ge3A_627 = vector.broadcast %ge3A_626 : f32 to vector<1024x192xf32>
    %ge3A_628 = arith.cmpf oge, %mul3A_624, %ge3A_627 : vector<1024x192xf32>
    %mul3A_629 = vector.broadcast %jit3A_625 : f32 to vector<1024x192xf32>
    %mul3A_630 = arith.mulf %mul3A_629, %mul3A_624 : vector<1024x192xf32>
    %select_n3A_631 = arith.select %ge3A_628, %mul3A_624, %mul3A_630 : vector<1024x192xi1>, vector<1024x192xf32>
    %dot_general3A_632 = arith.constant dense<0.000000e+00> : vector<1024x96xf32>
    %dot_general3A_633 = tpu.matmul %select_n3A_631, %get3A_7, %dot_general3A_632 {dimension_numbers = #tpu.dot_dimension_numbers<[1], [0], [0], [1], [0, 0, 1, 1], [], []>, transpose_lhs_hint = false} : vector<1024x192xf32>, vector<192x96xf32>, vector<1024x96xf32> -> vector<1024x96xf32>
    %mul3A_634 = arith.constant 0.999994993 : f32
    %mul3A_635 = vector.broadcast %mul3A_634 : f32 to vector<1024x96xf32>
    %mul3A_636 = arith.mulf %mul3A_635, %dot_general3A_633 : vector<1024x96xf32>
    %jit3A_637 = arith.constant 0.00999999977 : f32
    %ge3A_638 = arith.constant 0.000000e+00 : f32
    %ge3A_639 = vector.broadcast %ge3A_638 : f32 to vector<1024x96xf32>
    %ge3A_640 = arith.cmpf oge, %mul3A_636, %ge3A_639 : vector<1024x96xf32>
    %mul3A_641 = vector.broadcast %jit3A_637 : f32 to vector<1024x96xf32>
    %mul3A_642 = arith.mulf %mul3A_641, %mul3A_636 : vector<1024x96xf32>
    %select_n3A_643 = arith.select %ge3A_640, %mul3A_636, %mul3A_642 : vector<1024x96xi1>, vector<1024x96xf32>
    %dot_general3A_644 = arith.constant dense<0.000000e+00> : vector<1024x96xf32>
    %dot_general3A_645 = tpu.matmul %select_n3A_643, %get3A_10, %dot_general3A_644 {dimension_numbers = #tpu.dot_dimension_numbers<[1], [0], [0], [1], [0, 0, 1, 1], [], []>, transpose_lhs_hint = false} : vector<1024x96xf32>, vector<96x96xf32>, vector<1024x96xf32> -> vector<1024x96xf32>
    %mul3A_646 = arith.constant 0.999994993 : f32
    %mul3A_647 = vector.broadcast %mul3A_646 : f32 to vector<1024x96xf32>
    %mul3A_648 = arith.mulf %mul3A_647, %dot_general3A_645 : vector<1024x96xf32>
    %jit3A_649 = arith.constant 0.00999999977 : f32
    %ge3A_650 = arith.constant 0.000000e+00 : f32
    %ge3A_651 = vector.broadcast %ge3A_650 : f32 to vector<1024x96xf32>
    %ge3A_652 = arith.cmpf oge, %mul3A_648, %ge3A_651 : vector<1024x96xf32>
    %mul3A_653 = vector.broadcast %jit3A_649 : f32 to vector<1024x96xf32>
    %mul3A_654 = arith.mulf %mul3A_653, %mul3A_648 : vector<1024x96xf32>
    %select_n3A_655 = arith.select %ge3A_652, %mul3A_648, %mul3A_654 : vector<1024x96xi1>, vector<1024x96xf32>
    %dot_general3A_656 = arith.constant dense<0.000000e+00> : vector<1024x1xf32>
    %dot_general3A_657 = tpu.matmul %select_n3A_655, %get3A_13, %dot_general3A_656 {dimension_numbers = #tpu.dot_dimension_numbers<[1], [0], [0], [1], [0, 0, 1, 1], [], []>, transpose_lhs_hint = false} : vector<1024x96xf32>, vector<96x1xf32>, vector<1024x1xf32> -> vector<1024x1xf32>
    %add3A_658 = vector.broadcast %get3A_16 : vector<1x1xf32> to vector<1024x1xf32>
    %add3A_659 = arith.addf %dot_general3A_657, %add3A_658 : vector<1024x1xf32>
    %reshape3A_660 = vector.shape_cast %add3A_659 : vector<1024x1xf32> to vector<32x32xf32>
    %concatenate3A = tpu.concatenate %reshape3A_108, %reshape3A_169, %reshape3A_230, %reshape3A_291 in 1 : vector<32x32xf32>, vector<32x32xf32>, vector<32x32xf32>, vector<32x32xf32> -> vector<32x128xf32>
    %transpose3A = tpu.transpose %reshape3A_169, [1, 0] : vector<32x32xf32> -> vector<32x32xf32>
    %concatenate3A_661 = tpu.concatenate %transpose3A, %reshape3A_353, %reshape3A_414, %reshape3A_475 in 1 : vector<32x32xf32>, vector<32x32xf32>, vector<32x32xf32>, vector<32x32xf32> -> vector<32x128xf32>
    %transpose3A_662 = tpu.transpose %reshape3A_230, [1, 0] : vector<32x32xf32> -> vector<32x32xf32>
    %transpose3A_663 = tpu.transpose %reshape3A_414, [1, 0] : vector<32x32xf32> -> vector<32x32xf32>
    %concatenate3A_664 = tpu.concatenate %transpose3A_662, %transpose3A_663, %reshape3A_537, %reshape3A_598 in 1 : vector<32x32xf32>, vector<32x32xf32>, vector<32x32xf32>, vector<32x32xf32> -> vector<32x128xf32>
    %transpose3A_665 = tpu.transpose %reshape3A_291, [1, 0] : vector<32x32xf32> -> vector<32x32xf32>
    %transpose3A_666 = tpu.transpose %reshape3A_475, [1, 0] : vector<32x32xf32> -> vector<32x32xf32>
    %transpose3A_667 = tpu.transpose %reshape3A_598, [1, 0] : vector<32x32xf32> -> vector<32x32xf32>
    %concatenate3A_668 = tpu.concatenate %transpose3A_665, %transpose3A_666, %transpose3A_667, %reshape3A_660 in 1 : vector<32x32xf32>, vector<32x32xf32>, vector<32x32xf32>, vector<32x32xf32> -> vector<32x128xf32>
    %concatenate3A_669 = tpu.concatenate %concatenate3A, %concatenate3A_661, %concatenate3A_664, %concatenate3A_668 in 0 : vector<32x128xf32>, vector<32x128xf32>, vector<32x128xf32>, vector<32x128xf32> -> vector<128x128xf32>
    %reduce_max3A = arith.constant dense<0xFF800000> : vector<128xf32>
    %reduce_max3A_670 = vector.multi_reduction <maximumf>, %concatenate3A_669, %reduce_max3A [1] : vector<128x128xf32> to vector<128xf32>
    %max3A = arith.constant 0xFF800000 : f32
    %max3A_671 = vector.broadcast %max3A : f32 to vector<128xf32>
    %max3A_672 = arith.maximumf %max3A_671, %reduce_max3A_670 : vector<128xf32>
    %broadcast_in_dim3A_673 = vector.shape_cast %max3A_672 : vector<128xf32> to vector<128x1xf32>
    %sub3A_674 = vector.broadcast %broadcast_in_dim3A_673 : vector<128x1xf32> to vector<128x128xf32>
    %sub3A_675 = arith.subf %concatenate3A_669, %sub3A_674 : vector<128x128xf32>
    %exp3A = math.exp %sub3A_675 : vector<128x128xf32>
    %reduce_sum3A = arith.constant dense<0.000000e+00> : vector<128xf32>
    %reduce_sum3A_676 = vector.multi_reduction <add>, %exp3A, %reduce_sum3A [1] : vector<128x128xf32> to vector<128xf32>
    %broadcast_in_dim3A_677 = vector.shape_cast %reduce_sum3A_676 : vector<128xf32> to vector<128x1xf32>
    %div3A = vector.broadcast %broadcast_in_dim3A_677 : vector<128x1xf32> to vector<128x128xf32>
    %div3A_678 = arith.divf %exp3A, %div3A : vector<128x128xf32>
    %dot_general3A_679 = arith.constant dense<0.000000e+00> : vector<128x96xf32>
    %dot_general3A_680 = tpu.matmul %div3A_678, %get3A_57, %dot_general3A_679 {dimension_numbers = #tpu.dot_dimension_numbers<[1], [0], [0], [1], [0, 0, 1, 1], [], []>, transpose_lhs_hint = false} : vector<128x128xf32>, vector<128x96xf32>, vector<128x96xf32> -> vector<128x96xf32>
    %dot_general3A_681 = arith.constant dense<0.000000e+00> : vector<128x96xf32>
    %dot_general3A_682 = tpu.matmul %dot_general3A_680, %get3A_19, %dot_general3A_681 {dimension_numbers = #tpu.dot_dimension_numbers<[1], [0], [0], [1], [0, 0, 1, 1], [], []>, transpose_lhs_hint = false} : vector<128x96xf32>, vector<96x96xf32>, vector<128x96xf32> -> vector<128x96xf32>
    %add3A_683 = vector.broadcast %get3A_22 : vector<1x96xf32> to vector<128x96xf32>
    %add3A_684 = arith.addf %dot_general3A_682, %add3A_683 : vector<128x96xf32>
    %slice3A_685 = vector.extract_strided_slice %add3A_684 {offsets = [0, 0], sizes = [32, 96], strides = [1, 1]} : vector<128x96xf32> to vector<32x96xf32>
    %slice3A_686 = vector.extract_strided_slice %add3A_684 {offsets = [0, 0], sizes = [32, 96], strides = [1, 1]} : vector<128x96xf32> to vector<32x96xf32>
    %broadcast_in_dim3A_687 = vector.shape_cast %slice3A_685 : vector<32x96xf32> to vector<32x1x96xf32>
    %broadcast_in_dim3A_688 = vector.shape_cast %slice3A_686 : vector<32x96xf32> to vector<1x32x96xf32>
    %sub3A_689 = vector.broadcast %broadcast_in_dim3A_687 : vector<32x1x96xf32> to vector<32x32x96xf32>
    %sub3A_690 = vector.broadcast %broadcast_in_dim3A_688 : vector<1x32x96xf32> to vector<32x32x96xf32>
    %sub3A_691 = arith.subf %sub3A_689, %sub3A_690 : vector<32x32x96xf32>
    %abs3A_692 = math.absf %sub3A_691 : vector<32x32x96xf32>
    %reshape3A_693 = vector.shape_cast %abs3A_692 : vector<32x32x96xf32> to vector<1024x96xf32>
    %dot_general3A_694 = arith.constant dense<0.000000e+00> : vector<1024x192xf32>
    %dot_general3A_695 = tpu.matmul %reshape3A_693, %get3A_25, %dot_general3A_694 {dimension_numbers = #tpu.dot_dimension_numbers<[1], [0], [0], [1], [0, 0, 1, 1], [], []>, transpose_lhs_hint = false} : vector<1024x96xf32>, vector<96x192xf32>, vector<1024x192xf32> -> vector<1024x192xf32>
    %mul3A_696 = arith.constant 0.999994993 : f32
    %mul3A_697 = vector.broadcast %mul3A_696 : f32 to vector<1024x192xf32>
    %mul3A_698 = arith.mulf %mul3A_697, %dot_general3A_695 : vector<1024x192xf32>
    %jit3A_699 = arith.constant 0.00999999977 : f32
    %ge3A_700 = arith.constant 0.000000e+00 : f32
    %ge3A_701 = vector.broadcast %ge3A_700 : f32 to vector<1024x192xf32>
    %ge3A_702 = arith.cmpf oge, %mul3A_698, %ge3A_701 : vector<1024x192xf32>
    %mul3A_703 = vector.broadcast %jit3A_699 : f32 to vector<1024x192xf32>
    %mul3A_704 = arith.mulf %mul3A_703, %mul3A_698 : vector<1024x192xf32>
    %select_n3A_705 = arith.select %ge3A_702, %mul3A_698, %mul3A_704 : vector<1024x192xi1>, vector<1024x192xf32>
    %dot_general3A_706 = arith.constant dense<0.000000e+00> : vector<1024x192xf32>
    %dot_general3A_707 = tpu.matmul %select_n3A_705, %get3A_28, %dot_general3A_706 {dimension_numbers = #tpu.dot_dimension_numbers<[1], [0], [0], [1], [0, 0, 1, 1], [], []>, transpose_lhs_hint = false} : vector<1024x192xf32>, vector<192x192xf32>, vector<1024x192xf32> -> vector<1024x192xf32>
    %mul3A_708 = arith.constant 0.999994993 : f32
    %mul3A_709 = vector.broadcast %mul3A_708 : f32 to vector<1024x192xf32>
    %mul3A_710 = arith.mulf %mul3A_709, %dot_general3A_707 : vector<1024x192xf32>
    %jit3A_711 = arith.constant 0.00999999977 : f32
    %ge3A_712 = arith.constant 0.000000e+00 : f32
    %ge3A_713 = vector.broadcast %ge3A_712 : f32 to vector<1024x192xf32>
    %ge3A_714 = arith.cmpf oge, %mul3A_710, %ge3A_713 : vector<1024x192xf32>
    %mul3A_715 = vector.broadcast %jit3A_711 : f32 to vector<1024x192xf32>
    %mul3A_716 = arith.mulf %mul3A_715, %mul3A_710 : vector<1024x192xf32>
    %select_n3A_717 = arith.select %ge3A_714, %mul3A_710, %mul3A_716 : vector<1024x192xi1>, vector<1024x192xf32>
    %dot_general3A_718 = arith.constant dense<0.000000e+00> : vector<1024x96xf32>
    %dot_general3A_719 = tpu.matmul %select_n3A_717, %get3A_31, %dot_general3A_718 {dimension_numbers = #tpu.dot_dimension_numbers<[1], [0], [0], [1], [0, 0, 1, 1], [], []>, transpose_lhs_hint = false} : vector<1024x192xf32>, vector<192x96xf32>, vector<1024x96xf32> -> vector<1024x96xf32>
    %mul3A_720 = arith.constant 0.999994993 : f32
    %mul3A_721 = vector.broadcast %mul3A_720 : f32 to vector<1024x96xf32>
    %mul3A_722 = arith.mulf %mul3A_721, %dot_general3A_719 : vector<1024x96xf32>
    %jit3A_723 = arith.constant 0.00999999977 : f32
    %ge3A_724 = arith.constant 0.000000e+00 : f32
    %ge3A_725 = vector.broadcast %ge3A_724 : f32 to vector<1024x96xf32>
    %ge3A_726 = arith.cmpf oge, %mul3A_722, %ge3A_725 : vector<1024x96xf32>
    %mul3A_727 = vector.broadcast %jit3A_723 : f32 to vector<1024x96xf32>
    %mul3A_728 = arith.mulf %mul3A_727, %mul3A_722 : vector<1024x96xf32>
    %select_n3A_729 = arith.select %ge3A_726, %mul3A_722, %mul3A_728 : vector<1024x96xi1>, vector<1024x96xf32>
    %dot_general3A_730 = arith.constant dense<0.000000e+00> : vector<1024x96xf32>
    %dot_general3A_731 = tpu.matmul %select_n3A_729, %get3A_34, %dot_general3A_730 {dimension_numbers = #tpu.dot_dimension_numbers<[1], [0], [0], [1], [0, 0, 1, 1], [], []>, transpose_lhs_hint = false} : vector<1024x96xf32>, vector<96x96xf32>, vector<1024x96xf32> -> vector<1024x96xf32>
    %mul3A_732 = arith.constant 0.999994993 : f32
    %mul3A_733 = vector.broadcast %mul3A_732 : f32 to vector<1024x96xf32>
    %mul3A_734 = arith.mulf %mul3A_733, %dot_general3A_731 : vector<1024x96xf32>
    %jit3A_735 = arith.constant 0.00999999977 : f32
    %ge3A_736 = arith.constant 0.000000e+00 : f32
    %ge3A_737 = vector.broadcast %ge3A_736 : f32 to vector<1024x96xf32>
    %ge3A_738 = arith.cmpf oge, %mul3A_734, %ge3A_737 : vector<1024x96xf32>
    %mul3A_739 = vector.broadcast %jit3A_735 : f32 to vector<1024x96xf32>
    %mul3A_740 = arith.mulf %mul3A_739, %mul3A_734 : vector<1024x96xf32>
    %select_n3A_741 = arith.select %ge3A_738, %mul3A_734, %mul3A_740 : vector<1024x96xi1>, vector<1024x96xf32>
    %dot_general3A_742 = arith.constant dense<0.000000e+00> : vector<1024x1xf32>
    %dot_general3A_743 = tpu.matmul %select_n3A_741, %get3A_37, %dot_general3A_742 {dimension_numbers = #tpu.dot_dimension_numbers<[1], [0], [0], [1], [0, 0, 1, 1], [], []>, transpose_lhs_hint = false} : vector<1024x96xf32>, vector<96x1xf32>, vector<1024x1xf32> -> vector<1024x1xf32>
    %add3A_744 = vector.broadcast %get3A_40 : vector<1x1xf32> to vector<1024x1xf32>
    %add3A_745 = arith.addf %dot_general3A_743, %add3A_744 : vector<1024x1xf32>
    %reshape3A_746 = vector.shape_cast %add3A_745 : vector<1024x1xf32> to vector<32x32xf32>
    %slice3A_747 = vector.extract_strided_slice %add3A_684 {offsets = [32, 0], sizes = [32, 96], strides = [1, 1]} : vector<128x96xf32> to vector<32x96xf32>
    %broadcast_in_dim3A_748 = vector.shape_cast %slice3A_685 : vector<32x96xf32> to vector<32x1x96xf32>
    %broadcast_in_dim3A_749 = vector.shape_cast %slice3A_747 : vector<32x96xf32> to vector<1x32x96xf32>
    %sub3A_750 = vector.broadcast %broadcast_in_dim3A_748 : vector<32x1x96xf32> to vector<32x32x96xf32>
    %sub3A_751 = vector.broadcast %broadcast_in_dim3A_749 : vector<1x32x96xf32> to vector<32x32x96xf32>
    %sub3A_752 = arith.subf %sub3A_750, %sub3A_751 : vector<32x32x96xf32>
    %abs3A_753 = math.absf %sub3A_752 : vector<32x32x96xf32>
    %reshape3A_754 = vector.shape_cast %abs3A_753 : vector<32x32x96xf32> to vector<1024x96xf32>
    %dot_general3A_755 = arith.constant dense<0.000000e+00> : vector<1024x192xf32>
    %dot_general3A_756 = tpu.matmul %reshape3A_754, %get3A_25, %dot_general3A_755 {dimension_numbers = #tpu.dot_dimension_numbers<[1], [0], [0], [1], [0, 0, 1, 1], [], []>, transpose_lhs_hint = false} : vector<1024x96xf32>, vector<96x192xf32>, vector<1024x192xf32> -> vector<1024x192xf32>
    %mul3A_757 = arith.constant 0.999994993 : f32
    %mul3A_758 = vector.broadcast %mul3A_757 : f32 to vector<1024x192xf32>
    %mul3A_759 = arith.mulf %mul3A_758, %dot_general3A_756 : vector<1024x192xf32>
    %jit3A_760 = arith.constant 0.00999999977 : f32
    %ge3A_761 = arith.constant 0.000000e+00 : f32
    %ge3A_762 = vector.broadcast %ge3A_761 : f32 to vector<1024x192xf32>
    %ge3A_763 = arith.cmpf oge, %mul3A_759, %ge3A_762 : vector<1024x192xf32>
    %mul3A_764 = vector.broadcast %jit3A_760 : f32 to vector<1024x192xf32>
    %mul3A_765 = arith.mulf %mul3A_764, %mul3A_759 : vector<1024x192xf32>
    %select_n3A_766 = arith.select %ge3A_763, %mul3A_759, %mul3A_765 : vector<1024x192xi1>, vector<1024x192xf32>
    %dot_general3A_767 = arith.constant dense<0.000000e+00> : vector<1024x192xf32>
    %dot_general3A_768 = tpu.matmul %select_n3A_766, %get3A_28, %dot_general3A_767 {dimension_numbers = #tpu.dot_dimension_numbers<[1], [0], [0], [1], [0, 0, 1, 1], [], []>, transpose_lhs_hint = false} : vector<1024x192xf32>, vector<192x192xf32>, vector<1024x192xf32> -> vector<1024x192xf32>
    %mul3A_769 = arith.constant 0.999994993 : f32
    %mul3A_770 = vector.broadcast %mul3A_769 : f32 to vector<1024x192xf32>
    %mul3A_771 = arith.mulf %mul3A_770, %dot_general3A_768 : vector<1024x192xf32>
    %jit3A_772 = arith.constant 0.00999999977 : f32
    %ge3A_773 = arith.constant 0.000000e+00 : f32
    %ge3A_774 = vector.broadcast %ge3A_773 : f32 to vector<1024x192xf32>
    %ge3A_775 = arith.cmpf oge, %mul3A_771, %ge3A_774 : vector<1024x192xf32>
    %mul3A_776 = vector.broadcast %jit3A_772 : f32 to vector<1024x192xf32>
    %mul3A_777 = arith.mulf %mul3A_776, %mul3A_771 : vector<1024x192xf32>
    %select_n3A_778 = arith.select %ge3A_775, %mul3A_771, %mul3A_777 : vector<1024x192xi1>, vector<1024x192xf32>
    %dot_general3A_779 = arith.constant dense<0.000000e+00> : vector<1024x96xf32>
    %dot_general3A_780 = tpu.matmul %select_n3A_778, %get3A_31, %dot_general3A_779 {dimension_numbers = #tpu.dot_dimension_numbers<[1], [0], [0], [1], [0, 0, 1, 1], [], []>, transpose_lhs_hint = false} : vector<1024x192xf32>, vector<192x96xf32>, vector<1024x96xf32> -> vector<1024x96xf32>
    %mul3A_781 = arith.constant 0.999994993 : f32
    %mul3A_782 = vector.broadcast %mul3A_781 : f32 to vector<1024x96xf32>
    %mul3A_783 = arith.mulf %mul3A_782, %dot_general3A_780 : vector<1024x96xf32>
    %jit3A_784 = arith.constant 0.00999999977 : f32
    %ge3A_785 = arith.constant 0.000000e+00 : f32
    %ge3A_786 = vector.broadcast %ge3A_785 : f32 to vector<1024x96xf32>
    %ge3A_787 = arith.cmpf oge, %mul3A_783, %ge3A_786 : vector<1024x96xf32>
    %mul3A_788 = vector.broadcast %jit3A_784 : f32 to vector<1024x96xf32>
    %mul3A_789 = arith.mulf %mul3A_788, %mul3A_783 : vector<1024x96xf32>
    %select_n3A_790 = arith.select %ge3A_787, %mul3A_783, %mul3A_789 : vector<1024x96xi1>, vector<1024x96xf32>
    %dot_general3A_791 = arith.constant dense<0.000000e+00> : vector<1024x96xf32>
    %dot_general3A_792 = tpu.matmul %select_n3A_790, %get3A_34, %dot_general3A_791 {dimension_numbers = #tpu.dot_dimension_numbers<[1], [0], [0], [1], [0, 0, 1, 1], [], []>, transpose_lhs_hint = false} : vector<1024x96xf32>, vector<96x96xf32>, vector<1024x96xf32> -> vector<1024x96xf32>
    %mul3A_793 = arith.constant 0.999994993 : f32
    %mul3A_794 = vector.broadcast %mul3A_793 : f32 to vector<1024x96xf32>
    %mul3A_795 = arith.mulf %mul3A_794, %dot_general3A_792 : vector<1024x96xf32>
    %jit3A_796 = arith.constant 0.00999999977 : f32
    %ge3A_797 = arith.constant 0.000000e+00 : f32
    %ge3A_798 = vector.broadcast %ge3A_797 : f32 to vector<1024x96xf32>
    %ge3A_799 = arith.cmpf oge, %mul3A_795, %ge3A_798 : vector<1024x96xf32>
    %mul3A_800 = vector.broadcast %jit3A_796 : f32 to vector<1024x96xf32>
    %mul3A_801 = arith.mulf %mul3A_800, %mul3A_795 : vector<1024x96xf32>
    %select_n3A_802 = arith.select %ge3A_799, %mul3A_795, %mul3A_801 : vector<1024x96xi1>, vector<1024x96xf32>
    %dot_general3A_803 = arith.constant dense<0.000000e+00> : vector<1024x1xf32>
    %dot_general3A_804 = tpu.matmul %select_n3A_802, %get3A_37, %dot_general3A_803 {dimension_numbers = #tpu.dot_dimension_numbers<[1], [0], [0], [1], [0, 0, 1, 1], [], []>, transpose_lhs_hint = false} : vector<1024x96xf32>, vector<96x1xf32>, vector<1024x1xf32> -> vector<1024x1xf32>
    %add3A_805 = vector.broadcast %get3A_40 : vector<1x1xf32> to vector<1024x1xf32>
    %add3A_806 = arith.addf %dot_general3A_804, %add3A_805 : vector<1024x1xf32>
    %reshape3A_807 = vector.shape_cast %add3A_806 : vector<1024x1xf32> to vector<32x32xf32>
    %slice3A_808 = vector.extract_strided_slice %add3A_684 {offsets = [64, 0], sizes = [32, 96], strides = [1, 1]} : vector<128x96xf32> to vector<32x96xf32>
    %broadcast_in_dim3A_809 = vector.shape_cast %slice3A_685 : vector<32x96xf32> to vector<32x1x96xf32>
    %broadcast_in_dim3A_810 = vector.shape_cast %slice3A_808 : vector<32x96xf32> to vector<1x32x96xf32>
    %sub3A_811 = vector.broadcast %broadcast_in_dim3A_809 : vector<32x1x96xf32> to vector<32x32x96xf32>
    %sub3A_812 = vector.broadcast %broadcast_in_dim3A_810 : vector<1x32x96xf32> to vector<32x32x96xf32>
    %sub3A_813 = arith.subf %sub3A_811, %sub3A_812 : vector<32x32x96xf32>
    %abs3A_814 = math.absf %sub3A_813 : vector<32x32x96xf32>
    %reshape3A_815 = vector.shape_cast %abs3A_814 : vector<32x32x96xf32> to vector<1024x96xf32>
    %dot_general3A_816 = arith.constant dense<0.000000e+00> : vector<1024x192xf32>
    %dot_general3A_817 = tpu.matmul %reshape3A_815, %get3A_25, %dot_general3A_816 {dimension_numbers = #tpu.dot_dimension_numbers<[1], [0], [0], [1], [0, 0, 1, 1], [], []>, transpose_lhs_hint = false} : vector<1024x96xf32>, vector<96x192xf32>, vector<1024x192xf32> -> vector<1024x192xf32>
    %mul3A_818 = arith.constant 0.999994993 : f32
    %mul3A_819 = vector.broadcast %mul3A_818 : f32 to vector<1024x192xf32>
    %mul3A_820 = arith.mulf %mul3A_819, %dot_general3A_817 : vector<1024x192xf32>
    %jit3A_821 = arith.constant 0.00999999977 : f32
    %ge3A_822 = arith.constant 0.000000e+00 : f32
    %ge3A_823 = vector.broadcast %ge3A_822 : f32 to vector<1024x192xf32>
    %ge3A_824 = arith.cmpf oge, %mul3A_820, %ge3A_823 : vector<1024x192xf32>
    %mul3A_825 = vector.broadcast %jit3A_821 : f32 to vector<1024x192xf32>
    %mul3A_826 = arith.mulf %mul3A_825, %mul3A_820 : vector<1024x192xf32>
    %select_n3A_827 = arith.select %ge3A_824, %mul3A_820, %mul3A_826 : vector<1024x192xi1>, vector<1024x192xf32>
    %dot_general3A_828 = arith.constant dense<0.000000e+00> : vector<1024x192xf32>
    %dot_general3A_829 = tpu.matmul %select_n3A_827, %get3A_28, %dot_general3A_828 {dimension_numbers = #tpu.dot_dimension_numbers<[1], [0], [0], [1], [0, 0, 1, 1], [], []>, transpose_lhs_hint = false} : vector<1024x192xf32>, vector<192x192xf32>, vector<1024x192xf32> -> vector<1024x192xf32>
    %mul3A_830 = arith.constant 0.999994993 : f32
    %mul3A_831 = vector.broadcast %mul3A_830 : f32 to vector<1024x192xf32>
    %mul3A_832 = arith.mulf %mul3A_831, %dot_general3A_829 : vector<1024x192xf32>
    %jit3A_833 = arith.constant 0.00999999977 : f32
    %ge3A_834 = arith.constant 0.000000e+00 : f32
    %ge3A_835 = vector.broadcast %ge3A_834 : f32 to vector<1024x192xf32>
    %ge3A_836 = arith.cmpf oge, %mul3A_832, %ge3A_835 : vector<1024x192xf32>
    %mul3A_837 = vector.broadcast %jit3A_833 : f32 to vector<1024x192xf32>
    %mul3A_838 = arith.mulf %mul3A_837, %mul3A_832 : vector<1024x192xf32>
    %select_n3A_839 = arith.select %ge3A_836, %mul3A_832, %mul3A_838 : vector<1024x192xi1>, vector<1024x192xf32>
    %dot_general3A_840 = arith.constant dense<0.000000e+00> : vector<1024x96xf32>
    %dot_general3A_841 = tpu.matmul %select_n3A_839, %get3A_31, %dot_general3A_840 {dimension_numbers = #tpu.dot_dimension_numbers<[1], [0], [0], [1], [0, 0, 1, 1], [], []>, transpose_lhs_hint = false} : vector<1024x192xf32>, vector<192x96xf32>, vector<1024x96xf32> -> vector<1024x96xf32>
    %mul3A_842 = arith.constant 0.999994993 : f32
    %mul3A_843 = vector.broadcast %mul3A_842 : f32 to vector<1024x96xf32>
    %mul3A_844 = arith.mulf %mul3A_843, %dot_general3A_841 : vector<1024x96xf32>
    %jit3A_845 = arith.constant 0.00999999977 : f32
    %ge3A_846 = arith.constant 0.000000e+00 : f32
    %ge3A_847 = vector.broadcast %ge3A_846 : f32 to vector<1024x96xf32>
    %ge3A_848 = arith.cmpf oge, %mul3A_844, %ge3A_847 : vector<1024x96xf32>
    %mul3A_849 = vector.broadcast %jit3A_845 : f32 to vector<1024x96xf32>
    %mul3A_850 = arith.mulf %mul3A_849, %mul3A_844 : vector<1024x96xf32>
    %select_n3A_851 = arith.select %ge3A_848, %mul3A_844, %mul3A_850 : vector<1024x96xi1>, vector<1024x96xf32>
    %dot_general3A_852 = arith.constant dense<0.000000e+00> : vector<1024x96xf32>
    %dot_general3A_853 = tpu.matmul %select_n3A_851, %get3A_34, %dot_general3A_852 {dimension_numbers = #tpu.dot_dimension_numbers<[1], [0], [0], [1], [0, 0, 1, 1], [], []>, transpose_lhs_hint = false} : vector<1024x96xf32>, vector<96x96xf32>, vector<1024x96xf32> -> vector<1024x96xf32>
    %mul3A_854 = arith.constant 0.999994993 : f32
    %mul3A_855 = vector.broadcast %mul3A_854 : f32 to vector<1024x96xf32>
    %mul3A_856 = arith.mulf %mul3A_855, %dot_general3A_853 : vector<1024x96xf32>
    %jit3A_857 = arith.constant 0.00999999977 : f32
    %ge3A_858 = arith.constant 0.000000e+00 : f32
    %ge3A_859 = vector.broadcast %ge3A_858 : f32 to vector<1024x96xf32>
    %ge3A_860 = arith.cmpf oge, %mul3A_856, %ge3A_859 : vector<1024x96xf32>
    %mul3A_861 = vector.broadcast %jit3A_857 : f32 to vector<1024x96xf32>
    %mul3A_862 = arith.mulf %mul3A_861, %mul3A_856 : vector<1024x96xf32>
    %select_n3A_863 = arith.select %ge3A_860, %mul3A_856, %mul3A_862 : vector<1024x96xi1>, vector<1024x96xf32>
    %dot_general3A_864 = arith.constant dense<0.000000e+00> : vector<1024x1xf32>
    %dot_general3A_865 = tpu.matmul %select_n3A_863, %get3A_37, %dot_general3A_864 {dimension_numbers = #tpu.dot_dimension_numbers<[1], [0], [0], [1], [0, 0, 1, 1], [], []>, transpose_lhs_hint = false} : vector<1024x96xf32>, vector<96x1xf32>, vector<1024x1xf32> -> vector<1024x1xf32>
    %add3A_866 = vector.broadcast %get3A_40 : vector<1x1xf32> to vector<1024x1xf32>
    %add3A_867 = arith.addf %dot_general3A_865, %add3A_866 : vector<1024x1xf32>
    %reshape3A_868 = vector.shape_cast %add3A_867 : vector<1024x1xf32> to vector<32x32xf32>
    %slice3A_869 = vector.extract_strided_slice %add3A_684 {offsets = [96, 0], sizes = [32, 96], strides = [1, 1]} : vector<128x96xf32> to vector<32x96xf32>
    %broadcast_in_dim3A_870 = vector.shape_cast %slice3A_685 : vector<32x96xf32> to vector<32x1x96xf32>
    %broadcast_in_dim3A_871 = vector.shape_cast %slice3A_869 : vector<32x96xf32> to vector<1x32x96xf32>
    %sub3A_872 = vector.broadcast %broadcast_in_dim3A_870 : vector<32x1x96xf32> to vector<32x32x96xf32>
    %sub3A_873 = vector.broadcast %broadcast_in_dim3A_871 : vector<1x32x96xf32> to vector<32x32x96xf32>
    %sub3A_874 = arith.subf %sub3A_872, %sub3A_873 : vector<32x32x96xf32>
    %abs3A_875 = math.absf %sub3A_874 : vector<32x32x96xf32>
    %reshape3A_876 = vector.shape_cast %abs3A_875 : vector<32x32x96xf32> to vector<1024x96xf32>
    %dot_general3A_877 = arith.constant dense<0.000000e+00> : vector<1024x192xf32>
    %dot_general3A_878 = tpu.matmul %reshape3A_876, %get3A_25, %dot_general3A_877 {dimension_numbers = #tpu.dot_dimension_numbers<[1], [0], [0], [1], [0, 0, 1, 1], [], []>, transpose_lhs_hint = false} : vector<1024x96xf32>, vector<96x192xf32>, vector<1024x192xf32> -> vector<1024x192xf32>
    %mul3A_879 = arith.constant 0.999994993 : f32
    %mul3A_880 = vector.broadcast %mul3A_879 : f32 to vector<1024x192xf32>
    %mul3A_881 = arith.mulf %mul3A_880, %dot_general3A_878 : vector<1024x192xf32>
    %jit3A_882 = arith.constant 0.00999999977 : f32
    %ge3A_883 = arith.constant 0.000000e+00 : f32
    %ge3A_884 = vector.broadcast %ge3A_883 : f32 to vector<1024x192xf32>
    %ge3A_885 = arith.cmpf oge, %mul3A_881, %ge3A_884 : vector<1024x192xf32>
    %mul3A_886 = vector.broadcast %jit3A_882 : f32 to vector<1024x192xf32>
    %mul3A_887 = arith.mulf %mul3A_886, %mul3A_881 : vector<1024x192xf32>
    %select_n3A_888 = arith.select %ge3A_885, %mul3A_881, %mul3A_887 : vector<1024x192xi1>, vector<1024x192xf32>
    %dot_general3A_889 = arith.constant dense<0.000000e+00> : vector<1024x192xf32>
    %dot_general3A_890 = tpu.matmul %select_n3A_888, %get3A_28, %dot_general3A_889 {dimension_numbers = #tpu.dot_dimension_numbers<[1], [0], [0], [1], [0, 0, 1, 1], [], []>, transpose_lhs_hint = false} : vector<1024x192xf32>, vector<192x192xf32>, vector<1024x192xf32> -> vector<1024x192xf32>
    %mul3A_891 = arith.constant 0.999994993 : f32
    %mul3A_892 = vector.broadcast %mul3A_891 : f32 to vector<1024x192xf32>
    %mul3A_893 = arith.mulf %mul3A_892, %dot_general3A_890 : vector<1024x192xf32>
    %jit3A_894 = arith.constant 0.00999999977 : f32
    %ge3A_895 = arith.constant 0.000000e+00 : f32
    %ge3A_896 = vector.broadcast %ge3A_895 : f32 to vector<1024x192xf32>
    %ge3A_897 = arith.cmpf oge, %mul3A_893, %ge3A_896 : vector<1024x192xf32>
    %mul3A_898 = vector.broadcast %jit3A_894 : f32 to vector<1024x192xf32>
    %mul3A_899 = arith.mulf %mul3A_898, %mul3A_893 : vector<1024x192xf32>
    %select_n3A_900 = arith.select %ge3A_897, %mul3A_893, %mul3A_899 : vector<1024x192xi1>, vector<1024x192xf32>
    %dot_general3A_901 = arith.constant dense<0.000000e+00> : vector<1024x96xf32>
    %dot_general3A_902 = tpu.matmul %select_n3A_900, %get3A_31, %dot_general3A_901 {dimension_numbers = #tpu.dot_dimension_numbers<[1], [0], [0], [1], [0, 0, 1, 1], [], []>, transpose_lhs_hint = false} : vector<1024x192xf32>, vector<192x96xf32>, vector<1024x96xf32> -> vector<1024x96xf32>
    %mul3A_903 = arith.constant 0.999994993 : f32
    %mul3A_904 = vector.broadcast %mul3A_903 : f32 to vector<1024x96xf32>
    %mul3A_905 = arith.mulf %mul3A_904, %dot_general3A_902 : vector<1024x96xf32>
    %jit3A_906 = arith.constant 0.00999999977 : f32
    %ge3A_907 = arith.constant 0.000000e+00 : f32
    %ge3A_908 = vector.broadcast %ge3A_907 : f32 to vector<1024x96xf32>
    %ge3A_909 = arith.cmpf oge, %mul3A_905, %ge3A_908 : vector<1024x96xf32>
    %mul3A_910 = vector.broadcast %jit3A_906 : f32 to vector<1024x96xf32>
    %mul3A_911 = arith.mulf %mul3A_910, %mul3A_905 : vector<1024x96xf32>
    %select_n3A_912 = arith.select %ge3A_909, %mul3A_905, %mul3A_911 : vector<1024x96xi1>, vector<1024x96xf32>
    %dot_general3A_913 = arith.constant dense<0.000000e+00> : vector<1024x96xf32>
    %dot_general3A_914 = tpu.matmul %select_n3A_912, %get3A_34, %dot_general3A_913 {dimension_numbers = #tpu.dot_dimension_numbers<[1], [0], [0], [1], [0, 0, 1, 1], [], []>, transpose_lhs_hint = false} : vector<1024x96xf32>, vector<96x96xf32>, vector<1024x96xf32> -> vector<1024x96xf32>
    %mul3A_915 = arith.constant 0.999994993 : f32
    %mul3A_916 = vector.broadcast %mul3A_915 : f32 to vector<1024x96xf32>
    %mul3A_917 = arith.mulf %mul3A_916, %dot_general3A_914 : vector<1024x96xf32>
    %jit3A_918 = arith.constant 0.00999999977 : f32
    %ge3A_919 = arith.constant 0.000000e+00 : f32
    %ge3A_920 = vector.broadcast %ge3A_919 : f32 to vector<1024x96xf32>
    %ge3A_921 = arith.cmpf oge, %mul3A_917, %ge3A_920 : vector<1024x96xf32>
    %mul3A_922 = vector.broadcast %jit3A_918 : f32 to vector<1024x96xf32>
    %mul3A_923 = arith.mulf %mul3A_922, %mul3A_917 : vector<1024x96xf32>
    %select_n3A_924 = arith.select %ge3A_921, %mul3A_917, %mul3A_923 : vector<1024x96xi1>, vector<1024x96xf32>
    %dot_general3A_925 = arith.constant dense<0.000000e+00> : vector<1024x1xf32>
    %dot_general3A_926 = tpu.matmul %select_n3A_924, %get3A_37, %dot_general3A_925 {dimension_numbers = #tpu.dot_dimension_numbers<[1], [0], [0], [1], [0, 0, 1, 1], [], []>, transpose_lhs_hint = false} : vector<1024x96xf32>, vector<96x1xf32>, vector<1024x1xf32> -> vector<1024x1xf32>
    %add3A_927 = vector.broadcast %get3A_40 : vector<1x1xf32> to vector<1024x1xf32>
    %add3A_928 = arith.addf %dot_general3A_926, %add3A_927 : vector<1024x1xf32>
    %reshape3A_929 = vector.shape_cast %add3A_928 : vector<1024x1xf32> to vector<32x32xf32>
    %slice3A_930 = vector.extract_strided_slice %add3A_684 {offsets = [32, 0], sizes = [32, 96], strides = [1, 1]} : vector<128x96xf32> to vector<32x96xf32>
    %slice3A_931 = vector.extract_strided_slice %add3A_684 {offsets = [32, 0], sizes = [32, 96], strides = [1, 1]} : vector<128x96xf32> to vector<32x96xf32>
    %broadcast_in_dim3A_932 = vector.shape_cast %slice3A_930 : vector<32x96xf32> to vector<32x1x96xf32>
    %broadcast_in_dim3A_933 = vector.shape_cast %slice3A_931 : vector<32x96xf32> to vector<1x32x96xf32>
    %sub3A_934 = vector.broadcast %broadcast_in_dim3A_932 : vector<32x1x96xf32> to vector<32x32x96xf32>
    %sub3A_935 = vector.broadcast %broadcast_in_dim3A_933 : vector<1x32x96xf32> to vector<32x32x96xf32>
    %sub3A_936 = arith.subf %sub3A_934, %sub3A_935 : vector<32x32x96xf32>
    %abs3A_937 = math.absf %sub3A_936 : vector<32x32x96xf32>
    %reshape3A_938 = vector.shape_cast %abs3A_937 : vector<32x32x96xf32> to vector<1024x96xf32>
    %dot_general3A_939 = arith.constant dense<0.000000e+00> : vector<1024x192xf32>
    %dot_general3A_940 = tpu.matmul %reshape3A_938, %get3A_25, %dot_general3A_939 {dimension_numbers = #tpu.dot_dimension_numbers<[1], [0], [0], [1], [0, 0, 1, 1], [], []>, transpose_lhs_hint = false} : vector<1024x96xf32>, vector<96x192xf32>, vector<1024x192xf32> -> vector<1024x192xf32>
    %mul3A_941 = arith.constant 0.999994993 : f32
    %mul3A_942 = vector.broadcast %mul3A_941 : f32 to vector<1024x192xf32>
    %mul3A_943 = arith.mulf %mul3A_942, %dot_general3A_940 : vector<1024x192xf32>
    %jit3A_944 = arith.constant 0.00999999977 : f32
    %ge3A_945 = arith.constant 0.000000e+00 : f32
    %ge3A_946 = vector.broadcast %ge3A_945 : f32 to vector<1024x192xf32>
    %ge3A_947 = arith.cmpf oge, %mul3A_943, %ge3A_946 : vector<1024x192xf32>
    %mul3A_948 = vector.broadcast %jit3A_944 : f32 to vector<1024x192xf32>
    %mul3A_949 = arith.mulf %mul3A_948, %mul3A_943 : vector<1024x192xf32>
    %select_n3A_950 = arith.select %ge3A_947, %mul3A_943, %mul3A_949 : vector<1024x192xi1>, vector<1024x192xf32>
    %dot_general3A_951 = arith.constant dense<0.000000e+00> : vector<1024x192xf32>
    %dot_general3A_952 = tpu.matmul %select_n3A_950, %get3A_28, %dot_general3A_951 {dimension_numbers = #tpu.dot_dimension_numbers<[1], [0], [0], [1], [0, 0, 1, 1], [], []>, transpose_lhs_hint = false} : vector<1024x192xf32>, vector<192x192xf32>, vector<1024x192xf32> -> vector<1024x192xf32>
    %mul3A_953 = arith.constant 0.999994993 : f32
    %mul3A_954 = vector.broadcast %mul3A_953 : f32 to vector<1024x192xf32>
    %mul3A_955 = arith.mulf %mul3A_954, %dot_general3A_952 : vector<1024x192xf32>
    %jit3A_956 = arith.constant 0.00999999977 : f32
    %ge3A_957 = arith.constant 0.000000e+00 : f32
    %ge3A_958 = vector.broadcast %ge3A_957 : f32 to vector<1024x192xf32>
    %ge3A_959 = arith.cmpf oge, %mul3A_955, %ge3A_958 : vector<1024x192xf32>
    %mul3A_960 = vector.broadcast %jit3A_956 : f32 to vector<1024x192xf32>
    %mul3A_961 = arith.mulf %mul3A_960, %mul3A_955 : vector<1024x192xf32>
    %select_n3A_962 = arith.select %ge3A_959, %mul3A_955, %mul3A_961 : vector<1024x192xi1>, vector<1024x192xf32>
    %dot_general3A_963 = arith.constant dense<0.000000e+00> : vector<1024x96xf32>
    %dot_general3A_964 = tpu.matmul %select_n3A_962, %get3A_31, %dot_general3A_963 {dimension_numbers = #tpu.dot_dimension_numbers<[1], [0], [0], [1], [0, 0, 1, 1], [], []>, transpose_lhs_hint = false} : vector<1024x192xf32>, vector<192x96xf32>, vector<1024x96xf32> -> vector<1024x96xf32>
    %mul3A_965 = arith.constant 0.999994993 : f32
    %mul3A_966 = vector.broadcast %mul3A_965 : f32 to vector<1024x96xf32>
    %mul3A_967 = arith.mulf %mul3A_966, %dot_general3A_964 : vector<1024x96xf32>
    %jit3A_968 = arith.constant 0.00999999977 : f32
    %ge3A_969 = arith.constant 0.000000e+00 : f32
    %ge3A_970 = vector.broadcast %ge3A_969 : f32 to vector<1024x96xf32>
    %ge3A_971 = arith.cmpf oge, %mul3A_967, %ge3A_970 : vector<1024x96xf32>
    %mul3A_972 = vector.broadcast %jit3A_968 : f32 to vector<1024x96xf32>
    %mul3A_973 = arith.mulf %mul3A_972, %mul3A_967 : vector<1024x96xf32>
    %select_n3A_974 = arith.select %ge3A_971, %mul3A_967, %mul3A_973 : vector<1024x96xi1>, vector<1024x96xf32>
    %dot_general3A_975 = arith.constant dense<0.000000e+00> : vector<1024x96xf32>
    %dot_general3A_976 = tpu.matmul %select_n3A_974, %get3A_34, %dot_general3A_975 {dimension_numbers = #tpu.dot_dimension_numbers<[1], [0], [0], [1], [0, 0, 1, 1], [], []>, transpose_lhs_hint = false} : vector<1024x96xf32>, vector<96x96xf32>, vector<1024x96xf32> -> vector<1024x96xf32>
    %mul3A_977 = arith.constant 0.999994993 : f32
    %mul3A_978 = vector.broadcast %mul3A_977 : f32 to vector<1024x96xf32>
    %mul3A_979 = arith.mulf %mul3A_978, %dot_general3A_976 : vector<1024x96xf32>
    %jit3A_980 = arith.constant 0.00999999977 : f32
    %ge3A_981 = arith.constant 0.000000e+00 : f32
    %ge3A_982 = vector.broadcast %ge3A_981 : f32 to vector<1024x96xf32>
    %ge3A_983 = arith.cmpf oge, %mul3A_979, %ge3A_982 : vector<1024x96xf32>
    %mul3A_984 = vector.broadcast %jit3A_980 : f32 to vector<1024x96xf32>
    %mul3A_985 = arith.mulf %mul3A_984, %mul3A_979 : vector<1024x96xf32>
    %select_n3A_986 = arith.select %ge3A_983, %mul3A_979, %mul3A_985 : vector<1024x96xi1>, vector<1024x96xf32>
    %dot_general3A_987 = arith.constant dense<0.000000e+00> : vector<1024x1xf32>
    %dot_general3A_988 = tpu.matmul %select_n3A_986, %get3A_37, %dot_general3A_987 {dimension_numbers = #tpu.dot_dimension_numbers<[1], [0], [0], [1], [0, 0, 1, 1], [], []>, transpose_lhs_hint = false} : vector<1024x96xf32>, vector<96x1xf32>, vector<1024x1xf32> -> vector<1024x1xf32>
    %add3A_989 = vector.broadcast %get3A_40 : vector<1x1xf32> to vector<1024x1xf32>
    %add3A_990 = arith.addf %dot_general3A_988, %add3A_989 : vector<1024x1xf32>
    %reshape3A_991 = vector.shape_cast %add3A_990 : vector<1024x1xf32> to vector<32x32xf32>
    %slice3A_992 = vector.extract_strided_slice %add3A_684 {offsets = [64, 0], sizes = [32, 96], strides = [1, 1]} : vector<128x96xf32> to vector<32x96xf32>
    %broadcast_in_dim3A_993 = vector.shape_cast %slice3A_930 : vector<32x96xf32> to vector<32x1x96xf32>
    %broadcast_in_dim3A_994 = vector.shape_cast %slice3A_992 : vector<32x96xf32> to vector<1x32x96xf32>
    %sub3A_995 = vector.broadcast %broadcast_in_dim3A_993 : vector<32x1x96xf32> to vector<32x32x96xf32>
    %sub3A_996 = vector.broadcast %broadcast_in_dim3A_994 : vector<1x32x96xf32> to vector<32x32x96xf32>
    %sub3A_997 = arith.subf %sub3A_995, %sub3A_996 : vector<32x32x96xf32>
    %abs3A_998 = math.absf %sub3A_997 : vector<32x32x96xf32>
    %reshape3A_999 = vector.shape_cast %abs3A_998 : vector<32x32x96xf32> to vector<1024x96xf32>
    %dot_general3A_1000 = arith.constant dense<0.000000e+00> : vector<1024x192xf32>
    %dot_general3A_1001 = tpu.matmul %reshape3A_999, %get3A_25, %dot_general3A_1000 {dimension_numbers = #tpu.dot_dimension_numbers<[1], [0], [0], [1], [0, 0, 1, 1], [], []>, transpose_lhs_hint = false} : vector<1024x96xf32>, vector<96x192xf32>, vector<1024x192xf32> -> vector<1024x192xf32>
    %mul3A_1002 = arith.constant 0.999994993 : f32
    %mul3A_1003 = vector.broadcast %mul3A_1002 : f32 to vector<1024x192xf32>
    %mul3A_1004 = arith.mulf %mul3A_1003, %dot_general3A_1001 : vector<1024x192xf32>
    %jit3A_1005 = arith.constant 0.00999999977 : f32
    %ge3A_1006 = arith.constant 0.000000e+00 : f32
    %ge3A_1007 = vector.broadcast %ge3A_1006 : f32 to vector<1024x192xf32>
    %ge3A_1008 = arith.cmpf oge, %mul3A_1004, %ge3A_1007 : vector<1024x192xf32>
    %mul3A_1009 = vector.broadcast %jit3A_1005 : f32 to vector<1024x192xf32>
    %mul3A_1010 = arith.mulf %mul3A_1009, %mul3A_1004 : vector<1024x192xf32>
    %select_n3A_1011 = arith.select %ge3A_1008, %mul3A_1004, %mul3A_1010 : vector<1024x192xi1>, vector<1024x192xf32>
    %dot_general3A_1012 = arith.constant dense<0.000000e+00> : vector<1024x192xf32>
    %dot_general3A_1013 = tpu.matmul %select_n3A_1011, %get3A_28, %dot_general3A_1012 {dimension_numbers = #tpu.dot_dimension_numbers<[1], [0], [0], [1], [0, 0, 1, 1], [], []>, transpose_lhs_hint = false} : vector<1024x192xf32>, vector<192x192xf32>, vector<1024x192xf32> -> vector<1024x192xf32>
    %mul3A_1014 = arith.constant 0.999994993 : f32
    %mul3A_1015 = vector.broadcast %mul3A_1014 : f32 to vector<1024x192xf32>
    %mul3A_1016 = arith.mulf %mul3A_1015, %dot_general3A_1013 : vector<1024x192xf32>
    %jit3A_1017 = arith.constant 0.00999999977 : f32
    %ge3A_1018 = arith.constant 0.000000e+00 : f32
    %ge3A_1019 = vector.broadcast %ge3A_1018 : f32 to vector<1024x192xf32>
    %ge3A_1020 = arith.cmpf oge, %mul3A_1016, %ge3A_1019 : vector<1024x192xf32>
    %mul3A_1021 = vector.broadcast %jit3A_1017 : f32 to vector<1024x192xf32>
    %mul3A_1022 = arith.mulf %mul3A_1021, %mul3A_1016 : vector<1024x192xf32>
    %select_n3A_1023 = arith.select %ge3A_1020, %mul3A_1016, %mul3A_1022 : vector<1024x192xi1>, vector<1024x192xf32>
    %dot_general3A_1024 = arith.constant dense<0.000000e+00> : vector<1024x96xf32>
    %dot_general3A_1025 = tpu.matmul %select_n3A_1023, %get3A_31, %dot_general3A_1024 {dimension_numbers = #tpu.dot_dimension_numbers<[1], [0], [0], [1], [0, 0, 1, 1], [], []>, transpose_lhs_hint = false} : vector<1024x192xf32>, vector<192x96xf32>, vector<1024x96xf32> -> vector<1024x96xf32>
    %mul3A_1026 = arith.constant 0.999994993 : f32
    %mul3A_1027 = vector.broadcast %mul3A_1026 : f32 to vector<1024x96xf32>
    %mul3A_1028 = arith.mulf %mul3A_1027, %dot_general3A_1025 : vector<1024x96xf32>
    %jit3A_1029 = arith.constant 0.00999999977 : f32
    %ge3A_1030 = arith.constant 0.000000e+00 : f32
    %ge3A_1031 = vector.broadcast %ge3A_1030 : f32 to vector<1024x96xf32>
    %ge3A_1032 = arith.cmpf oge, %mul3A_1028, %ge3A_1031 : vector<1024x96xf32>
    %mul3A_1033 = vector.broadcast %jit3A_1029 : f32 to vector<1024x96xf32>
    %mul3A_1034 = arith.mulf %mul3A_1033, %mul3A_1028 : vector<1024x96xf32>
    %select_n3A_1035 = arith.select %ge3A_1032, %mul3A_1028, %mul3A_1034 : vector<1024x96xi1>, vector<1024x96xf32>
    %dot_general3A_1036 = arith.constant dense<0.000000e+00> : vector<1024x96xf32>
    %dot_general3A_1037 = tpu.matmul %select_n3A_1035, %get3A_34, %dot_general3A_1036 {dimension_numbers = #tpu.dot_dimension_numbers<[1], [0], [0], [1], [0, 0, 1, 1], [], []>, transpose_lhs_hint = false} : vector<1024x96xf32>, vector<96x96xf32>, vector<1024x96xf32> -> vector<1024x96xf32>
    %mul3A_1038 = arith.constant 0.999994993 : f32
    %mul3A_1039 = vector.broadcast %mul3A_1038 : f32 to vector<1024x96xf32>
    %mul3A_1040 = arith.mulf %mul3A_1039, %dot_general3A_1037 : vector<1024x96xf32>
    %jit3A_1041 = arith.constant 0.00999999977 : f32
    %ge3A_1042 = arith.constant 0.000000e+00 : f32
    %ge3A_1043 = vector.broadcast %ge3A_1042 : f32 to vector<1024x96xf32>
    %ge3A_1044 = arith.cmpf oge, %mul3A_1040, %ge3A_1043 : vector<1024x96xf32>
    %mul3A_1045 = vector.broadcast %jit3A_1041 : f32 to vector<1024x96xf32>
    %mul3A_1046 = arith.mulf %mul3A_1045, %mul3A_1040 : vector<1024x96xf32>
    %select_n3A_1047 = arith.select %ge3A_1044, %mul3A_1040, %mul3A_1046 : vector<1024x96xi1>, vector<1024x96xf32>
    %dot_general3A_1048 = arith.constant dense<0.000000e+00> : vector<1024x1xf32>
    %dot_general3A_1049 = tpu.matmul %select_n3A_1047, %get3A_37, %dot_general3A_1048 {dimension_numbers = #tpu.dot_dimension_numbers<[1], [0], [0], [1], [0, 0, 1, 1], [], []>, transpose_lhs_hint = false} : vector<1024x96xf32>, vector<96x1xf32>, vector<1024x1xf32> -> vector<1024x1xf32>
    %add3A_1050 = vector.broadcast %get3A_40 : vector<1x1xf32> to vector<1024x1xf32>
    %add3A_1051 = arith.addf %dot_general3A_1049, %add3A_1050 : vector<1024x1xf32>
    %reshape3A_1052 = vector.shape_cast %add3A_1051 : vector<1024x1xf32> to vector<32x32xf32>
    %slice3A_1053 = vector.extract_strided_slice %add3A_684 {offsets = [96, 0], sizes = [32, 96], strides = [1, 1]} : vector<128x96xf32> to vector<32x96xf32>
    %broadcast_in_dim3A_1054 = vector.shape_cast %slice3A_930 : vector<32x96xf32> to vector<32x1x96xf32>
    %broadcast_in_dim3A_1055 = vector.shape_cast %slice3A_1053 : vector<32x96xf32> to vector<1x32x96xf32>
    %sub3A_1056 = vector.broadcast %broadcast_in_dim3A_1054 : vector<32x1x96xf32> to vector<32x32x96xf32>
    %sub3A_1057 = vector.broadcast %broadcast_in_dim3A_1055 : vector<1x32x96xf32> to vector<32x32x96xf32>
    %sub3A_1058 = arith.subf %sub3A_1056, %sub3A_1057 : vector<32x32x96xf32>
    %abs3A_1059 = math.absf %sub3A_1058 : vector<32x32x96xf32>
    %reshape3A_1060 = vector.shape_cast %abs3A_1059 : vector<32x32x96xf32> to vector<1024x96xf32>
    %dot_general3A_1061 = arith.constant dense<0.000000e+00> : vector<1024x192xf32>
    %dot_general3A_1062 = tpu.matmul %reshape3A_1060, %get3A_25, %dot_general3A_1061 {dimension_numbers = #tpu.dot_dimension_numbers<[1], [0], [0], [1], [0, 0, 1, 1], [], []>, transpose_lhs_hint = false} : vector<1024x96xf32>, vector<96x192xf32>, vector<1024x192xf32> -> vector<1024x192xf32>
    %mul3A_1063 = arith.constant 0.999994993 : f32
    %mul3A_1064 = vector.broadcast %mul3A_1063 : f32 to vector<1024x192xf32>
    %mul3A_1065 = arith.mulf %mul3A_1064, %dot_general3A_1062 : vector<1024x192xf32>
    %jit3A_1066 = arith.constant 0.00999999977 : f32
    %ge3A_1067 = arith.constant 0.000000e+00 : f32
    %ge3A_1068 = vector.broadcast %ge3A_1067 : f32 to vector<1024x192xf32>
    %ge3A_1069 = arith.cmpf oge, %mul3A_1065, %ge3A_1068 : vector<1024x192xf32>
    %mul3A_1070 = vector.broadcast %jit3A_1066 : f32 to vector<1024x192xf32>
    %mul3A_1071 = arith.mulf %mul3A_1070, %mul3A_1065 : vector<1024x192xf32>
    %select_n3A_1072 = arith.select %ge3A_1069, %mul3A_1065, %mul3A_1071 : vector<1024x192xi1>, vector<1024x192xf32>
    %dot_general3A_1073 = arith.constant dense<0.000000e+00> : vector<1024x192xf32>
    %dot_general3A_1074 = tpu.matmul %select_n3A_1072, %get3A_28, %dot_general3A_1073 {dimension_numbers = #tpu.dot_dimension_numbers<[1], [0], [0], [1], [0, 0, 1, 1], [], []>, transpose_lhs_hint = false} : vector<1024x192xf32>, vector<192x192xf32>, vector<1024x192xf32> -> vector<1024x192xf32>
    %mul3A_1075 = arith.constant 0.999994993 : f32
    %mul3A_1076 = vector.broadcast %mul3A_1075 : f32 to vector<1024x192xf32>
    %mul3A_1077 = arith.mulf %mul3A_1076, %dot_general3A_1074 : vector<1024x192xf32>
    %jit3A_1078 = arith.constant 0.00999999977 : f32
    %ge3A_1079 = arith.constant 0.000000e+00 : f32
    %ge3A_1080 = vector.broadcast %ge3A_1079 : f32 to vector<1024x192xf32>
    %ge3A_1081 = arith.cmpf oge, %mul3A_1077, %ge3A_1080 : vector<1024x192xf32>
    %mul3A_1082 = vector.broadcast %jit3A_1078 : f32 to vector<1024x192xf32>
    %mul3A_1083 = arith.mulf %mul3A_1082, %mul3A_1077 : vector<1024x192xf32>
    %select_n3A_1084 = arith.select %ge3A_1081, %mul3A_1077, %mul3A_1083 : vector<1024x192xi1>, vector<1024x192xf32>
    %dot_general3A_1085 = arith.constant dense<0.000000e+00> : vector<1024x96xf32>
    %dot_general3A_1086 = tpu.matmul %select_n3A_1084, %get3A_31, %dot_general3A_1085 {dimension_numbers = #tpu.dot_dimension_numbers<[1], [0], [0], [1], [0, 0, 1, 1], [], []>, transpose_lhs_hint = false} : vector<1024x192xf32>, vector<192x96xf32>, vector<1024x96xf32> -> vector<1024x96xf32>
    %mul3A_1087 = arith.constant 0.999994993 : f32
    %mul3A_1088 = vector.broadcast %mul3A_1087 : f32 to vector<1024x96xf32>
    %mul3A_1089 = arith.mulf %mul3A_1088, %dot_general3A_1086 : vector<1024x96xf32>
    %jit3A_1090 = arith.constant 0.00999999977 : f32
    %ge3A_1091 = arith.constant 0.000000e+00 : f32
    %ge3A_1092 = vector.broadcast %ge3A_1091 : f32 to vector<1024x96xf32>
    %ge3A_1093 = arith.cmpf oge, %mul3A_1089, %ge3A_1092 : vector<1024x96xf32>
    %mul3A_1094 = vector.broadcast %jit3A_1090 : f32 to vector<1024x96xf32>
    %mul3A_1095 = arith.mulf %mul3A_1094, %mul3A_1089 : vector<1024x96xf32>
    %select_n3A_1096 = arith.select %ge3A_1093, %mul3A_1089, %mul3A_1095 : vector<1024x96xi1>, vector<1024x96xf32>
    %dot_general3A_1097 = arith.constant dense<0.000000e+00> : vector<1024x96xf32>
    %dot_general3A_1098 = tpu.matmul %select_n3A_1096, %get3A_34, %dot_general3A_1097 {dimension_numbers = #tpu.dot_dimension_numbers<[1], [0], [0], [1], [0, 0, 1, 1], [], []>, transpose_lhs_hint = false} : vector<1024x96xf32>, vector<96x96xf32>, vector<1024x96xf32> -> vector<1024x96xf32>
    %mul3A_1099 = arith.constant 0.999994993 : f32
    %mul3A_1100 = vector.broadcast %mul3A_1099 : f32 to vector<1024x96xf32>
    %mul3A_1101 = arith.mulf %mul3A_1100, %dot_general3A_1098 : vector<1024x96xf32>
    %jit3A_1102 = arith.constant 0.00999999977 : f32
    %ge3A_1103 = arith.constant 0.000000e+00 : f32
    %ge3A_1104 = vector.broadcast %ge3A_1103 : f32 to vector<1024x96xf32>
    %ge3A_1105 = arith.cmpf oge, %mul3A_1101, %ge3A_1104 : vector<1024x96xf32>
    %mul3A_1106 = vector.broadcast %jit3A_1102 : f32 to vector<1024x96xf32>
    %mul3A_1107 = arith.mulf %mul3A_1106, %mul3A_1101 : vector<1024x96xf32>
    %select_n3A_1108 = arith.select %ge3A_1105, %mul3A_1101, %mul3A_1107 : vector<1024x96xi1>, vector<1024x96xf32>
    %dot_general3A_1109 = arith.constant dense<0.000000e+00> : vector<1024x1xf32>
    %dot_general3A_1110 = tpu.matmul %select_n3A_1108, %get3A_37, %dot_general3A_1109 {dimension_numbers = #tpu.dot_dimension_numbers<[1], [0], [0], [1], [0, 0, 1, 1], [], []>, transpose_lhs_hint = false} : vector<1024x96xf32>, vector<96x1xf32>, vector<1024x1xf32> -> vector<1024x1xf32>
    %add3A_1111 = vector.broadcast %get3A_40 : vector<1x1xf32> to vector<1024x1xf32>
    %add3A_1112 = arith.addf %dot_general3A_1110, %add3A_1111 : vector<1024x1xf32>
    %reshape3A_1113 = vector.shape_cast %add3A_1112 : vector<1024x1xf32> to vector<32x32xf32>
    %slice3A_1114 = vector.extract_strided_slice %add3A_684 {offsets = [64, 0], sizes = [32, 96], strides = [1, 1]} : vector<128x96xf32> to vector<32x96xf32>
    %slice3A_1115 = vector.extract_strided_slice %add3A_684 {offsets = [64, 0], sizes = [32, 96], strides = [1, 1]} : vector<128x96xf32> to vector<32x96xf32>
    %broadcast_in_dim3A_1116 = vector.shape_cast %slice3A_1114 : vector<32x96xf32> to vector<32x1x96xf32>
    %broadcast_in_dim3A_1117 = vector.shape_cast %slice3A_1115 : vector<32x96xf32> to vector<1x32x96xf32>
    %sub3A_1118 = vector.broadcast %broadcast_in_dim3A_1116 : vector<32x1x96xf32> to vector<32x32x96xf32>
    %sub3A_1119 = vector.broadcast %broadcast_in_dim3A_1117 : vector<1x32x96xf32> to vector<32x32x96xf32>
    %sub3A_1120 = arith.subf %sub3A_1118, %sub3A_1119 : vector<32x32x96xf32>
    %abs3A_1121 = math.absf %sub3A_1120 : vector<32x32x96xf32>
    %reshape3A_1122 = vector.shape_cast %abs3A_1121 : vector<32x32x96xf32> to vector<1024x96xf32>
    %dot_general3A_1123 = arith.constant dense<0.000000e+00> : vector<1024x192xf32>
    %dot_general3A_1124 = tpu.matmul %reshape3A_1122, %get3A_25, %dot_general3A_1123 {dimension_numbers = #tpu.dot_dimension_numbers<[1], [0], [0], [1], [0, 0, 1, 1], [], []>, transpose_lhs_hint = false} : vector<1024x96xf32>, vector<96x192xf32>, vector<1024x192xf32> -> vector<1024x192xf32>
    %mul3A_1125 = arith.constant 0.999994993 : f32
    %mul3A_1126 = vector.broadcast %mul3A_1125 : f32 to vector<1024x192xf32>
    %mul3A_1127 = arith.mulf %mul3A_1126, %dot_general3A_1124 : vector<1024x192xf32>
    %jit3A_1128 = arith.constant 0.00999999977 : f32
    %ge3A_1129 = arith.constant 0.000000e+00 : f32
    %ge3A_1130 = vector.broadcast %ge3A_1129 : f32 to vector<1024x192xf32>
    %ge3A_1131 = arith.cmpf oge, %mul3A_1127, %ge3A_1130 : vector<1024x192xf32>
    %mul3A_1132 = vector.broadcast %jit3A_1128 : f32 to vector<1024x192xf32>
    %mul3A_1133 = arith.mulf %mul3A_1132, %mul3A_1127 : vector<1024x192xf32>
    %select_n3A_1134 = arith.select %ge3A_1131, %mul3A_1127, %mul3A_1133 : vector<1024x192xi1>, vector<1024x192xf32>
    %dot_general3A_1135 = arith.constant dense<0.000000e+00> : vector<1024x192xf32>
    %dot_general3A_1136 = tpu.matmul %select_n3A_1134, %get3A_28, %dot_general3A_1135 {dimension_numbers = #tpu.dot_dimension_numbers<[1], [0], [0], [1], [0, 0, 1, 1], [], []>, transpose_lhs_hint = false} : vector<1024x192xf32>, vector<192x192xf32>, vector<1024x192xf32> -> vector<1024x192xf32>
    %mul3A_1137 = arith.constant 0.999994993 : f32
    %mul3A_1138 = vector.broadcast %mul3A_1137 : f32 to vector<1024x192xf32>
    %mul3A_1139 = arith.mulf %mul3A_1138, %dot_general3A_1136 : vector<1024x192xf32>
    %jit3A_1140 = arith.constant 0.00999999977 : f32
    %ge3A_1141 = arith.constant 0.000000e+00 : f32
    %ge3A_1142 = vector.broadcast %ge3A_1141 : f32 to vector<1024x192xf32>
    %ge3A_1143 = arith.cmpf oge, %mul3A_1139, %ge3A_1142 : vector<1024x192xf32>
    %mul3A_1144 = vector.broadcast %jit3A_1140 : f32 to vector<1024x192xf32>
    %mul3A_1145 = arith.mulf %mul3A_1144, %mul3A_1139 : vector<1024x192xf32>
    %select_n3A_1146 = arith.select %ge3A_1143, %mul3A_1139, %mul3A_1145 : vector<1024x192xi1>, vector<1024x192xf32>
    %dot_general3A_1147 = arith.constant dense<0.000000e+00> : vector<1024x96xf32>
    %dot_general3A_1148 = tpu.matmul %select_n3A_1146, %get3A_31, %dot_general3A_1147 {dimension_numbers = #tpu.dot_dimension_numbers<[1], [0], [0], [1], [0, 0, 1, 1], [], []>, transpose_lhs_hint = false} : vector<1024x192xf32>, vector<192x96xf32>, vector<1024x96xf32> -> vector<1024x96xf32>
    %mul3A_1149 = arith.constant 0.999994993 : f32
    %mul3A_1150 = vector.broadcast %mul3A_1149 : f32 to vector<1024x96xf32>
    %mul3A_1151 = arith.mulf %mul3A_1150, %dot_general3A_1148 : vector<1024x96xf32>
    %jit3A_1152 = arith.constant 0.00999999977 : f32
    %ge3A_1153 = arith.constant 0.000000e+00 : f32
    %ge3A_1154 = vector.broadcast %ge3A_1153 : f32 to vector<1024x96xf32>
    %ge3A_1155 = arith.cmpf oge, %mul3A_1151, %ge3A_1154 : vector<1024x96xf32>
    %mul3A_1156 = vector.broadcast %jit3A_1152 : f32 to vector<1024x96xf32>
    %mul3A_1157 = arith.mulf %mul3A_1156, %mul3A_1151 : vector<1024x96xf32>
    %select_n3A_1158 = arith.select %ge3A_1155, %mul3A_1151, %mul3A_1157 : vector<1024x96xi1>, vector<1024x96xf32>
    %dot_general3A_1159 = arith.constant dense<0.000000e+00> : vector<1024x96xf32>
    %dot_general3A_1160 = tpu.matmul %select_n3A_1158, %get3A_34, %dot_general3A_1159 {dimension_numbers = #tpu.dot_dimension_numbers<[1], [0], [0], [1], [0, 0, 1, 1], [], []>, transpose_lhs_hint = false} : vector<1024x96xf32>, vector<96x96xf32>, vector<1024x96xf32> -> vector<1024x96xf32>
    %mul3A_1161 = arith.constant 0.999994993 : f32
    %mul3A_1162 = vector.broadcast %mul3A_1161 : f32 to vector<1024x96xf32>
    %mul3A_1163 = arith.mulf %mul3A_1162, %dot_general3A_1160 : vector<1024x96xf32>
    %jit3A_1164 = arith.constant 0.00999999977 : f32
    %ge3A_1165 = arith.constant 0.000000e+00 : f32
    %ge3A_1166 = vector.broadcast %ge3A_1165 : f32 to vector<1024x96xf32>
    %ge3A_1167 = arith.cmpf oge, %mul3A_1163, %ge3A_1166 : vector<1024x96xf32>
    %mul3A_1168 = vector.broadcast %jit3A_1164 : f32 to vector<1024x96xf32>
    %mul3A_1169 = arith.mulf %mul3A_1168, %mul3A_1163 : vector<1024x96xf32>
    %select_n3A_1170 = arith.select %ge3A_1167, %mul3A_1163, %mul3A_1169 : vector<1024x96xi1>, vector<1024x96xf32>
    %dot_general3A_1171 = arith.constant dense<0.000000e+00> : vector<1024x1xf32>
    %dot_general3A_1172 = tpu.matmul %select_n3A_1170, %get3A_37, %dot_general3A_1171 {dimension_numbers = #tpu.dot_dimension_numbers<[1], [0], [0], [1], [0, 0, 1, 1], [], []>, transpose_lhs_hint = false} : vector<1024x96xf32>, vector<96x1xf32>, vector<1024x1xf32> -> vector<1024x1xf32>
    %add3A_1173 = vector.broadcast %get3A_40 : vector<1x1xf32> to vector<1024x1xf32>
    %add3A_1174 = arith.addf %dot_general3A_1172, %add3A_1173 : vector<1024x1xf32>
    %reshape3A_1175 = vector.shape_cast %add3A_1174 : vector<1024x1xf32> to vector<32x32xf32>
    %slice3A_1176 = vector.extract_strided_slice %add3A_684 {offsets = [96, 0], sizes = [32, 96], strides = [1, 1]} : vector<128x96xf32> to vector<32x96xf32>
    %broadcast_in_dim3A_1177 = vector.shape_cast %slice3A_1114 : vector<32x96xf32> to vector<32x1x96xf32>
    %broadcast_in_dim3A_1178 = vector.shape_cast %slice3A_1176 : vector<32x96xf32> to vector<1x32x96xf32>
    %sub3A_1179 = vector.broadcast %broadcast_in_dim3A_1177 : vector<32x1x96xf32> to vector<32x32x96xf32>
    %sub3A_1180 = vector.broadcast %broadcast_in_dim3A_1178 : vector<1x32x96xf32> to vector<32x32x96xf32>
    %sub3A_1181 = arith.subf %sub3A_1179, %sub3A_1180 : vector<32x32x96xf32>
    %abs3A_1182 = math.absf %sub3A_1181 : vector<32x32x96xf32>
    %reshape3A_1183 = vector.shape_cast %abs3A_1182 : vector<32x32x96xf32> to vector<1024x96xf32>
    %dot_general3A_1184 = arith.constant dense<0.000000e+00> : vector<1024x192xf32>
    %dot_general3A_1185 = tpu.matmul %reshape3A_1183, %get3A_25, %dot_general3A_1184 {dimension_numbers = #tpu.dot_dimension_numbers<[1], [0], [0], [1], [0, 0, 1, 1], [], []>, transpose_lhs_hint = false} : vector<1024x96xf32>, vector<96x192xf32>, vector<1024x192xf32> -> vector<1024x192xf32>
    %mul3A_1186 = arith.constant 0.999994993 : f32
    %mul3A_1187 = vector.broadcast %mul3A_1186 : f32 to vector<1024x192xf32>
    %mul3A_1188 = arith.mulf %mul3A_1187, %dot_general3A_1185 : vector<1024x192xf32>
    %jit3A_1189 = arith.constant 0.00999999977 : f32
    %ge3A_1190 = arith.constant 0.000000e+00 : f32
    %ge3A_1191 = vector.broadcast %ge3A_1190 : f32 to vector<1024x192xf32>
    %ge3A_1192 = arith.cmpf oge, %mul3A_1188, %ge3A_1191 : vector<1024x192xf32>
    %mul3A_1193 = vector.broadcast %jit3A_1189 : f32 to vector<1024x192xf32>
    %mul3A_1194 = arith.mulf %mul3A_1193, %mul3A_1188 : vector<1024x192xf32>
    %select_n3A_1195 = arith.select %ge3A_1192, %mul3A_1188, %mul3A_1194 : vector<1024x192xi1>, vector<1024x192xf32>
    %dot_general3A_1196 = arith.constant dense<0.000000e+00> : vector<1024x192xf32>
    %dot_general3A_1197 = tpu.matmul %select_n3A_1195, %get3A_28, %dot_general3A_1196 {dimension_numbers = #tpu.dot_dimension_numbers<[1], [0], [0], [1], [0, 0, 1, 1], [], []>, transpose_lhs_hint = false} : vector<1024x192xf32>, vector<192x192xf32>, vector<1024x192xf32> -> vector<1024x192xf32>
    %mul3A_1198 = arith.constant 0.999994993 : f32
    %mul3A_1199 = vector.broadcast %mul3A_1198 : f32 to vector<1024x192xf32>
    %mul3A_1200 = arith.mulf %mul3A_1199, %dot_general3A_1197 : vector<1024x192xf32>
    %jit3A_1201 = arith.constant 0.00999999977 : f32
    %ge3A_1202 = arith.constant 0.000000e+00 : f32
    %ge3A_1203 = vector.broadcast %ge3A_1202 : f32 to vector<1024x192xf32>
    %ge3A_1204 = arith.cmpf oge, %mul3A_1200, %ge3A_1203 : vector<1024x192xf32>
    %mul3A_1205 = vector.broadcast %jit3A_1201 : f32 to vector<1024x192xf32>
    %mul3A_1206 = arith.mulf %mul3A_1205, %mul3A_1200 : vector<1024x192xf32>
    %select_n3A_1207 = arith.select %ge3A_1204, %mul3A_1200, %mul3A_1206 : vector<1024x192xi1>, vector<1024x192xf32>
    %dot_general3A_1208 = arith.constant dense<0.000000e+00> : vector<1024x96xf32>
    %dot_general3A_1209 = tpu.matmul %select_n3A_1207, %get3A_31, %dot_general3A_1208 {dimension_numbers = #tpu.dot_dimension_numbers<[1], [0], [0], [1], [0, 0, 1, 1], [], []>, transpose_lhs_hint = false} : vector<1024x192xf32>, vector<192x96xf32>, vector<1024x96xf32> -> vector<1024x96xf32>
    %mul3A_1210 = arith.constant 0.999994993 : f32
    %mul3A_1211 = vector.broadcast %mul3A_1210 : f32 to vector<1024x96xf32>
    %mul3A_1212 = arith.mulf %mul3A_1211, %dot_general3A_1209 : vector<1024x96xf32>
    %jit3A_1213 = arith.constant 0.00999999977 : f32
    %ge3A_1214 = arith.constant 0.000000e+00 : f32
    %ge3A_1215 = vector.broadcast %ge3A_1214 : f32 to vector<1024x96xf32>
    %ge3A_1216 = arith.cmpf oge, %mul3A_1212, %ge3A_1215 : vector<1024x96xf32>
    %mul3A_1217 = vector.broadcast %jit3A_1213 : f32 to vector<1024x96xf32>
    %mul3A_1218 = arith.mulf %mul3A_1217, %mul3A_1212 : vector<1024x96xf32>
    %select_n3A_1219 = arith.select %ge3A_1216, %mul3A_1212, %mul3A_1218 : vector<1024x96xi1>, vector<1024x96xf32>
    %dot_general3A_1220 = arith.constant dense<0.000000e+00> : vector<1024x96xf32>
    %dot_general3A_1221 = tpu.matmul %select_n3A_1219, %get3A_34, %dot_general3A_1220 {dimension_numbers = #tpu.dot_dimension_numbers<[1], [0], [0], [1], [0, 0, 1, 1], [], []>, transpose_lhs_hint = false} : vector<1024x96xf32>, vector<96x96xf32>, vector<1024x96xf32> -> vector<1024x96xf32>
    %mul3A_1222 = arith.constant 0.999994993 : f32
    %mul3A_1223 = vector.broadcast %mul3A_1222 : f32 to vector<1024x96xf32>
    %mul3A_1224 = arith.mulf %mul3A_1223, %dot_general3A_1221 : vector<1024x96xf32>
    %jit3A_1225 = arith.constant 0.00999999977 : f32
    %ge3A_1226 = arith.constant 0.000000e+00 : f32
    %ge3A_1227 = vector.broadcast %ge3A_1226 : f32 to vector<1024x96xf32>
    %ge3A_1228 = arith.cmpf oge, %mul3A_1224, %ge3A_1227 : vector<1024x96xf32>
    %mul3A_1229 = vector.broadcast %jit3A_1225 : f32 to vector<1024x96xf32>
    %mul3A_1230 = arith.mulf %mul3A_1229, %mul3A_1224 : vector<1024x96xf32>
    %select_n3A_1231 = arith.select %ge3A_1228, %mul3A_1224, %mul3A_1230 : vector<1024x96xi1>, vector<1024x96xf32>
    %dot_general3A_1232 = arith.constant dense<0.000000e+00> : vector<1024x1xf32>
    %dot_general3A_1233 = tpu.matmul %select_n3A_1231, %get3A_37, %dot_general3A_1232 {dimension_numbers = #tpu.dot_dimension_numbers<[1], [0], [0], [1], [0, 0, 1, 1], [], []>, transpose_lhs_hint = false} : vector<1024x96xf32>, vector<96x1xf32>, vector<1024x1xf32> -> vector<1024x1xf32>
    %add3A_1234 = vector.broadcast %get3A_40 : vector<1x1xf32> to vector<1024x1xf32>
    %add3A_1235 = arith.addf %dot_general3A_1233, %add3A_1234 : vector<1024x1xf32>
    %reshape3A_1236 = vector.shape_cast %add3A_1235 : vector<1024x1xf32> to vector<32x32xf32>
    %slice3A_1237 = vector.extract_strided_slice %add3A_684 {offsets = [96, 0], sizes = [32, 96], strides = [1, 1]} : vector<128x96xf32> to vector<32x96xf32>
    %slice3A_1238 = vector.extract_strided_slice %add3A_684 {offsets = [96, 0], sizes = [32, 96], strides = [1, 1]} : vector<128x96xf32> to vector<32x96xf32>
    %broadcast_in_dim3A_1239 = vector.shape_cast %slice3A_1237 : vector<32x96xf32> to vector<32x1x96xf32>
    %broadcast_in_dim3A_1240 = vector.shape_cast %slice3A_1238 : vector<32x96xf32> to vector<1x32x96xf32>
    %sub3A_1241 = vector.broadcast %broadcast_in_dim3A_1239 : vector<32x1x96xf32> to vector<32x32x96xf32>
    %sub3A_1242 = vector.broadcast %broadcast_in_dim3A_1240 : vector<1x32x96xf32> to vector<32x32x96xf32>
    %sub3A_1243 = arith.subf %sub3A_1241, %sub3A_1242 : vector<32x32x96xf32>
    %abs3A_1244 = math.absf %sub3A_1243 : vector<32x32x96xf32>
    %reshape3A_1245 = vector.shape_cast %abs3A_1244 : vector<32x32x96xf32> to vector<1024x96xf32>
    %dot_general3A_1246 = arith.constant dense<0.000000e+00> : vector<1024x192xf32>
    %dot_general3A_1247 = tpu.matmul %reshape3A_1245, %get3A_25, %dot_general3A_1246 {dimension_numbers = #tpu.dot_dimension_numbers<[1], [0], [0], [1], [0, 0, 1, 1], [], []>, transpose_lhs_hint = false} : vector<1024x96xf32>, vector<96x192xf32>, vector<1024x192xf32> -> vector<1024x192xf32>
    %mul3A_1248 = arith.constant 0.999994993 : f32
    %mul3A_1249 = vector.broadcast %mul3A_1248 : f32 to vector<1024x192xf32>
    %mul3A_1250 = arith.mulf %mul3A_1249, %dot_general3A_1247 : vector<1024x192xf32>
    %jit3A_1251 = arith.constant 0.00999999977 : f32
    %ge3A_1252 = arith.constant 0.000000e+00 : f32
    %ge3A_1253 = vector.broadcast %ge3A_1252 : f32 to vector<1024x192xf32>
    %ge3A_1254 = arith.cmpf oge, %mul3A_1250, %ge3A_1253 : vector<1024x192xf32>
    %mul3A_1255 = vector.broadcast %jit3A_1251 : f32 to vector<1024x192xf32>
    %mul3A_1256 = arith.mulf %mul3A_1255, %mul3A_1250 : vector<1024x192xf32>
    %select_n3A_1257 = arith.select %ge3A_1254, %mul3A_1250, %mul3A_1256 : vector<1024x192xi1>, vector<1024x192xf32>
    %dot_general3A_1258 = arith.constant dense<0.000000e+00> : vector<1024x192xf32>
    %dot_general3A_1259 = tpu.matmul %select_n3A_1257, %get3A_28, %dot_general3A_1258 {dimension_numbers = #tpu.dot_dimension_numbers<[1], [0], [0], [1], [0, 0, 1, 1], [], []>, transpose_lhs_hint = false} : vector<1024x192xf32>, vector<192x192xf32>, vector<1024x192xf32> -> vector<1024x192xf32>
    %mul3A_1260 = arith.constant 0.999994993 : f32
    %mul3A_1261 = vector.broadcast %mul3A_1260 : f32 to vector<1024x192xf32>
    %mul3A_1262 = arith.mulf %mul3A_1261, %dot_general3A_1259 : vector<1024x192xf32>
    %jit3A_1263 = arith.constant 0.00999999977 : f32
    %ge3A_1264 = arith.constant 0.000000e+00 : f32
    %ge3A_1265 = vector.broadcast %ge3A_1264 : f32 to vector<1024x192xf32>
    %ge3A_1266 = arith.cmpf oge, %mul3A_1262, %ge3A_1265 : vector<1024x192xf32>
    %mul3A_1267 = vector.broadcast %jit3A_1263 : f32 to vector<1024x192xf32>
    %mul3A_1268 = arith.mulf %mul3A_1267, %mul3A_1262 : vector<1024x192xf32>
    %select_n3A_1269 = arith.select %ge3A_1266, %mul3A_1262, %mul3A_1268 : vector<1024x192xi1>, vector<1024x192xf32>
    %dot_general3A_1270 = arith.constant dense<0.000000e+00> : vector<1024x96xf32>
    %dot_general3A_1271 = tpu.matmul %select_n3A_1269, %get3A_31, %dot_general3A_1270 {dimension_numbers = #tpu.dot_dimension_numbers<[1], [0], [0], [1], [0, 0, 1, 1], [], []>, transpose_lhs_hint = false} : vector<1024x192xf32>, vector<192x96xf32>, vector<1024x96xf32> -> vector<1024x96xf32>
    %mul3A_1272 = arith.constant 0.999994993 : f32
    %mul3A_1273 = vector.broadcast %mul3A_1272 : f32 to vector<1024x96xf32>
    %mul3A_1274 = arith.mulf %mul3A_1273, %dot_general3A_1271 : vector<1024x96xf32>
    %jit3A_1275 = arith.constant 0.00999999977 : f32
    %ge3A_1276 = arith.constant 0.000000e+00 : f32
    %ge3A_1277 = vector.broadcast %ge3A_1276 : f32 to vector<1024x96xf32>
    %ge3A_1278 = arith.cmpf oge, %mul3A_1274, %ge3A_1277 : vector<1024x96xf32>
    %mul3A_1279 = vector.broadcast %jit3A_1275 : f32 to vector<1024x96xf32>
    %mul3A_1280 = arith.mulf %mul3A_1279, %mul3A_1274 : vector<1024x96xf32>
    %select_n3A_1281 = arith.select %ge3A_1278, %mul3A_1274, %mul3A_1280 : vector<1024x96xi1>, vector<1024x96xf32>
    %dot_general3A_1282 = arith.constant dense<0.000000e+00> : vector<1024x96xf32>
    %dot_general3A_1283 = tpu.matmul %select_n3A_1281, %get3A_34, %dot_general3A_1282 {dimension_numbers = #tpu.dot_dimension_numbers<[1], [0], [0], [1], [0, 0, 1, 1], [], []>, transpose_lhs_hint = false} : vector<1024x96xf32>, vector<96x96xf32>, vector<1024x96xf32> -> vector<1024x96xf32>
    %mul3A_1284 = arith.constant 0.999994993 : f32
    %mul3A_1285 = vector.broadcast %mul3A_1284 : f32 to vector<1024x96xf32>
    %mul3A_1286 = arith.mulf %mul3A_1285, %dot_general3A_1283 : vector<1024x96xf32>
    %jit3A_1287 = arith.constant 0.00999999977 : f32
    %ge3A_1288 = arith.constant 0.000000e+00 : f32
    %ge3A_1289 = vector.broadcast %ge3A_1288 : f32 to vector<1024x96xf32>
    %ge3A_1290 = arith.cmpf oge, %mul3A_1286, %ge3A_1289 : vector<1024x96xf32>
    %mul3A_1291 = vector.broadcast %jit3A_1287 : f32 to vector<1024x96xf32>
    %mul3A_1292 = arith.mulf %mul3A_1291, %mul3A_1286 : vector<1024x96xf32>
    %select_n3A_1293 = arith.select %ge3A_1290, %mul3A_1286, %mul3A_1292 : vector<1024x96xi1>, vector<1024x96xf32>
    %dot_general3A_1294 = arith.constant dense<0.000000e+00> : vector<1024x1xf32>
    %dot_general3A_1295 = tpu.matmul %select_n3A_1293, %get3A_37, %dot_general3A_1294 {dimension_numbers = #tpu.dot_dimension_numbers<[1], [0], [0], [1], [0, 0, 1, 1], [], []>, transpose_lhs_hint = false} : vector<1024x96xf32>, vector<96x1xf32>, vector<1024x1xf32> -> vector<1024x1xf32>
    %add3A_1296 = vector.broadcast %get3A_40 : vector<1x1xf32> to vector<1024x1xf32>
    %add3A_1297 = arith.addf %dot_general3A_1295, %add3A_1296 : vector<1024x1xf32>
    %reshape3A_1298 = vector.shape_cast %add3A_1297 : vector<1024x1xf32> to vector<32x32xf32>
    %concatenate3A_1299 = tpu.concatenate %reshape3A_746, %reshape3A_807, %reshape3A_868, %reshape3A_929 in 1 : vector<32x32xf32>, vector<32x32xf32>, vector<32x32xf32>, vector<32x32xf32> -> vector<32x128xf32>
    %transpose3A_1300 = tpu.transpose %reshape3A_807, [1, 0] : vector<32x32xf32> -> vector<32x32xf32>
    %concatenate3A_1301 = tpu.concatenate %transpose3A_1300, %reshape3A_991, %reshape3A_1052, %reshape3A_1113 in 1 : vector<32x32xf32>, vector<32x32xf32>, vector<32x32xf32>, vector<32x32xf32> -> vector<32x128xf32>
    %transpose3A_1302 = tpu.transpose %reshape3A_868, [1, 0] : vector<32x32xf32> -> vector<32x32xf32>
    %transpose3A_1303 = tpu.transpose %reshape3A_1052, [1, 0] : vector<32x32xf32> -> vector<32x32xf32>
    %concatenate3A_1304 = tpu.concatenate %transpose3A_1302, %transpose3A_1303, %reshape3A_1175, %reshape3A_1236 in 1 : vector<32x32xf32>, vector<32x32xf32>, vector<32x32xf32>, vector<32x32xf32> -> vector<32x128xf32>
    %transpose3A_1305 = tpu.transpose %reshape3A_929, [1, 0] : vector<32x32xf32> -> vector<32x32xf32>
    %transpose3A_1306 = tpu.transpose %reshape3A_1113, [1, 0] : vector<32x32xf32> -> vector<32x32xf32>
    %transpose3A_1307 = tpu.transpose %reshape3A_1236, [1, 0] : vector<32x32xf32> -> vector<32x32xf32>
    %concatenate3A_1308 = tpu.concatenate %transpose3A_1305, %transpose3A_1306, %transpose3A_1307, %reshape3A_1298 in 1 : vector<32x32xf32>, vector<32x32xf32>, vector<32x32xf32>, vector<32x32xf32> -> vector<32x128xf32>
    %concatenate3A_1309 = tpu.concatenate %concatenate3A_1299, %concatenate3A_1301, %concatenate3A_1304, %concatenate3A_1308 in 0 : vector<32x128xf32>, vector<32x128xf32>, vector<32x128xf32>, vector<32x128xf32> -> vector<128x128xf32>
    %reduce_max3A_1310 = arith.constant dense<0xFF800000> : vector<128xf32>
    %reduce_max3A_1311 = vector.multi_reduction <maximumf>, %concatenate3A_1309, %reduce_max3A_1310 [1] : vector<128x128xf32> to vector<128xf32>
    %max3A_1312 = arith.constant 0xFF800000 : f32
    %max3A_1313 = vector.broadcast %max3A_1312 : f32 to vector<128xf32>
    %max3A_1314 = arith.maximumf %max3A_1313, %reduce_max3A_1311 : vector<128xf32>
    %broadcast_in_dim3A_1315 = vector.shape_cast %max3A_1314 : vector<128xf32> to vector<128x1xf32>
    %sub3A_1316 = vector.broadcast %broadcast_in_dim3A_1315 : vector<128x1xf32> to vector<128x128xf32>
    %sub3A_1317 = arith.subf %concatenate3A_1309, %sub3A_1316 : vector<128x128xf32>
    %exp3A_1318 = math.exp %sub3A_1317 : vector<128x128xf32>
    %reduce_sum3A_1319 = arith.constant dense<0.000000e+00> : vector<128xf32>
    %reduce_sum3A_1320 = vector.multi_reduction <add>, %exp3A_1318, %reduce_sum3A_1319 [1] : vector<128x128xf32> to vector<128xf32>
    %broadcast_in_dim3A_1321 = vector.shape_cast %reduce_sum3A_1320 : vector<128xf32> to vector<128x1xf32>
    %div3A_1322 = vector.broadcast %broadcast_in_dim3A_1321 : vector<128x1xf32> to vector<128x128xf32>
    %div3A_1323 = arith.divf %exp3A_1318, %div3A_1322 : vector<128x128xf32>
    %dot_general3A_1324 = arith.constant dense<0.000000e+00> : vector<128x96xf32>
    %dot_general3A_1325 = tpu.matmul %div3A_1323, %add3A_684, %dot_general3A_1324 {dimension_numbers = #tpu.dot_dimension_numbers<[1], [0], [0], [1], [0, 0, 1, 1], [], []>, transpose_lhs_hint = false} : vector<128x128xf32>, vector<128x96xf32>, vector<128x96xf32> -> vector<128x96xf32>
    %dot_general3A_1326 = arith.constant dense<0.000000e+00> : vector<128x96xf32>
    %dot_general3A_1327 = tpu.matmul %dot_general3A_1325, %get3A_43, %dot_general3A_1326 {dimension_numbers = #tpu.dot_dimension_numbers<[1], [0], [0], [1], [0, 0, 1, 1], [], []>, transpose_lhs_hint = false} : vector<128x96xf32>, vector<96x96xf32>, vector<128x96xf32> -> vector<128x96xf32>
    %add3A_1328 = vector.broadcast %get3A_46 : vector<1x96xf32> to vector<128x96xf32>
    %add3A_1329 = arith.addf %dot_general3A_1327, %add3A_1328 : vector<128x96xf32>
    %broadcast_in_dim3A_1330 = arith.constant 0.000000e+00 : f32
    %broadcast_in_dim3A_1331 = vector.broadcast %broadcast_in_dim3A_1330 : f32 to vector<128x32xf32>
    %concatenate3A_1332 = tpu.concatenate %add3A_1329, %broadcast_in_dim3A_1331 in 1 : vector<128x96xf32>, vector<128x32xf32> -> vector<128x128xf32>
    %swap3A = arith.constant 0 : index
    %swap3A_1333 = arith.constant 0 : index
    %swap3A_1334 = arith.constant 0 : index
    %swap3A_1335 = vector.load %arg20[%swap3A, %swap3A_1333, %swap3A_1334] : memref<1x128x128xf32, #tpu.memory_space<vmem>>, vector<1x128x128xf32>
    %swap3A_1336 = vector.shape_cast %swap3A_1335 : vector<1x128x128xf32> to vector<128x128xf32>
    %swap3A_1337 = vector.shape_cast %concatenate3A_1332 : vector<128x128xf32> to vector<1x128x128xf32>
    tpu.vector_store %arg20[%swap3A, %swap3A_1333, %swap3A_1334], %swap3A_1337 {strides = array<i32>} : memref<1x128x128xf32, #tpu.memory_space<vmem>>, vector<1x128x128xf32>,
    %dot_general3A_1338 = arith.constant dense<0.000000e+00> : vector<1x128xf32>
    %dot_general3A_1339 = tpu.matmul %get3A_49, %add3A_1329, %dot_general3A_1338 {dimension_numbers = #tpu.dot_dimension_numbers<[0], [1], [1], [0], [0, 1, 1, 0], [], []>, transpose_lhs_hint = false} : vector<96x1xf32>, vector<128x96xf32>, vector<1x128xf32> -> vector<1x128xf32>
    %add3A_1340 = vector.broadcast %get3A_52 : vector<1x1xf32> to vector<1x128xf32>
    %add3A_1341 = arith.addf %dot_general3A_1339, %add3A_1340 : vector<1x128xf32>
    %swap3A_1342 = arith.constant 0 : index
    %swap3A_1343 = arith.constant 0 : index
    %swap3A_1344 = arith.constant 0 : index
    %swap3A_1345 = vector.load %arg21[%swap3A_1342, %swap3A_1343, %swap3A_1344] : memref<1x1x128xf32, #tpu.memory_space<vmem>>, vector<1x1x128xf32>
    %swap3A_1346 = vector.shape_cast %swap3A_1345 : vector<1x1x128xf32> to vector<1x128xf32>
    %swap3A_1347 = vector.shape_cast %add3A_1341 : vector<1x128xf32> to vector<1x1x128xf32>
    tpu.vector_store %arg21[%swap3A_1342, %swap3A_1343, %swap3A_1344], %swap3A_1347 {strides = array<i32>} : memref<1x1x128xf32, #tpu.memory_space<vmem>>, vector<1x1x128xf32>,
    return
  }
  func.func @transform_0(%arg0: i32) -> (i32, i32, i32) {
    %c0_i32 = arith.constant 0 : i32
    %c0_i32_0 = arith.constant 0 : i32
    %c0_i32_1 = arith.constant 0 : i32
    return %arg0, %c0_i32, %c0_i32_0 : i32, i32, i32
  }
  func.func @transform_1(%arg0: i32) -> (i32, i32) {
    %c0_i32 = arith.constant 0 : i32
    %c0_i32_0 = arith.constant 0 : i32
    %c0_i32_1 = arith.constant 0 : i32
    return %c0_i32, %c0_i32_0 : i32, i32
  }
  func.func @transform_2(%arg0: i32) -> (i32, i32) {
    %c0_i32 = arith.constant 0 : i32
    %c0_i32_0 = arith.constant 0 : i32
    %c0_i32_1 = arith.constant 0 : i32
    return %c0_i32, %c0_i32_0 : i32, i32
  }
  func.func @transform_3(%arg0: i32) -> (i32, i32) {
    %c0_i32 = arith.constant 0 : i32
    %c0_i32_0 = arith.constant 0 : i32
    %c0_i32_1 = arith.constant 0 : i32
    return %c0_i32, %c0_i32_0 : i32, i32
  }
  func.func @transform_4(%arg0: i32) -> (i32, i32) {
    %c0_i32 = arith.constant 0 : i32
    %c0_i32_0 = arith.constant 0 : i32
    %c0_i32_1 = arith.constant 0 : i32
    return %c0_i32, %c0_i32_0 : i32, i32
  }
  func.func @transform_5(%arg0: i32) -> (i32, i32) {
    %c0_i32 = arith.constant 0 : i32
    %c0_i32_0 = arith.constant 0 : i32
    %c0_i32_1 = arith.constant 0 : i32
    return %c0_i32, %c0_i32_0 : i32, i32
  }
  func.func @transform_6(%arg0: i32) -> (i32, i32) {
    %c0_i32 = arith.constant 0 : i32
    %c0_i32_0 = arith.constant 0 : i32
    %c0_i32_1 = arith.constant 0 : i32
    return %c0_i32, %c0_i32_0 : i32, i32
  }
  func.func @transform_7(%arg0: i32) -> (i32, i32) {
    %c0_i32 = arith.constant 0 : i32
    %c0_i32_0 = arith.constant 0 : i32
    %c0_i32_1 = arith.constant 0 : i32
    return %c0_i32, %c0_i32_0 : i32, i32
  }
  func.func @transform_8(%arg0: i32) -> (i32, i32) {
    %c0_i32 = arith.constant 0 : i32
    %c0_i32_0 = arith.constant 0 : i32
    %c0_i32_1 = arith.constant 0 : i32
    return %c0_i32, %c0_i32_0 : i32, i32
  }
  func.func @transform_9(%arg0: i32) -> (i32, i32) {
    %c0_i32 = arith.constant 0 : i32
    %c0_i32_0 = arith.constant 0 : i32
    %c0_i32_1 = arith.constant 0 : i32
    return %c0_i32, %c0_i32_0 : i32, i32
  }
  func.func @transform_10(%arg0: i32) -> (i32, i32) {
    %c0_i32 = arith.constant 0 : i32
    %c0_i32_0 = arith.constant 0 : i32
    %c0_i32_1 = arith.constant 0 : i32
    return %c0_i32, %c0_i32_0 : i32, i32
  }
  func.func @transform_11(%arg0: i32) -> (i32, i32) {
    %c0_i32 = arith.constant 0 : i32
    %c0_i32_0 = arith.constant 0 : i32
    %c0_i32_1 = arith.constant 0 : i32
    return %c0_i32, %c0_i32_0 : i32, i32
  }
  func.func @transform_12(%arg0: i32) -> (i32, i32) {
    %c0_i32 = arith.constant 0 : i32
    %c0_i32_0 = arith.constant 0 : i32
    %c0_i32_1 = arith.constant 0 : i32
    return %c0_i32, %c0_i32_0 : i32, i32
  }
  func.func @transform_13(%arg0: i32) -> (i32, i32) {
    %c0_i32 = arith.constant 0 : i32
    %c0_i32_0 = arith.constant 0 : i32
    %c0_i32_1 = arith.constant 0 : i32
    return %c0_i32, %c0_i32_0 : i32, i32
  }
  func.func @transform_14(%arg0: i32) -> (i32, i32) {
    %c0_i32 = arith.constant 0 : i32
    %c0_i32_0 = arith.constant 0 : i32
    %c0_i32_1 = arith.constant 0 : i32
    return %c0_i32, %c0_i32_0 : i32, i32
  }
  func.func @transform_15(%arg0: i32) -> (i32, i32) {
    %c0_i32 = arith.constant 0 : i32
    %c0_i32_0 = arith.constant 0 : i32
    %c0_i32_1 = arith.constant 0 : i32
    return %c0_i32, %c0_i32_0 : i32, i32
  }
  func.func @transform_16(%arg0: i32) -> (i32, i32) {
    %c0_i32 = arith.constant 0 : i32
    %c0_i32_0 = arith.constant 0 : i32
    %c0_i32_1 = arith.constant 0 : i32
    return %c0_i32, %c0_i32_0 : i32, i32
  }
  func.func @transform_17(%arg0: i32) -> (i32, i32) {
    %c0_i32 = arith.constant 0 : i32
    %c0_i32_0 = arith.constant 0 : i32
    %c0_i32_1 = arith.constant 0 : i32
    return %c0_i32, %c0_i32_0 : i32, i32
  }
  func.func @transform_18(%arg0: i32) -> (i32, i32) {
    %c0_i32 = arith.constant 0 : i32
    %c0_i32_0 = arith.constant 0 : i32
    %c0_i32_1 = arith.constant 0 : i32
    return %c0_i32, %c0_i32_0 : i32, i32
  }
  func.func @transform_19(%arg0: i32) -> (i32, i32, i32) {
    %c0_i32 = arith.constant 0 : i32
    %c0_i32_0 = arith.constant 0 : i32
    %c0_i32_1 = arith.constant 0 : i32
    return %arg0, %c0_i32, %c0_i32_0 : i32, i32, i32
  }
  func.func @transform_20(%arg0: i32) -> (i32, i32, i32) {
    %c0_i32 = arith.constant 0 : i32
    %c0_i32_0 = arith.constant 0 : i32
    %c0_i32_1 = arith.constant 0 : i32
    return %arg0, %c0_i32, %c0_i32_0 : i32, i32, i32
  }
}

</mosaic_0001>

<sc_bundles>
// kernel: kernel.10.cloned.1.call-start
scs
__scs_entry_jumppad:
0x0: {  	(pc) =	sbr.rel $0x88, $3  }
0x1: {  	(tag) =	ssettag $0x0;
	lr =	simm.s32 $0x1  }
0x2: {  	[smem:$0x3F7C] =	sst lr;
	_ =	strace $0xD0000000  }
0x3: {  	_ = 	snop  }
0x4: {  	_ = 	snop  }
0x5: {  	_ = 	snop  }
0x6: {  	_ = 	snop  }
0x7: {  	_ = 	snop  }
__scs_overlays_trampoline_lowered:
0x8: {  	[smem:$0x3F8B] =	sst s0  }
0x9: {  	[smem:$0x3F8C] =	sst s1  }
0xa: {  	[smem:$0x3F8D] =	sst s2  }
0xb: {  	[smem:$0x3F8E] =	sst s3  }
0xc: {  	[smem:$0x3F8F] =	sst s4  }
0xd: {  	[smem:$0x3F90] =	sst s5  }
0xe: {  	[smem:$0x3F91] =	sst s6  }
0xf: {  	[smem:$0x3F92] =	sst s7  }
0x10: {  	[smem:$0x3F93] =	sst s8  }
0x11: {  	[smem:$0x3F94] =	sst s9;
	s0 =	simm.s32 @!p0 $0x0  }
0x12: {  	s1 =	sld [smem:$0x3F7A];
	s0 =	simm.s32 @p0 $0x1  }
0x13: {  	[smem:$0x3F95] =	sst s0;
	s0 =	simm.s32 @!p1 $0x0  }
0x14: {  	s2 =	sld [smem:$0x3F79];
	s0 =	simm.s32 @p1 $0x1  }
0x15: {  	[smem:$0x3F96] =	sst s0;
	s0 =	simm.s32 @!p2 $0x0  }
0x16: {  	s3 =	sld [smem:$0x3FDB];
	s0 =	simm.s32 @p2 $0x1  }
0x17: {  	s4 =	simm.s32 $0x1BF5;
	[smem:$0x3F98] =	sst s0  }
0x18: {  	s0 =	sld [smem:$0x3F7B];
	_ =	swait.ge [sflag:s4], $0x0  }
0x19: {  	s7 =	sld [smem:$0x3F7C]  }
0x1a: {  	s8 =	sadd.s32 $0xFFFFE003, lr  }
0x1b: {  	s9 =	sadd.s32 $0xFFFFFEF7, lr;
	s5 =	simm.s32 $0xFFFFFFFF;
	p2 =	slt.u32 s8, $0xFFFFF086  }
0x1c: {  	p1 =	slt.u32 s9, $0xF7A;
	s5 =	simm.s32 @!p2 $0x0  }
0x1d: {  	s5 =	simm.s32 @p1 $0x1;
	p0 =	seq.s32 s7, s2  }
0x1e: {  	s7 =	smul.u32 @!p0 $0xF7A, s2;
	p2 =	seq.s32 @!p0 s5, $0x0  }
0x1f: {  	s9 =	smul.u32 $0xF7A, s1;
	s8 =	simm.s32 @!p0 $0x1BF5;
	p2 =	por !p2, p0  }
0x20: {  	[sflag:s8] =	ssyncset.s32 @!p0 $0xFFFFF086;
	s6 =	sadd.s32 @!p0 s3, s7;
	s7 =	simm.s32 @!p0 $0x108  }
0x21: {  	s3 =	sadd.s32 s3, s9;
	s6 =	sadd.s32 @!p0 $0x88, s6;
	s7 =	simm.s32 @p2 $0x1082  }
0x22: {  	[simem:s7], [sflag:s8] =	dma.local @!p0 [hbm:s6], $0xF7A  }
0x23: {  	s9 =	sor.u32 $0xD0000000, s2;
	s6 =	simm.s32 $0x108;
	_ =	swait.ge @!p0 [sflag:s8], $0x0  }
0x24: {  	s3 =	sadd.s32 $0x88, s3;
	s6 =	simm.s32 @!p1 $0x1082;
	[sflag:s4] =	ssyncset.s32 $0xFFFFF086  }
0x25: {  	[simem:s6], [sflag:s4] =	dma.local [hbm:s3], $0xF7A  }
0x26: {  	[smem:$0x3F7C] =	sst s1;
	(tag) =	ssettag s2;
	_ =	strace s9  }
0x27: {  	s1 =	sld [smem:$0x3F8C]  }
0x28: {  	s2 =	sld [smem:$0x3F8D]  }
0x29: {  	s4 =	sld [smem:$0x3F8F]  }
0x2a: {  	p0 =	seq.s32 s5, $0x0;
	s5 =	sld [smem:$0x3F90]  }
0x2b: {  	s6 =	sld [smem:$0x3F91]  }
0x2c: {  	s7 =	sld [smem:$0x3F92]  }
0x2d: {  	s3 =	simm.s32 $0x108;
	s8 =	sld [smem:$0x3F93]  }
0x2e: {  	s3 =	simm.s32 @!p0 $0x1082;
	s9 =	sld [smem:$0x3F94]  }
0x2f: {  	lr =	sadd.s32 s0, s3;
	s0 =	sld [smem:$0x3F8B]  }
0x30: {  	s3 =	sld [smem:$0x3F8E]  }
0x31: {  	[smem:$0x3F97] =	sst s10  }
0x32: {  	s10 =	sld [smem:$0x3F95];
	_ =	sdelay $0x3  }
0x33: {  	p0 =	seq.s32 s10, $0x1;
	s10 =	sld [smem:$0x3F97];
	_ =	sdelay $0x3  }
0x34: {  	[smem:$0x3F97] =	sst s10  }
0x35: {  	s10 =	sld [smem:$0x3F96];
	_ =	sdelay $0x3  }
0x36: {  	p1 =	seq.s32 s10, $0x1;
	s10 =	sld [smem:$0x3F97];
	_ =	sdelay $0x3  }
0x37: {  	[smem:$0x3F97] =	sst s10  }
0x38: {  	s10 =	sld [smem:$0x3F98]  }
0x39: {  	_ = 	snop;
	(pc) =	sbr.ind lr, $3  }
0x3a: {  	_ = 	snop  }
0x3b: {  	_ = 	snop  }
0x3c: {  	p2 =	seq.s32 s10, $0x1;
	s10 =	sld [smem:$0x3F97]  }
0x3d: {  	_ =	shalt  }
0x3e: {  	_ =	shalt  }
0x3f: {  	_ =	shalt  }
0x40: {  	_ =	shalt  }
0x41: {  	_ =	shalt  }
0x42: {  	_ =	shalt  }
0x43: {  	_ =	shalt  }
0x44: {  	_ =	shalt  }
0x45: {  	_ =	shalt  }
0x46: {  	_ =	shalt  }
0x47: {  	_ =	shalt  }
0x48: {  	_ =	shalt  }
0x49: {  	_ =	shalt  }
0x4a: {  	_ =	shalt  }
0x4b: {  	_ =	shalt  }
0x4c: {  	_ =	shalt  }
0x4d: {  	_ =	shalt  }
0x4e: {  	_ =	shalt  }
0x4f: {  	_ =	shalt  }
0x50: {  	_ =	shalt  }
0x51: {  	_ =	shalt  }
0x52: {  	_ =	shalt  }
0x53: {  	_ =	shalt  }
0x54: {  	_ =	shalt  }
0x55: {  	_ =	shalt  }
0x56: {  	_ =	shalt  }
0x57: {  	_ =	shalt  }
0x58: {  	_ =	shalt  }
0x59: {  	_ =	shalt  }
0x5a: {  	_ =	shalt  }
0x5b: {  	_ =	shalt  }
0x5c: {  	_ =	shalt  }
0x5d: {  	_ =	shalt  }
0x5e: {  	_ =	shalt  }
0x5f: {  	_ =	shalt  }
0x60: {  	_ =	shalt  }
0x61: {  	_ =	shalt  }
0x62: {  	_ =	shalt  }
0x63: {  	_ =	shalt  }
0x64: {  	_ =	shalt  }
0x65: {  	_ =	shalt  }
0x66: {  	_ =	shalt  }
0x67: {  	_ =	shalt  }
0x68: {  	_ =	shalt  }
0x69: {  	_ =	shalt  }
0x6a: {  	_ =	shalt  }
0x6b: {  	_ =	shalt  }
0x6c: {  	_ =	shalt  }
0x6d: {  	_ =	shalt  }
0x6e: {  	_ =	shalt  }
0x6f: {  	_ =	shalt  }
0x70: {  	_ =	shalt  }
0x71: {  	_ =	shalt  }
0x72: {  	_ =	shalt  }
0x73: {  	_ =	shalt  }
0x74: {  	_ =	shalt  }
0x75: {  	_ =	shalt  }
0x76: {  	_ =	shalt  }
0x77: {  	_ =	shalt  }
0x78: {  	_ =	shalt  }
0x79: {  	_ =	shalt  }
0x7a: {  	_ =	shalt  }
0x7b: {  	_ =	shalt  }
0x7c: {  	_ =	shalt  }
0x7d: {  	_ =	shalt  }
0x7e: {  	_ =	shalt  }
0x7f: {  	_ =	shalt  }
0x80: {  	_ =	shalt  }
0x81: {  	_ =	shalt  }
0x82: {  	_ =	shalt  }
0x83: {  	_ =	shalt  }
0x84: {  	_ =	shalt  }
0x85: {  	_ =	shalt  }
0x86: {  	_ =	shalt  }
0x87: {  	_ =	shalt  }
.Lfunc_end0:
.L_simem_size_0:
called_computation.1_lowered:
.L_overlay_start_0:
0x88: {  	s2 =	sld [smem:$0x3FD9]  }
0x89: {  	s3 =	sld [smem:$0x3FFE];
	_ =	sdelay $0x1  }
0x8a: {  	s1 =	srdreg.scid  }
0x8b: {  	s0 =	sand.u32 $0x1, s1  }
0x8c: {  	s17 =	sshll.u32 s0, $0xA;
	s2 =	sadd.s32 s3, s2  }
0x8d: {  	s2 =	sadd.s32 s2, s17  }
0x8e: {  	[smem:$0x3FA3] =	sst s2  }
0x8f: {  	_ = 	snop  }
0x90: {  	s2 =	sld [smem:$0x3FD0];
	(tm) =	ssettm $0x1  }
0x91: {  	s18 =	sld [smem:$0x3FFB];
	_ =	sdelay $0x3  }
0x92: {  	_ =	strace s18  }
0x93: {  	s3 =	sld [smem:$0x3FFC];
	_ =	sdelay $0x3  }
0x94: {  	_ =	strace s3  }
0x95: {  	s3 =	sld [smem:$0x3FFD];
	_ =	sdelay $0x3  }
0x96: {  	_ =	strace s3  }
0x97: {  	_ =	strace $0x8FFFFFFF  }
0x98: {  	s19 =	sld [smem:$0x3FDB];
	_ =	sdelay $0x1  }
0x99: {  	s4 =	simm.s32 $_scs_section_size  }
0x9a: {  	s5 =	simm.s32 $_size__tile_overlayer_lowered;
	s6 =	simm.s32 $_tile_overlayer_lowered  }
0x9b: {  	s22 =	simm.s32 $0x1BFF;
	s21 =	sshll.u32 s6, $0x1;
	s3 =	sadd.s32 s4, s19  }
0x9c: {  	s7 =	simm.s32 $0x0;
	s20 =	sshll.u32 s5, $0x1;
	s5 =	sadd.s32 s21, s3  }
0x9d: {  	[timem:s7], [sflag:s22] =	dma.local [hbm:s5], s20  }
0x9e: {  	_ =	swait.ge [sflag:s22], s20  }
0x9f: {  	s4 =	ssub.s32 $0x0, s20;
	[sflag:s22] =	ssyncset.done $0x0  }
0xa0: {  	[sflag:s22] =	ssyncadd.s32 s4;
	_ =	sdelay $0x1  }
0xa1: {  	s23 =	simm.s32 $0x1B8B  }
0xa2: {  	_ =	swait.ge [sflag:s23], $0x1  }
0xa3: {  	[sflag:s23] =	ssyncset.done $0x0  }
0xa4: {  	s25 =	simm.s32 $0x1B8E;
	s24 =	sld [smem:$0x3FFE];
	[sflag:s23] =	ssyncadd.s32 $0xFFFFFFFF  }
0xa5: {  	s26 =	simm.s32 $execute0_lowered;
	[smem:$0x3FD2] =	sst s25  }
0xa6: {  	s5 =	sshll.u32 s26, $0x1;
	_ =	strace $0x80000049;
	[dreg:$0x1] =	wrdreg $0xFFFFFFFF  }
0xa7: {  	s28 =	simm.s32 $_size_execute0_lowered;
	s3 =	sadd.s32 s3, s5;
	[dreg:$0x0] =	wrdreg $0x0  }
0xa8: {  	s5 =	sshll.u32 s28, $0x1;
	[dreg:$0x2] =	wrdreg s3  }
0xa9: {  	[dreg:$0x3] =	wrdreg s5  }
0xaa: {  	[dreg:$0x4] =	wrdreg $0xC0  }
0xab: {  	_ =	task [dreg:s7], $0x5FFFF  }
0xac: {  	[dreg:$0x1] =	wrdreg $0xFFFFFFFF  }
0xad: {  	[dreg:$0x0] =	wrdreg $0x60  }
0xae: {  	[dreg:$0x2] =	wrdreg s24  }
0xaf: {  	[dreg:$0x3] =	wrdreg s2  }
0xb0: {  	[dreg:$0x4] =	wrdreg $0x9  }
0xb1: {  	_ =	task.clear_ibuf [dreg:s7], $0x5FFFF;
	_ =	strace $0x90000049  }
0xb2: {  	s29 =	simm.s32 $0x9;
	_ =	strace $0x8000004B  }
0xb3: {  	_ =	swait.ge [sflag:s29], $0x1  }
0xb4: {  	[sflag:s29] =	ssyncadd.s32 $0xFFFFFFFF  }
0xb5: {  	_ =	strace $0x9000004B  }
0xb6: {  	_ =	sfence  }
0xb7: {  	s30 =	sld [smem:$0x0];
	_ =	sdelay $0x2  }
0xb8: {  	s31 =	sshll.u32 s1, $0xD;
	s1 =	sshrl.u32 s1, $0x2  }
0xb9: {  	s3 =	sand.u32 $0x4000, s31;
	s1 =	sadd.s32 s1, s30  }
0xba: {  	s0 =	sor.u32 s3, s0;
	s1 =	sshll.u32 s1, $0x11  }
0xbb: {  	s0 =	sor.u32 s1, s0  }
0xbc: {  	s0 =	sadd.s32 $0x8F2B, s0  }
0xbd: {  	[sflag:s0] =	ssyncadd.remote.s32 $0x1  }
0xbe: {  	_ =	sfence.sel $0xFFFF  }
0xbf: {  	[dreg:$0x0] =	wrdreg $0xFFFFFFFF;
	(pc) =	sbr.abs _section_cstart, $3  }
0xc0: {  	[dreg:$0x1] =	wrdreg $0xFFFFFFFF  }
0xc1: {  	_ =	task.clear_ibuf [dreg:s7], $0x2FFFF;
	_ =	strace $0x9FFFFFFF  }
0xc2: {  	(tm) =	ssettm $0x7FFFFFFF  }
0xc3: {  	_ =	shalt  }
tec
execute0_lowered:
.L_overlay_start_1:
0x0: {  	(tag) =	ssettag $0x1  }
0x1: {  	s1 =	stileid.u32  }
0x2: {  	p0 =	sgt.u32 s1, $0x1  }
.Ltmp0:
0x3: {  	_ = 	snop;
	(pc) =	sbr.rel @p0 .LBB2_5-.Ltmp0, $4  }
0x4: {  	s4 =	rddreg [dreg:$0x0]  }
0x5: {  	s6 =	rddreg [dreg:$0x1];
	s2 =	simm.s32 $0x0  }
0x6: {  	[smem:$0x7FF] =	sst s2  }
0x7: {  	s0 =	rddreg [dreg:$0x2];
	_ =	strace $0x8000004A  }
0x8: {  	s3 =	srdreg.scid;
	s30 =	sshll.u32 s1, $0x1  }
0x9: {  	v1 =	vlaneseq.u32;
	v15 =	vimm.f32 $0.0e+00;
	s12 =	simm.s32 $0x1;
	s13 =	simm.s32 $0x0;
	s5 =	sand.u32 $0x1, s3  }
0xa: {  	v16 =	vimm.s32 $0x0;
	vm0 =	vmmov $0xff;
	s3 =	sadd.s32 $0x5A00, s4;
	v3 =	vor.u32 $0x10, v1;
	s7 =	sor.u32 s5, s30;
	s5 =	ssub.s32 $0x2, s5  }
0xb: {  	v4 =	vor.u32 $0x20, v1;
	v7 =	vor.u32 $0x30, v1;
	v9 =	vor.u32 $0x40, v1;
	s8 =	smul.u32 $0x68, s7;
	s9 =	sshll.u32 s7, $0xB;
	s7 =	sshll.u32 s7, $0x4  }
0xc: {  	v10 =	vadd.s32 $0x48, v1;
	v13 =	vadd.s32 $0x58, v1;
	v17 =	vadd.s32 $0x32, v1;
	s10 =	sshrl.u32 s5, $0x1;
	s9 =	sadd.s32 s9, s4;
	s11 =	sadd.s32 s7, s4  }
0xd: {  	v18 =	vadd.s32 $0x42, v1;
	s31 =	ssub.s32 s5, s10;
	s6 =	sadd.s32 s6, s7;
	s10 =	simm.s32 $0x100;
	v0 =	vmov s8;
	v2 =	vadd.s32 s8, v1  }
0xe: {  	v5 =	vadd.s32 s8, v3;
	v6 =	vadd.s32 s8, v4;
	v8 =	vadd.s32 s8, v7;
	s4 =	sadd.s32 $0x7600, s9;
	s5 =	sadd.s32 $0x7400, s11;
	s7 =	smax.u32 s31, $0x1  }
0xf: {  	v11 =	vadd.s32 s8, v9;
	v12 =	vadd.s32 s8, v10;
	v14 =	vadd.s32 s8, v13;
	s8 =	simm.s32 $0x2;
	s9 =	simm.s32 $0x80;
	s11 =	simm.s32 $0x180  }
.LBB2_2:
0x10: {  	s14 =	simm.s32 $0x0  }
0x11: {  	[tilespmem:s14], [sflag:$0x2] =	stream.linear.gather [hbm4b:s6+s14], $0x80, $0x38;
	[tilespmem:$0x4180] =	vst v63  }
0x12: {  	_ =	swait.ge [sflag:s8], $0x80  }
0x13: {  	[sflag:s8] =	ssyncset.done $0x0  }
0x14: {  	[sflag:s8] =	ssyncadd.s32 $0xFFFFFF80  }
0x15: {  	v19 =	vld [tilespmem:$0x0];
	_ =	sdelay $0x4  }
0x16: {  	v19 =	vsub.f32 $0.0e+00, v19;
	_ =	sdelay $0x1  }
0x17: {  	v19 =	vmul.f32 $9.999999770e-03, v19;
	_ =	sdelay $0x1  }
0x18: {  	v19 =	vmul.f32 $1.442695020e+00, v19;
	_ =	sdelay $0x1  }
0x19: {  	(erf) = vpow2.f32 v19;
	_ =	sdelay $0x1  }
0x1a: {  	v19 =	vld [tilespmem:$0x10];
	_ =	sdelay $0x4  }
0x1b: {  	v19 =	vsub.f32 $0.0e+00, v19;
	_ =	sdelay $0x1  }
0x1c: {  	v19 =	vmul.f32 $9.999999770e-03, v19;
	v20 =	vpop (erf)  }
0x1d: {  	v20 =	vadd.f32 $1.000000000e+00, v20  }
0x1e: {  	v19 =	vmul.f32 $1.442695020e+00, v19  }
0x1f: {  	(erf) = vrcp.f32 v20  }
0x20: {  	(erf) = vpow2.f32 v19;
	_ =	sdelay $0x1  }
0x21: {  	v19 =	vld [tilespmem:$0x20];
	_ =	sdelay $0x4  }
0x22: {  	v19 =	vsub.f32 $0.0e+00, v19  }
0x23: {  	v20 =	vpop (erf)  }
0x24: {  	v19 =	vmul.f32 $9.999999770e-03, v19;
	v21 =	vpop (erf)  }
0x25: {  	v21 =	vadd.f32 $1.000000000e+00, v21  }
0x26: {  	v19 =	vmul.f32 $1.442695020e+00, v19  }
0x27: {  	(erf) = vrcp.f32 v21  }
0x28: {  	(erf) = vpow2.f32 v19;
	_ =	sdelay $0x1  }
0x29: {  	v19 =	vld [tilespmem:$0x30];
	_ =	sdelay $0x4  }
0x2a: {  	v19 =	vsub.f32 $0.0e+00, v19  }
0x2b: {  	v21 =	vpop (erf)  }
0x2c: {  	v19 =	vmul.f32 $9.999999770e-03, v19;
	v22 =	vpop (erf)  }
0x2d: {  	v22 =	vadd.f32 $1.000000000e+00, v22  }
0x2e: {  	v19 =	vmul.f32 $1.442695020e+00, v19  }
0x2f: {  	(erf) = vrcp.f32 v22  }
0x30: {  	(erf) = vpow2.f32 v19;
	_ =	sdelay $0x1  }
0x31: {  	v19 =	vld [tilespmem:$0x40];
	_ =	sdelay $0x4  }
0x32: {  	v19 =	vsub.f32 $0.0e+00, v19  }
0x33: {  	v22 =	vpop (erf)  }
0x34: {  	v19 =	vmul.f32 $9.999999770e-03, v19;
	v23 =	vpop (erf)  }
0x35: {  	v23 =	vadd.f32 $1.000000000e+00, v23  }
0x36: {  	v19 =	vmul.f32 $1.442695020e+00, v19  }
0x37: {  	(erf) = vrcp.f32 v23  }
0x38: {  	(erf) = vpow2.f32 v19;
	_ =	sdelay $0x1  }
0x39: {  	v19 =	vld [tilespmem:$0x50];
	_ =	sdelay $0x4  }
0x3a: {  	v19 =	vsub.f32 $0.0e+00, v19  }
0x3b: {  	v23 =	vpop (erf)  }
0x3c: {  	v19 =	vmul.f32 $9.999999770e-03, v19;
	v24 =	vpop (erf)  }
0x3d: {  	v24 =	vadd.f32 $1.000000000e+00, v24  }
0x3e: {  	v19 =	vmul.f32 $1.442695020e+00, v19  }
0x3f: {  	(erf) = vrcp.f32 v24  }
0x40: {  	(erf) = vpow2.f32 v19;
	_ =	sdelay $0x1  }
0x41: {  	v19 =	vld [tilespmem:$0x60];
	_ =	sdelay $0x4  }
0x42: {  	v19 =	vsub.f32 $0.0e+00, v19  }
0x43: {  	v24 =	vpop (erf)  }
0x44: {  	v19 =	vmul.f32 $9.999999770e-03, v19;
	v25 =	vpop (erf)  }
0x45: {  	v25 =	vadd.f32 $1.000000000e+00, v25  }
0x46: {  	v19 =	vmul.f32 $1.442695020e+00, v19  }
0x47: {  	(erf) = vrcp.f32 v25  }
0x48: {  	(erf) = vpow2.f32 v19;
	_ =	sdelay $0x1  }
0x49: {  	v19 =	vld [tilespmem:$0x70];
	_ =	sdelay $0x4  }
0x4a: {  	v19 =	vsub.f32 $0.0e+00, v19  }
0x4b: {  	v25 =	vpop (erf)  }
0x4c: {  	v19 =	vmul.f32 $9.999999770e-03, v19;
	v26 =	vpop (erf)  }
0x4d: {  	v26 =	vadd.f32 $1.000000000e+00, v26  }
0x4e: {  	v19 =	vmul.f32 $1.442695020e+00, v19  }
0x4f: {  	[tilespmem:$0x80] =	vst v0;
	(erf) = vrcp.f32 v26  }
0x50: {  	[tilespmem:$0x100] =	vst v15;
	(erf) = vpow2.f32 v19  }
0x51: {  	[tilespmem:$0x90] =	vst v0  }
0x52: {  	[tilespmem:$0x110] =	vst v15  }
0x53: {  	[tilespmem:$0xA0] =	vst v0  }
0x54: {  	[tilespmem:$0x120] =	vst v15  }
0x55: {  	[tilespmem:$0xB0] =	vst v0  }
0x56: {  	[tilespmem:$0x130] =	vst v15  }
0x57: {  	[tilespmem:$0xC0] =	vst v0  }
0x58: {  	[tilespmem:$0x140] =	vst v15;
	v19 =	vpop (erf)  }
0x59: {  	[tilespmem:$0xD0] =	vst v0;
	v26 =	vpop (erf)  }
0x5a: {  	[tilespmem:$0x150] =	vst v15;
	v26 =	vadd.f32 $1.000000000e+00, v26  }
0x5b: {  	[tilespmem:$0xE0] =	vst v0  }
0x5c: {  	[tilespmem:$0x160] =	vst v15;
	(erf) = vrcp.f32 v26  }
0x5d: {  	[tilespmem:$0xF0] =	vst v0  }
0x5e: {  	[tilespmem:$0x170] =	vst v15  }
0x5f: {  	[tilespmem:$0x0] =	vst v20  }
0x60: {  	[tilespmem:$0x10] =	vst v21  }
0x61: {  	[tilespmem:$0x20] =	vst v22  }
0x62: {  	[tilespmem:$0x40] =	vst v24;
	v24 =	vmov s14  }
0x63: {  	[tilespmem:$0x30] =	vst v23  }
0x64: {  	v21 =	vld [tilespmem:$0x10];
	[tilespmem:$0x50] =	vst v25  }
0x65: {  	v22 =	vld [tilespmem:$0x0];
	[tilespmem:$0x60] =	vst v19;
	v19 =	vpop (erf)  }
0x66: {  	v20 =	vld [tilespmem:$0x30];
	[tilespmem:$0x70] =	vst v19  }
0x67: {  	v26 =	vld.idx.msk [tilespmem:v24+s2+$0x0], $0xffff  }
0x68: {  	v30 =	vimm.s32 $0x0;
	v19 =	vld [tilespmem:$0x40]  }
0x69: {  	v29 =	vimm.s32 $0x0;
	v27 =	vimm.s32 $0x0;
	v28 =	vimm.s32 $0x0;
	v23 =	vld [tilespmem:$0x20]  }
0x6a: {  	s31 =	simm.s32 $0x1;
	vm2 =	vlt.u32 v24, v4;
	vm1 =	vlt.u32 v24, v9;
	vm5 =	vlt.u32 v24, v1  }
0x6b: {  	vm8 =	vlt.u32 v24, v3;
	vm4 =	vlt.u32 v24, v7;
	v25 =	vmov s31  }
0x6c: {  	v24 =	vimm.s32 $0x0;
	vm10 =	vgt.f32 v26, v22;
	vm6 =	veq.f32 v26, v22  }
0x6d: {  	vm11 =	veq.f32 v26, v21;
	vm7 =	veq.f32 v26, v20;
	vm3 =	vgt.f32 v26, v19  }
0x6e: {  	vm9 =	veq.f32 v26, v23;
	vm5 =	vmand vm5, vm6;
	vm6 =	vgt.f32 v26, v21  }
0x6f: {  	s14 =	simm.s32 $0x2;
	vm8 =	vmand vm8, vm11;
	vm10 =	vmor vm10, vm5;
	vm5 =	vgt.f32 v26, v20  }
.LBB2_3:
0x70: {  	p0 =	sne.s32 s14, $0x47;
	v31 =	vsel vm10, $0x1, v16;
	vm10 =	vgt.f32 v26, v23;
	vm4 =	vmand vm4, vm7;
	s15 =	smov.u32 s14;
	s14 =	sadd.s32 $0x1, s14  }
0x71: {  	vm2 =	vmand vm2, vm9;
	vm7 =	veq.f32 v26, v19;
	v30 =	vadd.s32 v31, v30  }
0x72: {  	vm6 =	vmor vm6, vm8;
	vm2 =	vmor vm10, vm2;
	vm1 =	vmand vm1, vm7;
	v26 =	vld.idx.msk [tilespmem:v25+s2+$0x0], $0xffff  }
0x73: {  	v31 =	vsel vm2, $0x1, v16;
	vm2 =	vmor vm5, vm4;
	vm1 =	vmor vm3, vm1  }
0x74: {  	v32 =	vsel vm6, $0x1, v16;
	v29 =	vadd.s32 v31, v29;
	v31 =	vsel vm2, $0x1, v16  }
0x75: {  	v27 =	vadd.s32 v32, v27;
	v28 =	vadd.s32 v31, v28;
	v31 =	vsel vm1, $0x1, v16  }
0x76: {  	vm2 =	vlt.u32 v25, v4;
	vm1 =	vlt.u32 v25, v9;
	v24 =	vadd.s32 v31, v24  }
.Ltmp1:
0x77: {  	vm8 =	vlt.u32 v25, v3;
	vm5 =	vlt.u32 v25, v1;
	vm4 =	vlt.u32 v25, v7;
	(pc) =	sbr.rel @p0 .LBB2_3-.Ltmp1, $4  }
0x78: {  	vm10 =	vgt.f32 v26, v22;
	vm6 =	veq.f32 v26, v22;
	vm11 =	veq.f32 v26, v21  }
0x79: {  	v25 =	vmov s15;
	vm7 =	veq.f32 v26, v20;
	vm3 =	vgt.f32 v26, v19  }
0x7a: {  	vm9 =	veq.f32 v26, v23;
	vm5 =	vmand vm5, vm6;
	vm6 =	vgt.f32 v26, v21  }
0x7b: {  	vm8 =	vmand vm8, vm11;
	vm10 =	vmor vm10, vm5;
	vm5 =	vgt.f32 v26, v20  }
0x7c: {  	_ = 	snop  }
0x7d: {  	v31 =	vsel vm10, $0x1, v16;
	vm15 =	vgt.f32 v26, v23  }
0x7e: {  	vm4 =	vmand vm4, vm7;
	vm2 =	vmand vm2, vm9;
	vm12 =	veq.f32 v26, v19  }
0x7f: {  	vm6 =	vmor vm6, vm8;
	v30 =	vadd.s32 v31, v30;
	vm2 =	vmor vm15, vm2  }
0x80: {  	v55 =	vld.idx.msk [tilespmem:v25+s2+$0x0], $0xffff;
	vm1 =	vmand vm1, vm12;
	v32 =	vsel vm6, $0x1, v16;
	v56 =	vsel vm2, $0x1, v16  }
0x81: {  	vm2 =	vmor vm5, vm4;
	vm1 =	vmor vm3, vm1;
	v27 =	vadd.s32 v32, v27  }
0x82: {  	vm3 =	vlt.u32 v25, v1;
	vm4 =	vlt.u32 v25, v3;
	vm5 =	vlt.u32 v25, v7  }
0x83: {  	v29 =	vadd.s32 v56, v29;
	v57 =	vsel vm2, $0x1, v16;
	v58 =	vsel vm1, $0x1, v16  }
0x84: {  	vm1 =	vlt.u32 v25, v4;
	vm2 =	vlt.u32 v25, v9;
	v28 =	vadd.s32 v57, v28  }
0x85: {  	vm6 =	vgt.f32 v55, v22;
	vm13 =	veq.f32 v55, v22;
	vm14 =	veq.f32 v55, v21  }
0x86: {  	vm9 =	veq.f32 v55, v20;
	vm15 =	vgt.f32 v55, v19;
	vm3 =	vmand vm3, vm13  }
0x87: {  	vm12 =	vgt.f32 v55, v21;
	vm11 =	veq.f32 v55, v23;
	vm3 =	vmor vm6, vm3  }
0x88: {  	vm4 =	vmand vm4, vm14;
	vm13 =	vgt.f32 v55, v20;
	v59 =	vsel vm3, $0x1, v16  }
0x89: {  	vm1 =	vmand vm1, vm11;
	vm4 =	vmor vm12, vm4;
	v25 =	vadd.s32 v59, v30  }
0x8a: {  	vm3 =	vgt.f32 v55, v23;
	v60 =	vsel vm4, $0x1, v16;
	vm14 =	vlt.s32 v25, $0x32  }
0x8b: {  	vm5 =	vmand vm5, vm9;
	vm1 =	vmor vm3, vm1;
	v27 =	vadd.s32 v60, v27  }
0x8c: {  	vm3 =	veq.f32 v55, v19;
	v61 =	vsel vm1, $0x1, v16;
	vm1 =	vlt.s32 v27, $0x32  }
0x8d: {  	vm2 =	vmand vm2, vm3;
	vm3 =	vmor vm13, vm5;
	v26 =	vadd.s32 v61, v29  }
0x8e: {  	vm2 =	vmor vm15, vm2;
	v62 =	vsel vm3, $0x1, v16;
	vm3 =	vlt.s32 v26, $0x32  }
0x8f: {  	v24 =	vadd.s32 v58, v24;
	v28 =	vadd.s32 v62, v28;
	v63 =	vsel vm2, $0x1, v16  }
0x90: {  	v24 =	vadd.s32 v63, v24;
	vm2 =	vlt.s32 v28, $0x32;
	[tilespmem:v25+s9+$0x0] =	vst.idx.msk vm14, v2  }
0x91: {  	vm15 =	vlt.s32 v24, $0x32;
	[tilespmem:v25+s10+$0x0] =	vst.idx.msk vm14, v22  }
0x92: {  	vm4 =	vmand vm15, vm0;
	[tilespmem:v27+s9+$0x0] =	vst.idx.msk vm1, v5  }
0x93: {  	[tilespmem:v27+s10+$0x0] =	vst.idx.msk vm1, v21  }
0x94: {  	[tilespmem:v26+s9+$0x0] =	vst.idx.msk vm3, v6  }
0x95: {  	[tilespmem:v26+s10+$0x0] =	vst.idx.msk vm3, v23  }
0x96: {  	[tilespmem:v28+s9+$0x0] =	vst.idx.msk vm2, v8  }
0x97: {  	[tilespmem:v28+s10+$0x0] =	vst.idx.msk vm2, v20  }
0x98: {  	[tilespmem:v24+s9+$0x0] =	vst.idx.msk vm4, v11  }
0x99: {  	[tilespmem:v24+s10+$0x0] =	vst.idx.msk vm4, v19  }
0x9a: {  	v19 =	vld.idx.msk [tilespmem:v10+s2+$0x0], $0xffff;
	_ =	sdelay $0x3  }
0x9b: {  	[tilespmem:v17+s9+$0x0] =	vst.idx.msk $0xffff, v12  }
0x9c: {  	[tilespmem:v17+s10+$0x0] =	vst.idx.msk $0xffff, v19  }
0x9d: {  	v19 =	vld.idx.msk [tilespmem:v13+s2+$0x0], $0x1ff;
	_ =	sdelay $0x3  }
0x9e: {  	[tilespmem:v18+s9+$0x0] =	vst.idx.msk $0x1ff, v14  }
0x9f: {  	[tilespmem:v18+s10+$0x0] =	vst.idx.msk $0x1ff, v19  }
0xa0: {  	[tilespmem:s11], [sflag:$0x1] =	stream.indirect.gather [hbm4b:s3+s9], $0x80, s9, s9, $0xb8;
	[tilespmem:$0x4180] =	vst v63  }
0xa1: {  	_ =	swait.ge [sflag:s12], $0x4000  }
0xa2: {  	[sflag:s12] =	ssyncset.done $0x0  }
0xa3: {  	[sflag:s12] =	ssyncadd.s32 $0xFFFFC000  }
0xa4: {  	[hbm4b:s4+s2] =	stream.linear.scatter [tilespmem:s11], [sflag:$0x2], $0x4000, $0x38;
	[tilespmem:$0x4180] =	vst v63  }
0xa5: {  	s13 =	sadd.s32 $0x1, s13;
	_ =	swait.ge [sflag:s8], $0x4000  }
0xa6: {  	p0 =	sne.s32 s13, s7;
	[sflag:s8] =	ssyncset.done $0x0  }
.Ltmp2:
0xa7: {  	[sflag:s8] =	ssyncadd.s32 $0xFFFFC000;
	(pc) =	sbr.rel @p0 .LBB2_2-.Ltmp2, $4  }
0xa8: {  	[hbm4b:s5+s2] =	stream.linear.scatter [tilespmem:s10], [sflag:$0x2], $0x80, $0x38;
	[tilespmem:$0x4180] =	vst v63  }
0xa9: {  	_ =	swait.ge [sflag:s8], $0x80  }
0xaa: {  	[sflag:s8] =	ssyncset.done $0x0  }
0xab: {  	[sflag:s8] =	ssyncadd.s32 $0xFFFFFF80  }
.LBB2_5:
0xac: {  	_ =	sfence.sel $0x180000  }
0xad: {  	[bflag:$0x0] =	sbarrier.arrive $0xFFFF  }
0xae: {  	p0 =	sne.s32 s1, $0x0;
	_ =	strace $0x9000004A  }
0xaf: {  	s0 =	sadd.s32 @!p0 $0x100000, s0;
	[bflag:$0x2] =	sbarrier.arrive $0xFFFF  }
0xb0: {  	[sflag:s0] =	ssyncadd.tile.s32 @!p0 $0x1;
	_ =	shalt  }
.Lfunc_end2:
_tile_overlayer_lowered:
.L_overlay_start_2:
0xb1: {  	(tag) =	ssettag $0x2  }
0xb2: {  	s0 =	rddreg [dreg:$0x0];
	s2 =	stileid.u32  }
0xb3: {  	s1 =	rddreg [dreg:$0x1];
	p0 =	sne.s32 s2, $0x0  }
0xb4: {  	s3 =	rddreg [dreg:$0x2];
	[bflag:$0x3] =	sbarrier.arrive $0xFFFF;
	s2 =	simm.s32 @!p0 $0x1C02  }
0xb5: {  	[timem:s3], [sflag:s2] =	dma.local @!p0 [hbm:s0], s1  }
0xb6: {  	s0 =	simm.s32 @!p0 $0x2  }
0xb7: {  	_ =	swait.ge @!p0 [sflag:s0], s1  }
0xb8: {  	s1 =	ssub.s32 @!p0 $0x0, s1;
	[sflag:s0] =	ssyncset.done @!p0 $0x0  }
0xb9: {  	[sflag:s0] =	ssyncadd.s32 @!p0 s1  }
0xba: {  	[bflag:$0x3] =	sbarrier.arrive $0xFFFF  }
0xbb: {  	_ =	shalt  }

// kernel: kernel.7.cloned.1.call-start
scs
__scs_entry_jumppad:
0x0: {  	(pc) =	sbr.rel $0x88, $3  }
0x1: {  	(tag) =	ssettag $0x0;
	lr =	simm.s32 $0x1  }
0x2: {  	[smem:$0x3F7C] =	sst lr;
	_ =	strace $0xD0000000  }
0x3: {  	_ = 	snop  }
0x4: {  	_ = 	snop  }
0x5: {  	_ = 	snop  }
0x6: {  	_ = 	snop  }
0x7: {  	_ = 	snop  }
__scs_overlays_trampoline_lowered:
0x8: {  	[smem:$0x3F8B] =	sst s0  }
0x9: {  	[smem:$0x3F8C] =	sst s1  }
0xa: {  	[smem:$0x3F8D] =	sst s2  }
0xb: {  	[smem:$0x3F8E] =	sst s3  }
0xc: {  	[smem:$0x3F8F] =	sst s4  }
0xd: {  	[smem:$0x3F90] =	sst s5  }
0xe: {  	[smem:$0x3F91] =	sst s6  }
0xf: {  	[smem:$0x3F92] =	sst s7  }
0x10: {  	[smem:$0x3F93] =	sst s8  }
0x11: {  	[smem:$0x3F94] =	sst s9;
	s0 =	simm.s32 @!p0 $0x0  }
0x12: {  	s1 =	sld [smem:$0x3F7A];
	s0 =	simm.s32 @p0 $0x1  }
0x13: {  	[smem:$0x3F95] =	sst s0;
	s0 =	simm.s32 @!p1 $0x0  }
0x14: {  	s2 =	sld [smem:$0x3F79];
	s0 =	simm.s32 @p1 $0x1  }
0x15: {  	[smem:$0x3F96] =	sst s0;
	s0 =	simm.s32 @!p2 $0x0  }
0x16: {  	s3 =	sld [smem:$0x3FDB];
	s0 =	simm.s32 @p2 $0x1  }
0x17: {  	s4 =	simm.s32 $0x1BF5;
	[smem:$0x3F98] =	sst s0  }
0x18: {  	s0 =	sld [smem:$0x3F7B];
	_ =	swait.ge [sflag:s4], $0x0  }
0x19: {  	s7 =	sld [smem:$0x3F7C]  }
0x1a: {  	s8 =	sadd.s32 $0xFFFFE003, lr  }
0x1b: {  	s9 =	sadd.s32 $0xFFFFFEF7, lr;
	s5 =	simm.s32 $0xFFFFFFFF;
	p2 =	slt.u32 s8, $0xFFFFF086  }
0x1c: {  	p1 =	slt.u32 s9, $0xF7A;
	s5 =	simm.s32 @!p2 $0x0  }
0x1d: {  	s5 =	simm.s32 @p1 $0x1;
	p0 =	seq.s32 s7, s2  }
0x1e: {  	s7 =	smul.u32 @!p0 $0xF7A, s2;
	p2 =	seq.s32 @!p0 s5, $0x0  }
0x1f: {  	s9 =	smul.u32 $0xF7A, s1;
	s8 =	simm.s32 @!p0 $0x1BF5;
	p2 =	por !p2, p0  }
0x20: {  	[sflag:s8] =	ssyncset.s32 @!p0 $0xFFFFF086;
	s6 =	sadd.s32 @!p0 s3, s7;
	s7 =	simm.s32 @!p0 $0x108  }
0x21: {  	s3 =	sadd.s32 s3, s9;
	s6 =	sadd.s32 @!p0 $0x88, s6;
	s7 =	simm.s32 @p2 $0x1082  }
0x22: {  	[simem:s7], [sflag:s8] =	dma.local @!p0 [hbm:s6], $0xF7A  }
0x23: {  	s9 =	sor.u32 $0xD0000000, s2;
	s6 =	simm.s32 $0x108;
	_ =	swait.ge @!p0 [sflag:s8], $0x0  }
0x24: {  	s3 =	sadd.s32 $0x88, s3;
	s6 =	simm.s32 @!p1 $0x1082;
	[sflag:s4] =	ssyncset.s32 $0xFFFFF086  }
0x25: {  	[simem:s6], [sflag:s4] =	dma.local [hbm:s3], $0xF7A  }
0x26: {  	[smem:$0x3F7C] =	sst s1;
	(tag) =	ssettag s2;
	_ =	strace s9  }
0x27: {  	s1 =	sld [smem:$0x3F8C]  }
0x28: {  	s2 =	sld [smem:$0x3F8D]  }
0x29: {  	s4 =	sld [smem:$0x3F8F]  }
0x2a: {  	p0 =	seq.s32 s5, $0x0;
	s5 =	sld [smem:$0x3F90]  }
0x2b: {  	s6 =	sld [smem:$0x3F91]  }
0x2c: {  	s7 =	sld [smem:$0x3F92]  }
0x2d: {  	s3 =	simm.s32 $0x108;
	s8 =	sld [smem:$0x3F93]  }
0x2e: {  	s3 =	simm.s32 @!p0 $0x1082;
	s9 =	sld [smem:$0x3F94]  }
0x2f: {  	lr =	sadd.s32 s0, s3;
	s0 =	sld [smem:$0x3F8B]  }
0x30: {  	s3 =	sld [smem:$0x3F8E]  }
0x31: {  	[smem:$0x3F97] =	sst s10  }
0x32: {  	s10 =	sld [smem:$0x3F95];
	_ =	sdelay $0x3  }
0x33: {  	p0 =	seq.s32 s10, $0x1;
	s10 =	sld [smem:$0x3F97];
	_ =	sdelay $0x3  }
0x34: {  	[smem:$0x3F97] =	sst s10  }
0x35: {  	s10 =	sld [smem:$0x3F96];
	_ =	sdelay $0x3  }
0x36: {  	p1 =	seq.s32 s10, $0x1;
	s10 =	sld [smem:$0x3F97];
	_ =	sdelay $0x3  }
0x37: {  	[smem:$0x3F97] =	sst s10  }
0x38: {  	s10 =	sld [smem:$0x3F98]  }
0x39: {  	_ = 	snop;
	(pc) =	sbr.ind lr, $3  }
0x3a: {  	_ = 	snop  }
0x3b: {  	_ = 	snop  }
0x3c: {  	p2 =	seq.s32 s10, $0x1;
	s10 =	sld [smem:$0x3F97]  }
0x3d: {  	_ =	shalt  }
0x3e: {  	_ =	shalt  }
0x3f: {  	_ =	shalt  }
0x40: {  	_ =	shalt  }
0x41: {  	_ =	shalt  }
0x42: {  	_ =	shalt  }
0x43: {  	_ =	shalt  }
0x44: {  	_ =	shalt  }
0x45: {  	_ =	shalt  }
0x46: {  	_ =	shalt  }
0x47: {  	_ =	shalt  }
0x48: {  	_ =	shalt  }
0x49: {  	_ =	shalt  }
0x4a: {  	_ =	shalt  }
0x4b: {  	_ =	shalt  }
0x4c: {  	_ =	shalt  }
0x4d: {  	_ =	shalt  }
0x4e: {  	_ =	shalt  }
0x4f: {  	_ =	shalt  }
0x50: {  	_ =	shalt  }
0x51: {  	_ =	shalt  }
0x52: {  	_ =	shalt  }
0x53: {  	_ =	shalt  }
0x54: {  	_ =	shalt  }
0x55: {  	_ =	shalt  }
0x56: {  	_ =	shalt  }
0x57: {  	_ =	shalt  }
0x58: {  	_ =	shalt  }
0x59: {  	_ =	shalt  }
0x5a: {  	_ =	shalt  }
0x5b: {  	_ =	shalt  }
0x5c: {  	_ =	shalt  }
0x5d: {  	_ =	shalt  }
0x5e: {  	_ =	shalt  }
0x5f: {  	_ =	shalt  }
0x60: {  	_ =	shalt  }
0x61: {  	_ =	shalt  }
0x62: {  	_ =	shalt  }
0x63: {  	_ =	shalt  }
0x64: {  	_ =	shalt  }
0x65: {  	_ =	shalt  }
0x66: {  	_ =	shalt  }
0x67: {  	_ =	shalt  }
0x68: {  	_ =	shalt  }
0x69: {  	_ =	shalt  }
0x6a: {  	_ =	shalt  }
0x6b: {  	_ =	shalt  }
0x6c: {  	_ =	shalt  }
0x6d: {  	_ =	shalt  }
0x6e: {  	_ =	shalt  }
0x6f: {  	_ =	shalt  }
0x70: {  	_ =	shalt  }
0x71: {  	_ =	shalt  }
0x72: {  	_ =	shalt  }
0x73: {  	_ =	shalt  }
0x74: {  	_ =	shalt  }
0x75: {  	_ =	shalt  }
0x76: {  	_ =	shalt  }
0x77: {  	_ =	shalt  }
0x78: {  	_ =	shalt  }
0x79: {  	_ =	shalt  }
0x7a: {  	_ =	shalt  }
0x7b: {  	_ =	shalt  }
0x7c: {  	_ =	shalt  }
0x7d: {  	_ =	shalt  }
0x7e: {  	_ =	shalt  }
0x7f: {  	_ =	shalt  }
0x80: {  	_ =	shalt  }
0x81: {  	_ =	shalt  }
0x82: {  	_ =	shalt  }
0x83: {  	_ =	shalt  }
0x84: {  	_ =	shalt  }
0x85: {  	_ =	shalt  }
0x86: {  	_ =	shalt  }
0x87: {  	_ =	shalt  }
.Lfunc_end0:
.L_simem_size_0:
called_computation_lowered:
.L_overlay_start_0:
0x88: {  	s2 =	sld [smem:$0x3FD9]  }
0x89: {  	s3 =	sld [smem:$0x3FFE];
	_ =	sdelay $0x1  }
0x8a: {  	s1 =	srdreg.scid  }
0x8b: {  	s0 =	sand.u32 $0x1, s1  }
0x8c: {  	s17 =	sshll.u32 s0, $0xA;
	s2 =	sadd.s32 s3, s2  }
0x8d: {  	s2 =	sadd.s32 s2, s17  }
0x8e: {  	[smem:$0x3FA3] =	sst s2  }
0x8f: {  	_ = 	snop  }
0x90: {  	s2 =	sld [smem:$0x3FD0];
	(tm) =	ssettm $0x1  }
0x91: {  	s18 =	sld [smem:$0x3FFB];
	_ =	sdelay $0x3  }
0x92: {  	_ =	strace s18  }
0x93: {  	s3 =	sld [smem:$0x3FFC];
	_ =	sdelay $0x3  }
0x94: {  	_ =	strace s3  }
0x95: {  	s3 =	sld [smem:$0x3FFD];
	_ =	sdelay $0x3  }
0x96: {  	_ =	strace s3  }
0x97: {  	_ =	strace $0x8FFFFFFF  }
0x98: {  	s19 =	sld [smem:$0x3FDB];
	_ =	sdelay $0x1  }
0x99: {  	s4 =	simm.s32 $_scs_section_size  }
0x9a: {  	s5 =	simm.s32 $_size__tile_overlayer_lowered;
	s6 =	simm.s32 $_tile_overlayer_lowered  }
0x9b: {  	s22 =	simm.s32 $0x1BFF;
	s21 =	sshll.u32 s6, $0x1;
	s3 =	sadd.s32 s4, s19  }
0x9c: {  	s7 =	simm.s32 $0x0;
	s20 =	sshll.u32 s5, $0x1;
	s5 =	sadd.s32 s21, s3  }
0x9d: {  	[timem:s7], [sflag:s22] =	dma.local [hbm:s5], s20  }
0x9e: {  	_ =	swait.ge [sflag:s22], s20  }
0x9f: {  	s4 =	ssub.s32 $0x0, s20;
	[sflag:s22] =	ssyncset.done $0x0  }
0xa0: {  	[sflag:s22] =	ssyncadd.s32 s4;
	_ =	sdelay $0x1  }
0xa1: {  	s23 =	simm.s32 $0x1B8B  }
0xa2: {  	_ =	swait.ge [sflag:s23], $0x1  }
0xa3: {  	[sflag:s23] =	ssyncset.done $0x0  }
0xa4: {  	s25 =	simm.s32 $0x1B8E;
	s24 =	sld [smem:$0x3FFE];
	[sflag:s23] =	ssyncadd.s32 $0xFFFFFFFF  }
0xa5: {  	s26 =	simm.s32 $execute0_lowered;
	[smem:$0x3FD2] =	sst s25  }
0xa6: {  	s5 =	sshll.u32 s26, $0x1;
	_ =	strace $0x80000046;
	[dreg:$0x1] =	wrdreg $0xFFFFFFFF  }
0xa7: {  	s28 =	simm.s32 $_size_execute0_lowered;
	s3 =	sadd.s32 s3, s5;
	[dreg:$0x0] =	wrdreg $0x0  }
0xa8: {  	s5 =	sshll.u32 s28, $0x1;
	[dreg:$0x2] =	wrdreg s3  }
0xa9: {  	[dreg:$0x3] =	wrdreg s5  }
0xaa: {  	[dreg:$0x4] =	wrdreg $0xC0  }
0xab: {  	_ =	task [dreg:s7], $0x5FFFF  }
0xac: {  	[dreg:$0x1] =	wrdreg $0xFFFFFFFF  }
0xad: {  	[dreg:$0x0] =	wrdreg $0x60  }
0xae: {  	[dreg:$0x2] =	wrdreg s24  }
0xaf: {  	[dreg:$0x3] =	wrdreg s2  }
0xb0: {  	[dreg:$0x4] =	wrdreg $0x9  }
0xb1: {  	_ =	task.clear_ibuf [dreg:s7], $0x5FFFF;
	_ =	strace $0x90000046  }
0xb2: {  	s29 =	simm.s32 $0x9;
	_ =	strace $0x80000048  }
0xb3: {  	_ =	swait.ge [sflag:s29], $0x1  }
0xb4: {  	[sflag:s29] =	ssyncadd.s32 $0xFFFFFFFF  }
0xb5: {  	_ =	strace $0x90000048  }
0xb6: {  	_ =	sfence  }
0xb7: {  	s30 =	sld [smem:$0x0];
	_ =	sdelay $0x2  }
0xb8: {  	s31 =	sshll.u32 s1, $0xD;
	s1 =	sshrl.u32 s1, $0x2  }
0xb9: {  	s3 =	sand.u32 $0x4000, s31;
	s1 =	sadd.s32 s1, s30  }
0xba: {  	s0 =	sor.u32 s3, s0;
	s1 =	sshll.u32 s1, $0x11  }
0xbb: {  	s0 =	sor.u32 s1, s0  }
0xbc: {  	s0 =	sadd.s32 $0x8F2B, s0  }
0xbd: {  	[sflag:s0] =	ssyncadd.remote.s32 $0x1  }
0xbe: {  	_ =	sfence.sel $0xFFFF  }
0xbf: {  	[dreg:$0x0] =	wrdreg $0xFFFFFFFF;
	(pc) =	sbr.abs _section_cstart, $3  }
0xc0: {  	[dreg:$0x1] =	wrdreg $0xFFFFFFFF  }
0xc1: {  	_ =	task.clear_ibuf [dreg:s7], $0x2FFFF;
	_ =	strace $0x9FFFFFFF  }
0xc2: {  	(tm) =	ssettm $0x7FFFFFFF  }
0xc3: {  	_ =	shalt  }
tec
execute0_lowered:
.L_overlay_start_1:
0x0: {  	(tag) =	ssettag $0x1  }
0x1: {  	s1 =	stileid.u32  }
0x2: {  	p0 =	sgt.u32 s1, $0x1  }
.Ltmp0:
0x3: {  	_ = 	snop;
	(pc) =	sbr.rel @p0 .LBB2_5-.Ltmp0, $4  }
0x4: {  	s4 =	rddreg [dreg:$0x0]  }
0x5: {  	s6 =	rddreg [dreg:$0x1];
	s2 =	simm.s32 $0x0  }
0x6: {  	[smem:$0x7FF] =	sst s2  }
0x7: {  	s0 =	rddreg [dreg:$0x2];
	_ =	strace $0x80000047  }
0x8: {  	v1 =	vlaneseq.u32  }
0x9: {  	v19 =	vimm.s32 $0x7A797877;
	v18 =	vimm.f32 $0.0e+00;
	v21 =	vimm.s32 $0x7E7D7C7B  }
0xa: {  	s3 =	srdreg.scid;
	vm1 =	vcmask $0xF00;
	vm0 =	vmmov $0x7f;
	v22 =	vimm.s32 $0x0  }
0xb: {  	s30 =	sshll.u32 s1, $0x1;
	s5 =	sand.u32 $0x1, s3;
	v3 =	vor.u32 $0x10, v1;
	v4 =	vor.u32 $0x20, v1;
	v7 =	vor.u32 $0x30, v1  }
0xc: {  	v9 =	vor.u32 $0x40, v1;
	v10 =	vor.u32 $0x50, v1;
	v13 =	vor.u32 $0x60, v1;
	s7 =	sor.u32 s5, s30  }
0xd: {  	v15 =	vadd.s32 $0x67, v1;
	v17 =	vadd.s32 $0x77, v1;
	v20 =	vunpack.c.0.s8.s32 v19;
	s8 =	sshll.u32 s7, $0x7  }
0xe: {  	s11 =	simm.s32 $0x180;
	s12 =	simm.s32 $0x1;
	s13 =	simm.s32 $0x0;
	v21 =	vunpack.c.0.s8.s32 v21;
	v22 =	vsel vm0, $0xFFFFFFFF, v22;
	v0 =	vmov s8  }
0xf: {  	s3 =	sadd.s32 $0x5A00, s4;
	s5 =	ssub.s32 $0x2, s5;
	s9 =	sshll.u32 s7, $0xB;
	v2 =	vor.u32 s8, v1;
	v5 =	vor.u32 s8, v3;
	v6 =	vor.u32 s8, v4  }
0x10: {  	s7 =	sshll.u32 s7, $0x4;
	s31 =	sshrl.u32 s5, $0x1;
	v8 =	vor.u32 s8, v7;
	v11 =	vor.u32 s8, v9;
	v12 =	vor.u32 s8, v10;
	s9 =	sadd.s32 s9, s4  }
0x11: {  	v14 =	vor.u32 s8, v13;
	v16 =	vor.u32 s8, v15;
	v17 =	vadd.s32 s8, v17;
	s10 =	sadd.s32 s7, s4;
	s8 =	ssub.s32 s5, s31;
	s6 =	sadd.s32 s6, s7  }
0x12: {  	vm15 =	vcmask $0x1F10;
	v19 =	vimm.s32 $0x0;
	[tilespmem:$0x1FFF0] =	vst v22;
	v22 =	vnsel vm1, $0x7F, v20;
	s4 =	sadd.s32 $0x7C00, s9;
	s5 =	sadd.s32 $0x7A00, s10;
	s7 =	smax.u32 s8, $0x1  }
0x13: {  	v20 =	vadd.s32 $0x48, v1;
	v21 =	vsel vm15, v21, v22;
	v22 =	vadd.s32 $0x58, v1;
	s8 =	simm.s32 $0x2;
	s9 =	simm.s32 $0x80;
	s10 =	simm.s32 $0x100  }
.LBB2_2:
0x14: {  	s14 =	simm.s32 $0x0  }
0x15: {  	[tilespmem:s14], [sflag:$0x2] =	stream.linear.gather [hbm4b:s6+s14], $0x80, $0x38;
	[tilespmem:$0x4180] =	vst v63  }
0x16: {  	_ =	swait.ge [sflag:s8], $0x80  }
0x17: {  	[sflag:s8] =	ssyncset.done $0x0  }
0x18: {  	[sflag:s8] =	ssyncadd.s32 $0xFFFFFF80  }
0x19: {  	v23 =	vld [tilespmem:$0x0];
	_ =	sdelay $0x4  }
0x1a: {  	v23 =	vsub.f32 $0.0e+00, v23;
	_ =	sdelay $0x1  }
0x1b: {  	v23 =	vmul.f32 $9.999999770e-03, v23;
	_ =	sdelay $0x1  }
0x1c: {  	v23 =	vmul.f32 $1.442695020e+00, v23;
	_ =	sdelay $0x1  }
0x1d: {  	(erf) = vpow2.f32 v23;
	_ =	sdelay $0x1  }
0x1e: {  	v23 =	vld [tilespmem:$0x10];
	_ =	sdelay $0x4  }
0x1f: {  	v23 =	vsub.f32 $0.0e+00, v23;
	_ =	sdelay $0x1  }
0x20: {  	v23 =	vmul.f32 $9.999999770e-03, v23;
	v24 =	vpop (erf)  }
0x21: {  	v24 =	vadd.f32 $1.000000000e+00, v24  }
0x22: {  	v23 =	vmul.f32 $1.442695020e+00, v23  }
0x23: {  	(erf) = vrcp.f32 v24  }
0x24: {  	(erf) = vpow2.f32 v23;
	_ =	sdelay $0x1  }
0x25: {  	v23 =	vld [tilespmem:$0x20];
	_ =	sdelay $0x4  }
0x26: {  	v23 =	vsub.f32 $0.0e+00, v23  }
0x27: {  	v24 =	vpop (erf)  }
0x28: {  	v23 =	vmul.f32 $9.999999770e-03, v23;
	v25 =	vpop (erf)  }
0x29: {  	v25 =	vadd.f32 $1.000000000e+00, v25  }
0x2a: {  	v23 =	vmul.f32 $1.442695020e+00, v23  }
0x2b: {  	(erf) = vrcp.f32 v25  }
0x2c: {  	(erf) = vpow2.f32 v23;
	_ =	sdelay $0x1  }
0x2d: {  	v23 =	vld [tilespmem:$0x30];
	_ =	sdelay $0x4  }
0x2e: {  	v23 =	vsub.f32 $0.0e+00, v23  }
0x2f: {  	v25 =	vpop (erf)  }
0x30: {  	v23 =	vmul.f32 $9.999999770e-03, v23;
	v26 =	vpop (erf)  }
0x31: {  	v26 =	vadd.f32 $1.000000000e+00, v26  }
0x32: {  	v23 =	vmul.f32 $1.442695020e+00, v23  }
0x33: {  	(erf) = vrcp.f32 v26  }
0x34: {  	(erf) = vpow2.f32 v23;
	_ =	sdelay $0x1  }
0x35: {  	v23 =	vld [tilespmem:$0x40];
	_ =	sdelay $0x4  }
0x36: {  	v23 =	vsub.f32 $0.0e+00, v23  }
0x37: {  	v26 =	vpop (erf)  }
0x38: {  	v23 =	vmul.f32 $9.999999770e-03, v23;
	v27 =	vpop (erf)  }
0x39: {  	v27 =	vadd.f32 $1.000000000e+00, v27  }
0x3a: {  	v23 =	vmul.f32 $1.442695020e+00, v23  }
0x3b: {  	(erf) = vrcp.f32 v27  }
0x3c: {  	(erf) = vpow2.f32 v23;
	_ =	sdelay $0x1  }
0x3d: {  	v23 =	vld [tilespmem:$0x50];
	_ =	sdelay $0x4  }
0x3e: {  	v23 =	vsub.f32 $0.0e+00, v23  }
0x3f: {  	v27 =	vpop (erf)  }
0x40: {  	v23 =	vmul.f32 $9.999999770e-03, v23;
	v28 =	vpop (erf)  }
0x41: {  	v28 =	vadd.f32 $1.000000000e+00, v28  }
0x42: {  	v23 =	vmul.f32 $1.442695020e+00, v23  }
0x43: {  	(erf) = vrcp.f32 v28  }
0x44: {  	(erf) = vpow2.f32 v23;
	_ =	sdelay $0x1  }
0x45: {  	v23 =	vld [tilespmem:$0x60];
	_ =	sdelay $0x4  }
0x46: {  	v23 =	vsub.f32 $0.0e+00, v23  }
0x47: {  	v28 =	vpop (erf)  }
0x48: {  	v23 =	vmul.f32 $9.999999770e-03, v23;
	v29 =	vpop (erf)  }
0x49: {  	v29 =	vadd.f32 $1.000000000e+00, v29  }
0x4a: {  	v23 =	vmul.f32 $1.442695020e+00, v23  }
0x4b: {  	(erf) = vrcp.f32 v29  }
0x4c: {  	(erf) = vpow2.f32 v23;
	_ =	sdelay $0x1  }
0x4d: {  	v23 =	vld [tilespmem:$0x70];
	_ =	sdelay $0x4  }
0x4e: {  	v23 =	vsub.f32 $0.0e+00, v23  }
0x4f: {  	v29 =	vpop (erf)  }
0x50: {  	v23 =	vmul.f32 $9.999999770e-03, v23;
	v30 =	vpop (erf)  }
0x51: {  	v30 =	vadd.f32 $1.000000000e+00, v30  }
0x52: {  	v23 =	vmul.f32 $1.442695020e+00, v23  }
0x53: {  	[tilespmem:$0x80] =	vst v0;
	(erf) = vrcp.f32 v30  }
0x54: {  	[tilespmem:$0x100] =	vst v18;
	(erf) = vpow2.f32 v23  }
0x55: {  	[tilespmem:$0x90] =	vst v0  }
0x56: {  	[tilespmem:$0x110] =	vst v18  }
0x57: {  	[tilespmem:$0xA0] =	vst v0  }
0x58: {  	[tilespmem:$0x120] =	vst v18  }
0x59: {  	[tilespmem:$0xB0] =	vst v0  }
0x5a: {  	[tilespmem:$0x130] =	vst v18  }
0x5b: {  	[tilespmem:$0xC0] =	vst v0  }
0x5c: {  	[tilespmem:$0x140] =	vst v18;
	v23 =	vpop (erf)  }
0x5d: {  	[tilespmem:$0xD0] =	vst v0;
	v30 =	vpop (erf)  }
0x5e: {  	[tilespmem:$0x150] =	vst v18;
	v30 =	vadd.f32 $1.000000000e+00, v30  }
0x5f: {  	[tilespmem:$0xE0] =	vst v0  }
0x60: {  	[tilespmem:$0x160] =	vst v18;
	(erf) = vrcp.f32 v30  }
0x61: {  	[tilespmem:$0xF0] =	vst v0  }
0x62: {  	[tilespmem:$0x170] =	vst v18  }
0x63: {  	[tilespmem:$0x0] =	vst v24  }
0x64: {  	[tilespmem:$0x10] =	vst v25  }
0x65: {  	[tilespmem:$0x20] =	vst v26  }
0x66: {  	[tilespmem:$0x30] =	vst v27;
	v30 =	vmov s14  }
0x67: {  	v27 =	vld [tilespmem:$0x30];
	[tilespmem:$0x40] =	vst v28  }
0x68: {  	v28 =	vld [tilespmem:$0x10];
	[tilespmem:$0x50] =	vst v29  }
0x69: {  	v25 =	vld [tilespmem:$0x40];
	[tilespmem:$0x60] =	vst v23;
	v23 =	vpop (erf)  }
0x6a: {  	v29 =	vld [tilespmem:$0x0];
	[tilespmem:$0x70] =	vst v23  }
0x6b: {  	v32 =	vld.idx.msk [tilespmem:v30+s2+$0x0], $0xffff  }
0x6c: {  	v37 =	vimm.s32 $0x0;
	v36 =	vimm.s32 $0x0;
	v35 =	vimm.s32 $0x0;
	v23 =	vld [tilespmem:$0x60]  }
0x6d: {  	s31 =	simm.s32 $0x1;
	v33 =	vimm.s32 $0x0;
	v34 =	vimm.s32 $0x0;
	v31 =	vimm.s32 $0x0;
	v24 =	vld [tilespmem:$0x50]  }
0x6e: {  	v38 =	vmov s31;
	v26 =	vld [tilespmem:$0x20];
	vm1 =	vlt.u32 v30, v1;
	vm2 =	vlt.u32 v30, v3  }
0x6f: {  	vm3 =	vlt.u32 v30, v4;
	vm4 =	vlt.u32 v30, v7;
	vm5 =	vlt.u32 v30, v9  }
0x70: {  	vm6 =	vlt.u32 v30, v10;
	vm9 =	vlt.u32 v30, v13;
	vm7 =	veq.f32 v32, v29  }
0x71: {  	vm8 =	veq.f32 v32, v23;
	vm10 =	veq.f32 v32, v28;
	vm11 =	vgt.f32 v32, v23  }
0x72: {  	vm13 =	veq.f32 v32, v27;
	vm14 =	veq.f32 v32, v25;
	vm15 =	veq.f32 v32, v24  }
0x73: {  	vm8 =	vmand vm9, vm8;
	vm9 =	veq.f32 v32, v26;
	vm12 =	vmand vm1, vm7  }
0x74: {  	vm5 =	vmand vm5, vm14;
	vm8 =	vmor vm11, vm8;
	vm11 =	vmand vm3, vm9  }
0x75: {  	vm9 =	vmand vm4, vm13;
	vm13 =	vgt.f32 v32, v29;
	v30 =	vsel vm8, $0x1, v19  }
0x76: {  	s14 =	simm.s32 $0x2;
	vm8 =	vmand vm2, vm10;
	vm10 =	vmand vm6, vm15;
	v30 =	vadd.s32 v30, v19  }
.LBB2_3:
0x77: {  	vm6 =	vlt.u32 v38, v1;
	vm7 =	vlt.u32 v38, v3  }
0x78: {  	vm2 =	vlt.u32 v38, v4;
	vm3 =	vlt.u32 v38, v7;
	vm4 =	vlt.u32 v38, v9  }
0x79: {  	vm0 =	vlt.u32 v38, v10;
	v39 =	vimm.s32 $0x0;
	vm14 =	vgt.f32 v32, v28  }
0x7a: {  	vm15 =	vgt.f32 v32, v26;
	vm12 =	vmor vm13, vm12;
	vm13 =	vgt.f32 v32, v25  }
0x7b: {  	vm1 =	vgt.f32 v32, v24;
	v39 =	vsel vm0, $0xFFFFFFFF, v39;
	vm0 =	vgt.f32 v32, v27  }
0x7c: {  	vm8 =	vmor vm14, vm8;
	vm11 =	vmor vm15, vm11;
	v60 =	vsel vm12, $0x1, v19  }
0x7d: {  	v32 =	vld.idx.msk [tilespmem:v38+s2+$0x0], $0xffff;
	vm5 =	vmor vm13, vm5;
	vm1 =	vmor vm1, vm10;
	vm0 =	vmor vm0, vm9  }
0x7e: {  	v40 =	vsel vm8, $0x1, v19;
	v41 =	vsel vm11, $0x1, v19;
	v37 =	vadd.s32 v60, v37  }
0x7f: {  	v61 =	vsel vm5, $0x1, v19;
	v43 =	vsel vm1, $0x1, v19;
	vm5 =	vlt.u32 v38, v13  }
0x80: {  	v38 =	vmov s14;
	v42 =	vsel vm0, $0x1, v19;
	v36 =	vadd.s32 v40, v36  }
0x81: {  	[tilespmem:$0x1FFE0] =	vst v39;
	v35 =	vadd.s32 v41, v35;
	v34 =	vadd.s32 v61, v34;
	v31 =	vadd.s32 v43, v31  }
0x82: {  	v63 =	vld [tilespmem:$0x1FFE0];
	v33 =	vadd.s32 v42, v33;
	vm0 =	veq.f32 v32, v29;
	vm1 =	veq.f32 v32, v23  }
0x83: {  	p0 =	sne.s32 s14, $0x66;
	vm8 =	veq.f32 v32, v28;
	vm9 =	vgt.f32 v32, v23;
	vm10 =	veq.f32 v32, v27  }
.Ltmp1:
0x84: {  	vm13 =	veq.f32 v32, v25;
	vm14 =	veq.f32 v32, v24;
	vm1 =	vmand vm5, vm1;
	(pc) =	sbr.rel @p0 .LBB2_3-.Ltmp1, $4  }
0x85: {  	vm5 =	veq.f32 v32, v26;
	vm12 =	vmand vm6, vm0;
	vm8 =	vmand vm7, vm8  }
0x86: {  	vm1 =	vmor vm9, vm1;
	vm11 =	vmand vm2, vm5;
	vm9 =	vmand vm3, vm10  }
0x87: {  	vm5 =	vmand vm4, vm13;
	vm0 =	vnez.u8 v63;
	v62 =	vsel vm1, $0x1, v19  }
0x88: {  	s14 =	sadd.s32 $0x1, s14;
	vm13 =	vgt.f32 v32, v29;
	vm10 =	vmand vm0, vm14;
	v30 =	vadd.s32 v62, v30  }
0x89: {  	vm0 =	vgt.f32 v32, v28;
	vm1 =	vmor vm13, vm12  }
0x8a: {  	vm2 =	vgt.f32 v32, v26;
	vm3 =	vgt.f32 v32, v27;
	vm4 =	vlt.u32 v38, v1  }
0x8b: {  	vm6 =	vgt.f32 v32, v25;
	vm12 =	vlt.u32 v38, v3;
	vm7 =	vlt.u32 v38, v4  }
0x8c: {  	vm14 =	vlt.u32 v38, v13;
	vm0 =	vmor vm0, vm8;
	vm2 =	vmor vm2, vm11  }
0x8d: {  	vm3 =	vmor vm3, vm9;
	v40 =	vsel vm1, $0x1, v19;
	vm11 =	vgt.f32 v32, v24  }
0x8e: {  	v39 =	vld.idx.msk [tilespmem:v38+s2+$0x0], $0xffff;
	vm5 =	vmor vm6, vm5;
	vm1 =	vmor vm11, vm10;
	v53 =	vsel vm0, $0x1, v19  }
0x8f: {  	vm0 =	vlt.u32 v38, v7;
	v41 =	vsel vm2, $0x1, v19;
	vm2 =	vlt.u32 v38, v9  }
0x90: {  	v42 =	vsel vm3, $0x1, v19;
	v43 =	vsel vm5, $0x1, v19;
	vm3 =	vlt.u32 v38, v10  }
0x91: {  	v37 =	vadd.s32 v40, v37;
	v44 =	vsel vm1, $0x1, v19;
	v32 =	vadd.s32 v53, v36  }
0x92: {  	v35 =	vadd.s32 v41, v35;
	v33 =	vadd.s32 v42, v33;
	v34 =	vadd.s32 v43, v34  }
0x93: {  	v31 =	vadd.s32 v44, v31;
	vm13 =	veq.f32 v39, v23;
	vm15 =	veq.f32 v39, v29  }
0x94: {  	vm11 =	veq.f32 v39, v28;
	vm9 =	vgt.f32 v39, v28;
	vm10 =	vgt.f32 v39, v26  }
0x95: {  	vm1 =	vmand vm14, vm13;
	vm4 =	vmand vm4, vm15;
	vm14 =	vgt.f32 v39, v29  }
0x96: {  	vm5 =	vmand vm12, vm11;
	vm12 =	veq.f32 v39, v26;
	vm4 =	vmor vm14, vm4  }
0x97: {  	vm13 =	veq.f32 v39, v27;
	vm15 =	veq.f32 v39, v25;
	v54 =	vsel vm4, $0x1, v19  }
0x98: {  	vm11 =	veq.f32 v39, v24;
	vm4 =	vmor vm9, vm5;
	v36 =	vadd.s32 v54, v37  }
0x99: {  	vm6 =	vmand vm7, vm12;
	v55 =	vsel vm4, $0x1, v19;
	vm4 =	vlt.s32 v36, $0x48  }
0x9a: {  	vm0 =	vmand vm0, vm13;
	vm5 =	vmor vm10, vm6;
	v32 =	vadd.s32 v55, v32  }
0x9b: {  	vm12 =	vgt.f32 v39, v27;
	v56 =	vsel vm5, $0x1, v19;
	vm13 =	vlt.s32 v32, $0x48  }
0x9c: {  	vm2 =	vmand vm2, vm15;
	vm0 =	vmor vm12, vm0;
	v35 =	vadd.s32 v56, v35  }
0x9d: {  	vm14 =	vgt.f32 v39, v25;
	v57 =	vsel vm0, $0x1, v19;
	vm15 =	vlt.s32 v35, $0x48  }
0x9e: {  	vm3 =	vmand vm3, vm11;
	vm2 =	vmor vm14, vm2;
	v33 =	vadd.s32 v57, v33  }
0x9f: {  	v63 =	vld [tilespmem:$0x1FFF0];
	vm10 =	vgt.f32 v39, v24;
	v58 =	vsel vm2, $0x1, v19;
	vm11 =	vlt.s32 v33, $0x48;
	[tilespmem:v36+s9+$0x0] =	vst.idx.msk vm4, v2  }
0xa0: {  	vm9 =	vgt.f32 v39, v23;
	vm3 =	vmor vm10, vm3;
	v59 =	vadd.s32 v58, v34;
	[tilespmem:v36+s10+$0x0] =	vst.idx.msk vm4, v29  }
0xa1: {  	vm1 =	vmor vm9, vm1;
	v60 =	vsel vm3, $0x1, v19;
	vm12 =	vlt.s32 v59, $0x48;
	[tilespmem:v32+s9+$0x0] =	vst.idx.msk vm13, v5  }
0xa2: {  	v61 =	vsel vm1, $0x1, v19;
	v31 =	vadd.s32 v60, v31;
	[tilespmem:v32+s10+$0x0] =	vst.idx.msk vm13, v28  }
0xa3: {  	v62 =	vadd.s32 v61, v30;
	vm13 =	vlt.s32 v31, $0x48;
	[tilespmem:v35+s9+$0x0] =	vst.idx.msk vm15, v6  }
0xa4: {  	vm14 =	vlt.s32 v62, $0x48;
	[tilespmem:v35+s10+$0x0] =	vst.idx.msk vm15, v26;
	vm15 =	vnez.u8 v63  }
0xa5: {  	[tilespmem:v33+s9+$0x0] =	vst.idx.msk vm11, v8;
	vm0 =	vmand vm14, vm15  }
0xa6: {  	[tilespmem:v33+s10+$0x0] =	vst.idx.msk vm11, v27  }
0xa7: {  	[tilespmem:v59+s9+$0x0] =	vst.idx.msk vm12, v11  }
0xa8: {  	[tilespmem:v59+s10+$0x0] =	vst.idx.msk vm12, v25  }
0xa9: {  	[tilespmem:v31+s9+$0x0] =	vst.idx.msk vm13, v12  }
0xaa: {  	[tilespmem:v31+s10+$0x0] =	vst.idx.msk vm13, v24  }
0xab: {  	[tilespmem:v62+s9+$0x0] =	vst.idx.msk vm0, v14  }
0xac: {  	[tilespmem:v62+s10+$0x0] =	vst.idx.msk vm0, v23  }
0xad: {  	v23 =	vld.idx.msk [tilespmem:v15+s2+$0x0], $0xffff;
	_ =	sdelay $0x3  }
0xae: {  	[tilespmem:v20+s9+$0x0] =	vst.idx.msk $0xffff, v16  }
0xaf: {  	[tilespmem:v20+s10+$0x0] =	vst.idx.msk $0xffff, v23  }
0xb0: {  	v23 =	vld.idx.msk [tilespmem:v21+s2+$0x0], $0x1ff;
	_ =	sdelay $0x3  }
0xb1: {  	[tilespmem:v22+s9+$0x0] =	vst.idx.msk $0x1ff, v17  }
0xb2: {  	[tilespmem:v22+s10+$0x0] =	vst.idx.msk $0x1ff, v23  }
0xb3: {  	[tilespmem:s11], [sflag:$0x1] =	stream.indirect.gather [hbm4b:s3+s9], $0x80, s9, s9, $0xb8;
	[tilespmem:$0x4180] =	vst v63  }
0xb4: {  	_ =	swait.ge [sflag:s12], $0x4000  }
0xb5: {  	[sflag:s12] =	ssyncset.done $0x0  }
0xb6: {  	[sflag:s12] =	ssyncadd.s32 $0xFFFFC000  }
0xb7: {  	[hbm4b:s4+s2] =	stream.linear.scatter [tilespmem:s11], [sflag:$0x2], $0x4000, $0x38;
	[tilespmem:$0x4180] =	vst v63  }
0xb8: {  	s13 =	sadd.s32 $0x1, s13;
	_ =	swait.ge [sflag:s8], $0x4000  }
0xb9: {  	p0 =	sne.s32 s13, s7;
	[sflag:s8] =	ssyncset.done $0x0  }
.Ltmp2:
0xba: {  	[sflag:s8] =	ssyncadd.s32 $0xFFFFC000;
	(pc) =	sbr.rel @p0 .LBB2_2-.Ltmp2, $4  }
0xbb: {  	[hbm4b:s5+s2] =	stream.linear.scatter [tilespmem:s10], [sflag:$0x2], $0x80, $0x38;
	[tilespmem:$0x4180] =	vst v63  }
0xbc: {  	_ =	swait.ge [sflag:s8], $0x80  }
0xbd: {  	[sflag:s8] =	ssyncset.done $0x0  }
0xbe: {  	[sflag:s8] =	ssyncadd.s32 $0xFFFFFF80  }
.LBB2_5:
0xbf: {  	_ =	sfence.sel $0x180000  }
0xc0: {  	[bflag:$0x0] =	sbarrier.arrive $0xFFFF  }
0xc1: {  	p0 =	sne.s32 s1, $0x0;
	_ =	strace $0x90000047  }
0xc2: {  	s0 =	sadd.s32 @!p0 $0x100000, s0;
	[bflag:$0x2] =	sbarrier.arrive $0xFFFF  }
0xc3: {  	[sflag:s0] =	ssyncadd.tile.s32 @!p0 $0x1;
	_ =	shalt  }
.Lfunc_end2:
_tile_overlayer_lowered:
.L_overlay_start_2:
0xc4: {  	(tag) =	ssettag $0x2  }
0xc5: {  	s0 =	rddreg [dreg:$0x0];
	s2 =	stileid.u32  }
0xc6: {  	s1 =	rddreg [dreg:$0x1];
	p0 =	sne.s32 s2, $0x0  }
0xc7: {  	s3 =	rddreg [dreg:$0x2];
	[bflag:$0x3] =	sbarrier.arrive $0xFFFF;
	s2 =	simm.s32 @!p0 $0x1C02  }
0xc8: {  	[timem:s3], [sflag:s2] =	dma.local @!p0 [hbm:s0], s1  }
0xc9: {  	s0 =	simm.s32 @!p0 $0x2  }
0xca: {  	_ =	swait.ge @!p0 [sflag:s0], s1  }
0xcb: {  	s1 =	ssub.s32 @!p0 $0x0, s1;
	[sflag:s0] =	ssyncset.done @!p0 $0x0  }
0xcc: {  	[sflag:s0] =	ssyncadd.s32 @!p0 s1  }
0xcd: {  	[bflag:$0x3] =	sbarrier.arrive $0xFFFF  }
0xce: {  	_ =	shalt  }

</sc_bundles>
